<compile_context>
chip_gen: v7x
topology: tpu7x:2x2x1
jax: 0.10.2.dev20260603
libtpu: 0.0.44.dev20260713+nightly
codegen_flags: <defaults>
</compile_context>

<pallas_src>
import functools

import jax
import jax.numpy as jnp
from jax import lax
from jax.experimental import pallas as pl
from jax.experimental.pallas import tpu as pltpu
from jax.experimental.pallas import tpu_sc as plsc

N_COARSE = 10000
N_FINE = 20000
E = 320000
C_BRANCH = 128
C_IN = 256
C_OUT = 128

NC = 2
NS = 16

C_HALF = C_OUT // NC
EPT = 20480
E_PAD = NS * EPT
IDX_ROWS = EPT // 128
K = 4
HALF = K * 128
NPAIRS = EPT // (2 * HALF)
PAIR_ROWS = 2 * K
FPT_REAL = N_FINE // NS
U_ROWS = 10
H_ROWS = N_COARSE + 16
PARTS = 4
TROWS = H_ROWS // NS
INIT_ROWS = 640

BN = 2000
NB = N_COARSE // BN


def _dense_body(at_ref, bt_ref, wn_ref, ws_ref, bias_ref, y_ref, s_ref):
    xt = jnp.concatenate([at_ref[...], bt_ref[...]], axis=1)
    y_ref[0] = jnp.dot(
        xt, wn_ref[0], preferred_element_type=jnp.float32).astype(jnp.bfloat16)
    y_ref[1] = jnp.dot(
        xt, wn_ref[1], preferred_element_type=jnp.float32).astype(jnp.bfloat16)
    s_ref[...] = (
        jnp.dot(xt, ws_ref[...], preferred_element_type=jnp.float32)
        + bias_ref[...]
    ).astype(jnp.bfloat16)


def _dense(at, bt, wnt3, wst, bias2):
    return pl.pallas_call(
        _dense_body,
        grid=(NB,),
        in_specs=[
            pl.BlockSpec((BN, C_BRANCH), lambda n: (n, 0)),
            pl.BlockSpec((BN, C_BRANCH), lambda n: (n, 0)),
            pl.BlockSpec((NC, C_IN, C_HALF), lambda n: (0, 0, 0)),
            pl.BlockSpec((C_IN, C_OUT), lambda n: (0, 0)),
            pl.BlockSpec((1, C_OUT), lambda n: (0, 0)),
        ],
        out_specs=[
            pl.BlockSpec((NC, BN, C_HALF), lambda n: (0, n, 0)),
            pl.BlockSpec((BN, C_OUT), lambda n: (n, 0)),
        ],
        out_shape=[
            jax.ShapeDtypeStruct((NC, N_COARSE, C_HALF), jnp.bfloat16),
            jax.ShapeDtypeStruct((N_COARSE, C_OUT), jnp.bfloat16),
        ],
    )(at, bt, wnt3, wst, bias2)


def _transpose_body(in_ref, out_ref):
    out_ref[...] = in_ref[...].astype(jnp.float32).T


def _transpose(x):
    bt = 2560
    return pl.pallas_call(
        _transpose_body,
        grid=((N_FINE + bt - 1) // bt,),
        in_specs=[pl.BlockSpec((bt, C_OUT), lambda n: (n, 0))],
        out_specs=pl.BlockSpec((C_OUT, bt), lambda n: (0, n)),
        out_shape=jax.ShapeDtypeStruct((C_OUT, N_FINE), jnp.float32),
    )(x)


def _sc_body(y_hbm, s_hbm, g2d, r2d, u3, out_hbm,
             rows, idx_g, idx_r, idx_u, h_sh, sem_g, sem_s, sem_i):
    c = lax.axis_index("c")
    t = lax.axis_index("s")
    col = c * C_HALF
    gbase = (c * NS + t) * IDX_ROWS
    rbase = t * IDX_ROWS

    zero = jnp.zeros((32,), jnp.bfloat16)
    for r in range(128):
        rows[r, pl.ds(0, 32)] = zero
        rows[r, pl.ds(32, 32)] = zero
    cbase = t * TROWS
    for p in range(1, PARTS):
        for q in range(5):
            nz = 128 if q < 4 else TROWS - 512
            pltpu.sync_copy(
                rows.at[pl.ds(0, nz)],
                h_sh.at[pl.ds(p * H_ROWS + cbase + q * 128, nz)])
    base = jnp.minimum(t * INIT_ROWS, N_COARSE - INIT_ROWS)
    pltpu.sync_copy(s_hbm.at[pl.ds(base, INIT_ROWS), pl.ds(col, C_HALF)],
                    rows.at[pl.ds(0, INIT_ROWS)])
    pltpu.sync_copy(rows.at[pl.ds(0, INIT_ROWS)],
                    h_sh.at[pl.ds(base, INIT_ROWS)])
    plsc.subcore_barrier()

    def bank(i):
        return lax.rem(i, 2) * PAIR_ROWS

    def i_cp(i, src, srcbase, dst):
        return pltpu.make_async_copy(
            src.at[pl.ds(srcbase + i * PAIR_ROWS, PAIR_ROWS)],
            dst.at[pl.ds(bank(i), PAIR_ROWS)], sem_i)

    def g_cp(i, h, j):
        return pltpu.make_async_copy(
            y_hbm.at[idx_g.at[bank(i) + h * K + j]],
            rows.at[pl.ds((h * K + j) * 128, 128)], sem_g)

    def s_cp(i, h, j):
        return pltpu.make_async_copy(
            rows.at[pl.ds((h * K + j) * 128, 128)],
            h_sh.at[idx_r.at[bank(i) + h * K + j]], sem_s)

    i_cp(0, g2d, gbase, idx_g).start()
    i_cp(0, r2d, rbase, idx_r).start()
    i_cp(0, g2d, gbase, idx_g).wait()
    i_cp(0, r2d, rbase, idx_r).wait()
    for j in range(K):
        g_cp(0, 0, j).start()

    def pair_body(i, carry):
        for j in range(K):
            g_cp(i, 0, j).wait()

        @pl.when(i > 0)
        def _():
            for j in range(K):
                s_cp(i, 1, j).wait()

        @pl.when(i < NPAIRS - 1)
        def _():
            i_cp(i + 1, g2d, gbase, idx_g).start()
            i_cp(i + 1, r2d, rbase, idx_r).start()

        for j in range(K):
            g_cp(i, 1, j).start()
        for j in range(K):
            s_cp(i, 0, j).start(add=True)
        for j in range(K):
            g_cp(i, 1, j).wait()
        for j in range(K):
            s_cp(i, 0, j).wait()

        @pl.when(i < NPAIRS - 1)
        def _():
            i_cp(i + 1, g2d, gbase, idx_g).wait()
            i_cp(i + 1, r2d, rbase, idx_r).wait()
            for j in range(K):
                g_cp(i + 1, 0, j).start()

        for j in range(K):
            s_cp(i, 1, j).start(add=True)
        return carry

    lax.fori_loop(0, NPAIRS, pair_body, 0)
    for j in range(K):
        s_cp(NPAIRS - 1, 1, j).wait()
    plsc.subcore_barrier()

    for r in range(5):
        for k in range(8):
            vals = cbase + r * 128 + k * 16 + lax.iota(jnp.int32, 16)
            idx_u[r, pl.ds(k * 16, 16)] = jnp.where(
                vals < cbase + TROWS, vals, N_COARSE)
    for p in range(1, PARTS):
        pltpu.sync_copy(h_sh.at[pl.ds(p * H_ROWS + cbase, TROWS)],
                        rows.at[pl.ds(0, TROWS)])
        cps = [
            pltpu.async_copy(rows.at[pl.ds(j * 128, 128)],
                             h_sh.at[idx_u.at[j]], sem_s, add=True)
            for j in range(5)
        ]
        for cp in cps:
            cp.wait()
    plsc.subcore_barrier()

    pltpu.sync_copy(u3.at[t], idx_u)
    chunks = [(0, 0, 4, 512), (4, 512, 4, 512), (8, 0, 2, FPT_REAL - 1024)]
    st_cps = []
    for ci, (urow, roff, nstream, nrows) in enumerate(chunks):
        if ci == 2:
            st_cps[0].wait()
        cps = [
            pltpu.async_copy(h_sh.at[idx_u.at[urow + j]],
                             rows.at[pl.ds(roff + j * 128, 128)], sem_g)
            for j in range(nstream)
        ]
        for cp in cps:
            cp.wait()
        st = pltpu.make_async_copy(
            rows.at[pl.ds(roff, nrows)],
            out_hbm.at[pl.ds(t * FPT_REAL + (0 if ci == 0 else (512 if ci == 1 else 1024)), nrows),
                       pl.ds(col, C_HALF)], sem_s)
        st.start()
        st_cps.append(st)
    st_cps[1].wait()
    st_cps[2].wait()


_sc_sparse = functools.partial(
    pl.kernel,
    out_type=jax.ShapeDtypeStruct((N_FINE, C_OUT), jnp.bfloat16),
    mesh=plsc.VectorSubcoreMesh(core_axis_name="c", subcore_axis_name="s"),
    scratch_types=[
        pltpu.VMEM((2 * HALF, C_HALF), jnp.bfloat16),
        pltpu.VMEM((2 * PAIR_ROWS, 128), jnp.int32),
        pltpu.VMEM((2 * PAIR_ROWS, 128), jnp.int32),
        pltpu.VMEM((U_ROWS, 128), jnp.int32),
        pltpu.VMEM_SHARED((PARTS * H_ROWS, C_HALF), jnp.bfloat16),
        pltpu.SemaphoreType.DMA,
        pltpu.SemaphoreType.DMA,
        pltpu.SemaphoreType.DMA,
    ],
    compiler_params=pltpu.CompilerParams(use_tc_tiling_on_sc=False),
)(_sc_body)


def kernel(a, b, W_self, W_neigh, bias, gather_index, reduce_index,
           unpool_index):
    at = a.T
    bt = b.T
    wnt3 = W_neigh.T.reshape(C_IN, NC, C_HALF).transpose(1, 0, 2)
    wst = W_self.T
    bias2 = bias.reshape(1, C_OUT)

    y3, s_full = _dense(at, bt, wnt3, wst, bias2)
    y_stack = y3.reshape(NC * N_COARSE, C_HALF)

    g_pad = jnp.pad(gather_index, (0, E_PAD - E))
    g2 = jnp.concatenate([g_pad, g_pad + N_COARSE]).reshape(-1, 128)
    r_pad = jnp.pad(reduce_index, (0, E_PAD - E), constant_values=N_COARSE)
    r2 = (r_pad.reshape(NS, PARTS, EPT // PARTS)
          + (jnp.arange(PARTS, dtype=jnp.int32) * H_ROWS)[None, :, None]
          ).reshape(-1, 128)
    u3 = jnp.pad(unpool_index.reshape(NS, FPT_REAL),
                 ((0, 0), (0, U_ROWS * 128 - FPT_REAL))).reshape(NS, U_ROWS, 128)

    out = _sc_sparse(y_stack, s_full, g2, r2, u3)
    return _transpose(out)

# --- scband reference (transcript-rebuilt; emitter-appended) ---
"""Pipeline reference for scband-graph-decoder-unit-13692355739967 (READ-ONLY COPY).

The authoritative reference and input builder live on the scoring server;
editing this copy changes nothing except your own understanding.
"""

import jax, jax.numpy as jnp
import numpy as np

N_COARSE = 10000
N_FINE = 20000
E = 320000
C_BRANCH = 128
C_IN = 256
C_OUT = 128


def setup_inputs(seed: int = 0) -> dict:
    key = jax.random.key(seed)
    ks = jax.random.split(key, 8)
    a = jax.random.normal(ks[0], (C_BRANCH, N_COARSE), dtype=jnp.float32)
    b = jax.random.normal(ks[1], (C_BRANCH, N_COARSE), dtype=jnp.float32)
    gather_index = jax.random.randint(ks[2], (E,), 0, N_COARSE, dtype=jnp.int32)
    reduce_index = jax.random.randint(ks[3], (E,), 0, N_COARSE, dtype=jnp.int32)
    unpool_index = jax.random.randint(ks[4], (N_FINE,), 0, N_COARSE, dtype=jnp.int32)
    W_self = jax.random.normal(ks[5], (C_OUT, C_IN), dtype=jnp.float32) / np.sqrt(C_IN)
    W_neigh = jax.random.normal(ks[6], (C_OUT, C_IN), dtype=jnp.float32) / np.sqrt(C_IN)
    bias = jnp.zeros((C_OUT,), dtype=jnp.float32)
    return {
        "a": a,
        "b": b,
        "W_self": W_self,
        "W_neigh": W_neigh,
        "bias": bias,
        "gather_index": gather_index,
        "reduce_index": reduce_index,
        "unpool_index": unpool_index,
    }


def reference(a, b, W_self, W_neigh, bias, gather_index, reduce_index, unpool_index):
    # GraphDecoderUnit.forward:
    # 1) concatenate a with skip features b along dim=-2 (channel dim for [C, N] layout)
    x = jnp.concatenate((a, b), axis=-2)  # [C_IN, N_COARSE]
    # 2) NConv with n_conv=1: GraphConv(in_channels=256, out_channels=128)
    #    messages gathered at gather_index (source nodes per edge),
    #    scatter-add aggregated at reduce_index (destination nodes)
    msgs = jnp.take(x, gather_index, axis=1)  # [C_IN, E] gather
    agg = jnp.zeros_like(x).at[:, reduce_index].add(msgs)  # [C_IN, N_COARSE] scatter-add
    h = W_self @ x + W_neigh @ agg + bias[:, None]  # [C_OUT, N_COARSE]
    # 3) GraphUnpool(topology, reduce='amax'): coarse -> fine via topology unpool index
    #    (each fine node gathers its assigned coarse node's features)
    out = jnp.take(h, unpool_index, axis=1)  # [C_OUT, N_FINE]
    return out

if __name__ == "__main__":
    import jax
    _d = setup_inputs()
    print(jax.jit(kernel)(*tuple(_d.values())))

</pallas_src>

<mosaic_0001>
#map = affine_map<(d0, d1) -> (0, 0)>
#map1 = affine_map<(d0, d1) -> (0, 0, 0)>
module attributes {stable_mosaic.version = 14 : i64} {
  func.func @_sc_body(%arg0: i32, %arg1: i32, %arg2: memref<20000x64xbf16, #tpu.memory_space<hbm>>, %arg3: memref<10000x128xbf16, #tpu.memory_space<hbm>>, %arg4: memref<5120x128xi32, #tpu.memory_space<hbm>>, %arg5: memref<2560x128xi32, #tpu.memory_space<hbm>>, %arg6: memref<16x10x128xi32, #tpu.memory_space<hbm>>, %arg7: memref<20000x128xbf16, #tpu.memory_space<hbm>>, %arg8: memref<1024x64xbf16, #tpu.memory_space<vmem>>, %arg9: memref<16x128xi32, #tpu.memory_space<vmem>>, %arg10: memref<16x128xi32, #tpu.memory_space<vmem>>, %arg11: memref<10x128xi32, #tpu.memory_space<vmem>>, %arg12: memref<40064x64xbf16, #tpu.memory_space<vmem_shared>>, %arg13: memref<!tpu.dma_semaphore, #tpu.memory_space<semaphore_mem>>, %arg14: memref<!tpu.dma_semaphore, #tpu.memory_space<semaphore_mem>>, %arg15: memref<!tpu.dma_semaphore, #tpu.memory_space<semaphore_mem>>) attributes {dimension_semantics = [#tpu.dimension_semantics<core_parallel>, #tpu.dimension_semantics<subcore_parallel>], iteration_bounds = array<i64: 2, 16>, scalar_prefetch = 0 : i64, scratch_operands = 8 : i64, tpu.core_type = #tpu.core_type<sc_vector_subcore>, window_params = [{transform_indices = #map}, {transform_indices = #map}, {transform_indices = #map}, {transform_indices = #map}, {transform_indices = #map1}, {transform_indices = #map}]} {
    %mul3A = arith.constant 64 : i32
    %mul3A_0 = arith.muli %arg0, %mul3A : i32
    %mul3A_1 = arith.constant 16 : i32
    %mul3A_2 = arith.muli %arg0, %mul3A_1 : i32
    %add3A = arith.addi %mul3A_2, %arg1 : i32
    %mul3A_3 = arith.constant 160 : i32
    %mul3A_4 = arith.muli %add3A, %mul3A_3 : i32
    %mul3A_5 = arith.constant 160 : i32
    %mul3A_6 = arith.muli %arg1, %mul3A_5 : i32
    %broadcast_in_dim3A = arith.constant 0.000000e+00 : bf16
    %broadcast_in_dim3A_7 = vector.broadcast %broadcast_in_dim3A : bf16 to vector<32xbf16>
    %swap3A = arith.constant 0 : i32
    %swap3A_8 = arith.index_cast %swap3A : i32 to index
    %swap3A_9 = arith.constant 0 : index
    %swap3A_10 = tpu.vector_load %arg8[%swap3A_8, %swap3A_9] {strides = array<i32>} : memref<1024x64xbf16, #tpu.memory_space<vmem>>, vector<1x32xbf16>,
    %swap3A_11 = vector.shape_cast %swap3A_10 : vector<1x32xbf16> to vector<32xbf16>
    %swap3A_12 = vector.shape_cast %broadcast_in_dim3A_7 : vector<32xbf16> to vector<1x32xbf16>
    tpu.vector_store %arg8[%swap3A_8, %swap3A_9], %swap3A_12 {strides = array<i32>} : memref<1024x64xbf16, #tpu.memory_space<vmem>>, vector<1x32xbf16>,
    %swap3A_13 = arith.constant 0 : i32
    %swap3A_14 = arith.index_cast %swap3A_13 : i32 to index
    %swap3A_15 = arith.constant 32 : index
    %swap3A_16 = tpu.vector_load %arg8[%swap3A_14, %swap3A_15] {strides = array<i32>} : memref<1024x64xbf16, #tpu.memory_space<vmem>>, vector<1x32xbf16>,
    %swap3A_17 = vector.shape_cast %swap3A_16 : vector<1x32xbf16> to vector<32xbf16>
    %swap3A_18 = vector.shape_cast %broadcast_in_dim3A_7 : vector<32xbf16> to vector<1x32xbf16>
    tpu.vector_store %arg8[%swap3A_14, %swap3A_15], %swap3A_18 {strides = array<i32>} : memref<1024x64xbf16, #tpu.memory_space<vmem>>, vector<1x32xbf16>,
    %swap3A_19 = arith.constant 1 : i32
    %swap3A_20 = arith.index_cast %swap3A_19 : i32 to index
    %swap3A_21 = arith.constant 0 : index
    %swap3A_22 = tpu.vector_load %arg8[%swap3A_20, %swap3A_21] {strides = array<i32>} : memref<1024x64xbf16, #tpu.memory_space<vmem>>, vector<1x32xbf16>,
    %swap3A_23 = vector.shape_cast %swap3A_22 : vector<1x32xbf16> to vector<32xbf16>
    %swap3A_24 = vector.shape_cast %broadcast_in_dim3A_7 : vector<32xbf16> to vector<1x32xbf16>
    tpu.vector_store %arg8[%swap3A_20, %swap3A_21], %swap3A_24 {strides = array<i32>} : memref<1024x64xbf16, #tpu.memory_space<vmem>>, vector<1x32xbf16>,
    %swap3A_25 = arith.constant 1 : i32
    %swap3A_26 = arith.index_cast %swap3A_25 : i32 to index
    %swap3A_27 = arith.constant 32 : index
    %swap3A_28 = tpu.vector_load %arg8[%swap3A_26, %swap3A_27] {strides = array<i32>} : memref<1024x64xbf16, #tpu.memory_space<vmem>>, vector<1x32xbf16>,
    %swap3A_29 = vector.shape_cast %swap3A_28 : vector<1x32xbf16> to vector<32xbf16>
    %swap3A_30 = vector.shape_cast %broadcast_in_dim3A_7 : vector<32xbf16> to vector<1x32xbf16>
    tpu.vector_store %arg8[%swap3A_26, %swap3A_27], %swap3A_30 {strides = array<i32>} : memref<1024x64xbf16, #tpu.memory_space<vmem>>, vector<1x32xbf16>,
    %swap3A_31 = arith.constant 2 : i32
    %swap3A_32 = arith.index_cast %swap3A_31 : i32 to index
    %swap3A_33 = arith.constant 0 : index
    %swap3A_34 = tpu.vector_load %arg8[%swap3A_32, %swap3A_33] {strides = array<i32>} : memref<1024x64xbf16, #tpu.memory_space<vmem>>, vector<1x32xbf16>,
    %swap3A_35 = vector.shape_cast %swap3A_34 : vector<1x32xbf16> to vector<32xbf16>
    %swap3A_36 = vector.shape_cast %broadcast_in_dim3A_7 : vector<32xbf16> to vector<1x32xbf16>
    tpu.vector_store %arg8[%swap3A_32, %swap3A_33], %swap3A_36 {strides = array<i32>} : memref<1024x64xbf16, #tpu.memory_space<vmem>>, vector<1x32xbf16>,
    %swap3A_37 = arith.constant 2 : i32
    %swap3A_38 = arith.index_cast %swap3A_37 : i32 to index
    %swap3A_39 = arith.constant 32 : index
    %swap3A_40 = tpu.vector_load %arg8[%swap3A_38, %swap3A_39] {strides = array<i32>} : memref<1024x64xbf16, #tpu.memory_space<vmem>>, vector<1x32xbf16>,
    %swap3A_41 = vector.shape_cast %swap3A_40 : vector<1x32xbf16> to vector<32xbf16>
    %swap3A_42 = vector.shape_cast %broadcast_in_dim3A_7 : vector<32xbf16> to vector<1x32xbf16>
    tpu.vector_store %arg8[%swap3A_38, %swap3A_39], %swap3A_42 {strides = array<i32>} : memref<1024x64xbf16, #tpu.memory_space<vmem>>, vector<1x32xbf16>,
    %swap3A_43 = arith.constant 3 : i32
    %swap3A_44 = arith.index_cast %swap3A_43 : i32 to index
    %swap3A_45 = arith.constant 0 : index
    %swap3A_46 = tpu.vector_load %arg8[%swap3A_44, %swap3A_45] {strides = array<i32>} : memref<1024x64xbf16, #tpu.memory_space<vmem>>, vector<1x32xbf16>,
    %swap3A_47 = vector.shape_cast %swap3A_46 : vector<1x32xbf16> to vector<32xbf16>
    %swap3A_48 = vector.shape_cast %broadcast_in_dim3A_7 : vector<32xbf16> to vector<1x32xbf16>
    tpu.vector_store %arg8[%swap3A_44, %swap3A_45], %swap3A_48 {strides = array<i32>} : memref<1024x64xbf16, #tpu.memory_space<vmem>>, vector<1x32xbf16>,
    %swap3A_49 = arith.constant 3 : i32
    %swap3A_50 = arith.index_cast %swap3A_49 : i32 to index
    %swap3A_51 = arith.constant 32 : index
    %swap3A_52 = tpu.vector_load %arg8[%swap3A_50, %swap3A_51] {strides = array<i32>} : memref<1024x64xbf16, #tpu.memory_space<vmem>>, vector<1x32xbf16>,
    %swap3A_53 = vector.shape_cast %swap3A_52 : vector<1x32xbf16> to vector<32xbf16>
    %swap3A_54 = vector.shape_cast %broadcast_in_dim3A_7 : vector<32xbf16> to vector<1x32xbf16>
    tpu.vector_store %arg8[%swap3A_50, %swap3A_51], %swap3A_54 {strides = array<i32>} : memref<1024x64xbf16, #tpu.memory_space<vmem>>, vector<1x32xbf16>,
    %swap3A_55 = arith.constant 4 : i32
    %swap3A_56 = arith.index_cast %swap3A_55 : i32 to index
    %swap3A_57 = arith.constant 0 : index
    %swap3A_58 = tpu.vector_load %arg8[%swap3A_56, %swap3A_57] {strides = array<i32>} : memref<1024x64xbf16, #tpu.memory_space<vmem>>, vector<1x32xbf16>,
    %swap3A_59 = vector.shape_cast %swap3A_58 : vector<1x32xbf16> to vector<32xbf16>
    %swap3A_60 = vector.shape_cast %broadcast_in_dim3A_7 : vector<32xbf16> to vector<1x32xbf16>
    tpu.vector_store %arg8[%swap3A_56, %swap3A_57], %swap3A_60 {strides = array<i32>} : memref<1024x64xbf16, #tpu.memory_space<vmem>>, vector<1x32xbf16>,
    %swap3A_61 = arith.constant 4 : i32
    %swap3A_62 = arith.index_cast %swap3A_61 : i32 to index
    %swap3A_63 = arith.constant 32 : index
    %swap3A_64 = tpu.vector_load %arg8[%swap3A_62, %swap3A_63] {strides = array<i32>} : memref<1024x64xbf16, #tpu.memory_space<vmem>>, vector<1x32xbf16>,
    %swap3A_65 = vector.shape_cast %swap3A_64 : vector<1x32xbf16> to vector<32xbf16>
    %swap3A_66 = vector.shape_cast %broadcast_in_dim3A_7 : vector<32xbf16> to vector<1x32xbf16>
    tpu.vector_store %arg8[%swap3A_62, %swap3A_63], %swap3A_66 {strides = array<i32>} : memref<1024x64xbf16, #tpu.memory_space<vmem>>, vector<1x32xbf16>,
    %swap3A_67 = arith.constant 5 : i32
    %swap3A_68 = arith.index_cast %swap3A_67 : i32 to index
    %swap3A_69 = arith.constant 0 : index
    %swap3A_70 = tpu.vector_load %arg8[%swap3A_68, %swap3A_69] {strides = array<i32>} : memref<1024x64xbf16, #tpu.memory_space<vmem>>, vector<1x32xbf16>,
    %swap3A_71 = vector.shape_cast %swap3A_70 : vector<1x32xbf16> to vector<32xbf16>
    %swap3A_72 = vector.shape_cast %broadcast_in_dim3A_7 : vector<32xbf16> to vector<1x32xbf16>
    tpu.vector_store %arg8[%swap3A_68, %swap3A_69], %swap3A_72 {strides = array<i32>} : memref<1024x64xbf16, #tpu.memory_space<vmem>>, vector<1x32xbf16>,
    %swap3A_73 = arith.constant 5 : i32
    %swap3A_74 = arith.index_cast %swap3A_73 : i32 to index
    %swap3A_75 = arith.constant 32 : index
    %swap3A_76 = tpu.vector_load %arg8[%swap3A_74, %swap3A_75] {strides = array<i32>} : memref<1024x64xbf16, #tpu.memory_space<vmem>>, vector<1x32xbf16>,
    %swap3A_77 = vector.shape_cast %swap3A_76 : vector<1x32xbf16> to vector<32xbf16>
    %swap3A_78 = vector.shape_cast %broadcast_in_dim3A_7 : vector<32xbf16> to vector<1x32xbf16>
    tpu.vector_store %arg8[%swap3A_74, %swap3A_75], %swap3A_78 {strides = array<i32>} : memref<1024x64xbf16, #tpu.memory_space<vmem>>, vector<1x32xbf16>,
    %swap3A_79 = arith.constant 6 : i32
    %swap3A_80 = arith.index_cast %swap3A_79 : i32 to index
    %swap3A_81 = arith.constant 0 : index
    %swap3A_82 = tpu.vector_load %arg8[%swap3A_80, %swap3A_81] {strides = array<i32>} : memref<1024x64xbf16, #tpu.memory_space<vmem>>, vector<1x32xbf16>,
    %swap3A_83 = vector.shape_cast %swap3A_82 : vector<1x32xbf16> to vector<32xbf16>
    %swap3A_84 = vector.shape_cast %broadcast_in_dim3A_7 : vector<32xbf16> to vector<1x32xbf16>
    tpu.vector_store %arg8[%swap3A_80, %swap3A_81], %swap3A_84 {strides = array<i32>} : memref<1024x64xbf16, #tpu.memory_space<vmem>>, vector<1x32xbf16>,
    %swap3A_85 = arith.constant 6 : i32
    %swap3A_86 = arith.index_cast %swap3A_85 : i32 to index
    %swap3A_87 = arith.constant 32 : index
    %swap3A_88 = tpu.vector_load %arg8[%swap3A_86, %swap3A_87] {strides = array<i32>} : memref<1024x64xbf16, #tpu.memory_space<vmem>>, vector<1x32xbf16>,
    %swap3A_89 = vector.shape_cast %swap3A_88 : vector<1x32xbf16> to vector<32xbf16>
    %swap3A_90 = vector.shape_cast %broadcast_in_dim3A_7 : vector<32xbf16> to vector<1x32xbf16>
    tpu.vector_store %arg8[%swap3A_86, %swap3A_87], %swap3A_90 {strides = array<i32>} : memref<1024x64xbf16, #tpu.memory_space<vmem>>, vector<1x32xbf16>,
    %swap3A_91 = arith.constant 7 : i32
    %swap3A_92 = arith.index_cast %swap3A_91 : i32 to index
    %swap3A_93 = arith.constant 0 : index
    %swap3A_94 = tpu.vector_load %arg8[%swap3A_92, %swap3A_93] {strides = array<i32>} : memref<1024x64xbf16, #tpu.memory_space<vmem>>, vector<1x32xbf16>,
    %swap3A_95 = vector.shape_cast %swap3A_94 : vector<1x32xbf16> to vector<32xbf16>
    %swap3A_96 = vector.shape_cast %broadcast_in_dim3A_7 : vector<32xbf16> to vector<1x32xbf16>
    tpu.vector_store %arg8[%swap3A_92, %swap3A_93], %swap3A_96 {strides = array<i32>} : memref<1024x64xbf16, #tpu.memory_space<vmem>>, vector<1x32xbf16>,
    %swap3A_97 = arith.constant 7 : i32
    %swap3A_98 = arith.index_cast %swap3A_97 : i32 to index
    %swap3A_99 = arith.constant 32 : index
    %swap3A_100 = tpu.vector_load %arg8[%swap3A_98, %swap3A_99] {strides = array<i32>} : memref<1024x64xbf16, #tpu.memory_space<vmem>>, vector<1x32xbf16>,
    %swap3A_101 = vector.shape_cast %swap3A_100 : vector<1x32xbf16> to vector<32xbf16>
    %swap3A_102 = vector.shape_cast %broadcast_in_dim3A_7 : vector<32xbf16> to vector<1x32xbf16>
    tpu.vector_store %arg8[%swap3A_98, %swap3A_99], %swap3A_102 {strides = array<i32>} : memref<1024x64xbf16, #tpu.memory_space<vmem>>, vector<1x32xbf16>,
    %swap3A_103 = arith.constant 8 : i32
    %swap3A_104 = arith.index_cast %swap3A_103 : i32 to index
    %swap3A_105 = arith.constant 0 : index
    %swap3A_106 = tpu.vector_load %arg8[%swap3A_104, %swap3A_105] {strides = array<i32>} : memref<1024x64xbf16, #tpu.memory_space<vmem>>, vector<1x32xbf16>,
    %swap3A_107 = vector.shape_cast %swap3A_106 : vector<1x32xbf16> to vector<32xbf16>
    %swap3A_108 = vector.shape_cast %broadcast_in_dim3A_7 : vector<32xbf16> to vector<1x32xbf16>
    tpu.vector_store %arg8[%swap3A_104, %swap3A_105], %swap3A_108 {strides = array<i32>} : memref<1024x64xbf16, #tpu.memory_space<vmem>>, vector<1x32xbf16>,
    %swap3A_109 = arith.constant 8 : i32
    %swap3A_110 = arith.index_cast %swap3A_109 : i32 to index
    %swap3A_111 = arith.constant 32 : index
    %swap3A_112 = tpu.vector_load %arg8[%swap3A_110, %swap3A_111] {strides = array<i32>} : memref<1024x64xbf16, #tpu.memory_space<vmem>>, vector<1x32xbf16>,
    %swap3A_113 = vector.shape_cast %swap3A_112 : vector<1x32xbf16> to vector<32xbf16>
    %swap3A_114 = vector.shape_cast %broadcast_in_dim3A_7 : vector<32xbf16> to vector<1x32xbf16>
    tpu.vector_store %arg8[%swap3A_110, %swap3A_111], %swap3A_114 {strides = array<i32>} : memref<1024x64xbf16, #tpu.memory_space<vmem>>, vector<1x32xbf16>,
    %swap3A_115 = arith.constant 9 : i32
    %swap3A_116 = arith.index_cast %swap3A_115 : i32 to index
    %swap3A_117 = arith.constant 0 : index
    %swap3A_118 = tpu.vector_load %arg8[%swap3A_116, %swap3A_117] {strides = array<i32>} : memref<1024x64xbf16, #tpu.memory_space<vmem>>, vector<1x32xbf16>,
    %swap3A_119 = vector.shape_cast %swap3A_118 : vector<1x32xbf16> to vector<32xbf16>
    %swap3A_120 = vector.shape_cast %broadcast_in_dim3A_7 : vector<32xbf16> to vector<1x32xbf16>
    tpu.vector_store %arg8[%swap3A_116, %swap3A_117], %swap3A_120 {strides = array<i32>} : memref<1024x64xbf16, #tpu.memory_space<vmem>>, vector<1x32xbf16>,
    %swap3A_121 = arith.constant 9 : i32
    %swap3A_122 = arith.index_cast %swap3A_121 : i32 to index
    %swap3A_123 = arith.constant 32 : index
    %swap3A_124 = tpu.vector_load %arg8[%swap3A_122, %swap3A_123] {strides = array<i32>} : memref<1024x64xbf16, #tpu.memory_space<vmem>>, vector<1x32xbf16>,
    %swap3A_125 = vector.shape_cast %swap3A_124 : vector<1x32xbf16> to vector<32xbf16>
    %swap3A_126 = vector.shape_cast %broadcast_in_dim3A_7 : vector<32xbf16> to vector<1x32xbf16>
    tpu.vector_store %arg8[%swap3A_122, %swap3A_123], %swap3A_126 {strides = array<i32>} : memref<1024x64xbf16, #tpu.memory_space<vmem>>, vector<1x32xbf16>,
    %swap3A_127 = arith.constant 10 : i32
    %swap3A_128 = arith.index_cast %swap3A_127 : i32 to index
    %swap3A_129 = arith.constant 0 : index
    %swap3A_130 = tpu.vector_load %arg8[%swap3A_128, %swap3A_129] {strides = array<i32>} : memref<1024x64xbf16, #tpu.memory_space<vmem>>, vector<1x32xbf16>,
    %swap3A_131 = vector.shape_cast %swap3A_130 : vector<1x32xbf16> to vector<32xbf16>
    %swap3A_132 = vector.shape_cast %broadcast_in_dim3A_7 : vector<32xbf16> to vector<1x32xbf16>
    tpu.vector_store %arg8[%swap3A_128, %swap3A_129], %swap3A_132 {strides = array<i32>} : memref<1024x64xbf16, #tpu.memory_space<vmem>>, vector<1x32xbf16>,
    %swap3A_133 = arith.constant 10 : i32
    %swap3A_134 = arith.index_cast %swap3A_133 : i32 to index
    %swap3A_135 = arith.constant 32 : index
    %swap3A_136 = tpu.vector_load %arg8[%swap3A_134, %swap3A_135] {strides = array<i32>} : memref<1024x64xbf16, #tpu.memory_space<vmem>>, vector<1x32xbf16>,
    %swap3A_137 = vector.shape_cast %swap3A_136 : vector<1x32xbf16> to vector<32xbf16>
    %swap3A_138 = vector.shape_cast %broadcast_in_dim3A_7 : vector<32xbf16> to vector<1x32xbf16>
    tpu.vector_store %arg8[%swap3A_134, %swap3A_135], %swap3A_138 {strides = array<i32>} : memref<1024x64xbf16, #tpu.memory_space<vmem>>, vector<1x32xbf16>,
    %swap3A_139 = arith.constant 11 : i32
    %swap3A_140 = arith.index_cast %swap3A_139 : i32 to index
    %swap3A_141 = arith.constant 0 : index
    %swap3A_142 = tpu.vector_load %arg8[%swap3A_140, %swap3A_141] {strides = array<i32>} : memref<1024x64xbf16, #tpu.memory_space<vmem>>, vector<1x32xbf16>,
    %swap3A_143 = vector.shape_cast %swap3A_142 : vector<1x32xbf16> to vector<32xbf16>
    %swap3A_144 = vector.shape_cast %broadcast_in_dim3A_7 : vector<32xbf16> to vector<1x32xbf16>
    tpu.vector_store %arg8[%swap3A_140, %swap3A_141], %swap3A_144 {strides = array<i32>} : memref<1024x64xbf16, #tpu.memory_space<vmem>>, vector<1x32xbf16>,
    %swap3A_145 = arith.constant 11 : i32
    %swap3A_146 = arith.index_cast %swap3A_145 : i32 to index
    %swap3A_147 = arith.constant 32 : index
    %swap3A_148 = tpu.vector_load %arg8[%swap3A_146, %swap3A_147] {strides = array<i32>} : memref<1024x64xbf16, #tpu.memory_space<vmem>>, vector<1x32xbf16>,
    %swap3A_149 = vector.shape_cast %swap3A_148 : vector<1x32xbf16> to vector<32xbf16>
    %swap3A_150 = vector.shape_cast %broadcast_in_dim3A_7 : vector<32xbf16> to vector<1x32xbf16>
    tpu.vector_store %arg8[%swap3A_146, %swap3A_147], %swap3A_150 {strides = array<i32>} : memref<1024x64xbf16, #tpu.memory_space<vmem>>, vector<1x32xbf16>,
    %swap3A_151 = arith.constant 12 : i32
    %swap3A_152 = arith.index_cast %swap3A_151 : i32 to index
    %swap3A_153 = arith.constant 0 : index
    %swap3A_154 = tpu.vector_load %arg8[%swap3A_152, %swap3A_153] {strides = array<i32>} : memref<1024x64xbf16, #tpu.memory_space<vmem>>, vector<1x32xbf16>,
    %swap3A_155 = vector.shape_cast %swap3A_154 : vector<1x32xbf16> to vector<32xbf16>
    %swap3A_156 = vector.shape_cast %broadcast_in_dim3A_7 : vector<32xbf16> to vector<1x32xbf16>
    tpu.vector_store %arg8[%swap3A_152, %swap3A_153], %swap3A_156 {strides = array<i32>} : memref<1024x64xbf16, #tpu.memory_space<vmem>>, vector<1x32xbf16>,
    %swap3A_157 = arith.constant 12 : i32
    %swap3A_158 = arith.index_cast %swap3A_157 : i32 to index
    %swap3A_159 = arith.constant 32 : index
    %swap3A_160 = tpu.vector_load %arg8[%swap3A_158, %swap3A_159] {strides = array<i32>} : memref<1024x64xbf16, #tpu.memory_space<vmem>>, vector<1x32xbf16>,
    %swap3A_161 = vector.shape_cast %swap3A_160 : vector<1x32xbf16> to vector<32xbf16>
    %swap3A_162 = vector.shape_cast %broadcast_in_dim3A_7 : vector<32xbf16> to vector<1x32xbf16>
    tpu.vector_store %arg8[%swap3A_158, %swap3A_159], %swap3A_162 {strides = array<i32>} : memref<1024x64xbf16, #tpu.memory_space<vmem>>, vector<1x32xbf16>,
    %swap3A_163 = arith.constant 13 : i32
    %swap3A_164 = arith.index_cast %swap3A_163 : i32 to index
    %swap3A_165 = arith.constant 0 : index
    %swap3A_166 = tpu.vector_load %arg8[%swap3A_164, %swap3A_165] {strides = array<i32>} : memref<1024x64xbf16, #tpu.memory_space<vmem>>, vector<1x32xbf16>,
    %swap3A_167 = vector.shape_cast %swap3A_166 : vector<1x32xbf16> to vector<32xbf16>
    %swap3A_168 = vector.shape_cast %broadcast_in_dim3A_7 : vector<32xbf16> to vector<1x32xbf16>
    tpu.vector_store %arg8[%swap3A_164, %swap3A_165], %swap3A_168 {strides = array<i32>} : memref<1024x64xbf16, #tpu.memory_space<vmem>>, vector<1x32xbf16>,
    %swap3A_169 = arith.constant 13 : i32
    %swap3A_170 = arith.index_cast %swap3A_169 : i32 to index
    %swap3A_171 = arith.constant 32 : index
    %swap3A_172 = tpu.vector_load %arg8[%swap3A_170, %swap3A_171] {strides = array<i32>} : memref<1024x64xbf16, #tpu.memory_space<vmem>>, vector<1x32xbf16>,
    %swap3A_173 = vector.shape_cast %swap3A_172 : vector<1x32xbf16> to vector<32xbf16>
    %swap3A_174 = vector.shape_cast %broadcast_in_dim3A_7 : vector<32xbf16> to vector<1x32xbf16>
    tpu.vector_store %arg8[%swap3A_170, %swap3A_171], %swap3A_174 {strides = array<i32>} : memref<1024x64xbf16, #tpu.memory_space<vmem>>, vector<1x32xbf16>,
    %swap3A_175 = arith.constant 14 : i32
    %swap3A_176 = arith.index_cast %swap3A_175 : i32 to index
    %swap3A_177 = arith.constant 0 : index
    %swap3A_178 = tpu.vector_load %arg8[%swap3A_176, %swap3A_177] {strides = array<i32>} : memref<1024x64xbf16, #tpu.memory_space<vmem>>, vector<1x32xbf16>,
    %swap3A_179 = vector.shape_cast %swap3A_178 : vector<1x32xbf16> to vector<32xbf16>
    %swap3A_180 = vector.shape_cast %broadcast_in_dim3A_7 : vector<32xbf16> to vector<1x32xbf16>
    tpu.vector_store %arg8[%swap3A_176, %swap3A_177], %swap3A_180 {strides = array<i32>} : memref<1024x64xbf16, #tpu.memory_space<vmem>>, vector<1x32xbf16>,
    %swap3A_181 = arith.constant 14 : i32
    %swap3A_182 = arith.index_cast %swap3A_181 : i32 to index
    %swap3A_183 = arith.constant 32 : index
    %swap3A_184 = tpu.vector_load %arg8[%swap3A_182, %swap3A_183] {strides = array<i32>} : memref<1024x64xbf16, #tpu.memory_space<vmem>>, vector<1x32xbf16>,
    %swap3A_185 = vector.shape_cast %swap3A_184 : vector<1x32xbf16> to vector<32xbf16>
    %swap3A_186 = vector.shape_cast %broadcast_in_dim3A_7 : vector<32xbf16> to vector<1x32xbf16>
    tpu.vector_store %arg8[%swap3A_182, %swap3A_183], %swap3A_186 {strides = array<i32>} : memref<1024x64xbf16, #tpu.memory_space<vmem>>, vector<1x32xbf16>,
    %swap3A_187 = arith.constant 15 : i32
    %swap3A_188 = arith.index_cast %swap3A_187 : i32 to index
    %swap3A_189 = arith.constant 0 : index
    %swap3A_190 = tpu.vector_load %arg8[%swap3A_188, %swap3A_189] {strides = array<i32>} : memref<1024x64xbf16, #tpu.memory_space<vmem>>, vector<1x32xbf16>,
    %swap3A_191 = vector.shape_cast %swap3A_190 : vector<1x32xbf16> to vector<32xbf16>
    %swap3A_192 = vector.shape_cast %broadcast_in_dim3A_7 : vector<32xbf16> to vector<1x32xbf16>
    tpu.vector_store %arg8[%swap3A_188, %swap3A_189], %swap3A_192 {strides = array<i32>} : memref<1024x64xbf16, #tpu.memory_space<vmem>>, vector<1x32xbf16>,
    %swap3A_193 = arith.constant 15 : i32
    %swap3A_194 = arith.index_cast %swap3A_193 : i32 to index
    %swap3A_195 = arith.constant 32 : index
    %swap3A_196 = tpu.vector_load %arg8[%swap3A_194, %swap3A_195] {strides = array<i32>} : memref<1024x64xbf16, #tpu.memory_space<vmem>>, vector<1x32xbf16>,
    %swap3A_197 = vector.shape_cast %swap3A_196 : vector<1x32xbf16> to vector<32xbf16>
    %swap3A_198 = vector.shape_cast %broadcast_in_dim3A_7 : vector<32xbf16> to vector<1x32xbf16>
    tpu.vector_store %arg8[%swap3A_194, %swap3A_195], %swap3A_198 {strides = array<i32>} : memref<1024x64xbf16, #tpu.memory_space<vmem>>, vector<1x32xbf16>,
    %swap3A_199 = arith.constant 16 : i32
    %swap3A_200 = arith.index_cast %swap3A_199 : i32 to index
    %swap3A_201 = arith.constant 0 : index
    %swap3A_202 = tpu.vector_load %arg8[%swap3A_200, %swap3A_201] {strides = array<i32>} : memref<1024x64xbf16, #tpu.memory_space<vmem>>, vector<1x32xbf16>,
    %swap3A_203 = vector.shape_cast %swap3A_202 : vector<1x32xbf16> to vector<32xbf16>
    %swap3A_204 = vector.shape_cast %broadcast_in_dim3A_7 : vector<32xbf16> to vector<1x32xbf16>
    tpu.vector_store %arg8[%swap3A_200, %swap3A_201], %swap3A_204 {strides = array<i32>} : memref<1024x64xbf16, #tpu.memory_space<vmem>>, vector<1x32xbf16>,
    %swap3A_205 = arith.constant 16 : i32
    %swap3A_206 = arith.index_cast %swap3A_205 : i32 to index
    %swap3A_207 = arith.constant 32 : index
    %swap3A_208 = tpu.vector_load %arg8[%swap3A_206, %swap3A_207] {strides = array<i32>} : memref<1024x64xbf16, #tpu.memory_space<vmem>>, vector<1x32xbf16>,
    %swap3A_209 = vector.shape_cast %swap3A_208 : vector<1x32xbf16> to vector<32xbf16>
    %swap3A_210 = vector.shape_cast %broadcast_in_dim3A_7 : vector<32xbf16> to vector<1x32xbf16>
    tpu.vector_store %arg8[%swap3A_206, %swap3A_207], %swap3A_210 {strides = array<i32>} : memref<1024x64xbf16, #tpu.memory_space<vmem>>, vector<1x32xbf16>,
    %swap3A_211 = arith.constant 17 : i32
    %swap3A_212 = arith.index_cast %swap3A_211 : i32 to index
    %swap3A_213 = arith.constant 0 : index
    %swap3A_214 = tpu.vector_load %arg8[%swap3A_212, %swap3A_213] {strides = array<i32>} : memref<1024x64xbf16, #tpu.memory_space<vmem>>, vector<1x32xbf16>,
    %swap3A_215 = vector.shape_cast %swap3A_214 : vector<1x32xbf16> to vector<32xbf16>
    %swap3A_216 = vector.shape_cast %broadcast_in_dim3A_7 : vector<32xbf16> to vector<1x32xbf16>
    tpu.vector_store %arg8[%swap3A_212, %swap3A_213], %swap3A_216 {strides = array<i32>} : memref<1024x64xbf16, #tpu.memory_space<vmem>>, vector<1x32xbf16>,
    %swap3A_217 = arith.constant 17 : i32
    %swap3A_218 = arith.index_cast %swap3A_217 : i32 to index
    %swap3A_219 = arith.constant 32 : index
    %swap3A_220 = tpu.vector_load %arg8[%swap3A_218, %swap3A_219] {strides = array<i32>} : memref<1024x64xbf16, #tpu.memory_space<vmem>>, vector<1x32xbf16>,
    %swap3A_221 = vector.shape_cast %swap3A_220 : vector<1x32xbf16> to vector<32xbf16>
    %swap3A_222 = vector.shape_cast %broadcast_in_dim3A_7 : vector<32xbf16> to vector<1x32xbf16>
    tpu.vector_store %arg8[%swap3A_218, %swap3A_219], %swap3A_222 {strides = array<i32>} : memref<1024x64xbf16, #tpu.memory_space<vmem>>, vector<1x32xbf16>,
    %swap3A_223 = arith.constant 18 : i32
    %swap3A_224 = arith.index_cast %swap3A_223 : i32 to index
    %swap3A_225 = arith.constant 0 : index
    %swap3A_226 = tpu.vector_load %arg8[%swap3A_224, %swap3A_225] {strides = array<i32>} : memref<1024x64xbf16, #tpu.memory_space<vmem>>, vector<1x32xbf16>,
    %swap3A_227 = vector.shape_cast %swap3A_226 : vector<1x32xbf16> to vector<32xbf16>
    %swap3A_228 = vector.shape_cast %broadcast_in_dim3A_7 : vector<32xbf16> to vector<1x32xbf16>
    tpu.vector_store %arg8[%swap3A_224, %swap3A_225], %swap3A_228 {strides = array<i32>} : memref<1024x64xbf16, #tpu.memory_space<vmem>>, vector<1x32xbf16>,
    %swap3A_229 = arith.constant 18 : i32
    %swap3A_230 = arith.index_cast %swap3A_229 : i32 to index
    %swap3A_231 = arith.constant 32 : index
    %swap3A_232 = tpu.vector_load %arg8[%swap3A_230, %swap3A_231] {strides = array<i32>} : memref<1024x64xbf16, #tpu.memory_space<vmem>>, vector<1x32xbf16>,
    %swap3A_233 = vector.shape_cast %swap3A_232 : vector<1x32xbf16> to vector<32xbf16>
    %swap3A_234 = vector.shape_cast %broadcast_in_dim3A_7 : vector<32xbf16> to vector<1x32xbf16>
    tpu.vector_store %arg8[%swap3A_230, %swap3A_231], %swap3A_234 {strides = array<i32>} : memref<1024x64xbf16, #tpu.memory_space<vmem>>, vector<1x32xbf16>,
    %swap3A_235 = arith.constant 19 : i32
    %swap3A_236 = arith.index_cast %swap3A_235 : i32 to index
    %swap3A_237 = arith.constant 0 : index
    %swap3A_238 = tpu.vector_load %arg8[%swap3A_236, %swap3A_237] {strides = array<i32>} : memref<1024x64xbf16, #tpu.memory_space<vmem>>, vector<1x32xbf16>,
    %swap3A_239 = vector.shape_cast %swap3A_238 : vector<1x32xbf16> to vector<32xbf16>
    %swap3A_240 = vector.shape_cast %broadcast_in_dim3A_7 : vector<32xbf16> to vector<1x32xbf16>
    tpu.vector_store %arg8[%swap3A_236, %swap3A_237], %swap3A_240 {strides = array<i32>} : memref<1024x64xbf16, #tpu.memory_space<vmem>>, vector<1x32xbf16>,
    %swap3A_241 = arith.constant 19 : i32
    %swap3A_242 = arith.index_cast %swap3A_241 : i32 to index
    %swap3A_243 = arith.constant 32 : index
    %swap3A_244 = tpu.vector_load %arg8[%swap3A_242, %swap3A_243] {strides = array<i32>} : memref<1024x64xbf16, #tpu.memory_space<vmem>>, vector<1x32xbf16>,
    %swap3A_245 = vector.shape_cast %swap3A_244 : vector<1x32xbf16> to vector<32xbf16>
    %swap3A_246 = vector.shape_cast %broadcast_in_dim3A_7 : vector<32xbf16> to vector<1x32xbf16>
    tpu.vector_store %arg8[%swap3A_242, %swap3A_243], %swap3A_246 {strides = array<i32>} : memref<1024x64xbf16, #tpu.memory_space<vmem>>, vector<1x32xbf16>,
    %swap3A_247 = arith.constant 20 : i32
    %swap3A_248 = arith.index_cast %swap3A_247 : i32 to index
    %swap3A_249 = arith.constant 0 : index
    %swap3A_250 = tpu.vector_load %arg8[%swap3A_248, %swap3A_249] {strides = array<i32>} : memref<1024x64xbf16, #tpu.memory_space<vmem>>, vector<1x32xbf16>,
    %swap3A_251 = vector.shape_cast %swap3A_250 : vector<1x32xbf16> to vector<32xbf16>
    %swap3A_252 = vector.shape_cast %broadcast_in_dim3A_7 : vector<32xbf16> to vector<1x32xbf16>
    tpu.vector_store %arg8[%swap3A_248, %swap3A_249], %swap3A_252 {strides = array<i32>} : memref<1024x64xbf16, #tpu.memory_space<vmem>>, vector<1x32xbf16>,
    %swap3A_253 = arith.constant 20 : i32
    %swap3A_254 = arith.index_cast %swap3A_253 : i32 to index
    %swap3A_255 = arith.constant 32 : index
    %swap3A_256 = tpu.vector_load %arg8[%swap3A_254, %swap3A_255] {strides = array<i32>} : memref<1024x64xbf16, #tpu.memory_space<vmem>>, vector<1x32xbf16>,
    %swap3A_257 = vector.shape_cast %swap3A_256 : vector<1x32xbf16> to vector<32xbf16>
    %swap3A_258 = vector.shape_cast %broadcast_in_dim3A_7 : vector<32xbf16> to vector<1x32xbf16>
    tpu.vector_store %arg8[%swap3A_254, %swap3A_255], %swap3A_258 {strides = array<i32>} : memref<1024x64xbf16, #tpu.memory_space<vmem>>, vector<1x32xbf16>,
    %swap3A_259 = arith.constant 21 : i32
    %swap3A_260 = arith.index_cast %swap3A_259 : i32 to index
    %swap3A_261 = arith.constant 0 : index
    %swap3A_262 = tpu.vector_load %arg8[%swap3A_260, %swap3A_261] {strides = array<i32>} : memref<1024x64xbf16, #tpu.memory_space<vmem>>, vector<1x32xbf16>,
    %swap3A_263 = vector.shape_cast %swap3A_262 : vector<1x32xbf16> to vector<32xbf16>
    %swap3A_264 = vector.shape_cast %broadcast_in_dim3A_7 : vector<32xbf16> to vector<1x32xbf16>
    tpu.vector_store %arg8[%swap3A_260, %swap3A_261], %swap3A_264 {strides = array<i32>} : memref<1024x64xbf16, #tpu.memory_space<vmem>>, vector<1x32xbf16>,
    %swap3A_265 = arith.constant 21 : i32
    %swap3A_266 = arith.index_cast %swap3A_265 : i32 to index
    %swap3A_267 = arith.constant 32 : index
    %swap3A_268 = tpu.vector_load %arg8[%swap3A_266, %swap3A_267] {strides = array<i32>} : memref<1024x64xbf16, #tpu.memory_space<vmem>>, vector<1x32xbf16>,
    %swap3A_269 = vector.shape_cast %swap3A_268 : vector<1x32xbf16> to vector<32xbf16>
    %swap3A_270 = vector.shape_cast %broadcast_in_dim3A_7 : vector<32xbf16> to vector<1x32xbf16>
    tpu.vector_store %arg8[%swap3A_266, %swap3A_267], %swap3A_270 {strides = array<i32>} : memref<1024x64xbf16, #tpu.memory_space<vmem>>, vector<1x32xbf16>,
    %swap3A_271 = arith.constant 22 : i32
    %swap3A_272 = arith.index_cast %swap3A_271 : i32 to index
    %swap3A_273 = arith.constant 0 : index
    %swap3A_274 = tpu.vector_load %arg8[%swap3A_272, %swap3A_273] {strides = array<i32>} : memref<1024x64xbf16, #tpu.memory_space<vmem>>, vector<1x32xbf16>,
    %swap3A_275 = vector.shape_cast %swap3A_274 : vector<1x32xbf16> to vector<32xbf16>
    %swap3A_276 = vector.shape_cast %broadcast_in_dim3A_7 : vector<32xbf16> to vector<1x32xbf16>
    tpu.vector_store %arg8[%swap3A_272, %swap3A_273], %swap3A_276 {strides = array<i32>} : memref<1024x64xbf16, #tpu.memory_space<vmem>>, vector<1x32xbf16>,
    %swap3A_277 = arith.constant 22 : i32
    %swap3A_278 = arith.index_cast %swap3A_277 : i32 to index
    %swap3A_279 = arith.constant 32 : index
    %swap3A_280 = tpu.vector_load %arg8[%swap3A_278, %swap3A_279] {strides = array<i32>} : memref<1024x64xbf16, #tpu.memory_space<vmem>>, vector<1x32xbf16>,
    %swap3A_281 = vector.shape_cast %swap3A_280 : vector<1x32xbf16> to vector<32xbf16>
    %swap3A_282 = vector.shape_cast %broadcast_in_dim3A_7 : vector<32xbf16> to vector<1x32xbf16>
    tpu.vector_store %arg8[%swap3A_278, %swap3A_279], %swap3A_282 {strides = array<i32>} : memref<1024x64xbf16, #tpu.memory_space<vmem>>, vector<1x32xbf16>,
    %swap3A_283 = arith.constant 23 : i32
    %swap3A_284 = arith.index_cast %swap3A_283 : i32 to index
    %swap3A_285 = arith.constant 0 : index
    %swap3A_286 = tpu.vector_load %arg8[%swap3A_284, %swap3A_285] {strides = array<i32>} : memref<1024x64xbf16, #tpu.memory_space<vmem>>, vector<1x32xbf16>,
    %swap3A_287 = vector.shape_cast %swap3A_286 : vector<1x32xbf16> to vector<32xbf16>
    %swap3A_288 = vector.shape_cast %broadcast_in_dim3A_7 : vector<32xbf16> to vector<1x32xbf16>
    tpu.vector_store %arg8[%swap3A_284, %swap3A_285], %swap3A_288 {strides = array<i32>} : memref<1024x64xbf16, #tpu.memory_space<vmem>>, vector<1x32xbf16>,
    %swap3A_289 = arith.constant 23 : i32
    %swap3A_290 = arith.index_cast %swap3A_289 : i32 to index
    %swap3A_291 = arith.constant 32 : index
    %swap3A_292 = tpu.vector_load %arg8[%swap3A_290, %swap3A_291] {strides = array<i32>} : memref<1024x64xbf16, #tpu.memory_space<vmem>>, vector<1x32xbf16>,
    %swap3A_293 = vector.shape_cast %swap3A_292 : vector<1x32xbf16> to vector<32xbf16>
    %swap3A_294 = vector.shape_cast %broadcast_in_dim3A_7 : vector<32xbf16> to vector<1x32xbf16>
    tpu.vector_store %arg8[%swap3A_290, %swap3A_291], %swap3A_294 {strides = array<i32>} : memref<1024x64xbf16, #tpu.memory_space<vmem>>, vector<1x32xbf16>,
    %swap3A_295 = arith.constant 24 : i32
    %swap3A_296 = arith.index_cast %swap3A_295 : i32 to index
    %swap3A_297 = arith.constant 0 : index
    %swap3A_298 = tpu.vector_load %arg8[%swap3A_296, %swap3A_297] {strides = array<i32>} : memref<1024x64xbf16, #tpu.memory_space<vmem>>, vector<1x32xbf16>,
    %swap3A_299 = vector.shape_cast %swap3A_298 : vector<1x32xbf16> to vector<32xbf16>
    %swap3A_300 = vector.shape_cast %broadcast_in_dim3A_7 : vector<32xbf16> to vector<1x32xbf16>
    tpu.vector_store %arg8[%swap3A_296, %swap3A_297], %swap3A_300 {strides = array<i32>} : memref<1024x64xbf16, #tpu.memory_space<vmem>>, vector<1x32xbf16>,
    %swap3A_301 = arith.constant 24 : i32
    %swap3A_302 = arith.index_cast %swap3A_301 : i32 to index
    %swap3A_303 = arith.constant 32 : index
    %swap3A_304 = tpu.vector_load %arg8[%swap3A_302, %swap3A_303] {strides = array<i32>} : memref<1024x64xbf16, #tpu.memory_space<vmem>>, vector<1x32xbf16>,
    %swap3A_305 = vector.shape_cast %swap3A_304 : vector<1x32xbf16> to vector<32xbf16>
    %swap3A_306 = vector.shape_cast %broadcast_in_dim3A_7 : vector<32xbf16> to vector<1x32xbf16>
    tpu.vector_store %arg8[%swap3A_302, %swap3A_303], %swap3A_306 {strides = array<i32>} : memref<1024x64xbf16, #tpu.memory_space<vmem>>, vector<1x32xbf16>,
    %swap3A_307 = arith.constant 25 : i32
    %swap3A_308 = arith.index_cast %swap3A_307 : i32 to index
    %swap3A_309 = arith.constant 0 : index
    %swap3A_310 = tpu.vector_load %arg8[%swap3A_308, %swap3A_309] {strides = array<i32>} : memref<1024x64xbf16, #tpu.memory_space<vmem>>, vector<1x32xbf16>,
    %swap3A_311 = vector.shape_cast %swap3A_310 : vector<1x32xbf16> to vector<32xbf16>
    %swap3A_312 = vector.shape_cast %broadcast_in_dim3A_7 : vector<32xbf16> to vector<1x32xbf16>
    tpu.vector_store %arg8[%swap3A_308, %swap3A_309], %swap3A_312 {strides = array<i32>} : memref<1024x64xbf16, #tpu.memory_space<vmem>>, vector<1x32xbf16>,
    %swap3A_313 = arith.constant 25 : i32
    %swap3A_314 = arith.index_cast %swap3A_313 : i32 to index
    %swap3A_315 = arith.constant 32 : index
    %swap3A_316 = tpu.vector_load %arg8[%swap3A_314, %swap3A_315] {strides = array<i32>} : memref<1024x64xbf16, #tpu.memory_space<vmem>>, vector<1x32xbf16>,
    %swap3A_317 = vector.shape_cast %swap3A_316 : vector<1x32xbf16> to vector<32xbf16>
    %swap3A_318 = vector.shape_cast %broadcast_in_dim3A_7 : vector<32xbf16> to vector<1x32xbf16>
    tpu.vector_store %arg8[%swap3A_314, %swap3A_315], %swap3A_318 {strides = array<i32>} : memref<1024x64xbf16, #tpu.memory_space<vmem>>, vector<1x32xbf16>,
    %swap3A_319 = arith.constant 26 : i32
    %swap3A_320 = arith.index_cast %swap3A_319 : i32 to index
    %swap3A_321 = arith.constant 0 : index
    %swap3A_322 = tpu.vector_load %arg8[%swap3A_320, %swap3A_321] {strides = array<i32>} : memref<1024x64xbf16, #tpu.memory_space<vmem>>, vector<1x32xbf16>,
    %swap3A_323 = vector.shape_cast %swap3A_322 : vector<1x32xbf16> to vector<32xbf16>
    %swap3A_324 = vector.shape_cast %broadcast_in_dim3A_7 : vector<32xbf16> to vector<1x32xbf16>
    tpu.vector_store %arg8[%swap3A_320, %swap3A_321], %swap3A_324 {strides = array<i32>} : memref<1024x64xbf16, #tpu.memory_space<vmem>>, vector<1x32xbf16>,
    %swap3A_325 = arith.constant 26 : i32
    %swap3A_326 = arith.index_cast %swap3A_325 : i32 to index
    %swap3A_327 = arith.constant 32 : index
    %swap3A_328 = tpu.vector_load %arg8[%swap3A_326, %swap3A_327] {strides = array<i32>} : memref<1024x64xbf16, #tpu.memory_space<vmem>>, vector<1x32xbf16>,
    %swap3A_329 = vector.shape_cast %swap3A_328 : vector<1x32xbf16> to vector<32xbf16>
    %swap3A_330 = vector.shape_cast %broadcast_in_dim3A_7 : vector<32xbf16> to vector<1x32xbf16>
    tpu.vector_store %arg8[%swap3A_326, %swap3A_327], %swap3A_330 {strides = array<i32>} : memref<1024x64xbf16, #tpu.memory_space<vmem>>, vector<1x32xbf16>,
    %swap3A_331 = arith.constant 27 : i32
    %swap3A_332 = arith.index_cast %swap3A_331 : i32 to index
    %swap3A_333 = arith.constant 0 : index
    %swap3A_334 = tpu.vector_load %arg8[%swap3A_332, %swap3A_333] {strides = array<i32>} : memref<1024x64xbf16, #tpu.memory_space<vmem>>, vector<1x32xbf16>,
    %swap3A_335 = vector.shape_cast %swap3A_334 : vector<1x32xbf16> to vector<32xbf16>
    %swap3A_336 = vector.shape_cast %broadcast_in_dim3A_7 : vector<32xbf16> to vector<1x32xbf16>
    tpu.vector_store %arg8[%swap3A_332, %swap3A_333], %swap3A_336 {strides = array<i32>} : memref<1024x64xbf16, #tpu.memory_space<vmem>>, vector<1x32xbf16>,
    %swap3A_337 = arith.constant 27 : i32
    %swap3A_338 = arith.index_cast %swap3A_337 : i32 to index
    %swap3A_339 = arith.constant 32 : index
    %swap3A_340 = tpu.vector_load %arg8[%swap3A_338, %swap3A_339] {strides = array<i32>} : memref<1024x64xbf16, #tpu.memory_space<vmem>>, vector<1x32xbf16>,
    %swap3A_341 = vector.shape_cast %swap3A_340 : vector<1x32xbf16> to vector<32xbf16>
    %swap3A_342 = vector.shape_cast %broadcast_in_dim3A_7 : vector<32xbf16> to vector<1x32xbf16>
    tpu.vector_store %arg8[%swap3A_338, %swap3A_339], %swap3A_342 {strides = array<i32>} : memref<1024x64xbf16, #tpu.memory_space<vmem>>, vector<1x32xbf16>,
    %swap3A_343 = arith.constant 28 : i32
    %swap3A_344 = arith.index_cast %swap3A_343 : i32 to index
    %swap3A_345 = arith.constant 0 : index
    %swap3A_346 = tpu.vector_load %arg8[%swap3A_344, %swap3A_345] {strides = array<i32>} : memref<1024x64xbf16, #tpu.memory_space<vmem>>, vector<1x32xbf16>,
    %swap3A_347 = vector.shape_cast %swap3A_346 : vector<1x32xbf16> to vector<32xbf16>
    %swap3A_348 = vector.shape_cast %broadcast_in_dim3A_7 : vector<32xbf16> to vector<1x32xbf16>
    tpu.vector_store %arg8[%swap3A_344, %swap3A_345], %swap3A_348 {strides = array<i32>} : memref<1024x64xbf16, #tpu.memory_space<vmem>>, vector<1x32xbf16>,
    %swap3A_349 = arith.constant 28 : i32
    %swap3A_350 = arith.index_cast %swap3A_349 : i32 to index
    %swap3A_351 = arith.constant 32 : index
    %swap3A_352 = tpu.vector_load %arg8[%swap3A_350, %swap3A_351] {strides = array<i32>} : memref<1024x64xbf16, #tpu.memory_space<vmem>>, vector<1x32xbf16>,
    %swap3A_353 = vector.shape_cast %swap3A_352 : vector<1x32xbf16> to vector<32xbf16>
    %swap3A_354 = vector.shape_cast %broadcast_in_dim3A_7 : vector<32xbf16> to vector<1x32xbf16>
    tpu.vector_store %arg8[%swap3A_350, %swap3A_351], %swap3A_354 {strides = array<i32>} : memref<1024x64xbf16, #tpu.memory_space<vmem>>, vector<1x32xbf16>,
    %swap3A_355 = arith.constant 29 : i32
    %swap3A_356 = arith.index_cast %swap3A_355 : i32 to index
    %swap3A_357 = arith.constant 0 : index
    %swap3A_358 = tpu.vector_load %arg8[%swap3A_356, %swap3A_357] {strides = array<i32>} : memref<1024x64xbf16, #tpu.memory_space<vmem>>, vector<1x32xbf16>,
    %swap3A_359 = vector.shape_cast %swap3A_358 : vector<1x32xbf16> to vector<32xbf16>
    %swap3A_360 = vector.shape_cast %broadcast_in_dim3A_7 : vector<32xbf16> to vector<1x32xbf16>
    tpu.vector_store %arg8[%swap3A_356, %swap3A_357], %swap3A_360 {strides = array<i32>} : memref<1024x64xbf16, #tpu.memory_space<vmem>>, vector<1x32xbf16>,
    %swap3A_361 = arith.constant 29 : i32
    %swap3A_362 = arith.index_cast %swap3A_361 : i32 to index
    %swap3A_363 = arith.constant 32 : index
    %swap3A_364 = tpu.vector_load %arg8[%swap3A_362, %swap3A_363] {strides = array<i32>} : memref<1024x64xbf16, #tpu.memory_space<vmem>>, vector<1x32xbf16>,
    %swap3A_365 = vector.shape_cast %swap3A_364 : vector<1x32xbf16> to vector<32xbf16>
    %swap3A_366 = vector.shape_cast %broadcast_in_dim3A_7 : vector<32xbf16> to vector<1x32xbf16>
    tpu.vector_store %arg8[%swap3A_362, %swap3A_363], %swap3A_366 {strides = array<i32>} : memref<1024x64xbf16, #tpu.memory_space<vmem>>, vector<1x32xbf16>,
    %swap3A_367 = arith.constant 30 : i32
    %swap3A_368 = arith.index_cast %swap3A_367 : i32 to index
    %swap3A_369 = arith.constant 0 : index
    %swap3A_370 = tpu.vector_load %arg8[%swap3A_368, %swap3A_369] {strides = array<i32>} : memref<1024x64xbf16, #tpu.memory_space<vmem>>, vector<1x32xbf16>,
    %swap3A_371 = vector.shape_cast %swap3A_370 : vector<1x32xbf16> to vector<32xbf16>
    %swap3A_372 = vector.shape_cast %broadcast_in_dim3A_7 : vector<32xbf16> to vector<1x32xbf16>
    tpu.vector_store %arg8[%swap3A_368, %swap3A_369], %swap3A_372 {strides = array<i32>} : memref<1024x64xbf16, #tpu.memory_space<vmem>>, vector<1x32xbf16>,
    %swap3A_373 = arith.constant 30 : i32
    %swap3A_374 = arith.index_cast %swap3A_373 : i32 to index
    %swap3A_375 = arith.constant 32 : index
    %swap3A_376 = tpu.vector_load %arg8[%swap3A_374, %swap3A_375] {strides = array<i32>} : memref<1024x64xbf16, #tpu.memory_space<vmem>>, vector<1x32xbf16>,
    %swap3A_377 = vector.shape_cast %swap3A_376 : vector<1x32xbf16> to vector<32xbf16>
    %swap3A_378 = vector.shape_cast %broadcast_in_dim3A_7 : vector<32xbf16> to vector<1x32xbf16>
    tpu.vector_store %arg8[%swap3A_374, %swap3A_375], %swap3A_378 {strides = array<i32>} : memref<1024x64xbf16, #tpu.memory_space<vmem>>, vector<1x32xbf16>,
    %swap3A_379 = arith.constant 31 : i32
    %swap3A_380 = arith.index_cast %swap3A_379 : i32 to index
    %swap3A_381 = arith.constant 0 : index
    %swap3A_382 = tpu.vector_load %arg8[%swap3A_380, %swap3A_381] {strides = array<i32>} : memref<1024x64xbf16, #tpu.memory_space<vmem>>, vector<1x32xbf16>,
    %swap3A_383 = vector.shape_cast %swap3A_382 : vector<1x32xbf16> to vector<32xbf16>
    %swap3A_384 = vector.shape_cast %broadcast_in_dim3A_7 : vector<32xbf16> to vector<1x32xbf16>
    tpu.vector_store %arg8[%swap3A_380, %swap3A_381], %swap3A_384 {strides = array<i32>} : memref<1024x64xbf16, #tpu.memory_space<vmem>>, vector<1x32xbf16>,
    %swap3A_385 = arith.constant 31 : i32
    %swap3A_386 = arith.index_cast %swap3A_385 : i32 to index
    %swap3A_387 = arith.constant 32 : index
    %swap3A_388 = tpu.vector_load %arg8[%swap3A_386, %swap3A_387] {strides = array<i32>} : memref<1024x64xbf16, #tpu.memory_space<vmem>>, vector<1x32xbf16>,
    %swap3A_389 = vector.shape_cast %swap3A_388 : vector<1x32xbf16> to vector<32xbf16>
    %swap3A_390 = vector.shape_cast %broadcast_in_dim3A_7 : vector<32xbf16> to vector<1x32xbf16>
    tpu.vector_store %arg8[%swap3A_386, %swap3A_387], %swap3A_390 {strides = array<i32>} : memref<1024x64xbf16, #tpu.memory_space<vmem>>, vector<1x32xbf16>,
    %swap3A_391 = arith.constant 32 : i32
    %swap3A_392 = arith.index_cast %swap3A_391 : i32 to index
    %swap3A_393 = arith.constant 0 : index
    %swap3A_394 = tpu.vector_load %arg8[%swap3A_392, %swap3A_393] {strides = array<i32>} : memref<1024x64xbf16, #tpu.memory_space<vmem>>, vector<1x32xbf16>,
    %swap3A_395 = vector.shape_cast %swap3A_394 : vector<1x32xbf16> to vector<32xbf16>
    %swap3A_396 = vector.shape_cast %broadcast_in_dim3A_7 : vector<32xbf16> to vector<1x32xbf16>
    tpu.vector_store %arg8[%swap3A_392, %swap3A_393], %swap3A_396 {strides = array<i32>} : memref<1024x64xbf16, #tpu.memory_space<vmem>>, vector<1x32xbf16>,
    %swap3A_397 = arith.constant 32 : i32
    %swap3A_398 = arith.index_cast %swap3A_397 : i32 to index
    %swap3A_399 = arith.constant 32 : index
    %swap3A_400 = tpu.vector_load %arg8[%swap3A_398, %swap3A_399] {strides = array<i32>} : memref<1024x64xbf16, #tpu.memory_space<vmem>>, vector<1x32xbf16>,
    %swap3A_401 = vector.shape_cast %swap3A_400 : vector<1x32xbf16> to vector<32xbf16>
    %swap3A_402 = vector.shape_cast %broadcast_in_dim3A_7 : vector<32xbf16> to vector<1x32xbf16>
    tpu.vector_store %arg8[%swap3A_398, %swap3A_399], %swap3A_402 {strides = array<i32>} : memref<1024x64xbf16, #tpu.memory_space<vmem>>, vector<1x32xbf16>,
    %swap3A_403 = arith.constant 33 : i32
    %swap3A_404 = arith.index_cast %swap3A_403 : i32 to index
    %swap3A_405 = arith.constant 0 : index
    %swap3A_406 = tpu.vector_load %arg8[%swap3A_404, %swap3A_405] {strides = array<i32>} : memref<1024x64xbf16, #tpu.memory_space<vmem>>, vector<1x32xbf16>,
    %swap3A_407 = vector.shape_cast %swap3A_406 : vector<1x32xbf16> to vector<32xbf16>
    %swap3A_408 = vector.shape_cast %broadcast_in_dim3A_7 : vector<32xbf16> to vector<1x32xbf16>
    tpu.vector_store %arg8[%swap3A_404, %swap3A_405], %swap3A_408 {strides = array<i32>} : memref<1024x64xbf16, #tpu.memory_space<vmem>>, vector<1x32xbf16>,
    %swap3A_409 = arith.constant 33 : i32
    %swap3A_410 = arith.index_cast %swap3A_409 : i32 to index
    %swap3A_411 = arith.constant 32 : index
    %swap3A_412 = tpu.vector_load %arg8[%swap3A_410, %swap3A_411] {strides = array<i32>} : memref<1024x64xbf16, #tpu.memory_space<vmem>>, vector<1x32xbf16>,
    %swap3A_413 = vector.shape_cast %swap3A_412 : vector<1x32xbf16> to vector<32xbf16>
    %swap3A_414 = vector.shape_cast %broadcast_in_dim3A_7 : vector<32xbf16> to vector<1x32xbf16>
    tpu.vector_store %arg8[%swap3A_410, %swap3A_411], %swap3A_414 {strides = array<i32>} : memref<1024x64xbf16, #tpu.memory_space<vmem>>, vector<1x32xbf16>,
    %swap3A_415 = arith.constant 34 : i32
    %swap3A_416 = arith.index_cast %swap3A_415 : i32 to index
    %swap3A_417 = arith.constant 0 : index
    %swap3A_418 = tpu.vector_load %arg8[%swap3A_416, %swap3A_417] {strides = array<i32>} : memref<1024x64xbf16, #tpu.memory_space<vmem>>, vector<1x32xbf16>,
    %swap3A_419 = vector.shape_cast %swap3A_418 : vector<1x32xbf16> to vector<32xbf16>
    %swap3A_420 = vector.shape_cast %broadcast_in_dim3A_7 : vector<32xbf16> to vector<1x32xbf16>
    tpu.vector_store %arg8[%swap3A_416, %swap3A_417], %swap3A_420 {strides = array<i32>} : memref<1024x64xbf16, #tpu.memory_space<vmem>>, vector<1x32xbf16>,
    %swap3A_421 = arith.constant 34 : i32
    %swap3A_422 = arith.index_cast %swap3A_421 : i32 to index
    %swap3A_423 = arith.constant 32 : index
    %swap3A_424 = tpu.vector_load %arg8[%swap3A_422, %swap3A_423] {strides = array<i32>} : memref<1024x64xbf16, #tpu.memory_space<vmem>>, vector<1x32xbf16>,
    %swap3A_425 = vector.shape_cast %swap3A_424 : vector<1x32xbf16> to vector<32xbf16>
    %swap3A_426 = vector.shape_cast %broadcast_in_dim3A_7 : vector<32xbf16> to vector<1x32xbf16>
    tpu.vector_store %arg8[%swap3A_422, %swap3A_423], %swap3A_426 {strides = array<i32>} : memref<1024x64xbf16, #tpu.memory_space<vmem>>, vector<1x32xbf16>,
    %swap3A_427 = arith.constant 35 : i32
    %swap3A_428 = arith.index_cast %swap3A_427 : i32 to index
    %swap3A_429 = arith.constant 0 : index
    %swap3A_430 = tpu.vector_load %arg8[%swap3A_428, %swap3A_429] {strides = array<i32>} : memref<1024x64xbf16, #tpu.memory_space<vmem>>, vector<1x32xbf16>,
    %swap3A_431 = vector.shape_cast %swap3A_430 : vector<1x32xbf16> to vector<32xbf16>
    %swap3A_432 = vector.shape_cast %broadcast_in_dim3A_7 : vector<32xbf16> to vector<1x32xbf16>
    tpu.vector_store %arg8[%swap3A_428, %swap3A_429], %swap3A_432 {strides = array<i32>} : memref<1024x64xbf16, #tpu.memory_space<vmem>>, vector<1x32xbf16>,
    %swap3A_433 = arith.constant 35 : i32
    %swap3A_434 = arith.index_cast %swap3A_433 : i32 to index
    %swap3A_435 = arith.constant 32 : index
    %swap3A_436 = tpu.vector_load %arg8[%swap3A_434, %swap3A_435] {strides = array<i32>} : memref<1024x64xbf16, #tpu.memory_space<vmem>>, vector<1x32xbf16>,
    %swap3A_437 = vector.shape_cast %swap3A_436 : vector<1x32xbf16> to vector<32xbf16>
    %swap3A_438 = vector.shape_cast %broadcast_in_dim3A_7 : vector<32xbf16> to vector<1x32xbf16>
    tpu.vector_store %arg8[%swap3A_434, %swap3A_435], %swap3A_438 {strides = array<i32>} : memref<1024x64xbf16, #tpu.memory_space<vmem>>, vector<1x32xbf16>,
    %swap3A_439 = arith.constant 36 : i32
    %swap3A_440 = arith.index_cast %swap3A_439 : i32 to index
    %swap3A_441 = arith.constant 0 : index
    %swap3A_442 = tpu.vector_load %arg8[%swap3A_440, %swap3A_441] {strides = array<i32>} : memref<1024x64xbf16, #tpu.memory_space<vmem>>, vector<1x32xbf16>,
    %swap3A_443 = vector.shape_cast %swap3A_442 : vector<1x32xbf16> to vector<32xbf16>
    %swap3A_444 = vector.shape_cast %broadcast_in_dim3A_7 : vector<32xbf16> to vector<1x32xbf16>
    tpu.vector_store %arg8[%swap3A_440, %swap3A_441], %swap3A_444 {strides = array<i32>} : memref<1024x64xbf16, #tpu.memory_space<vmem>>, vector<1x32xbf16>,
    %swap3A_445 = arith.constant 36 : i32
    %swap3A_446 = arith.index_cast %swap3A_445 : i32 to index
    %swap3A_447 = arith.constant 32 : index
    %swap3A_448 = tpu.vector_load %arg8[%swap3A_446, %swap3A_447] {strides = array<i32>} : memref<1024x64xbf16, #tpu.memory_space<vmem>>, vector<1x32xbf16>,
    %swap3A_449 = vector.shape_cast %swap3A_448 : vector<1x32xbf16> to vector<32xbf16>
    %swap3A_450 = vector.shape_cast %broadcast_in_dim3A_7 : vector<32xbf16> to vector<1x32xbf16>
    tpu.vector_store %arg8[%swap3A_446, %swap3A_447], %swap3A_450 {strides = array<i32>} : memref<1024x64xbf16, #tpu.memory_space<vmem>>, vector<1x32xbf16>,
    %swap3A_451 = arith.constant 37 : i32
    %swap3A_452 = arith.index_cast %swap3A_451 : i32 to index
    %swap3A_453 = arith.constant 0 : index
    %swap3A_454 = tpu.vector_load %arg8[%swap3A_452, %swap3A_453] {strides = array<i32>} : memref<1024x64xbf16, #tpu.memory_space<vmem>>, vector<1x32xbf16>,
    %swap3A_455 = vector.shape_cast %swap3A_454 : vector<1x32xbf16> to vector<32xbf16>
    %swap3A_456 = vector.shape_cast %broadcast_in_dim3A_7 : vector<32xbf16> to vector<1x32xbf16>
    tpu.vector_store %arg8[%swap3A_452, %swap3A_453], %swap3A_456 {strides = array<i32>} : memref<1024x64xbf16, #tpu.memory_space<vmem>>, vector<1x32xbf16>,
    %swap3A_457 = arith.constant 37 : i32
    %swap3A_458 = arith.index_cast %swap3A_457 : i32 to index
    %swap3A_459 = arith.constant 32 : index
    %swap3A_460 = tpu.vector_load %arg8[%swap3A_458, %swap3A_459] {strides = array<i32>} : memref<1024x64xbf16, #tpu.memory_space<vmem>>, vector<1x32xbf16>,
    %swap3A_461 = vector.shape_cast %swap3A_460 : vector<1x32xbf16> to vector<32xbf16>
    %swap3A_462 = vector.shape_cast %broadcast_in_dim3A_7 : vector<32xbf16> to vector<1x32xbf16>
    tpu.vector_store %arg8[%swap3A_458, %swap3A_459], %swap3A_462 {strides = array<i32>} : memref<1024x64xbf16, #tpu.memory_space<vmem>>, vector<1x32xbf16>,
    %swap3A_463 = arith.constant 38 : i32
    %swap3A_464 = arith.index_cast %swap3A_463 : i32 to index
    %swap3A_465 = arith.constant 0 : index
    %swap3A_466 = tpu.vector_load %arg8[%swap3A_464, %swap3A_465] {strides = array<i32>} : memref<1024x64xbf16, #tpu.memory_space<vmem>>, vector<1x32xbf16>,
    %swap3A_467 = vector.shape_cast %swap3A_466 : vector<1x32xbf16> to vector<32xbf16>
    %swap3A_468 = vector.shape_cast %broadcast_in_dim3A_7 : vector<32xbf16> to vector<1x32xbf16>
    tpu.vector_store %arg8[%swap3A_464, %swap3A_465], %swap3A_468 {strides = array<i32>} : memref<1024x64xbf16, #tpu.memory_space<vmem>>, vector<1x32xbf16>,
    %swap3A_469 = arith.constant 38 : i32
    %swap3A_470 = arith.index_cast %swap3A_469 : i32 to index
    %swap3A_471 = arith.constant 32 : index
    %swap3A_472 = tpu.vector_load %arg8[%swap3A_470, %swap3A_471] {strides = array<i32>} : memref<1024x64xbf16, #tpu.memory_space<vmem>>, vector<1x32xbf16>,
    %swap3A_473 = vector.shape_cast %swap3A_472 : vector<1x32xbf16> to vector<32xbf16>
    %swap3A_474 = vector.shape_cast %broadcast_in_dim3A_7 : vector<32xbf16> to vector<1x32xbf16>
    tpu.vector_store %arg8[%swap3A_470, %swap3A_471], %swap3A_474 {strides = array<i32>} : memref<1024x64xbf16, #tpu.memory_space<vmem>>, vector<1x32xbf16>,
    %swap3A_475 = arith.constant 39 : i32
    %swap3A_476 = arith.index_cast %swap3A_475 : i32 to index
    %swap3A_477 = arith.constant 0 : index
    %swap3A_478 = tpu.vector_load %arg8[%swap3A_476, %swap3A_477] {strides = array<i32>} : memref<1024x64xbf16, #tpu.memory_space<vmem>>, vector<1x32xbf16>,
    %swap3A_479 = vector.shape_cast %swap3A_478 : vector<1x32xbf16> to vector<32xbf16>
    %swap3A_480 = vector.shape_cast %broadcast_in_dim3A_7 : vector<32xbf16> to vector<1x32xbf16>
    tpu.vector_store %arg8[%swap3A_476, %swap3A_477], %swap3A_480 {strides = array<i32>} : memref<1024x64xbf16, #tpu.memory_space<vmem>>, vector<1x32xbf16>,
    %swap3A_481 = arith.constant 39 : i32
    %swap3A_482 = arith.index_cast %swap3A_481 : i32 to index
    %swap3A_483 = arith.constant 32 : index
    %swap3A_484 = tpu.vector_load %arg8[%swap3A_482, %swap3A_483] {strides = array<i32>} : memref<1024x64xbf16, #tpu.memory_space<vmem>>, vector<1x32xbf16>,
    %swap3A_485 = vector.shape_cast %swap3A_484 : vector<1x32xbf16> to vector<32xbf16>
    %swap3A_486 = vector.shape_cast %broadcast_in_dim3A_7 : vector<32xbf16> to vector<1x32xbf16>
    tpu.vector_store %arg8[%swap3A_482, %swap3A_483], %swap3A_486 {strides = array<i32>} : memref<1024x64xbf16, #tpu.memory_space<vmem>>, vector<1x32xbf16>,
    %swap3A_487 = arith.constant 40 : i32
    %swap3A_488 = arith.index_cast %swap3A_487 : i32 to index
    %swap3A_489 = arith.constant 0 : index
    %swap3A_490 = tpu.vector_load %arg8[%swap3A_488, %swap3A_489] {strides = array<i32>} : memref<1024x64xbf16, #tpu.memory_space<vmem>>, vector<1x32xbf16>,
    %swap3A_491 = vector.shape_cast %swap3A_490 : vector<1x32xbf16> to vector<32xbf16>
    %swap3A_492 = vector.shape_cast %broadcast_in_dim3A_7 : vector<32xbf16> to vector<1x32xbf16>
    tpu.vector_store %arg8[%swap3A_488, %swap3A_489], %swap3A_492 {strides = array<i32>} : memref<1024x64xbf16, #tpu.memory_space<vmem>>, vector<1x32xbf16>,
    %swap3A_493 = arith.constant 40 : i32
    %swap3A_494 = arith.index_cast %swap3A_493 : i32 to index
    %swap3A_495 = arith.constant 32 : index
    %swap3A_496 = tpu.vector_load %arg8[%swap3A_494, %swap3A_495] {strides = array<i32>} : memref<1024x64xbf16, #tpu.memory_space<vmem>>, vector<1x32xbf16>,
    %swap3A_497 = vector.shape_cast %swap3A_496 : vector<1x32xbf16> to vector<32xbf16>
    %swap3A_498 = vector.shape_cast %broadcast_in_dim3A_7 : vector<32xbf16> to vector<1x32xbf16>
    tpu.vector_store %arg8[%swap3A_494, %swap3A_495], %swap3A_498 {strides = array<i32>} : memref<1024x64xbf16, #tpu.memory_space<vmem>>, vector<1x32xbf16>,
    %swap3A_499 = arith.constant 41 : i32
    %swap3A_500 = arith.index_cast %swap3A_499 : i32 to index
    %swap3A_501 = arith.constant 0 : index
    %swap3A_502 = tpu.vector_load %arg8[%swap3A_500, %swap3A_501] {strides = array<i32>} : memref<1024x64xbf16, #tpu.memory_space<vmem>>, vector<1x32xbf16>,
    %swap3A_503 = vector.shape_cast %swap3A_502 : vector<1x32xbf16> to vector<32xbf16>
    %swap3A_504 = vector.shape_cast %broadcast_in_dim3A_7 : vector<32xbf16> to vector<1x32xbf16>
    tpu.vector_store %arg8[%swap3A_500, %swap3A_501], %swap3A_504 {strides = array<i32>} : memref<1024x64xbf16, #tpu.memory_space<vmem>>, vector<1x32xbf16>,
    %swap3A_505 = arith.constant 41 : i32
    %swap3A_506 = arith.index_cast %swap3A_505 : i32 to index
    %swap3A_507 = arith.constant 32 : index
    %swap3A_508 = tpu.vector_load %arg8[%swap3A_506, %swap3A_507] {strides = array<i32>} : memref<1024x64xbf16, #tpu.memory_space<vmem>>, vector<1x32xbf16>,
    %swap3A_509 = vector.shape_cast %swap3A_508 : vector<1x32xbf16> to vector<32xbf16>
    %swap3A_510 = vector.shape_cast %broadcast_in_dim3A_7 : vector<32xbf16> to vector<1x32xbf16>
    tpu.vector_store %arg8[%swap3A_506, %swap3A_507], %swap3A_510 {strides = array<i32>} : memref<1024x64xbf16, #tpu.memory_space<vmem>>, vector<1x32xbf16>,
    %swap3A_511 = arith.constant 42 : i32
    %swap3A_512 = arith.index_cast %swap3A_511 : i32 to index
    %swap3A_513 = arith.constant 0 : index
    %swap3A_514 = tpu.vector_load %arg8[%swap3A_512, %swap3A_513] {strides = array<i32>} : memref<1024x64xbf16, #tpu.memory_space<vmem>>, vector<1x32xbf16>,
    %swap3A_515 = vector.shape_cast %swap3A_514 : vector<1x32xbf16> to vector<32xbf16>
    %swap3A_516 = vector.shape_cast %broadcast_in_dim3A_7 : vector<32xbf16> to vector<1x32xbf16>
    tpu.vector_store %arg8[%swap3A_512, %swap3A_513], %swap3A_516 {strides = array<i32>} : memref<1024x64xbf16, #tpu.memory_space<vmem>>, vector<1x32xbf16>,
    %swap3A_517 = arith.constant 42 : i32
    %swap3A_518 = arith.index_cast %swap3A_517 : i32 to index
    %swap3A_519 = arith.constant 32 : index
    %swap3A_520 = tpu.vector_load %arg8[%swap3A_518, %swap3A_519] {strides = array<i32>} : memref<1024x64xbf16, #tpu.memory_space<vmem>>, vector<1x32xbf16>,
    %swap3A_521 = vector.shape_cast %swap3A_520 : vector<1x32xbf16> to vector<32xbf16>
    %swap3A_522 = vector.shape_cast %broadcast_in_dim3A_7 : vector<32xbf16> to vector<1x32xbf16>
    tpu.vector_store %arg8[%swap3A_518, %swap3A_519], %swap3A_522 {strides = array<i32>} : memref<1024x64xbf16, #tpu.memory_space<vmem>>, vector<1x32xbf16>,
    %swap3A_523 = arith.constant 43 : i32
    %swap3A_524 = arith.index_cast %swap3A_523 : i32 to index
    %swap3A_525 = arith.constant 0 : index
    %swap3A_526 = tpu.vector_load %arg8[%swap3A_524, %swap3A_525] {strides = array<i32>} : memref<1024x64xbf16, #tpu.memory_space<vmem>>, vector<1x32xbf16>,
    %swap3A_527 = vector.shape_cast %swap3A_526 : vector<1x32xbf16> to vector<32xbf16>
    %swap3A_528 = vector.shape_cast %broadcast_in_dim3A_7 : vector<32xbf16> to vector<1x32xbf16>
    tpu.vector_store %arg8[%swap3A_524, %swap3A_525], %swap3A_528 {strides = array<i32>} : memref<1024x64xbf16, #tpu.memory_space<vmem>>, vector<1x32xbf16>,
    %swap3A_529 = arith.constant 43 : i32
    %swap3A_530 = arith.index_cast %swap3A_529 : i32 to index
    %swap3A_531 = arith.constant 32 : index
    %swap3A_532 = tpu.vector_load %arg8[%swap3A_530, %swap3A_531] {strides = array<i32>} : memref<1024x64xbf16, #tpu.memory_space<vmem>>, vector<1x32xbf16>,
    %swap3A_533 = vector.shape_cast %swap3A_532 : vector<1x32xbf16> to vector<32xbf16>
    %swap3A_534 = vector.shape_cast %broadcast_in_dim3A_7 : vector<32xbf16> to vector<1x32xbf16>
    tpu.vector_store %arg8[%swap3A_530, %swap3A_531], %swap3A_534 {strides = array<i32>} : memref<1024x64xbf16, #tpu.memory_space<vmem>>, vector<1x32xbf16>,
    %swap3A_535 = arith.constant 44 : i32
    %swap3A_536 = arith.index_cast %swap3A_535 : i32 to index
    %swap3A_537 = arith.constant 0 : index
    %swap3A_538 = tpu.vector_load %arg8[%swap3A_536, %swap3A_537] {strides = array<i32>} : memref<1024x64xbf16, #tpu.memory_space<vmem>>, vector<1x32xbf16>,
    %swap3A_539 = vector.shape_cast %swap3A_538 : vector<1x32xbf16> to vector<32xbf16>
    %swap3A_540 = vector.shape_cast %broadcast_in_dim3A_7 : vector<32xbf16> to vector<1x32xbf16>
    tpu.vector_store %arg8[%swap3A_536, %swap3A_537], %swap3A_540 {strides = array<i32>} : memref<1024x64xbf16, #tpu.memory_space<vmem>>, vector<1x32xbf16>,
    %swap3A_541 = arith.constant 44 : i32
    %swap3A_542 = arith.index_cast %swap3A_541 : i32 to index
    %swap3A_543 = arith.constant 32 : index
    %swap3A_544 = tpu.vector_load %arg8[%swap3A_542, %swap3A_543] {strides = array<i32>} : memref<1024x64xbf16, #tpu.memory_space<vmem>>, vector<1x32xbf16>,
    %swap3A_545 = vector.shape_cast %swap3A_544 : vector<1x32xbf16> to vector<32xbf16>
    %swap3A_546 = vector.shape_cast %broadcast_in_dim3A_7 : vector<32xbf16> to vector<1x32xbf16>
    tpu.vector_store %arg8[%swap3A_542, %swap3A_543], %swap3A_546 {strides = array<i32>} : memref<1024x64xbf16, #tpu.memory_space<vmem>>, vector<1x32xbf16>,
    %swap3A_547 = arith.constant 45 : i32
    %swap3A_548 = arith.index_cast %swap3A_547 : i32 to index
    %swap3A_549 = arith.constant 0 : index
    %swap3A_550 = tpu.vector_load %arg8[%swap3A_548, %swap3A_549] {strides = array<i32>} : memref<1024x64xbf16, #tpu.memory_space<vmem>>, vector<1x32xbf16>,
    %swap3A_551 = vector.shape_cast %swap3A_550 : vector<1x32xbf16> to vector<32xbf16>
    %swap3A_552 = vector.shape_cast %broadcast_in_dim3A_7 : vector<32xbf16> to vector<1x32xbf16>
    tpu.vector_store %arg8[%swap3A_548, %swap3A_549], %swap3A_552 {strides = array<i32>} : memref<1024x64xbf16, #tpu.memory_space<vmem>>, vector<1x32xbf16>,
    %swap3A_553 = arith.constant 45 : i32
    %swap3A_554 = arith.index_cast %swap3A_553 : i32 to index
    %swap3A_555 = arith.constant 32 : index
    %swap3A_556 = tpu.vector_load %arg8[%swap3A_554, %swap3A_555] {strides = array<i32>} : memref<1024x64xbf16, #tpu.memory_space<vmem>>, vector<1x32xbf16>,
    %swap3A_557 = vector.shape_cast %swap3A_556 : vector<1x32xbf16> to vector<32xbf16>
    %swap3A_558 = vector.shape_cast %broadcast_in_dim3A_7 : vector<32xbf16> to vector<1x32xbf16>
    tpu.vector_store %arg8[%swap3A_554, %swap3A_555], %swap3A_558 {strides = array<i32>} : memref<1024x64xbf16, #tpu.memory_space<vmem>>, vector<1x32xbf16>,
    %swap3A_559 = arith.constant 46 : i32
    %swap3A_560 = arith.index_cast %swap3A_559 : i32 to index
    %swap3A_561 = arith.constant 0 : index
    %swap3A_562 = tpu.vector_load %arg8[%swap3A_560, %swap3A_561] {strides = array<i32>} : memref<1024x64xbf16, #tpu.memory_space<vmem>>, vector<1x32xbf16>,
    %swap3A_563 = vector.shape_cast %swap3A_562 : vector<1x32xbf16> to vector<32xbf16>
    %swap3A_564 = vector.shape_cast %broadcast_in_dim3A_7 : vector<32xbf16> to vector<1x32xbf16>
    tpu.vector_store %arg8[%swap3A_560, %swap3A_561], %swap3A_564 {strides = array<i32>} : memref<1024x64xbf16, #tpu.memory_space<vmem>>, vector<1x32xbf16>,
    %swap3A_565 = arith.constant 46 : i32
    %swap3A_566 = arith.index_cast %swap3A_565 : i32 to index
    %swap3A_567 = arith.constant 32 : index
    %swap3A_568 = tpu.vector_load %arg8[%swap3A_566, %swap3A_567] {strides = array<i32>} : memref<1024x64xbf16, #tpu.memory_space<vmem>>, vector<1x32xbf16>,
    %swap3A_569 = vector.shape_cast %swap3A_568 : vector<1x32xbf16> to vector<32xbf16>
    %swap3A_570 = vector.shape_cast %broadcast_in_dim3A_7 : vector<32xbf16> to vector<1x32xbf16>
    tpu.vector_store %arg8[%swap3A_566, %swap3A_567], %swap3A_570 {strides = array<i32>} : memref<1024x64xbf16, #tpu.memory_space<vmem>>, vector<1x32xbf16>,
    %swap3A_571 = arith.constant 47 : i32
    %swap3A_572 = arith.index_cast %swap3A_571 : i32 to index
    %swap3A_573 = arith.constant 0 : index
    %swap3A_574 = tpu.vector_load %arg8[%swap3A_572, %swap3A_573] {strides = array<i32>} : memref<1024x64xbf16, #tpu.memory_space<vmem>>, vector<1x32xbf16>,
    %swap3A_575 = vector.shape_cast %swap3A_574 : vector<1x32xbf16> to vector<32xbf16>
    %swap3A_576 = vector.shape_cast %broadcast_in_dim3A_7 : vector<32xbf16> to vector<1x32xbf16>
    tpu.vector_store %arg8[%swap3A_572, %swap3A_573], %swap3A_576 {strides = array<i32>} : memref<1024x64xbf16, #tpu.memory_space<vmem>>, vector<1x32xbf16>,
    %swap3A_577 = arith.constant 47 : i32
    %swap3A_578 = arith.index_cast %swap3A_577 : i32 to index
    %swap3A_579 = arith.constant 32 : index
    %swap3A_580 = tpu.vector_load %arg8[%swap3A_578, %swap3A_579] {strides = array<i32>} : memref<1024x64xbf16, #tpu.memory_space<vmem>>, vector<1x32xbf16>,
    %swap3A_581 = vector.shape_cast %swap3A_580 : vector<1x32xbf16> to vector<32xbf16>
    %swap3A_582 = vector.shape_cast %broadcast_in_dim3A_7 : vector<32xbf16> to vector<1x32xbf16>
    tpu.vector_store %arg8[%swap3A_578, %swap3A_579], %swap3A_582 {strides = array<i32>} : memref<1024x64xbf16, #tpu.memory_space<vmem>>, vector<1x32xbf16>,
    %swap3A_583 = arith.constant 48 : i32
    %swap3A_584 = arith.index_cast %swap3A_583 : i32 to index
    %swap3A_585 = arith.constant 0 : index
    %swap3A_586 = tpu.vector_load %arg8[%swap3A_584, %swap3A_585] {strides = array<i32>} : memref<1024x64xbf16, #tpu.memory_space<vmem>>, vector<1x32xbf16>,
    %swap3A_587 = vector.shape_cast %swap3A_586 : vector<1x32xbf16> to vector<32xbf16>
    %swap3A_588 = vector.shape_cast %broadcast_in_dim3A_7 : vector<32xbf16> to vector<1x32xbf16>
    tpu.vector_store %arg8[%swap3A_584, %swap3A_585], %swap3A_588 {strides = array<i32>} : memref<1024x64xbf16, #tpu.memory_space<vmem>>, vector<1x32xbf16>,
    %swap3A_589 = arith.constant 48 : i32
    %swap3A_590 = arith.index_cast %swap3A_589 : i32 to index
    %swap3A_591 = arith.constant 32 : index
    %swap3A_592 = tpu.vector_load %arg8[%swap3A_590, %swap3A_591] {strides = array<i32>} : memref<1024x64xbf16, #tpu.memory_space<vmem>>, vector<1x32xbf16>,
    %swap3A_593 = vector.shape_cast %swap3A_592 : vector<1x32xbf16> to vector<32xbf16>
    %swap3A_594 = vector.shape_cast %broadcast_in_dim3A_7 : vector<32xbf16> to vector<1x32xbf16>
    tpu.vector_store %arg8[%swap3A_590, %swap3A_591], %swap3A_594 {strides = array<i32>} : memref<1024x64xbf16, #tpu.memory_space<vmem>>, vector<1x32xbf16>,
    %swap3A_595 = arith.constant 49 : i32
    %swap3A_596 = arith.index_cast %swap3A_595 : i32 to index
    %swap3A_597 = arith.constant 0 : index
    %swap3A_598 = tpu.vector_load %arg8[%swap3A_596, %swap3A_597] {strides = array<i32>} : memref<1024x64xbf16, #tpu.memory_space<vmem>>, vector<1x32xbf16>,
    %swap3A_599 = vector.shape_cast %swap3A_598 : vector<1x32xbf16> to vector<32xbf16>
    %swap3A_600 = vector.shape_cast %broadcast_in_dim3A_7 : vector<32xbf16> to vector<1x32xbf16>
    tpu.vector_store %arg8[%swap3A_596, %swap3A_597], %swap3A_600 {strides = array<i32>} : memref<1024x64xbf16, #tpu.memory_space<vmem>>, vector<1x32xbf16>,
    %swap3A_601 = arith.constant 49 : i32
    %swap3A_602 = arith.index_cast %swap3A_601 : i32 to index
    %swap3A_603 = arith.constant 32 : index
    %swap3A_604 = tpu.vector_load %arg8[%swap3A_602, %swap3A_603] {strides = array<i32>} : memref<1024x64xbf16, #tpu.memory_space<vmem>>, vector<1x32xbf16>,
    %swap3A_605 = vector.shape_cast %swap3A_604 : vector<1x32xbf16> to vector<32xbf16>
    %swap3A_606 = vector.shape_cast %broadcast_in_dim3A_7 : vector<32xbf16> to vector<1x32xbf16>
    tpu.vector_store %arg8[%swap3A_602, %swap3A_603], %swap3A_606 {strides = array<i32>} : memref<1024x64xbf16, #tpu.memory_space<vmem>>, vector<1x32xbf16>,
    %swap3A_607 = arith.constant 50 : i32
    %swap3A_608 = arith.index_cast %swap3A_607 : i32 to index
    %swap3A_609 = arith.constant 0 : index
    %swap3A_610 = tpu.vector_load %arg8[%swap3A_608, %swap3A_609] {strides = array<i32>} : memref<1024x64xbf16, #tpu.memory_space<vmem>>, vector<1x32xbf16>,
    %swap3A_611 = vector.shape_cast %swap3A_610 : vector<1x32xbf16> to vector<32xbf16>
    %swap3A_612 = vector.shape_cast %broadcast_in_dim3A_7 : vector<32xbf16> to vector<1x32xbf16>
    tpu.vector_store %arg8[%swap3A_608, %swap3A_609], %swap3A_612 {strides = array<i32>} : memref<1024x64xbf16, #tpu.memory_space<vmem>>, vector<1x32xbf16>,
    %swap3A_613 = arith.constant 50 : i32
    %swap3A_614 = arith.index_cast %swap3A_613 : i32 to index
    %swap3A_615 = arith.constant 32 : index
    %swap3A_616 = tpu.vector_load %arg8[%swap3A_614, %swap3A_615] {strides = array<i32>} : memref<1024x64xbf16, #tpu.memory_space<vmem>>, vector<1x32xbf16>,
    %swap3A_617 = vector.shape_cast %swap3A_616 : vector<1x32xbf16> to vector<32xbf16>
    %swap3A_618 = vector.shape_cast %broadcast_in_dim3A_7 : vector<32xbf16> to vector<1x32xbf16>
    tpu.vector_store %arg8[%swap3A_614, %swap3A_615], %swap3A_618 {strides = array<i32>} : memref<1024x64xbf16, #tpu.memory_space<vmem>>, vector<1x32xbf16>,
    %swap3A_619 = arith.constant 51 : i32
    %swap3A_620 = arith.index_cast %swap3A_619 : i32 to index
    %swap3A_621 = arith.constant 0 : index
    %swap3A_622 = tpu.vector_load %arg8[%swap3A_620, %swap3A_621] {strides = array<i32>} : memref<1024x64xbf16, #tpu.memory_space<vmem>>, vector<1x32xbf16>,
    %swap3A_623 = vector.shape_cast %swap3A_622 : vector<1x32xbf16> to vector<32xbf16>
    %swap3A_624 = vector.shape_cast %broadcast_in_dim3A_7 : vector<32xbf16> to vector<1x32xbf16>
    tpu.vector_store %arg8[%swap3A_620, %swap3A_621], %swap3A_624 {strides = array<i32>} : memref<1024x64xbf16, #tpu.memory_space<vmem>>, vector<1x32xbf16>,
    %swap3A_625 = arith.constant 51 : i32
    %swap3A_626 = arith.index_cast %swap3A_625 : i32 to index
    %swap3A_627 = arith.constant 32 : index
    %swap3A_628 = tpu.vector_load %arg8[%swap3A_626, %swap3A_627] {strides = array<i32>} : memref<1024x64xbf16, #tpu.memory_space<vmem>>, vector<1x32xbf16>,
    %swap3A_629 = vector.shape_cast %swap3A_628 : vector<1x32xbf16> to vector<32xbf16>
    %swap3A_630 = vector.shape_cast %broadcast_in_dim3A_7 : vector<32xbf16> to vector<1x32xbf16>
    tpu.vector_store %arg8[%swap3A_626, %swap3A_627], %swap3A_630 {strides = array<i32>} : memref<1024x64xbf16, #tpu.memory_space<vmem>>, vector<1x32xbf16>,
    %swap3A_631 = arith.constant 52 : i32
    %swap3A_632 = arith.index_cast %swap3A_631 : i32 to index
    %swap3A_633 = arith.constant 0 : index
    %swap3A_634 = tpu.vector_load %arg8[%swap3A_632, %swap3A_633] {strides = array<i32>} : memref<1024x64xbf16, #tpu.memory_space<vmem>>, vector<1x32xbf16>,
    %swap3A_635 = vector.shape_cast %swap3A_634 : vector<1x32xbf16> to vector<32xbf16>
    %swap3A_636 = vector.shape_cast %broadcast_in_dim3A_7 : vector<32xbf16> to vector<1x32xbf16>
    tpu.vector_store %arg8[%swap3A_632, %swap3A_633], %swap3A_636 {strides = array<i32>} : memref<1024x64xbf16, #tpu.memory_space<vmem>>, vector<1x32xbf16>,
    %swap3A_637 = arith.constant 52 : i32
    %swap3A_638 = arith.index_cast %swap3A_637 : i32 to index
    %swap3A_639 = arith.constant 32 : index
    %swap3A_640 = tpu.vector_load %arg8[%swap3A_638, %swap3A_639] {strides = array<i32>} : memref<1024x64xbf16, #tpu.memory_space<vmem>>, vector<1x32xbf16>,
    %swap3A_641 = vector.shape_cast %swap3A_640 : vector<1x32xbf16> to vector<32xbf16>
    %swap3A_642 = vector.shape_cast %broadcast_in_dim3A_7 : vector<32xbf16> to vector<1x32xbf16>
    tpu.vector_store %arg8[%swap3A_638, %swap3A_639], %swap3A_642 {strides = array<i32>} : memref<1024x64xbf16, #tpu.memory_space<vmem>>, vector<1x32xbf16>,
    %swap3A_643 = arith.constant 53 : i32
    %swap3A_644 = arith.index_cast %swap3A_643 : i32 to index
    %swap3A_645 = arith.constant 0 : index
    %swap3A_646 = tpu.vector_load %arg8[%swap3A_644, %swap3A_645] {strides = array<i32>} : memref<1024x64xbf16, #tpu.memory_space<vmem>>, vector<1x32xbf16>,
    %swap3A_647 = vector.shape_cast %swap3A_646 : vector<1x32xbf16> to vector<32xbf16>
    %swap3A_648 = vector.shape_cast %broadcast_in_dim3A_7 : vector<32xbf16> to vector<1x32xbf16>
    tpu.vector_store %arg8[%swap3A_644, %swap3A_645], %swap3A_648 {strides = array<i32>} : memref<1024x64xbf16, #tpu.memory_space<vmem>>, vector<1x32xbf16>,
    %swap3A_649 = arith.constant 53 : i32
    %swap3A_650 = arith.index_cast %swap3A_649 : i32 to index
    %swap3A_651 = arith.constant 32 : index
    %swap3A_652 = tpu.vector_load %arg8[%swap3A_650, %swap3A_651] {strides = array<i32>} : memref<1024x64xbf16, #tpu.memory_space<vmem>>, vector<1x32xbf16>,
    %swap3A_653 = vector.shape_cast %swap3A_652 : vector<1x32xbf16> to vector<32xbf16>
    %swap3A_654 = vector.shape_cast %broadcast_in_dim3A_7 : vector<32xbf16> to vector<1x32xbf16>
    tpu.vector_store %arg8[%swap3A_650, %swap3A_651], %swap3A_654 {strides = array<i32>} : memref<1024x64xbf16, #tpu.memory_space<vmem>>, vector<1x32xbf16>,
    %swap3A_655 = arith.constant 54 : i32
    %swap3A_656 = arith.index_cast %swap3A_655 : i32 to index
    %swap3A_657 = arith.constant 0 : index
    %swap3A_658 = tpu.vector_load %arg8[%swap3A_656, %swap3A_657] {strides = array<i32>} : memref<1024x64xbf16, #tpu.memory_space<vmem>>, vector<1x32xbf16>,
    %swap3A_659 = vector.shape_cast %swap3A_658 : vector<1x32xbf16> to vector<32xbf16>
    %swap3A_660 = vector.shape_cast %broadcast_in_dim3A_7 : vector<32xbf16> to vector<1x32xbf16>
    tpu.vector_store %arg8[%swap3A_656, %swap3A_657], %swap3A_660 {strides = array<i32>} : memref<1024x64xbf16, #tpu.memory_space<vmem>>, vector<1x32xbf16>,
    %swap3A_661 = arith.constant 54 : i32
    %swap3A_662 = arith.index_cast %swap3A_661 : i32 to index
    %swap3A_663 = arith.constant 32 : index
    %swap3A_664 = tpu.vector_load %arg8[%swap3A_662, %swap3A_663] {strides = array<i32>} : memref<1024x64xbf16, #tpu.memory_space<vmem>>, vector<1x32xbf16>,
    %swap3A_665 = vector.shape_cast %swap3A_664 : vector<1x32xbf16> to vector<32xbf16>
    %swap3A_666 = vector.shape_cast %broadcast_in_dim3A_7 : vector<32xbf16> to vector<1x32xbf16>
    tpu.vector_store %arg8[%swap3A_662, %swap3A_663], %swap3A_666 {strides = array<i32>} : memref<1024x64xbf16, #tpu.memory_space<vmem>>, vector<1x32xbf16>,
    %swap3A_667 = arith.constant 55 : i32
    %swap3A_668 = arith.index_cast %swap3A_667 : i32 to index
    %swap3A_669 = arith.constant 0 : index
    %swap3A_670 = tpu.vector_load %arg8[%swap3A_668, %swap3A_669] {strides = array<i32>} : memref<1024x64xbf16, #tpu.memory_space<vmem>>, vector<1x32xbf16>,
    %swap3A_671 = vector.shape_cast %swap3A_670 : vector<1x32xbf16> to vector<32xbf16>
    %swap3A_672 = vector.shape_cast %broadcast_in_dim3A_7 : vector<32xbf16> to vector<1x32xbf16>
    tpu.vector_store %arg8[%swap3A_668, %swap3A_669], %swap3A_672 {strides = array<i32>} : memref<1024x64xbf16, #tpu.memory_space<vmem>>, vector<1x32xbf16>,
    %swap3A_673 = arith.constant 55 : i32
    %swap3A_674 = arith.index_cast %swap3A_673 : i32 to index
    %swap3A_675 = arith.constant 32 : index
    %swap3A_676 = tpu.vector_load %arg8[%swap3A_674, %swap3A_675] {strides = array<i32>} : memref<1024x64xbf16, #tpu.memory_space<vmem>>, vector<1x32xbf16>,
    %swap3A_677 = vector.shape_cast %swap3A_676 : vector<1x32xbf16> to vector<32xbf16>
    %swap3A_678 = vector.shape_cast %broadcast_in_dim3A_7 : vector<32xbf16> to vector<1x32xbf16>
    tpu.vector_store %arg8[%swap3A_674, %swap3A_675], %swap3A_678 {strides = array<i32>} : memref<1024x64xbf16, #tpu.memory_space<vmem>>, vector<1x32xbf16>,
    %swap3A_679 = arith.constant 56 : i32
    %swap3A_680 = arith.index_cast %swap3A_679 : i32 to index
    %swap3A_681 = arith.constant 0 : index
    %swap3A_682 = tpu.vector_load %arg8[%swap3A_680, %swap3A_681] {strides = array<i32>} : memref<1024x64xbf16, #tpu.memory_space<vmem>>, vector<1x32xbf16>,
    %swap3A_683 = vector.shape_cast %swap3A_682 : vector<1x32xbf16> to vector<32xbf16>
    %swap3A_684 = vector.shape_cast %broadcast_in_dim3A_7 : vector<32xbf16> to vector<1x32xbf16>
    tpu.vector_store %arg8[%swap3A_680, %swap3A_681], %swap3A_684 {strides = array<i32>} : memref<1024x64xbf16, #tpu.memory_space<vmem>>, vector<1x32xbf16>,
    %swap3A_685 = arith.constant 56 : i32
    %swap3A_686 = arith.index_cast %swap3A_685 : i32 to index
    %swap3A_687 = arith.constant 32 : index
    %swap3A_688 = tpu.vector_load %arg8[%swap3A_686, %swap3A_687] {strides = array<i32>} : memref<1024x64xbf16, #tpu.memory_space<vmem>>, vector<1x32xbf16>,
    %swap3A_689 = vector.shape_cast %swap3A_688 : vector<1x32xbf16> to vector<32xbf16>
    %swap3A_690 = vector.shape_cast %broadcast_in_dim3A_7 : vector<32xbf16> to vector<1x32xbf16>
    tpu.vector_store %arg8[%swap3A_686, %swap3A_687], %swap3A_690 {strides = array<i32>} : memref<1024x64xbf16, #tpu.memory_space<vmem>>, vector<1x32xbf16>,
    %swap3A_691 = arith.constant 57 : i32
    %swap3A_692 = arith.index_cast %swap3A_691 : i32 to index
    %swap3A_693 = arith.constant 0 : index
    %swap3A_694 = tpu.vector_load %arg8[%swap3A_692, %swap3A_693] {strides = array<i32>} : memref<1024x64xbf16, #tpu.memory_space<vmem>>, vector<1x32xbf16>,
    %swap3A_695 = vector.shape_cast %swap3A_694 : vector<1x32xbf16> to vector<32xbf16>
    %swap3A_696 = vector.shape_cast %broadcast_in_dim3A_7 : vector<32xbf16> to vector<1x32xbf16>
    tpu.vector_store %arg8[%swap3A_692, %swap3A_693], %swap3A_696 {strides = array<i32>} : memref<1024x64xbf16, #tpu.memory_space<vmem>>, vector<1x32xbf16>,
    %swap3A_697 = arith.constant 57 : i32
    %swap3A_698 = arith.index_cast %swap3A_697 : i32 to index
    %swap3A_699 = arith.constant 32 : index
    %swap3A_700 = tpu.vector_load %arg8[%swap3A_698, %swap3A_699] {strides = array<i32>} : memref<1024x64xbf16, #tpu.memory_space<vmem>>, vector<1x32xbf16>,
    %swap3A_701 = vector.shape_cast %swap3A_700 : vector<1x32xbf16> to vector<32xbf16>
    %swap3A_702 = vector.shape_cast %broadcast_in_dim3A_7 : vector<32xbf16> to vector<1x32xbf16>
    tpu.vector_store %arg8[%swap3A_698, %swap3A_699], %swap3A_702 {strides = array<i32>} : memref<1024x64xbf16, #tpu.memory_space<vmem>>, vector<1x32xbf16>,
    %swap3A_703 = arith.constant 58 : i32
    %swap3A_704 = arith.index_cast %swap3A_703 : i32 to index
    %swap3A_705 = arith.constant 0 : index
    %swap3A_706 = tpu.vector_load %arg8[%swap3A_704, %swap3A_705] {strides = array<i32>} : memref<1024x64xbf16, #tpu.memory_space<vmem>>, vector<1x32xbf16>,
    %swap3A_707 = vector.shape_cast %swap3A_706 : vector<1x32xbf16> to vector<32xbf16>
    %swap3A_708 = vector.shape_cast %broadcast_in_dim3A_7 : vector<32xbf16> to vector<1x32xbf16>
    tpu.vector_store %arg8[%swap3A_704, %swap3A_705], %swap3A_708 {strides = array<i32>} : memref<1024x64xbf16, #tpu.memory_space<vmem>>, vector<1x32xbf16>,
    %swap3A_709 = arith.constant 58 : i32
    %swap3A_710 = arith.index_cast %swap3A_709 : i32 to index
    %swap3A_711 = arith.constant 32 : index
    %swap3A_712 = tpu.vector_load %arg8[%swap3A_710, %swap3A_711] {strides = array<i32>} : memref<1024x64xbf16, #tpu.memory_space<vmem>>, vector<1x32xbf16>,
    %swap3A_713 = vector.shape_cast %swap3A_712 : vector<1x32xbf16> to vector<32xbf16>
    %swap3A_714 = vector.shape_cast %broadcast_in_dim3A_7 : vector<32xbf16> to vector<1x32xbf16>
    tpu.vector_store %arg8[%swap3A_710, %swap3A_711], %swap3A_714 {strides = array<i32>} : memref<1024x64xbf16, #tpu.memory_space<vmem>>, vector<1x32xbf16>,
    %swap3A_715 = arith.constant 59 : i32
    %swap3A_716 = arith.index_cast %swap3A_715 : i32 to index
    %swap3A_717 = arith.constant 0 : index
    %swap3A_718 = tpu.vector_load %arg8[%swap3A_716, %swap3A_717] {strides = array<i32>} : memref<1024x64xbf16, #tpu.memory_space<vmem>>, vector<1x32xbf16>,
    %swap3A_719 = vector.shape_cast %swap3A_718 : vector<1x32xbf16> to vector<32xbf16>
    %swap3A_720 = vector.shape_cast %broadcast_in_dim3A_7 : vector<32xbf16> to vector<1x32xbf16>
    tpu.vector_store %arg8[%swap3A_716, %swap3A_717], %swap3A_720 {strides = array<i32>} : memref<1024x64xbf16, #tpu.memory_space<vmem>>, vector<1x32xbf16>,
    %swap3A_721 = arith.constant 59 : i32
    %swap3A_722 = arith.index_cast %swap3A_721 : i32 to index
    %swap3A_723 = arith.constant 32 : index
    %swap3A_724 = tpu.vector_load %arg8[%swap3A_722, %swap3A_723] {strides = array<i32>} : memref<1024x64xbf16, #tpu.memory_space<vmem>>, vector<1x32xbf16>,
    %swap3A_725 = vector.shape_cast %swap3A_724 : vector<1x32xbf16> to vector<32xbf16>
    %swap3A_726 = vector.shape_cast %broadcast_in_dim3A_7 : vector<32xbf16> to vector<1x32xbf16>
    tpu.vector_store %arg8[%swap3A_722, %swap3A_723], %swap3A_726 {strides = array<i32>} : memref<1024x64xbf16, #tpu.memory_space<vmem>>, vector<1x32xbf16>,
    %swap3A_727 = arith.constant 60 : i32
    %swap3A_728 = arith.index_cast %swap3A_727 : i32 to index
    %swap3A_729 = arith.constant 0 : index
    %swap3A_730 = tpu.vector_load %arg8[%swap3A_728, %swap3A_729] {strides = array<i32>} : memref<1024x64xbf16, #tpu.memory_space<vmem>>, vector<1x32xbf16>,
    %swap3A_731 = vector.shape_cast %swap3A_730 : vector<1x32xbf16> to vector<32xbf16>
    %swap3A_732 = vector.shape_cast %broadcast_in_dim3A_7 : vector<32xbf16> to vector<1x32xbf16>
    tpu.vector_store %arg8[%swap3A_728, %swap3A_729], %swap3A_732 {strides = array<i32>} : memref<1024x64xbf16, #tpu.memory_space<vmem>>, vector<1x32xbf16>,
    %swap3A_733 = arith.constant 60 : i32
    %swap3A_734 = arith.index_cast %swap3A_733 : i32 to index
    %swap3A_735 = arith.constant 32 : index
    %swap3A_736 = tpu.vector_load %arg8[%swap3A_734, %swap3A_735] {strides = array<i32>} : memref<1024x64xbf16, #tpu.memory_space<vmem>>, vector<1x32xbf16>,
    %swap3A_737 = vector.shape_cast %swap3A_736 : vector<1x32xbf16> to vector<32xbf16>
    %swap3A_738 = vector.shape_cast %broadcast_in_dim3A_7 : vector<32xbf16> to vector<1x32xbf16>
    tpu.vector_store %arg8[%swap3A_734, %swap3A_735], %swap3A_738 {strides = array<i32>} : memref<1024x64xbf16, #tpu.memory_space<vmem>>, vector<1x32xbf16>,
    %swap3A_739 = arith.constant 61 : i32
    %swap3A_740 = arith.index_cast %swap3A_739 : i32 to index
    %swap3A_741 = arith.constant 0 : index
    %swap3A_742 = tpu.vector_load %arg8[%swap3A_740, %swap3A_741] {strides = array<i32>} : memref<1024x64xbf16, #tpu.memory_space<vmem>>, vector<1x32xbf16>,
    %swap3A_743 = vector.shape_cast %swap3A_742 : vector<1x32xbf16> to vector<32xbf16>
    %swap3A_744 = vector.shape_cast %broadcast_in_dim3A_7 : vector<32xbf16> to vector<1x32xbf16>
    tpu.vector_store %arg8[%swap3A_740, %swap3A_741], %swap3A_744 {strides = array<i32>} : memref<1024x64xbf16, #tpu.memory_space<vmem>>, vector<1x32xbf16>,
    %swap3A_745 = arith.constant 61 : i32
    %swap3A_746 = arith.index_cast %swap3A_745 : i32 to index
    %swap3A_747 = arith.constant 32 : index
    %swap3A_748 = tpu.vector_load %arg8[%swap3A_746, %swap3A_747] {strides = array<i32>} : memref<1024x64xbf16, #tpu.memory_space<vmem>>, vector<1x32xbf16>,
    %swap3A_749 = vector.shape_cast %swap3A_748 : vector<1x32xbf16> to vector<32xbf16>
    %swap3A_750 = vector.shape_cast %broadcast_in_dim3A_7 : vector<32xbf16> to vector<1x32xbf16>
    tpu.vector_store %arg8[%swap3A_746, %swap3A_747], %swap3A_750 {strides = array<i32>} : memref<1024x64xbf16, #tpu.memory_space<vmem>>, vector<1x32xbf16>,
    %swap3A_751 = arith.constant 62 : i32
    %swap3A_752 = arith.index_cast %swap3A_751 : i32 to index
    %swap3A_753 = arith.constant 0 : index
    %swap3A_754 = tpu.vector_load %arg8[%swap3A_752, %swap3A_753] {strides = array<i32>} : memref<1024x64xbf16, #tpu.memory_space<vmem>>, vector<1x32xbf16>,
    %swap3A_755 = vector.shape_cast %swap3A_754 : vector<1x32xbf16> to vector<32xbf16>
    %swap3A_756 = vector.shape_cast %broadcast_in_dim3A_7 : vector<32xbf16> to vector<1x32xbf16>
    tpu.vector_store %arg8[%swap3A_752, %swap3A_753], %swap3A_756 {strides = array<i32>} : memref<1024x64xbf16, #tpu.memory_space<vmem>>, vector<1x32xbf16>,
    %swap3A_757 = arith.constant 62 : i32
    %swap3A_758 = arith.index_cast %swap3A_757 : i32 to index
    %swap3A_759 = arith.constant 32 : index
    %swap3A_760 = tpu.vector_load %arg8[%swap3A_758, %swap3A_759] {strides = array<i32>} : memref<1024x64xbf16, #tpu.memory_space<vmem>>, vector<1x32xbf16>,
    %swap3A_761 = vector.shape_cast %swap3A_760 : vector<1x32xbf16> to vector<32xbf16>
    %swap3A_762 = vector.shape_cast %broadcast_in_dim3A_7 : vector<32xbf16> to vector<1x32xbf16>
    tpu.vector_store %arg8[%swap3A_758, %swap3A_759], %swap3A_762 {strides = array<i32>} : memref<1024x64xbf16, #tpu.memory_space<vmem>>, vector<1x32xbf16>,
    %swap3A_763 = arith.constant 63 : i32
    %swap3A_764 = arith.index_cast %swap3A_763 : i32 to index
    %swap3A_765 = arith.constant 0 : index
    %swap3A_766 = tpu.vector_load %arg8[%swap3A_764, %swap3A_765] {strides = array<i32>} : memref<1024x64xbf16, #tpu.memory_space<vmem>>, vector<1x32xbf16>,
    %swap3A_767 = vector.shape_cast %swap3A_766 : vector<1x32xbf16> to vector<32xbf16>
    %swap3A_768 = vector.shape_cast %broadcast_in_dim3A_7 : vector<32xbf16> to vector<1x32xbf16>
    tpu.vector_store %arg8[%swap3A_764, %swap3A_765], %swap3A_768 {strides = array<i32>} : memref<1024x64xbf16, #tpu.memory_space<vmem>>, vector<1x32xbf16>,
    %swap3A_769 = arith.constant 63 : i32
    %swap3A_770 = arith.index_cast %swap3A_769 : i32 to index
    %swap3A_771 = arith.constant 32 : index
    %swap3A_772 = tpu.vector_load %arg8[%swap3A_770, %swap3A_771] {strides = array<i32>} : memref<1024x64xbf16, #tpu.memory_space<vmem>>, vector<1x32xbf16>,
    %swap3A_773 = vector.shape_cast %swap3A_772 : vector<1x32xbf16> to vector<32xbf16>
    %swap3A_774 = vector.shape_cast %broadcast_in_dim3A_7 : vector<32xbf16> to vector<1x32xbf16>
    tpu.vector_store %arg8[%swap3A_770, %swap3A_771], %swap3A_774 {strides = array<i32>} : memref<1024x64xbf16, #tpu.memory_space<vmem>>, vector<1x32xbf16>,
    %swap3A_775 = arith.constant 64 : i32
    %swap3A_776 = arith.index_cast %swap3A_775 : i32 to index
    %swap3A_777 = arith.constant 0 : index
    %swap3A_778 = tpu.vector_load %arg8[%swap3A_776, %swap3A_777] {strides = array<i32>} : memref<1024x64xbf16, #tpu.memory_space<vmem>>, vector<1x32xbf16>,
    %swap3A_779 = vector.shape_cast %swap3A_778 : vector<1x32xbf16> to vector<32xbf16>
    %swap3A_780 = vector.shape_cast %broadcast_in_dim3A_7 : vector<32xbf16> to vector<1x32xbf16>
    tpu.vector_store %arg8[%swap3A_776, %swap3A_777], %swap3A_780 {strides = array<i32>} : memref<1024x64xbf16, #tpu.memory_space<vmem>>, vector<1x32xbf16>,
    %swap3A_781 = arith.constant 64 : i32
    %swap3A_782 = arith.index_cast %swap3A_781 : i32 to index
    %swap3A_783 = arith.constant 32 : index
    %swap3A_784 = tpu.vector_load %arg8[%swap3A_782, %swap3A_783] {strides = array<i32>} : memref<1024x64xbf16, #tpu.memory_space<vmem>>, vector<1x32xbf16>,
    %swap3A_785 = vector.shape_cast %swap3A_784 : vector<1x32xbf16> to vector<32xbf16>
    %swap3A_786 = vector.shape_cast %broadcast_in_dim3A_7 : vector<32xbf16> to vector<1x32xbf16>
    tpu.vector_store %arg8[%swap3A_782, %swap3A_783], %swap3A_786 {strides = array<i32>} : memref<1024x64xbf16, #tpu.memory_space<vmem>>, vector<1x32xbf16>,
    %swap3A_787 = arith.constant 65 : i32
    %swap3A_788 = arith.index_cast %swap3A_787 : i32 to index
    %swap3A_789 = arith.constant 0 : index
    %swap3A_790 = tpu.vector_load %arg8[%swap3A_788, %swap3A_789] {strides = array<i32>} : memref<1024x64xbf16, #tpu.memory_space<vmem>>, vector<1x32xbf16>,
    %swap3A_791 = vector.shape_cast %swap3A_790 : vector<1x32xbf16> to vector<32xbf16>
    %swap3A_792 = vector.shape_cast %broadcast_in_dim3A_7 : vector<32xbf16> to vector<1x32xbf16>
    tpu.vector_store %arg8[%swap3A_788, %swap3A_789], %swap3A_792 {strides = array<i32>} : memref<1024x64xbf16, #tpu.memory_space<vmem>>, vector<1x32xbf16>,
    %swap3A_793 = arith.constant 65 : i32
    %swap3A_794 = arith.index_cast %swap3A_793 : i32 to index
    %swap3A_795 = arith.constant 32 : index
    %swap3A_796 = tpu.vector_load %arg8[%swap3A_794, %swap3A_795] {strides = array<i32>} : memref<1024x64xbf16, #tpu.memory_space<vmem>>, vector<1x32xbf16>,
    %swap3A_797 = vector.shape_cast %swap3A_796 : vector<1x32xbf16> to vector<32xbf16>
    %swap3A_798 = vector.shape_cast %broadcast_in_dim3A_7 : vector<32xbf16> to vector<1x32xbf16>
    tpu.vector_store %arg8[%swap3A_794, %swap3A_795], %swap3A_798 {strides = array<i32>} : memref<1024x64xbf16, #tpu.memory_space<vmem>>, vector<1x32xbf16>,
    %swap3A_799 = arith.constant 66 : i32
    %swap3A_800 = arith.index_cast %swap3A_799 : i32 to index
    %swap3A_801 = arith.constant 0 : index
    %swap3A_802 = tpu.vector_load %arg8[%swap3A_800, %swap3A_801] {strides = array<i32>} : memref<1024x64xbf16, #tpu.memory_space<vmem>>, vector<1x32xbf16>,
    %swap3A_803 = vector.shape_cast %swap3A_802 : vector<1x32xbf16> to vector<32xbf16>
    %swap3A_804 = vector.shape_cast %broadcast_in_dim3A_7 : vector<32xbf16> to vector<1x32xbf16>
    tpu.vector_store %arg8[%swap3A_800, %swap3A_801], %swap3A_804 {strides = array<i32>} : memref<1024x64xbf16, #tpu.memory_space<vmem>>, vector<1x32xbf16>,
    %swap3A_805 = arith.constant 66 : i32
    %swap3A_806 = arith.index_cast %swap3A_805 : i32 to index
    %swap3A_807 = arith.constant 32 : index
    %swap3A_808 = tpu.vector_load %arg8[%swap3A_806, %swap3A_807] {strides = array<i32>} : memref<1024x64xbf16, #tpu.memory_space<vmem>>, vector<1x32xbf16>,
    %swap3A_809 = vector.shape_cast %swap3A_808 : vector<1x32xbf16> to vector<32xbf16>
    %swap3A_810 = vector.shape_cast %broadcast_in_dim3A_7 : vector<32xbf16> to vector<1x32xbf16>
    tpu.vector_store %arg8[%swap3A_806, %swap3A_807], %swap3A_810 {strides = array<i32>} : memref<1024x64xbf16, #tpu.memory_space<vmem>>, vector<1x32xbf16>,
    %swap3A_811 = arith.constant 67 : i32
    %swap3A_812 = arith.index_cast %swap3A_811 : i32 to index
    %swap3A_813 = arith.constant 0 : index
    %swap3A_814 = tpu.vector_load %arg8[%swap3A_812, %swap3A_813] {strides = array<i32>} : memref<1024x64xbf16, #tpu.memory_space<vmem>>, vector<1x32xbf16>,
    %swap3A_815 = vector.shape_cast %swap3A_814 : vector<1x32xbf16> to vector<32xbf16>
    %swap3A_816 = vector.shape_cast %broadcast_in_dim3A_7 : vector<32xbf16> to vector<1x32xbf16>
    tpu.vector_store %arg8[%swap3A_812, %swap3A_813], %swap3A_816 {strides = array<i32>} : memref<1024x64xbf16, #tpu.memory_space<vmem>>, vector<1x32xbf16>,
    %swap3A_817 = arith.constant 67 : i32
    %swap3A_818 = arith.index_cast %swap3A_817 : i32 to index
    %swap3A_819 = arith.constant 32 : index
    %swap3A_820 = tpu.vector_load %arg8[%swap3A_818, %swap3A_819] {strides = array<i32>} : memref<1024x64xbf16, #tpu.memory_space<vmem>>, vector<1x32xbf16>,
    %swap3A_821 = vector.shape_cast %swap3A_820 : vector<1x32xbf16> to vector<32xbf16>
    %swap3A_822 = vector.shape_cast %broadcast_in_dim3A_7 : vector<32xbf16> to vector<1x32xbf16>
    tpu.vector_store %arg8[%swap3A_818, %swap3A_819], %swap3A_822 {strides = array<i32>} : memref<1024x64xbf16, #tpu.memory_space<vmem>>, vector<1x32xbf16>,
    %swap3A_823 = arith.constant 68 : i32
    %swap3A_824 = arith.index_cast %swap3A_823 : i32 to index
    %swap3A_825 = arith.constant 0 : index
    %swap3A_826 = tpu.vector_load %arg8[%swap3A_824, %swap3A_825] {strides = array<i32>} : memref<1024x64xbf16, #tpu.memory_space<vmem>>, vector<1x32xbf16>,
    %swap3A_827 = vector.shape_cast %swap3A_826 : vector<1x32xbf16> to vector<32xbf16>
    %swap3A_828 = vector.shape_cast %broadcast_in_dim3A_7 : vector<32xbf16> to vector<1x32xbf16>
    tpu.vector_store %arg8[%swap3A_824, %swap3A_825], %swap3A_828 {strides = array<i32>} : memref<1024x64xbf16, #tpu.memory_space<vmem>>, vector<1x32xbf16>,
    %swap3A_829 = arith.constant 68 : i32
    %swap3A_830 = arith.index_cast %swap3A_829 : i32 to index
    %swap3A_831 = arith.constant 32 : index
    %swap3A_832 = tpu.vector_load %arg8[%swap3A_830, %swap3A_831] {strides = array<i32>} : memref<1024x64xbf16, #tpu.memory_space<vmem>>, vector<1x32xbf16>,
    %swap3A_833 = vector.shape_cast %swap3A_832 : vector<1x32xbf16> to vector<32xbf16>
    %swap3A_834 = vector.shape_cast %broadcast_in_dim3A_7 : vector<32xbf16> to vector<1x32xbf16>
    tpu.vector_store %arg8[%swap3A_830, %swap3A_831], %swap3A_834 {strides = array<i32>} : memref<1024x64xbf16, #tpu.memory_space<vmem>>, vector<1x32xbf16>,
    %swap3A_835 = arith.constant 69 : i32
    %swap3A_836 = arith.index_cast %swap3A_835 : i32 to index
    %swap3A_837 = arith.constant 0 : index
    %swap3A_838 = tpu.vector_load %arg8[%swap3A_836, %swap3A_837] {strides = array<i32>} : memref<1024x64xbf16, #tpu.memory_space<vmem>>, vector<1x32xbf16>,
    %swap3A_839 = vector.shape_cast %swap3A_838 : vector<1x32xbf16> to vector<32xbf16>
    %swap3A_840 = vector.shape_cast %broadcast_in_dim3A_7 : vector<32xbf16> to vector<1x32xbf16>
    tpu.vector_store %arg8[%swap3A_836, %swap3A_837], %swap3A_840 {strides = array<i32>} : memref<1024x64xbf16, #tpu.memory_space<vmem>>, vector<1x32xbf16>,
    %swap3A_841 = arith.constant 69 : i32
    %swap3A_842 = arith.index_cast %swap3A_841 : i32 to index
    %swap3A_843 = arith.constant 32 : index
    %swap3A_844 = tpu.vector_load %arg8[%swap3A_842, %swap3A_843] {strides = array<i32>} : memref<1024x64xbf16, #tpu.memory_space<vmem>>, vector<1x32xbf16>,
    %swap3A_845 = vector.shape_cast %swap3A_844 : vector<1x32xbf16> to vector<32xbf16>
    %swap3A_846 = vector.shape_cast %broadcast_in_dim3A_7 : vector<32xbf16> to vector<1x32xbf16>
    tpu.vector_store %arg8[%swap3A_842, %swap3A_843], %swap3A_846 {strides = array<i32>} : memref<1024x64xbf16, #tpu.memory_space<vmem>>, vector<1x32xbf16>,
    %swap3A_847 = arith.constant 70 : i32
    %swap3A_848 = arith.index_cast %swap3A_847 : i32 to index
    %swap3A_849 = arith.constant 0 : index
    %swap3A_850 = tpu.vector_load %arg8[%swap3A_848, %swap3A_849] {strides = array<i32>} : memref<1024x64xbf16, #tpu.memory_space<vmem>>, vector<1x32xbf16>,
    %swap3A_851 = vector.shape_cast %swap3A_850 : vector<1x32xbf16> to vector<32xbf16>
    %swap3A_852 = vector.shape_cast %broadcast_in_dim3A_7 : vector<32xbf16> to vector<1x32xbf16>
    tpu.vector_store %arg8[%swap3A_848, %swap3A_849], %swap3A_852 {strides = array<i32>} : memref<1024x64xbf16, #tpu.memory_space<vmem>>, vector<1x32xbf16>,
    %swap3A_853 = arith.constant 70 : i32
    %swap3A_854 = arith.index_cast %swap3A_853 : i32 to index
    %swap3A_855 = arith.constant 32 : index
    %swap3A_856 = tpu.vector_load %arg8[%swap3A_854, %swap3A_855] {strides = array<i32>} : memref<1024x64xbf16, #tpu.memory_space<vmem>>, vector<1x32xbf16>,
    %swap3A_857 = vector.shape_cast %swap3A_856 : vector<1x32xbf16> to vector<32xbf16>
    %swap3A_858 = vector.shape_cast %broadcast_in_dim3A_7 : vector<32xbf16> to vector<1x32xbf16>
    tpu.vector_store %arg8[%swap3A_854, %swap3A_855], %swap3A_858 {strides = array<i32>} : memref<1024x64xbf16, #tpu.memory_space<vmem>>, vector<1x32xbf16>,
    %swap3A_859 = arith.constant 71 : i32
    %swap3A_860 = arith.index_cast %swap3A_859 : i32 to index
    %swap3A_861 = arith.constant 0 : index
    %swap3A_862 = tpu.vector_load %arg8[%swap3A_860, %swap3A_861] {strides = array<i32>} : memref<1024x64xbf16, #tpu.memory_space<vmem>>, vector<1x32xbf16>,
    %swap3A_863 = vector.shape_cast %swap3A_862 : vector<1x32xbf16> to vector<32xbf16>
    %swap3A_864 = vector.shape_cast %broadcast_in_dim3A_7 : vector<32xbf16> to vector<1x32xbf16>
    tpu.vector_store %arg8[%swap3A_860, %swap3A_861], %swap3A_864 {strides = array<i32>} : memref<1024x64xbf16, #tpu.memory_space<vmem>>, vector<1x32xbf16>,
    %swap3A_865 = arith.constant 71 : i32
    %swap3A_866 = arith.index_cast %swap3A_865 : i32 to index
    %swap3A_867 = arith.constant 32 : index
    %swap3A_868 = tpu.vector_load %arg8[%swap3A_866, %swap3A_867] {strides = array<i32>} : memref<1024x64xbf16, #tpu.memory_space<vmem>>, vector<1x32xbf16>,
    %swap3A_869 = vector.shape_cast %swap3A_868 : vector<1x32xbf16> to vector<32xbf16>
    %swap3A_870 = vector.shape_cast %broadcast_in_dim3A_7 : vector<32xbf16> to vector<1x32xbf16>
    tpu.vector_store %arg8[%swap3A_866, %swap3A_867], %swap3A_870 {strides = array<i32>} : memref<1024x64xbf16, #tpu.memory_space<vmem>>, vector<1x32xbf16>,
    %swap3A_871 = arith.constant 72 : i32
    %swap3A_872 = arith.index_cast %swap3A_871 : i32 to index
    %swap3A_873 = arith.constant 0 : index
    %swap3A_874 = tpu.vector_load %arg8[%swap3A_872, %swap3A_873] {strides = array<i32>} : memref<1024x64xbf16, #tpu.memory_space<vmem>>, vector<1x32xbf16>,
    %swap3A_875 = vector.shape_cast %swap3A_874 : vector<1x32xbf16> to vector<32xbf16>
    %swap3A_876 = vector.shape_cast %broadcast_in_dim3A_7 : vector<32xbf16> to vector<1x32xbf16>
    tpu.vector_store %arg8[%swap3A_872, %swap3A_873], %swap3A_876 {strides = array<i32>} : memref<1024x64xbf16, #tpu.memory_space<vmem>>, vector<1x32xbf16>,
    %swap3A_877 = arith.constant 72 : i32
    %swap3A_878 = arith.index_cast %swap3A_877 : i32 to index
    %swap3A_879 = arith.constant 32 : index
    %swap3A_880 = tpu.vector_load %arg8[%swap3A_878, %swap3A_879] {strides = array<i32>} : memref<1024x64xbf16, #tpu.memory_space<vmem>>, vector<1x32xbf16>,
    %swap3A_881 = vector.shape_cast %swap3A_880 : vector<1x32xbf16> to vector<32xbf16>
    %swap3A_882 = vector.shape_cast %broadcast_in_dim3A_7 : vector<32xbf16> to vector<1x32xbf16>
    tpu.vector_store %arg8[%swap3A_878, %swap3A_879], %swap3A_882 {strides = array<i32>} : memref<1024x64xbf16, #tpu.memory_space<vmem>>, vector<1x32xbf16>,
    %swap3A_883 = arith.constant 73 : i32
    %swap3A_884 = arith.index_cast %swap3A_883 : i32 to index
    %swap3A_885 = arith.constant 0 : index
    %swap3A_886 = tpu.vector_load %arg8[%swap3A_884, %swap3A_885] {strides = array<i32>} : memref<1024x64xbf16, #tpu.memory_space<vmem>>, vector<1x32xbf16>,
    %swap3A_887 = vector.shape_cast %swap3A_886 : vector<1x32xbf16> to vector<32xbf16>
    %swap3A_888 = vector.shape_cast %broadcast_in_dim3A_7 : vector<32xbf16> to vector<1x32xbf16>
    tpu.vector_store %arg8[%swap3A_884, %swap3A_885], %swap3A_888 {strides = array<i32>} : memref<1024x64xbf16, #tpu.memory_space<vmem>>, vector<1x32xbf16>,
    %swap3A_889 = arith.constant 73 : i32
    %swap3A_890 = arith.index_cast %swap3A_889 : i32 to index
    %swap3A_891 = arith.constant 32 : index
    %swap3A_892 = tpu.vector_load %arg8[%swap3A_890, %swap3A_891] {strides = array<i32>} : memref<1024x64xbf16, #tpu.memory_space<vmem>>, vector<1x32xbf16>,
    %swap3A_893 = vector.shape_cast %swap3A_892 : vector<1x32xbf16> to vector<32xbf16>
    %swap3A_894 = vector.shape_cast %broadcast_in_dim3A_7 : vector<32xbf16> to vector<1x32xbf16>
    tpu.vector_store %arg8[%swap3A_890, %swap3A_891], %swap3A_894 {strides = array<i32>} : memref<1024x64xbf16, #tpu.memory_space<vmem>>, vector<1x32xbf16>,
    %swap3A_895 = arith.constant 74 : i32
    %swap3A_896 = arith.index_cast %swap3A_895 : i32 to index
    %swap3A_897 = arith.constant 0 : index
    %swap3A_898 = tpu.vector_load %arg8[%swap3A_896, %swap3A_897] {strides = array<i32>} : memref<1024x64xbf16, #tpu.memory_space<vmem>>, vector<1x32xbf16>,
    %swap3A_899 = vector.shape_cast %swap3A_898 : vector<1x32xbf16> to vector<32xbf16>
    %swap3A_900 = vector.shape_cast %broadcast_in_dim3A_7 : vector<32xbf16> to vector<1x32xbf16>
    tpu.vector_store %arg8[%swap3A_896, %swap3A_897], %swap3A_900 {strides = array<i32>} : memref<1024x64xbf16, #tpu.memory_space<vmem>>, vector<1x32xbf16>,
    %swap3A_901 = arith.constant 74 : i32
    %swap3A_902 = arith.index_cast %swap3A_901 : i32 to index
    %swap3A_903 = arith.constant 32 : index
    %swap3A_904 = tpu.vector_load %arg8[%swap3A_902, %swap3A_903] {strides = array<i32>} : memref<1024x64xbf16, #tpu.memory_space<vmem>>, vector<1x32xbf16>,
    %swap3A_905 = vector.shape_cast %swap3A_904 : vector<1x32xbf16> to vector<32xbf16>
    %swap3A_906 = vector.shape_cast %broadcast_in_dim3A_7 : vector<32xbf16> to vector<1x32xbf16>
    tpu.vector_store %arg8[%swap3A_902, %swap3A_903], %swap3A_906 {strides = array<i32>} : memref<1024x64xbf16, #tpu.memory_space<vmem>>, vector<1x32xbf16>,
    %swap3A_907 = arith.constant 75 : i32
    %swap3A_908 = arith.index_cast %swap3A_907 : i32 to index
    %swap3A_909 = arith.constant 0 : index
    %swap3A_910 = tpu.vector_load %arg8[%swap3A_908, %swap3A_909] {strides = array<i32>} : memref<1024x64xbf16, #tpu.memory_space<vmem>>, vector<1x32xbf16>,
    %swap3A_911 = vector.shape_cast %swap3A_910 : vector<1x32xbf16> to vector<32xbf16>
    %swap3A_912 = vector.shape_cast %broadcast_in_dim3A_7 : vector<32xbf16> to vector<1x32xbf16>
    tpu.vector_store %arg8[%swap3A_908, %swap3A_909], %swap3A_912 {strides = array<i32>} : memref<1024x64xbf16, #tpu.memory_space<vmem>>, vector<1x32xbf16>,
    %swap3A_913 = arith.constant 75 : i32
    %swap3A_914 = arith.index_cast %swap3A_913 : i32 to index
    %swap3A_915 = arith.constant 32 : index
    %swap3A_916 = tpu.vector_load %arg8[%swap3A_914, %swap3A_915] {strides = array<i32>} : memref<1024x64xbf16, #tpu.memory_space<vmem>>, vector<1x32xbf16>,
    %swap3A_917 = vector.shape_cast %swap3A_916 : vector<1x32xbf16> to vector<32xbf16>
    %swap3A_918 = vector.shape_cast %broadcast_in_dim3A_7 : vector<32xbf16> to vector<1x32xbf16>
    tpu.vector_store %arg8[%swap3A_914, %swap3A_915], %swap3A_918 {strides = array<i32>} : memref<1024x64xbf16, #tpu.memory_space<vmem>>, vector<1x32xbf16>,
    %swap3A_919 = arith.constant 76 : i32
    %swap3A_920 = arith.index_cast %swap3A_919 : i32 to index
    %swap3A_921 = arith.constant 0 : index
    %swap3A_922 = tpu.vector_load %arg8[%swap3A_920, %swap3A_921] {strides = array<i32>} : memref<1024x64xbf16, #tpu.memory_space<vmem>>, vector<1x32xbf16>,
    %swap3A_923 = vector.shape_cast %swap3A_922 : vector<1x32xbf16> to vector<32xbf16>
    %swap3A_924 = vector.shape_cast %broadcast_in_dim3A_7 : vector<32xbf16> to vector<1x32xbf16>
    tpu.vector_store %arg8[%swap3A_920, %swap3A_921], %swap3A_924 {strides = array<i32>} : memref<1024x64xbf16, #tpu.memory_space<vmem>>, vector<1x32xbf16>,
    %swap3A_925 = arith.constant 76 : i32
    %swap3A_926 = arith.index_cast %swap3A_925 : i32 to index
    %swap3A_927 = arith.constant 32 : index
    %swap3A_928 = tpu.vector_load %arg8[%swap3A_926, %swap3A_927] {strides = array<i32>} : memref<1024x64xbf16, #tpu.memory_space<vmem>>, vector<1x32xbf16>,
    %swap3A_929 = vector.shape_cast %swap3A_928 : vector<1x32xbf16> to vector<32xbf16>
    %swap3A_930 = vector.shape_cast %broadcast_in_dim3A_7 : vector<32xbf16> to vector<1x32xbf16>
    tpu.vector_store %arg8[%swap3A_926, %swap3A_927], %swap3A_930 {strides = array<i32>} : memref<1024x64xbf16, #tpu.memory_space<vmem>>, vector<1x32xbf16>,
    %swap3A_931 = arith.constant 77 : i32
    %swap3A_932 = arith.index_cast %swap3A_931 : i32 to index
    %swap3A_933 = arith.constant 0 : index
    %swap3A_934 = tpu.vector_load %arg8[%swap3A_932, %swap3A_933] {strides = array<i32>} : memref<1024x64xbf16, #tpu.memory_space<vmem>>, vector<1x32xbf16>,
    %swap3A_935 = vector.shape_cast %swap3A_934 : vector<1x32xbf16> to vector<32xbf16>
    %swap3A_936 = vector.shape_cast %broadcast_in_dim3A_7 : vector<32xbf16> to vector<1x32xbf16>
    tpu.vector_store %arg8[%swap3A_932, %swap3A_933], %swap3A_936 {strides = array<i32>} : memref<1024x64xbf16, #tpu.memory_space<vmem>>, vector<1x32xbf16>,
    %swap3A_937 = arith.constant 77 : i32
    %swap3A_938 = arith.index_cast %swap3A_937 : i32 to index
    %swap3A_939 = arith.constant 32 : index
    %swap3A_940 = tpu.vector_load %arg8[%swap3A_938, %swap3A_939] {strides = array<i32>} : memref<1024x64xbf16, #tpu.memory_space<vmem>>, vector<1x32xbf16>,
    %swap3A_941 = vector.shape_cast %swap3A_940 : vector<1x32xbf16> to vector<32xbf16>
    %swap3A_942 = vector.shape_cast %broadcast_in_dim3A_7 : vector<32xbf16> to vector<1x32xbf16>
    tpu.vector_store %arg8[%swap3A_938, %swap3A_939], %swap3A_942 {strides = array<i32>} : memref<1024x64xbf16, #tpu.memory_space<vmem>>, vector<1x32xbf16>,
    %swap3A_943 = arith.constant 78 : i32
    %swap3A_944 = arith.index_cast %swap3A_943 : i32 to index
    %swap3A_945 = arith.constant 0 : index
    %swap3A_946 = tpu.vector_load %arg8[%swap3A_944, %swap3A_945] {strides = array<i32>} : memref<1024x64xbf16, #tpu.memory_space<vmem>>, vector<1x32xbf16>,
    %swap3A_947 = vector.shape_cast %swap3A_946 : vector<1x32xbf16> to vector<32xbf16>
    %swap3A_948 = vector.shape_cast %broadcast_in_dim3A_7 : vector<32xbf16> to vector<1x32xbf16>
    tpu.vector_store %arg8[%swap3A_944, %swap3A_945], %swap3A_948 {strides = array<i32>} : memref<1024x64xbf16, #tpu.memory_space<vmem>>, vector<1x32xbf16>,
    %swap3A_949 = arith.constant 78 : i32
    %swap3A_950 = arith.index_cast %swap3A_949 : i32 to index
    %swap3A_951 = arith.constant 32 : index
    %swap3A_952 = tpu.vector_load %arg8[%swap3A_950, %swap3A_951] {strides = array<i32>} : memref<1024x64xbf16, #tpu.memory_space<vmem>>, vector<1x32xbf16>,
    %swap3A_953 = vector.shape_cast %swap3A_952 : vector<1x32xbf16> to vector<32xbf16>
    %swap3A_954 = vector.shape_cast %broadcast_in_dim3A_7 : vector<32xbf16> to vector<1x32xbf16>
    tpu.vector_store %arg8[%swap3A_950, %swap3A_951], %swap3A_954 {strides = array<i32>} : memref<1024x64xbf16, #tpu.memory_space<vmem>>, vector<1x32xbf16>,
    %swap3A_955 = arith.constant 79 : i32
    %swap3A_956 = arith.index_cast %swap3A_955 : i32 to index
    %swap3A_957 = arith.constant 0 : index
    %swap3A_958 = tpu.vector_load %arg8[%swap3A_956, %swap3A_957] {strides = array<i32>} : memref<1024x64xbf16, #tpu.memory_space<vmem>>, vector<1x32xbf16>,
    %swap3A_959 = vector.shape_cast %swap3A_958 : vector<1x32xbf16> to vector<32xbf16>
    %swap3A_960 = vector.shape_cast %broadcast_in_dim3A_7 : vector<32xbf16> to vector<1x32xbf16>
    tpu.vector_store %arg8[%swap3A_956, %swap3A_957], %swap3A_960 {strides = array<i32>} : memref<1024x64xbf16, #tpu.memory_space<vmem>>, vector<1x32xbf16>,
    %swap3A_961 = arith.constant 79 : i32
    %swap3A_962 = arith.index_cast %swap3A_961 : i32 to index
    %swap3A_963 = arith.constant 32 : index
    %swap3A_964 = tpu.vector_load %arg8[%swap3A_962, %swap3A_963] {strides = array<i32>} : memref<1024x64xbf16, #tpu.memory_space<vmem>>, vector<1x32xbf16>,
    %swap3A_965 = vector.shape_cast %swap3A_964 : vector<1x32xbf16> to vector<32xbf16>
    %swap3A_966 = vector.shape_cast %broadcast_in_dim3A_7 : vector<32xbf16> to vector<1x32xbf16>
    tpu.vector_store %arg8[%swap3A_962, %swap3A_963], %swap3A_966 {strides = array<i32>} : memref<1024x64xbf16, #tpu.memory_space<vmem>>, vector<1x32xbf16>,
    %swap3A_967 = arith.constant 80 : i32
    %swap3A_968 = arith.index_cast %swap3A_967 : i32 to index
    %swap3A_969 = arith.constant 0 : index
    %swap3A_970 = tpu.vector_load %arg8[%swap3A_968, %swap3A_969] {strides = array<i32>} : memref<1024x64xbf16, #tpu.memory_space<vmem>>, vector<1x32xbf16>,
    %swap3A_971 = vector.shape_cast %swap3A_970 : vector<1x32xbf16> to vector<32xbf16>
    %swap3A_972 = vector.shape_cast %broadcast_in_dim3A_7 : vector<32xbf16> to vector<1x32xbf16>
    tpu.vector_store %arg8[%swap3A_968, %swap3A_969], %swap3A_972 {strides = array<i32>} : memref<1024x64xbf16, #tpu.memory_space<vmem>>, vector<1x32xbf16>,
    %swap3A_973 = arith.constant 80 : i32
    %swap3A_974 = arith.index_cast %swap3A_973 : i32 to index
    %swap3A_975 = arith.constant 32 : index
    %swap3A_976 = tpu.vector_load %arg8[%swap3A_974, %swap3A_975] {strides = array<i32>} : memref<1024x64xbf16, #tpu.memory_space<vmem>>, vector<1x32xbf16>,
    %swap3A_977 = vector.shape_cast %swap3A_976 : vector<1x32xbf16> to vector<32xbf16>
    %swap3A_978 = vector.shape_cast %broadcast_in_dim3A_7 : vector<32xbf16> to vector<1x32xbf16>
    tpu.vector_store %arg8[%swap3A_974, %swap3A_975], %swap3A_978 {strides = array<i32>} : memref<1024x64xbf16, #tpu.memory_space<vmem>>, vector<1x32xbf16>,
    %swap3A_979 = arith.constant 81 : i32
    %swap3A_980 = arith.index_cast %swap3A_979 : i32 to index
    %swap3A_981 = arith.constant 0 : index
    %swap3A_982 = tpu.vector_load %arg8[%swap3A_980, %swap3A_981] {strides = array<i32>} : memref<1024x64xbf16, #tpu.memory_space<vmem>>, vector<1x32xbf16>,
    %swap3A_983 = vector.shape_cast %swap3A_982 : vector<1x32xbf16> to vector<32xbf16>
    %swap3A_984 = vector.shape_cast %broadcast_in_dim3A_7 : vector<32xbf16> to vector<1x32xbf16>
    tpu.vector_store %arg8[%swap3A_980, %swap3A_981], %swap3A_984 {strides = array<i32>} : memref<1024x64xbf16, #tpu.memory_space<vmem>>, vector<1x32xbf16>,
    %swap3A_985 = arith.constant 81 : i32
    %swap3A_986 = arith.index_cast %swap3A_985 : i32 to index
    %swap3A_987 = arith.constant 32 : index
    %swap3A_988 = tpu.vector_load %arg8[%swap3A_986, %swap3A_987] {strides = array<i32>} : memref<1024x64xbf16, #tpu.memory_space<vmem>>, vector<1x32xbf16>,
    %swap3A_989 = vector.shape_cast %swap3A_988 : vector<1x32xbf16> to vector<32xbf16>
    %swap3A_990 = vector.shape_cast %broadcast_in_dim3A_7 : vector<32xbf16> to vector<1x32xbf16>
    tpu.vector_store %arg8[%swap3A_986, %swap3A_987], %swap3A_990 {strides = array<i32>} : memref<1024x64xbf16, #tpu.memory_space<vmem>>, vector<1x32xbf16>,
    %swap3A_991 = arith.constant 82 : i32
    %swap3A_992 = arith.index_cast %swap3A_991 : i32 to index
    %swap3A_993 = arith.constant 0 : index
    %swap3A_994 = tpu.vector_load %arg8[%swap3A_992, %swap3A_993] {strides = array<i32>} : memref<1024x64xbf16, #tpu.memory_space<vmem>>, vector<1x32xbf16>,
    %swap3A_995 = vector.shape_cast %swap3A_994 : vector<1x32xbf16> to vector<32xbf16>
    %swap3A_996 = vector.shape_cast %broadcast_in_dim3A_7 : vector<32xbf16> to vector<1x32xbf16>
    tpu.vector_store %arg8[%swap3A_992, %swap3A_993], %swap3A_996 {strides = array<i32>} : memref<1024x64xbf16, #tpu.memory_space<vmem>>, vector<1x32xbf16>,
    %swap3A_997 = arith.constant 82 : i32
    %swap3A_998 = arith.index_cast %swap3A_997 : i32 to index
    %swap3A_999 = arith.constant 32 : index
    %swap3A_1000 = tpu.vector_load %arg8[%swap3A_998, %swap3A_999] {strides = array<i32>} : memref<1024x64xbf16, #tpu.memory_space<vmem>>, vector<1x32xbf16>,
    %swap3A_1001 = vector.shape_cast %swap3A_1000 : vector<1x32xbf16> to vector<32xbf16>
    %swap3A_1002 = vector.shape_cast %broadcast_in_dim3A_7 : vector<32xbf16> to vector<1x32xbf16>
    tpu.vector_store %arg8[%swap3A_998, %swap3A_999], %swap3A_1002 {strides = array<i32>} : memref<1024x64xbf16, #tpu.memory_space<vmem>>, vector<1x32xbf16>,
    %swap3A_1003 = arith.constant 83 : i32
    %swap3A_1004 = arith.index_cast %swap3A_1003 : i32 to index
    %swap3A_1005 = arith.constant 0 : index
    %swap3A_1006 = tpu.vector_load %arg8[%swap3A_1004, %swap3A_1005] {strides = array<i32>} : memref<1024x64xbf16, #tpu.memory_space<vmem>>, vector<1x32xbf16>,
    %swap3A_1007 = vector.shape_cast %swap3A_1006 : vector<1x32xbf16> to vector<32xbf16>
    %swap3A_1008 = vector.shape_cast %broadcast_in_dim3A_7 : vector<32xbf16> to vector<1x32xbf16>
    tpu.vector_store %arg8[%swap3A_1004, %swap3A_1005], %swap3A_1008 {strides = array<i32>} : memref<1024x64xbf16, #tpu.memory_space<vmem>>, vector<1x32xbf16>,
    %swap3A_1009 = arith.constant 83 : i32
    %swap3A_1010 = arith.index_cast %swap3A_1009 : i32 to index
    %swap3A_1011 = arith.constant 32 : index
    %swap3A_1012 = tpu.vector_load %arg8[%swap3A_1010, %swap3A_1011] {strides = array<i32>} : memref<1024x64xbf16, #tpu.memory_space<vmem>>, vector<1x32xbf16>,
    %swap3A_1013 = vector.shape_cast %swap3A_1012 : vector<1x32xbf16> to vector<32xbf16>
    %swap3A_1014 = vector.shape_cast %broadcast_in_dim3A_7 : vector<32xbf16> to vector<1x32xbf16>
    tpu.vector_store %arg8[%swap3A_1010, %swap3A_1011], %swap3A_1014 {strides = array<i32>} : memref<1024x64xbf16, #tpu.memory_space<vmem>>, vector<1x32xbf16>,
    %swap3A_1015 = arith.constant 84 : i32
    %swap3A_1016 = arith.index_cast %swap3A_1015 : i32 to index
    %swap3A_1017 = arith.constant 0 : index
    %swap3A_1018 = tpu.vector_load %arg8[%swap3A_1016, %swap3A_1017] {strides = array<i32>} : memref<1024x64xbf16, #tpu.memory_space<vmem>>, vector<1x32xbf16>,
    %swap3A_1019 = vector.shape_cast %swap3A_1018 : vector<1x32xbf16> to vector<32xbf16>
    %swap3A_1020 = vector.shape_cast %broadcast_in_dim3A_7 : vector<32xbf16> to vector<1x32xbf16>
    tpu.vector_store %arg8[%swap3A_1016, %swap3A_1017], %swap3A_1020 {strides = array<i32>} : memref<1024x64xbf16, #tpu.memory_space<vmem>>, vector<1x32xbf16>,
    %swap3A_1021 = arith.constant 84 : i32
    %swap3A_1022 = arith.index_cast %swap3A_1021 : i32 to index
    %swap3A_1023 = arith.constant 32 : index
    %swap3A_1024 = tpu.vector_load %arg8[%swap3A_1022, %swap3A_1023] {strides = array<i32>} : memref<1024x64xbf16, #tpu.memory_space<vmem>>, vector<1x32xbf16>,
    %swap3A_1025 = vector.shape_cast %swap3A_1024 : vector<1x32xbf16> to vector<32xbf16>
    %swap3A_1026 = vector.shape_cast %broadcast_in_dim3A_7 : vector<32xbf16> to vector<1x32xbf16>
    tpu.vector_store %arg8[%swap3A_1022, %swap3A_1023], %swap3A_1026 {strides = array<i32>} : memref<1024x64xbf16, #tpu.memory_space<vmem>>, vector<1x32xbf16>,
    %swap3A_1027 = arith.constant 85 : i32
    %swap3A_1028 = arith.index_cast %swap3A_1027 : i32 to index
    %swap3A_1029 = arith.constant 0 : index
    %swap3A_1030 = tpu.vector_load %arg8[%swap3A_1028, %swap3A_1029] {strides = array<i32>} : memref<1024x64xbf16, #tpu.memory_space<vmem>>, vector<1x32xbf16>,
    %swap3A_1031 = vector.shape_cast %swap3A_1030 : vector<1x32xbf16> to vector<32xbf16>
    %swap3A_1032 = vector.shape_cast %broadcast_in_dim3A_7 : vector<32xbf16> to vector<1x32xbf16>
    tpu.vector_store %arg8[%swap3A_1028, %swap3A_1029], %swap3A_1032 {strides = array<i32>} : memref<1024x64xbf16, #tpu.memory_space<vmem>>, vector<1x32xbf16>,
    %swap3A_1033 = arith.constant 85 : i32
    %swap3A_1034 = arith.index_cast %swap3A_1033 : i32 to index
    %swap3A_1035 = arith.constant 32 : index
    %swap3A_1036 = tpu.vector_load %arg8[%swap3A_1034, %swap3A_1035] {strides = array<i32>} : memref<1024x64xbf16, #tpu.memory_space<vmem>>, vector<1x32xbf16>,
    %swap3A_1037 = vector.shape_cast %swap3A_1036 : vector<1x32xbf16> to vector<32xbf16>
    %swap3A_1038 = vector.shape_cast %broadcast_in_dim3A_7 : vector<32xbf16> to vector<1x32xbf16>
    tpu.vector_store %arg8[%swap3A_1034, %swap3A_1035], %swap3A_1038 {strides = array<i32>} : memref<1024x64xbf16, #tpu.memory_space<vmem>>, vector<1x32xbf16>,
    %swap3A_1039 = arith.constant 86 : i32
    %swap3A_1040 = arith.index_cast %swap3A_1039 : i32 to index
    %swap3A_1041 = arith.constant 0 : index
    %swap3A_1042 = tpu.vector_load %arg8[%swap3A_1040, %swap3A_1041] {strides = array<i32>} : memref<1024x64xbf16, #tpu.memory_space<vmem>>, vector<1x32xbf16>,
    %swap3A_1043 = vector.shape_cast %swap3A_1042 : vector<1x32xbf16> to vector<32xbf16>
    %swap3A_1044 = vector.shape_cast %broadcast_in_dim3A_7 : vector<32xbf16> to vector<1x32xbf16>
    tpu.vector_store %arg8[%swap3A_1040, %swap3A_1041], %swap3A_1044 {strides = array<i32>} : memref<1024x64xbf16, #tpu.memory_space<vmem>>, vector<1x32xbf16>,
    %swap3A_1045 = arith.constant 86 : i32
    %swap3A_1046 = arith.index_cast %swap3A_1045 : i32 to index
    %swap3A_1047 = arith.constant 32 : index
    %swap3A_1048 = tpu.vector_load %arg8[%swap3A_1046, %swap3A_1047] {strides = array<i32>} : memref<1024x64xbf16, #tpu.memory_space<vmem>>, vector<1x32xbf16>,
    %swap3A_1049 = vector.shape_cast %swap3A_1048 : vector<1x32xbf16> to vector<32xbf16>
    %swap3A_1050 = vector.shape_cast %broadcast_in_dim3A_7 : vector<32xbf16> to vector<1x32xbf16>
    tpu.vector_store %arg8[%swap3A_1046, %swap3A_1047], %swap3A_1050 {strides = array<i32>} : memref<1024x64xbf16, #tpu.memory_space<vmem>>, vector<1x32xbf16>,
    %swap3A_1051 = arith.constant 87 : i32
    %swap3A_1052 = arith.index_cast %swap3A_1051 : i32 to index
    %swap3A_1053 = arith.constant 0 : index
    %swap3A_1054 = tpu.vector_load %arg8[%swap3A_1052, %swap3A_1053] {strides = array<i32>} : memref<1024x64xbf16, #tpu.memory_space<vmem>>, vector<1x32xbf16>,
    %swap3A_1055 = vector.shape_cast %swap3A_1054 : vector<1x32xbf16> to vector<32xbf16>
    %swap3A_1056 = vector.shape_cast %broadcast_in_dim3A_7 : vector<32xbf16> to vector<1x32xbf16>
    tpu.vector_store %arg8[%swap3A_1052, %swap3A_1053], %swap3A_1056 {strides = array<i32>} : memref<1024x64xbf16, #tpu.memory_space<vmem>>, vector<1x32xbf16>,
    %swap3A_1057 = arith.constant 87 : i32
    %swap3A_1058 = arith.index_cast %swap3A_1057 : i32 to index
    %swap3A_1059 = arith.constant 32 : index
    %swap3A_1060 = tpu.vector_load %arg8[%swap3A_1058, %swap3A_1059] {strides = array<i32>} : memref<1024x64xbf16, #tpu.memory_space<vmem>>, vector<1x32xbf16>,
    %swap3A_1061 = vector.shape_cast %swap3A_1060 : vector<1x32xbf16> to vector<32xbf16>
    %swap3A_1062 = vector.shape_cast %broadcast_in_dim3A_7 : vector<32xbf16> to vector<1x32xbf16>
    tpu.vector_store %arg8[%swap3A_1058, %swap3A_1059], %swap3A_1062 {strides = array<i32>} : memref<1024x64xbf16, #tpu.memory_space<vmem>>, vector<1x32xbf16>,
    %swap3A_1063 = arith.constant 88 : i32
    %swap3A_1064 = arith.index_cast %swap3A_1063 : i32 to index
    %swap3A_1065 = arith.constant 0 : index
    %swap3A_1066 = tpu.vector_load %arg8[%swap3A_1064, %swap3A_1065] {strides = array<i32>} : memref<1024x64xbf16, #tpu.memory_space<vmem>>, vector<1x32xbf16>,
    %swap3A_1067 = vector.shape_cast %swap3A_1066 : vector<1x32xbf16> to vector<32xbf16>
    %swap3A_1068 = vector.shape_cast %broadcast_in_dim3A_7 : vector<32xbf16> to vector<1x32xbf16>
    tpu.vector_store %arg8[%swap3A_1064, %swap3A_1065], %swap3A_1068 {strides = array<i32>} : memref<1024x64xbf16, #tpu.memory_space<vmem>>, vector<1x32xbf16>,
    %swap3A_1069 = arith.constant 88 : i32
    %swap3A_1070 = arith.index_cast %swap3A_1069 : i32 to index
    %swap3A_1071 = arith.constant 32 : index
    %swap3A_1072 = tpu.vector_load %arg8[%swap3A_1070, %swap3A_1071] {strides = array<i32>} : memref<1024x64xbf16, #tpu.memory_space<vmem>>, vector<1x32xbf16>,
    %swap3A_1073 = vector.shape_cast %swap3A_1072 : vector<1x32xbf16> to vector<32xbf16>
    %swap3A_1074 = vector.shape_cast %broadcast_in_dim3A_7 : vector<32xbf16> to vector<1x32xbf16>
    tpu.vector_store %arg8[%swap3A_1070, %swap3A_1071], %swap3A_1074 {strides = array<i32>} : memref<1024x64xbf16, #tpu.memory_space<vmem>>, vector<1x32xbf16>,
    %swap3A_1075 = arith.constant 89 : i32
    %swap3A_1076 = arith.index_cast %swap3A_1075 : i32 to index
    %swap3A_1077 = arith.constant 0 : index
    %swap3A_1078 = tpu.vector_load %arg8[%swap3A_1076, %swap3A_1077] {strides = array<i32>} : memref<1024x64xbf16, #tpu.memory_space<vmem>>, vector<1x32xbf16>,
    %swap3A_1079 = vector.shape_cast %swap3A_1078 : vector<1x32xbf16> to vector<32xbf16>
    %swap3A_1080 = vector.shape_cast %broadcast_in_dim3A_7 : vector<32xbf16> to vector<1x32xbf16>
    tpu.vector_store %arg8[%swap3A_1076, %swap3A_1077], %swap3A_1080 {strides = array<i32>} : memref<1024x64xbf16, #tpu.memory_space<vmem>>, vector<1x32xbf16>,
    %swap3A_1081 = arith.constant 89 : i32
    %swap3A_1082 = arith.index_cast %swap3A_1081 : i32 to index
    %swap3A_1083 = arith.constant 32 : index
    %swap3A_1084 = tpu.vector_load %arg8[%swap3A_1082, %swap3A_1083] {strides = array<i32>} : memref<1024x64xbf16, #tpu.memory_space<vmem>>, vector<1x32xbf16>,
    %swap3A_1085 = vector.shape_cast %swap3A_1084 : vector<1x32xbf16> to vector<32xbf16>
    %swap3A_1086 = vector.shape_cast %broadcast_in_dim3A_7 : vector<32xbf16> to vector<1x32xbf16>
    tpu.vector_store %arg8[%swap3A_1082, %swap3A_1083], %swap3A_1086 {strides = array<i32>} : memref<1024x64xbf16, #tpu.memory_space<vmem>>, vector<1x32xbf16>,
    %swap3A_1087 = arith.constant 90 : i32
    %swap3A_1088 = arith.index_cast %swap3A_1087 : i32 to index
    %swap3A_1089 = arith.constant 0 : index
    %swap3A_1090 = tpu.vector_load %arg8[%swap3A_1088, %swap3A_1089] {strides = array<i32>} : memref<1024x64xbf16, #tpu.memory_space<vmem>>, vector<1x32xbf16>,
    %swap3A_1091 = vector.shape_cast %swap3A_1090 : vector<1x32xbf16> to vector<32xbf16>
    %swap3A_1092 = vector.shape_cast %broadcast_in_dim3A_7 : vector<32xbf16> to vector<1x32xbf16>
    tpu.vector_store %arg8[%swap3A_1088, %swap3A_1089], %swap3A_1092 {strides = array<i32>} : memref<1024x64xbf16, #tpu.memory_space<vmem>>, vector<1x32xbf16>,
    %swap3A_1093 = arith.constant 90 : i32
    %swap3A_1094 = arith.index_cast %swap3A_1093 : i32 to index
    %swap3A_1095 = arith.constant 32 : index
    %swap3A_1096 = tpu.vector_load %arg8[%swap3A_1094, %swap3A_1095] {strides = array<i32>} : memref<1024x64xbf16, #tpu.memory_space<vmem>>, vector<1x32xbf16>,
    %swap3A_1097 = vector.shape_cast %swap3A_1096 : vector<1x32xbf16> to vector<32xbf16>
    %swap3A_1098 = vector.shape_cast %broadcast_in_dim3A_7 : vector<32xbf16> to vector<1x32xbf16>
    tpu.vector_store %arg8[%swap3A_1094, %swap3A_1095], %swap3A_1098 {strides = array<i32>} : memref<1024x64xbf16, #tpu.memory_space<vmem>>, vector<1x32xbf16>,
    %swap3A_1099 = arith.constant 91 : i32
    %swap3A_1100 = arith.index_cast %swap3A_1099 : i32 to index
    %swap3A_1101 = arith.constant 0 : index
    %swap3A_1102 = tpu.vector_load %arg8[%swap3A_1100, %swap3A_1101] {strides = array<i32>} : memref<1024x64xbf16, #tpu.memory_space<vmem>>, vector<1x32xbf16>,
    %swap3A_1103 = vector.shape_cast %swap3A_1102 : vector<1x32xbf16> to vector<32xbf16>
    %swap3A_1104 = vector.shape_cast %broadcast_in_dim3A_7 : vector<32xbf16> to vector<1x32xbf16>
    tpu.vector_store %arg8[%swap3A_1100, %swap3A_1101], %swap3A_1104 {strides = array<i32>} : memref<1024x64xbf16, #tpu.memory_space<vmem>>, vector<1x32xbf16>,
    %swap3A_1105 = arith.constant 91 : i32
    %swap3A_1106 = arith.index_cast %swap3A_1105 : i32 to index
    %swap3A_1107 = arith.constant 32 : index
    %swap3A_1108 = tpu.vector_load %arg8[%swap3A_1106, %swap3A_1107] {strides = array<i32>} : memref<1024x64xbf16, #tpu.memory_space<vmem>>, vector<1x32xbf16>,
    %swap3A_1109 = vector.shape_cast %swap3A_1108 : vector<1x32xbf16> to vector<32xbf16>
    %swap3A_1110 = vector.shape_cast %broadcast_in_dim3A_7 : vector<32xbf16> to vector<1x32xbf16>
    tpu.vector_store %arg8[%swap3A_1106, %swap3A_1107], %swap3A_1110 {strides = array<i32>} : memref<1024x64xbf16, #tpu.memory_space<vmem>>, vector<1x32xbf16>,
    %swap3A_1111 = arith.constant 92 : i32
    %swap3A_1112 = arith.index_cast %swap3A_1111 : i32 to index
    %swap3A_1113 = arith.constant 0 : index
    %swap3A_1114 = tpu.vector_load %arg8[%swap3A_1112, %swap3A_1113] {strides = array<i32>} : memref<1024x64xbf16, #tpu.memory_space<vmem>>, vector<1x32xbf16>,
    %swap3A_1115 = vector.shape_cast %swap3A_1114 : vector<1x32xbf16> to vector<32xbf16>
    %swap3A_1116 = vector.shape_cast %broadcast_in_dim3A_7 : vector<32xbf16> to vector<1x32xbf16>
    tpu.vector_store %arg8[%swap3A_1112, %swap3A_1113], %swap3A_1116 {strides = array<i32>} : memref<1024x64xbf16, #tpu.memory_space<vmem>>, vector<1x32xbf16>,
    %swap3A_1117 = arith.constant 92 : i32
    %swap3A_1118 = arith.index_cast %swap3A_1117 : i32 to index
    %swap3A_1119 = arith.constant 32 : index
    %swap3A_1120 = tpu.vector_load %arg8[%swap3A_1118, %swap3A_1119] {strides = array<i32>} : memref<1024x64xbf16, #tpu.memory_space<vmem>>, vector<1x32xbf16>,
    %swap3A_1121 = vector.shape_cast %swap3A_1120 : vector<1x32xbf16> to vector<32xbf16>
    %swap3A_1122 = vector.shape_cast %broadcast_in_dim3A_7 : vector<32xbf16> to vector<1x32xbf16>
    tpu.vector_store %arg8[%swap3A_1118, %swap3A_1119], %swap3A_1122 {strides = array<i32>} : memref<1024x64xbf16, #tpu.memory_space<vmem>>, vector<1x32xbf16>,
    %swap3A_1123 = arith.constant 93 : i32
    %swap3A_1124 = arith.index_cast %swap3A_1123 : i32 to index
    %swap3A_1125 = arith.constant 0 : index
    %swap3A_1126 = tpu.vector_load %arg8[%swap3A_1124, %swap3A_1125] {strides = array<i32>} : memref<1024x64xbf16, #tpu.memory_space<vmem>>, vector<1x32xbf16>,
    %swap3A_1127 = vector.shape_cast %swap3A_1126 : vector<1x32xbf16> to vector<32xbf16>
    %swap3A_1128 = vector.shape_cast %broadcast_in_dim3A_7 : vector<32xbf16> to vector<1x32xbf16>
    tpu.vector_store %arg8[%swap3A_1124, %swap3A_1125], %swap3A_1128 {strides = array<i32>} : memref<1024x64xbf16, #tpu.memory_space<vmem>>, vector<1x32xbf16>,
    %swap3A_1129 = arith.constant 93 : i32
    %swap3A_1130 = arith.index_cast %swap3A_1129 : i32 to index
    %swap3A_1131 = arith.constant 32 : index
    %swap3A_1132 = tpu.vector_load %arg8[%swap3A_1130, %swap3A_1131] {strides = array<i32>} : memref<1024x64xbf16, #tpu.memory_space<vmem>>, vector<1x32xbf16>,
    %swap3A_1133 = vector.shape_cast %swap3A_1132 : vector<1x32xbf16> to vector<32xbf16>
    %swap3A_1134 = vector.shape_cast %broadcast_in_dim3A_7 : vector<32xbf16> to vector<1x32xbf16>
    tpu.vector_store %arg8[%swap3A_1130, %swap3A_1131], %swap3A_1134 {strides = array<i32>} : memref<1024x64xbf16, #tpu.memory_space<vmem>>, vector<1x32xbf16>,
    %swap3A_1135 = arith.constant 94 : i32
    %swap3A_1136 = arith.index_cast %swap3A_1135 : i32 to index
    %swap3A_1137 = arith.constant 0 : index
    %swap3A_1138 = tpu.vector_load %arg8[%swap3A_1136, %swap3A_1137] {strides = array<i32>} : memref<1024x64xbf16, #tpu.memory_space<vmem>>, vector<1x32xbf16>,
    %swap3A_1139 = vector.shape_cast %swap3A_1138 : vector<1x32xbf16> to vector<32xbf16>
    %swap3A_1140 = vector.shape_cast %broadcast_in_dim3A_7 : vector<32xbf16> to vector<1x32xbf16>
    tpu.vector_store %arg8[%swap3A_1136, %swap3A_1137], %swap3A_1140 {strides = array<i32>} : memref<1024x64xbf16, #tpu.memory_space<vmem>>, vector<1x32xbf16>,
    %swap3A_1141 = arith.constant 94 : i32
    %swap3A_1142 = arith.index_cast %swap3A_1141 : i32 to index
    %swap3A_1143 = arith.constant 32 : index
    %swap3A_1144 = tpu.vector_load %arg8[%swap3A_1142, %swap3A_1143] {strides = array<i32>} : memref<1024x64xbf16, #tpu.memory_space<vmem>>, vector<1x32xbf16>,
    %swap3A_1145 = vector.shape_cast %swap3A_1144 : vector<1x32xbf16> to vector<32xbf16>
    %swap3A_1146 = vector.shape_cast %broadcast_in_dim3A_7 : vector<32xbf16> to vector<1x32xbf16>
    tpu.vector_store %arg8[%swap3A_1142, %swap3A_1143], %swap3A_1146 {strides = array<i32>} : memref<1024x64xbf16, #tpu.memory_space<vmem>>, vector<1x32xbf16>,
    %swap3A_1147 = arith.constant 95 : i32
    %swap3A_1148 = arith.index_cast %swap3A_1147 : i32 to index
    %swap3A_1149 = arith.constant 0 : index
    %swap3A_1150 = tpu.vector_load %arg8[%swap3A_1148, %swap3A_1149] {strides = array<i32>} : memref<1024x64xbf16, #tpu.memory_space<vmem>>, vector<1x32xbf16>,
    %swap3A_1151 = vector.shape_cast %swap3A_1150 : vector<1x32xbf16> to vector<32xbf16>
    %swap3A_1152 = vector.shape_cast %broadcast_in_dim3A_7 : vector<32xbf16> to vector<1x32xbf16>
    tpu.vector_store %arg8[%swap3A_1148, %swap3A_1149], %swap3A_1152 {strides = array<i32>} : memref<1024x64xbf16, #tpu.memory_space<vmem>>, vector<1x32xbf16>,
    %swap3A_1153 = arith.constant 95 : i32
    %swap3A_1154 = arith.index_cast %swap3A_1153 : i32 to index
    %swap3A_1155 = arith.constant 32 : index
    %swap3A_1156 = tpu.vector_load %arg8[%swap3A_1154, %swap3A_1155] {strides = array<i32>} : memref<1024x64xbf16, #tpu.memory_space<vmem>>, vector<1x32xbf16>,
    %swap3A_1157 = vector.shape_cast %swap3A_1156 : vector<1x32xbf16> to vector<32xbf16>
    %swap3A_1158 = vector.shape_cast %broadcast_in_dim3A_7 : vector<32xbf16> to vector<1x32xbf16>
    tpu.vector_store %arg8[%swap3A_1154, %swap3A_1155], %swap3A_1158 {strides = array<i32>} : memref<1024x64xbf16, #tpu.memory_space<vmem>>, vector<1x32xbf16>,
    %swap3A_1159 = arith.constant 96 : i32
    %swap3A_1160 = arith.index_cast %swap3A_1159 : i32 to index
    %swap3A_1161 = arith.constant 0 : index
    %swap3A_1162 = tpu.vector_load %arg8[%swap3A_1160, %swap3A_1161] {strides = array<i32>} : memref<1024x64xbf16, #tpu.memory_space<vmem>>, vector<1x32xbf16>,
    %swap3A_1163 = vector.shape_cast %swap3A_1162 : vector<1x32xbf16> to vector<32xbf16>
    %swap3A_1164 = vector.shape_cast %broadcast_in_dim3A_7 : vector<32xbf16> to vector<1x32xbf16>
    tpu.vector_store %arg8[%swap3A_1160, %swap3A_1161], %swap3A_1164 {strides = array<i32>} : memref<1024x64xbf16, #tpu.memory_space<vmem>>, vector<1x32xbf16>,
    %swap3A_1165 = arith.constant 96 : i32
    %swap3A_1166 = arith.index_cast %swap3A_1165 : i32 to index
    %swap3A_1167 = arith.constant 32 : index
    %swap3A_1168 = tpu.vector_load %arg8[%swap3A_1166, %swap3A_1167] {strides = array<i32>} : memref<1024x64xbf16, #tpu.memory_space<vmem>>, vector<1x32xbf16>,
    %swap3A_1169 = vector.shape_cast %swap3A_1168 : vector<1x32xbf16> to vector<32xbf16>
    %swap3A_1170 = vector.shape_cast %broadcast_in_dim3A_7 : vector<32xbf16> to vector<1x32xbf16>
    tpu.vector_store %arg8[%swap3A_1166, %swap3A_1167], %swap3A_1170 {strides = array<i32>} : memref<1024x64xbf16, #tpu.memory_space<vmem>>, vector<1x32xbf16>,
    %swap3A_1171 = arith.constant 97 : i32
    %swap3A_1172 = arith.index_cast %swap3A_1171 : i32 to index
    %swap3A_1173 = arith.constant 0 : index
    %swap3A_1174 = tpu.vector_load %arg8[%swap3A_1172, %swap3A_1173] {strides = array<i32>} : memref<1024x64xbf16, #tpu.memory_space<vmem>>, vector<1x32xbf16>,
    %swap3A_1175 = vector.shape_cast %swap3A_1174 : vector<1x32xbf16> to vector<32xbf16>
    %swap3A_1176 = vector.shape_cast %broadcast_in_dim3A_7 : vector<32xbf16> to vector<1x32xbf16>
    tpu.vector_store %arg8[%swap3A_1172, %swap3A_1173], %swap3A_1176 {strides = array<i32>} : memref<1024x64xbf16, #tpu.memory_space<vmem>>, vector<1x32xbf16>,
    %swap3A_1177 = arith.constant 97 : i32
    %swap3A_1178 = arith.index_cast %swap3A_1177 : i32 to index
    %swap3A_1179 = arith.constant 32 : index
    %swap3A_1180 = tpu.vector_load %arg8[%swap3A_1178, %swap3A_1179] {strides = array<i32>} : memref<1024x64xbf16, #tpu.memory_space<vmem>>, vector<1x32xbf16>,
    %swap3A_1181 = vector.shape_cast %swap3A_1180 : vector<1x32xbf16> to vector<32xbf16>
    %swap3A_1182 = vector.shape_cast %broadcast_in_dim3A_7 : vector<32xbf16> to vector<1x32xbf16>
    tpu.vector_store %arg8[%swap3A_1178, %swap3A_1179], %swap3A_1182 {strides = array<i32>} : memref<1024x64xbf16, #tpu.memory_space<vmem>>, vector<1x32xbf16>,
    %swap3A_1183 = arith.constant 98 : i32
    %swap3A_1184 = arith.index_cast %swap3A_1183 : i32 to index
    %swap3A_1185 = arith.constant 0 : index
    %swap3A_1186 = tpu.vector_load %arg8[%swap3A_1184, %swap3A_1185] {strides = array<i32>} : memref<1024x64xbf16, #tpu.memory_space<vmem>>, vector<1x32xbf16>,
    %swap3A_1187 = vector.shape_cast %swap3A_1186 : vector<1x32xbf16> to vector<32xbf16>
    %swap3A_1188 = vector.shape_cast %broadcast_in_dim3A_7 : vector<32xbf16> to vector<1x32xbf16>
    tpu.vector_store %arg8[%swap3A_1184, %swap3A_1185], %swap3A_1188 {strides = array<i32>} : memref<1024x64xbf16, #tpu.memory_space<vmem>>, vector<1x32xbf16>,
    %swap3A_1189 = arith.constant 98 : i32
    %swap3A_1190 = arith.index_cast %swap3A_1189 : i32 to index
    %swap3A_1191 = arith.constant 32 : index
    %swap3A_1192 = tpu.vector_load %arg8[%swap3A_1190, %swap3A_1191] {strides = array<i32>} : memref<1024x64xbf16, #tpu.memory_space<vmem>>, vector<1x32xbf16>,
    %swap3A_1193 = vector.shape_cast %swap3A_1192 : vector<1x32xbf16> to vector<32xbf16>
    %swap3A_1194 = vector.shape_cast %broadcast_in_dim3A_7 : vector<32xbf16> to vector<1x32xbf16>
    tpu.vector_store %arg8[%swap3A_1190, %swap3A_1191], %swap3A_1194 {strides = array<i32>} : memref<1024x64xbf16, #tpu.memory_space<vmem>>, vector<1x32xbf16>,
    %swap3A_1195 = arith.constant 99 : i32
    %swap3A_1196 = arith.index_cast %swap3A_1195 : i32 to index
    %swap3A_1197 = arith.constant 0 : index
    %swap3A_1198 = tpu.vector_load %arg8[%swap3A_1196, %swap3A_1197] {strides = array<i32>} : memref<1024x64xbf16, #tpu.memory_space<vmem>>, vector<1x32xbf16>,
    %swap3A_1199 = vector.shape_cast %swap3A_1198 : vector<1x32xbf16> to vector<32xbf16>
    %swap3A_1200 = vector.shape_cast %broadcast_in_dim3A_7 : vector<32xbf16> to vector<1x32xbf16>
    tpu.vector_store %arg8[%swap3A_1196, %swap3A_1197], %swap3A_1200 {strides = array<i32>} : memref<1024x64xbf16, #tpu.memory_space<vmem>>, vector<1x32xbf16>,
    %swap3A_1201 = arith.constant 99 : i32
    %swap3A_1202 = arith.index_cast %swap3A_1201 : i32 to index
    %swap3A_1203 = arith.constant 32 : index
    %swap3A_1204 = tpu.vector_load %arg8[%swap3A_1202, %swap3A_1203] {strides = array<i32>} : memref<1024x64xbf16, #tpu.memory_space<vmem>>, vector<1x32xbf16>,
    %swap3A_1205 = vector.shape_cast %swap3A_1204 : vector<1x32xbf16> to vector<32xbf16>
    %swap3A_1206 = vector.shape_cast %broadcast_in_dim3A_7 : vector<32xbf16> to vector<1x32xbf16>
    tpu.vector_store %arg8[%swap3A_1202, %swap3A_1203], %swap3A_1206 {strides = array<i32>} : memref<1024x64xbf16, #tpu.memory_space<vmem>>, vector<1x32xbf16>,
    %swap3A_1207 = arith.constant 100 : i32
    %swap3A_1208 = arith.index_cast %swap3A_1207 : i32 to index
    %swap3A_1209 = arith.constant 0 : index
    %swap3A_1210 = tpu.vector_load %arg8[%swap3A_1208, %swap3A_1209] {strides = array<i32>} : memref<1024x64xbf16, #tpu.memory_space<vmem>>, vector<1x32xbf16>,
    %swap3A_1211 = vector.shape_cast %swap3A_1210 : vector<1x32xbf16> to vector<32xbf16>
    %swap3A_1212 = vector.shape_cast %broadcast_in_dim3A_7 : vector<32xbf16> to vector<1x32xbf16>
    tpu.vector_store %arg8[%swap3A_1208, %swap3A_1209], %swap3A_1212 {strides = array<i32>} : memref<1024x64xbf16, #tpu.memory_space<vmem>>, vector<1x32xbf16>,
    %swap3A_1213 = arith.constant 100 : i32
    %swap3A_1214 = arith.index_cast %swap3A_1213 : i32 to index
    %swap3A_1215 = arith.constant 32 : index
    %swap3A_1216 = tpu.vector_load %arg8[%swap3A_1214, %swap3A_1215] {strides = array<i32>} : memref<1024x64xbf16, #tpu.memory_space<vmem>>, vector<1x32xbf16>,
    %swap3A_1217 = vector.shape_cast %swap3A_1216 : vector<1x32xbf16> to vector<32xbf16>
    %swap3A_1218 = vector.shape_cast %broadcast_in_dim3A_7 : vector<32xbf16> to vector<1x32xbf16>
    tpu.vector_store %arg8[%swap3A_1214, %swap3A_1215], %swap3A_1218 {strides = array<i32>} : memref<1024x64xbf16, #tpu.memory_space<vmem>>, vector<1x32xbf16>,
    %swap3A_1219 = arith.constant 101 : i32
    %swap3A_1220 = arith.index_cast %swap3A_1219 : i32 to index
    %swap3A_1221 = arith.constant 0 : index
    %swap3A_1222 = tpu.vector_load %arg8[%swap3A_1220, %swap3A_1221] {strides = array<i32>} : memref<1024x64xbf16, #tpu.memory_space<vmem>>, vector<1x32xbf16>,
    %swap3A_1223 = vector.shape_cast %swap3A_1222 : vector<1x32xbf16> to vector<32xbf16>
    %swap3A_1224 = vector.shape_cast %broadcast_in_dim3A_7 : vector<32xbf16> to vector<1x32xbf16>
    tpu.vector_store %arg8[%swap3A_1220, %swap3A_1221], %swap3A_1224 {strides = array<i32>} : memref<1024x64xbf16, #tpu.memory_space<vmem>>, vector<1x32xbf16>,
    %swap3A_1225 = arith.constant 101 : i32
    %swap3A_1226 = arith.index_cast %swap3A_1225 : i32 to index
    %swap3A_1227 = arith.constant 32 : index
    %swap3A_1228 = tpu.vector_load %arg8[%swap3A_1226, %swap3A_1227] {strides = array<i32>} : memref<1024x64xbf16, #tpu.memory_space<vmem>>, vector<1x32xbf16>,
    %swap3A_1229 = vector.shape_cast %swap3A_1228 : vector<1x32xbf16> to vector<32xbf16>
    %swap3A_1230 = vector.shape_cast %broadcast_in_dim3A_7 : vector<32xbf16> to vector<1x32xbf16>
    tpu.vector_store %arg8[%swap3A_1226, %swap3A_1227], %swap3A_1230 {strides = array<i32>} : memref<1024x64xbf16, #tpu.memory_space<vmem>>, vector<1x32xbf16>,
    %swap3A_1231 = arith.constant 102 : i32
    %swap3A_1232 = arith.index_cast %swap3A_1231 : i32 to index
    %swap3A_1233 = arith.constant 0 : index
    %swap3A_1234 = tpu.vector_load %arg8[%swap3A_1232, %swap3A_1233] {strides = array<i32>} : memref<1024x64xbf16, #tpu.memory_space<vmem>>, vector<1x32xbf16>,
    %swap3A_1235 = vector.shape_cast %swap3A_1234 : vector<1x32xbf16> to vector<32xbf16>
    %swap3A_1236 = vector.shape_cast %broadcast_in_dim3A_7 : vector<32xbf16> to vector<1x32xbf16>
    tpu.vector_store %arg8[%swap3A_1232, %swap3A_1233], %swap3A_1236 {strides = array<i32>} : memref<1024x64xbf16, #tpu.memory_space<vmem>>, vector<1x32xbf16>,
    %swap3A_1237 = arith.constant 102 : i32
    %swap3A_1238 = arith.index_cast %swap3A_1237 : i32 to index
    %swap3A_1239 = arith.constant 32 : index
    %swap3A_1240 = tpu.vector_load %arg8[%swap3A_1238, %swap3A_1239] {strides = array<i32>} : memref<1024x64xbf16, #tpu.memory_space<vmem>>, vector<1x32xbf16>,
    %swap3A_1241 = vector.shape_cast %swap3A_1240 : vector<1x32xbf16> to vector<32xbf16>
    %swap3A_1242 = vector.shape_cast %broadcast_in_dim3A_7 : vector<32xbf16> to vector<1x32xbf16>
    tpu.vector_store %arg8[%swap3A_1238, %swap3A_1239], %swap3A_1242 {strides = array<i32>} : memref<1024x64xbf16, #tpu.memory_space<vmem>>, vector<1x32xbf16>,
    %swap3A_1243 = arith.constant 103 : i32
    %swap3A_1244 = arith.index_cast %swap3A_1243 : i32 to index
    %swap3A_1245 = arith.constant 0 : index
    %swap3A_1246 = tpu.vector_load %arg8[%swap3A_1244, %swap3A_1245] {strides = array<i32>} : memref<1024x64xbf16, #tpu.memory_space<vmem>>, vector<1x32xbf16>,
    %swap3A_1247 = vector.shape_cast %swap3A_1246 : vector<1x32xbf16> to vector<32xbf16>
    %swap3A_1248 = vector.shape_cast %broadcast_in_dim3A_7 : vector<32xbf16> to vector<1x32xbf16>
    tpu.vector_store %arg8[%swap3A_1244, %swap3A_1245], %swap3A_1248 {strides = array<i32>} : memref<1024x64xbf16, #tpu.memory_space<vmem>>, vector<1x32xbf16>,
    %swap3A_1249 = arith.constant 103 : i32
    %swap3A_1250 = arith.index_cast %swap3A_1249 : i32 to index
    %swap3A_1251 = arith.constant 32 : index
    %swap3A_1252 = tpu.vector_load %arg8[%swap3A_1250, %swap3A_1251] {strides = array<i32>} : memref<1024x64xbf16, #tpu.memory_space<vmem>>, vector<1x32xbf16>,
    %swap3A_1253 = vector.shape_cast %swap3A_1252 : vector<1x32xbf16> to vector<32xbf16>
    %swap3A_1254 = vector.shape_cast %broadcast_in_dim3A_7 : vector<32xbf16> to vector<1x32xbf16>
    tpu.vector_store %arg8[%swap3A_1250, %swap3A_1251], %swap3A_1254 {strides = array<i32>} : memref<1024x64xbf16, #tpu.memory_space<vmem>>, vector<1x32xbf16>,
    %swap3A_1255 = arith.constant 104 : i32
    %swap3A_1256 = arith.index_cast %swap3A_1255 : i32 to index
    %swap3A_1257 = arith.constant 0 : index
    %swap3A_1258 = tpu.vector_load %arg8[%swap3A_1256, %swap3A_1257] {strides = array<i32>} : memref<1024x64xbf16, #tpu.memory_space<vmem>>, vector<1x32xbf16>,
    %swap3A_1259 = vector.shape_cast %swap3A_1258 : vector<1x32xbf16> to vector<32xbf16>
    %swap3A_1260 = vector.shape_cast %broadcast_in_dim3A_7 : vector<32xbf16> to vector<1x32xbf16>
    tpu.vector_store %arg8[%swap3A_1256, %swap3A_1257], %swap3A_1260 {strides = array<i32>} : memref<1024x64xbf16, #tpu.memory_space<vmem>>, vector<1x32xbf16>,
    %swap3A_1261 = arith.constant 104 : i32
    %swap3A_1262 = arith.index_cast %swap3A_1261 : i32 to index
    %swap3A_1263 = arith.constant 32 : index
    %swap3A_1264 = tpu.vector_load %arg8[%swap3A_1262, %swap3A_1263] {strides = array<i32>} : memref<1024x64xbf16, #tpu.memory_space<vmem>>, vector<1x32xbf16>,
    %swap3A_1265 = vector.shape_cast %swap3A_1264 : vector<1x32xbf16> to vector<32xbf16>
    %swap3A_1266 = vector.shape_cast %broadcast_in_dim3A_7 : vector<32xbf16> to vector<1x32xbf16>
    tpu.vector_store %arg8[%swap3A_1262, %swap3A_1263], %swap3A_1266 {strides = array<i32>} : memref<1024x64xbf16, #tpu.memory_space<vmem>>, vector<1x32xbf16>,
    %swap3A_1267 = arith.constant 105 : i32
    %swap3A_1268 = arith.index_cast %swap3A_1267 : i32 to index
    %swap3A_1269 = arith.constant 0 : index
    %swap3A_1270 = tpu.vector_load %arg8[%swap3A_1268, %swap3A_1269] {strides = array<i32>} : memref<1024x64xbf16, #tpu.memory_space<vmem>>, vector<1x32xbf16>,
    %swap3A_1271 = vector.shape_cast %swap3A_1270 : vector<1x32xbf16> to vector<32xbf16>
    %swap3A_1272 = vector.shape_cast %broadcast_in_dim3A_7 : vector<32xbf16> to vector<1x32xbf16>
    tpu.vector_store %arg8[%swap3A_1268, %swap3A_1269], %swap3A_1272 {strides = array<i32>} : memref<1024x64xbf16, #tpu.memory_space<vmem>>, vector<1x32xbf16>,
    %swap3A_1273 = arith.constant 105 : i32
    %swap3A_1274 = arith.index_cast %swap3A_1273 : i32 to index
    %swap3A_1275 = arith.constant 32 : index
    %swap3A_1276 = tpu.vector_load %arg8[%swap3A_1274, %swap3A_1275] {strides = array<i32>} : memref<1024x64xbf16, #tpu.memory_space<vmem>>, vector<1x32xbf16>,
    %swap3A_1277 = vector.shape_cast %swap3A_1276 : vector<1x32xbf16> to vector<32xbf16>
    %swap3A_1278 = vector.shape_cast %broadcast_in_dim3A_7 : vector<32xbf16> to vector<1x32xbf16>
    tpu.vector_store %arg8[%swap3A_1274, %swap3A_1275], %swap3A_1278 {strides = array<i32>} : memref<1024x64xbf16, #tpu.memory_space<vmem>>, vector<1x32xbf16>,
    %swap3A_1279 = arith.constant 106 : i32
    %swap3A_1280 = arith.index_cast %swap3A_1279 : i32 to index
    %swap3A_1281 = arith.constant 0 : index
    %swap3A_1282 = tpu.vector_load %arg8[%swap3A_1280, %swap3A_1281] {strides = array<i32>} : memref<1024x64xbf16, #tpu.memory_space<vmem>>, vector<1x32xbf16>,
    %swap3A_1283 = vector.shape_cast %swap3A_1282 : vector<1x32xbf16> to vector<32xbf16>
    %swap3A_1284 = vector.shape_cast %broadcast_in_dim3A_7 : vector<32xbf16> to vector<1x32xbf16>
    tpu.vector_store %arg8[%swap3A_1280, %swap3A_1281], %swap3A_1284 {strides = array<i32>} : memref<1024x64xbf16, #tpu.memory_space<vmem>>, vector<1x32xbf16>,
    %swap3A_1285 = arith.constant 106 : i32
    %swap3A_1286 = arith.index_cast %swap3A_1285 : i32 to index
    %swap3A_1287 = arith.constant 32 : index
    %swap3A_1288 = tpu.vector_load %arg8[%swap3A_1286, %swap3A_1287] {strides = array<i32>} : memref<1024x64xbf16, #tpu.memory_space<vmem>>, vector<1x32xbf16>,
    %swap3A_1289 = vector.shape_cast %swap3A_1288 : vector<1x32xbf16> to vector<32xbf16>
    %swap3A_1290 = vector.shape_cast %broadcast_in_dim3A_7 : vector<32xbf16> to vector<1x32xbf16>
    tpu.vector_store %arg8[%swap3A_1286, %swap3A_1287], %swap3A_1290 {strides = array<i32>} : memref<1024x64xbf16, #tpu.memory_space<vmem>>, vector<1x32xbf16>,
    %swap3A_1291 = arith.constant 107 : i32
    %swap3A_1292 = arith.index_cast %swap3A_1291 : i32 to index
    %swap3A_1293 = arith.constant 0 : index
    %swap3A_1294 = tpu.vector_load %arg8[%swap3A_1292, %swap3A_1293] {strides = array<i32>} : memref<1024x64xbf16, #tpu.memory_space<vmem>>, vector<1x32xbf16>,
    %swap3A_1295 = vector.shape_cast %swap3A_1294 : vector<1x32xbf16> to vector<32xbf16>
    %swap3A_1296 = vector.shape_cast %broadcast_in_dim3A_7 : vector<32xbf16> to vector<1x32xbf16>
    tpu.vector_store %arg8[%swap3A_1292, %swap3A_1293], %swap3A_1296 {strides = array<i32>} : memref<1024x64xbf16, #tpu.memory_space<vmem>>, vector<1x32xbf16>,
    %swap3A_1297 = arith.constant 107 : i32
    %swap3A_1298 = arith.index_cast %swap3A_1297 : i32 to index
    %swap3A_1299 = arith.constant 32 : index
    %swap3A_1300 = tpu.vector_load %arg8[%swap3A_1298, %swap3A_1299] {strides = array<i32>} : memref<1024x64xbf16, #tpu.memory_space<vmem>>, vector<1x32xbf16>,
    %swap3A_1301 = vector.shape_cast %swap3A_1300 : vector<1x32xbf16> to vector<32xbf16>
    %swap3A_1302 = vector.shape_cast %broadcast_in_dim3A_7 : vector<32xbf16> to vector<1x32xbf16>
    tpu.vector_store %arg8[%swap3A_1298, %swap3A_1299], %swap3A_1302 {strides = array<i32>} : memref<1024x64xbf16, #tpu.memory_space<vmem>>, vector<1x32xbf16>,
    %swap3A_1303 = arith.constant 108 : i32
    %swap3A_1304 = arith.index_cast %swap3A_1303 : i32 to index
    %swap3A_1305 = arith.constant 0 : index
    %swap3A_1306 = tpu.vector_load %arg8[%swap3A_1304, %swap3A_1305] {strides = array<i32>} : memref<1024x64xbf16, #tpu.memory_space<vmem>>, vector<1x32xbf16>,
    %swap3A_1307 = vector.shape_cast %swap3A_1306 : vector<1x32xbf16> to vector<32xbf16>
    %swap3A_1308 = vector.shape_cast %broadcast_in_dim3A_7 : vector<32xbf16> to vector<1x32xbf16>
    tpu.vector_store %arg8[%swap3A_1304, %swap3A_1305], %swap3A_1308 {strides = array<i32>} : memref<1024x64xbf16, #tpu.memory_space<vmem>>, vector<1x32xbf16>,
    %swap3A_1309 = arith.constant 108 : i32
    %swap3A_1310 = arith.index_cast %swap3A_1309 : i32 to index
    %swap3A_1311 = arith.constant 32 : index
    %swap3A_1312 = tpu.vector_load %arg8[%swap3A_1310, %swap3A_1311] {strides = array<i32>} : memref<1024x64xbf16, #tpu.memory_space<vmem>>, vector<1x32xbf16>,
    %swap3A_1313 = vector.shape_cast %swap3A_1312 : vector<1x32xbf16> to vector<32xbf16>
    %swap3A_1314 = vector.shape_cast %broadcast_in_dim3A_7 : vector<32xbf16> to vector<1x32xbf16>
    tpu.vector_store %arg8[%swap3A_1310, %swap3A_1311], %swap3A_1314 {strides = array<i32>} : memref<1024x64xbf16, #tpu.memory_space<vmem>>, vector<1x32xbf16>,
    %swap3A_1315 = arith.constant 109 : i32
    %swap3A_1316 = arith.index_cast %swap3A_1315 : i32 to index
    %swap3A_1317 = arith.constant 0 : index
    %swap3A_1318 = tpu.vector_load %arg8[%swap3A_1316, %swap3A_1317] {strides = array<i32>} : memref<1024x64xbf16, #tpu.memory_space<vmem>>, vector<1x32xbf16>,
    %swap3A_1319 = vector.shape_cast %swap3A_1318 : vector<1x32xbf16> to vector<32xbf16>
    %swap3A_1320 = vector.shape_cast %broadcast_in_dim3A_7 : vector<32xbf16> to vector<1x32xbf16>
    tpu.vector_store %arg8[%swap3A_1316, %swap3A_1317], %swap3A_1320 {strides = array<i32>} : memref<1024x64xbf16, #tpu.memory_space<vmem>>, vector<1x32xbf16>,
    %swap3A_1321 = arith.constant 109 : i32
    %swap3A_1322 = arith.index_cast %swap3A_1321 : i32 to index
    %swap3A_1323 = arith.constant 32 : index
    %swap3A_1324 = tpu.vector_load %arg8[%swap3A_1322, %swap3A_1323] {strides = array<i32>} : memref<1024x64xbf16, #tpu.memory_space<vmem>>, vector<1x32xbf16>,
    %swap3A_1325 = vector.shape_cast %swap3A_1324 : vector<1x32xbf16> to vector<32xbf16>
    %swap3A_1326 = vector.shape_cast %broadcast_in_dim3A_7 : vector<32xbf16> to vector<1x32xbf16>
    tpu.vector_store %arg8[%swap3A_1322, %swap3A_1323], %swap3A_1326 {strides = array<i32>} : memref<1024x64xbf16, #tpu.memory_space<vmem>>, vector<1x32xbf16>,
    %swap3A_1327 = arith.constant 110 : i32
    %swap3A_1328 = arith.index_cast %swap3A_1327 : i32 to index
    %swap3A_1329 = arith.constant 0 : index
    %swap3A_1330 = tpu.vector_load %arg8[%swap3A_1328, %swap3A_1329] {strides = array<i32>} : memref<1024x64xbf16, #tpu.memory_space<vmem>>, vector<1x32xbf16>,
    %swap3A_1331 = vector.shape_cast %swap3A_1330 : vector<1x32xbf16> to vector<32xbf16>
    %swap3A_1332 = vector.shape_cast %broadcast_in_dim3A_7 : vector<32xbf16> to vector<1x32xbf16>
    tpu.vector_store %arg8[%swap3A_1328, %swap3A_1329], %swap3A_1332 {strides = array<i32>} : memref<1024x64xbf16, #tpu.memory_space<vmem>>, vector<1x32xbf16>,
    %swap3A_1333 = arith.constant 110 : i32
    %swap3A_1334 = arith.index_cast %swap3A_1333 : i32 to index
    %swap3A_1335 = arith.constant 32 : index
    %swap3A_1336 = tpu.vector_load %arg8[%swap3A_1334, %swap3A_1335] {strides = array<i32>} : memref<1024x64xbf16, #tpu.memory_space<vmem>>, vector<1x32xbf16>,
    %swap3A_1337 = vector.shape_cast %swap3A_1336 : vector<1x32xbf16> to vector<32xbf16>
    %swap3A_1338 = vector.shape_cast %broadcast_in_dim3A_7 : vector<32xbf16> to vector<1x32xbf16>
    tpu.vector_store %arg8[%swap3A_1334, %swap3A_1335], %swap3A_1338 {strides = array<i32>} : memref<1024x64xbf16, #tpu.memory_space<vmem>>, vector<1x32xbf16>,
    %swap3A_1339 = arith.constant 111 : i32
    %swap3A_1340 = arith.index_cast %swap3A_1339 : i32 to index
    %swap3A_1341 = arith.constant 0 : index
    %swap3A_1342 = tpu.vector_load %arg8[%swap3A_1340, %swap3A_1341] {strides = array<i32>} : memref<1024x64xbf16, #tpu.memory_space<vmem>>, vector<1x32xbf16>,
    %swap3A_1343 = vector.shape_cast %swap3A_1342 : vector<1x32xbf16> to vector<32xbf16>
    %swap3A_1344 = vector.shape_cast %broadcast_in_dim3A_7 : vector<32xbf16> to vector<1x32xbf16>
    tpu.vector_store %arg8[%swap3A_1340, %swap3A_1341], %swap3A_1344 {strides = array<i32>} : memref<1024x64xbf16, #tpu.memory_space<vmem>>, vector<1x32xbf16>,
    %swap3A_1345 = arith.constant 111 : i32
    %swap3A_1346 = arith.index_cast %swap3A_1345 : i32 to index
    %swap3A_1347 = arith.constant 32 : index
    %swap3A_1348 = tpu.vector_load %arg8[%swap3A_1346, %swap3A_1347] {strides = array<i32>} : memref<1024x64xbf16, #tpu.memory_space<vmem>>, vector<1x32xbf16>,
    %swap3A_1349 = vector.shape_cast %swap3A_1348 : vector<1x32xbf16> to vector<32xbf16>
    %swap3A_1350 = vector.shape_cast %broadcast_in_dim3A_7 : vector<32xbf16> to vector<1x32xbf16>
    tpu.vector_store %arg8[%swap3A_1346, %swap3A_1347], %swap3A_1350 {strides = array<i32>} : memref<1024x64xbf16, #tpu.memory_space<vmem>>, vector<1x32xbf16>,
    %swap3A_1351 = arith.constant 112 : i32
    %swap3A_1352 = arith.index_cast %swap3A_1351 : i32 to index
    %swap3A_1353 = arith.constant 0 : index
    %swap3A_1354 = tpu.vector_load %arg8[%swap3A_1352, %swap3A_1353] {strides = array<i32>} : memref<1024x64xbf16, #tpu.memory_space<vmem>>, vector<1x32xbf16>,
    %swap3A_1355 = vector.shape_cast %swap3A_1354 : vector<1x32xbf16> to vector<32xbf16>
    %swap3A_1356 = vector.shape_cast %broadcast_in_dim3A_7 : vector<32xbf16> to vector<1x32xbf16>
    tpu.vector_store %arg8[%swap3A_1352, %swap3A_1353], %swap3A_1356 {strides = array<i32>} : memref<1024x64xbf16, #tpu.memory_space<vmem>>, vector<1x32xbf16>,
    %swap3A_1357 = arith.constant 112 : i32
    %swap3A_1358 = arith.index_cast %swap3A_1357 : i32 to index
    %swap3A_1359 = arith.constant 32 : index
    %swap3A_1360 = tpu.vector_load %arg8[%swap3A_1358, %swap3A_1359] {strides = array<i32>} : memref<1024x64xbf16, #tpu.memory_space<vmem>>, vector<1x32xbf16>,
    %swap3A_1361 = vector.shape_cast %swap3A_1360 : vector<1x32xbf16> to vector<32xbf16>
    %swap3A_1362 = vector.shape_cast %broadcast_in_dim3A_7 : vector<32xbf16> to vector<1x32xbf16>
    tpu.vector_store %arg8[%swap3A_1358, %swap3A_1359], %swap3A_1362 {strides = array<i32>} : memref<1024x64xbf16, #tpu.memory_space<vmem>>, vector<1x32xbf16>,
    %swap3A_1363 = arith.constant 113 : i32
    %swap3A_1364 = arith.index_cast %swap3A_1363 : i32 to index
    %swap3A_1365 = arith.constant 0 : index
    %swap3A_1366 = tpu.vector_load %arg8[%swap3A_1364, %swap3A_1365] {strides = array<i32>} : memref<1024x64xbf16, #tpu.memory_space<vmem>>, vector<1x32xbf16>,
    %swap3A_1367 = vector.shape_cast %swap3A_1366 : vector<1x32xbf16> to vector<32xbf16>
    %swap3A_1368 = vector.shape_cast %broadcast_in_dim3A_7 : vector<32xbf16> to vector<1x32xbf16>
    tpu.vector_store %arg8[%swap3A_1364, %swap3A_1365], %swap3A_1368 {strides = array<i32>} : memref<1024x64xbf16, #tpu.memory_space<vmem>>, vector<1x32xbf16>,
    %swap3A_1369 = arith.constant 113 : i32
    %swap3A_1370 = arith.index_cast %swap3A_1369 : i32 to index
    %swap3A_1371 = arith.constant 32 : index
    %swap3A_1372 = tpu.vector_load %arg8[%swap3A_1370, %swap3A_1371] {strides = array<i32>} : memref<1024x64xbf16, #tpu.memory_space<vmem>>, vector<1x32xbf16>,
    %swap3A_1373 = vector.shape_cast %swap3A_1372 : vector<1x32xbf16> to vector<32xbf16>
    %swap3A_1374 = vector.shape_cast %broadcast_in_dim3A_7 : vector<32xbf16> to vector<1x32xbf16>
    tpu.vector_store %arg8[%swap3A_1370, %swap3A_1371], %swap3A_1374 {strides = array<i32>} : memref<1024x64xbf16, #tpu.memory_space<vmem>>, vector<1x32xbf16>,
    %swap3A_1375 = arith.constant 114 : i32
    %swap3A_1376 = arith.index_cast %swap3A_1375 : i32 to index
    %swap3A_1377 = arith.constant 0 : index
    %swap3A_1378 = tpu.vector_load %arg8[%swap3A_1376, %swap3A_1377] {strides = array<i32>} : memref<1024x64xbf16, #tpu.memory_space<vmem>>, vector<1x32xbf16>,
    %swap3A_1379 = vector.shape_cast %swap3A_1378 : vector<1x32xbf16> to vector<32xbf16>
    %swap3A_1380 = vector.shape_cast %broadcast_in_dim3A_7 : vector<32xbf16> to vector<1x32xbf16>
    tpu.vector_store %arg8[%swap3A_1376, %swap3A_1377], %swap3A_1380 {strides = array<i32>} : memref<1024x64xbf16, #tpu.memory_space<vmem>>, vector<1x32xbf16>,
    %swap3A_1381 = arith.constant 114 : i32
    %swap3A_1382 = arith.index_cast %swap3A_1381 : i32 to index
    %swap3A_1383 = arith.constant 32 : index
    %swap3A_1384 = tpu.vector_load %arg8[%swap3A_1382, %swap3A_1383] {strides = array<i32>} : memref<1024x64xbf16, #tpu.memory_space<vmem>>, vector<1x32xbf16>,
    %swap3A_1385 = vector.shape_cast %swap3A_1384 : vector<1x32xbf16> to vector<32xbf16>
    %swap3A_1386 = vector.shape_cast %broadcast_in_dim3A_7 : vector<32xbf16> to vector<1x32xbf16>
    tpu.vector_store %arg8[%swap3A_1382, %swap3A_1383], %swap3A_1386 {strides = array<i32>} : memref<1024x64xbf16, #tpu.memory_space<vmem>>, vector<1x32xbf16>,
    %swap3A_1387 = arith.constant 115 : i32
    %swap3A_1388 = arith.index_cast %swap3A_1387 : i32 to index
    %swap3A_1389 = arith.constant 0 : index
    %swap3A_1390 = tpu.vector_load %arg8[%swap3A_1388, %swap3A_1389] {strides = array<i32>} : memref<1024x64xbf16, #tpu.memory_space<vmem>>, vector<1x32xbf16>,
    %swap3A_1391 = vector.shape_cast %swap3A_1390 : vector<1x32xbf16> to vector<32xbf16>
    %swap3A_1392 = vector.shape_cast %broadcast_in_dim3A_7 : vector<32xbf16> to vector<1x32xbf16>
    tpu.vector_store %arg8[%swap3A_1388, %swap3A_1389], %swap3A_1392 {strides = array<i32>} : memref<1024x64xbf16, #tpu.memory_space<vmem>>, vector<1x32xbf16>,
    %swap3A_1393 = arith.constant 115 : i32
    %swap3A_1394 = arith.index_cast %swap3A_1393 : i32 to index
    %swap3A_1395 = arith.constant 32 : index
    %swap3A_1396 = tpu.vector_load %arg8[%swap3A_1394, %swap3A_1395] {strides = array<i32>} : memref<1024x64xbf16, #tpu.memory_space<vmem>>, vector<1x32xbf16>,
    %swap3A_1397 = vector.shape_cast %swap3A_1396 : vector<1x32xbf16> to vector<32xbf16>
    %swap3A_1398 = vector.shape_cast %broadcast_in_dim3A_7 : vector<32xbf16> to vector<1x32xbf16>
    tpu.vector_store %arg8[%swap3A_1394, %swap3A_1395], %swap3A_1398 {strides = array<i32>} : memref<1024x64xbf16, #tpu.memory_space<vmem>>, vector<1x32xbf16>,
    %swap3A_1399 = arith.constant 116 : i32
    %swap3A_1400 = arith.index_cast %swap3A_1399 : i32 to index
    %swap3A_1401 = arith.constant 0 : index
    %swap3A_1402 = tpu.vector_load %arg8[%swap3A_1400, %swap3A_1401] {strides = array<i32>} : memref<1024x64xbf16, #tpu.memory_space<vmem>>, vector<1x32xbf16>,
    %swap3A_1403 = vector.shape_cast %swap3A_1402 : vector<1x32xbf16> to vector<32xbf16>
    %swap3A_1404 = vector.shape_cast %broadcast_in_dim3A_7 : vector<32xbf16> to vector<1x32xbf16>
    tpu.vector_store %arg8[%swap3A_1400, %swap3A_1401], %swap3A_1404 {strides = array<i32>} : memref<1024x64xbf16, #tpu.memory_space<vmem>>, vector<1x32xbf16>,
    %swap3A_1405 = arith.constant 116 : i32
    %swap3A_1406 = arith.index_cast %swap3A_1405 : i32 to index
    %swap3A_1407 = arith.constant 32 : index
    %swap3A_1408 = tpu.vector_load %arg8[%swap3A_1406, %swap3A_1407] {strides = array<i32>} : memref<1024x64xbf16, #tpu.memory_space<vmem>>, vector<1x32xbf16>,
    %swap3A_1409 = vector.shape_cast %swap3A_1408 : vector<1x32xbf16> to vector<32xbf16>
    %swap3A_1410 = vector.shape_cast %broadcast_in_dim3A_7 : vector<32xbf16> to vector<1x32xbf16>
    tpu.vector_store %arg8[%swap3A_1406, %swap3A_1407], %swap3A_1410 {strides = array<i32>} : memref<1024x64xbf16, #tpu.memory_space<vmem>>, vector<1x32xbf16>,
    %swap3A_1411 = arith.constant 117 : i32
    %swap3A_1412 = arith.index_cast %swap3A_1411 : i32 to index
    %swap3A_1413 = arith.constant 0 : index
    %swap3A_1414 = tpu.vector_load %arg8[%swap3A_1412, %swap3A_1413] {strides = array<i32>} : memref<1024x64xbf16, #tpu.memory_space<vmem>>, vector<1x32xbf16>,
    %swap3A_1415 = vector.shape_cast %swap3A_1414 : vector<1x32xbf16> to vector<32xbf16>
    %swap3A_1416 = vector.shape_cast %broadcast_in_dim3A_7 : vector<32xbf16> to vector<1x32xbf16>
    tpu.vector_store %arg8[%swap3A_1412, %swap3A_1413], %swap3A_1416 {strides = array<i32>} : memref<1024x64xbf16, #tpu.memory_space<vmem>>, vector<1x32xbf16>,
    %swap3A_1417 = arith.constant 117 : i32
    %swap3A_1418 = arith.index_cast %swap3A_1417 : i32 to index
    %swap3A_1419 = arith.constant 32 : index
    %swap3A_1420 = tpu.vector_load %arg8[%swap3A_1418, %swap3A_1419] {strides = array<i32>} : memref<1024x64xbf16, #tpu.memory_space<vmem>>, vector<1x32xbf16>,
    %swap3A_1421 = vector.shape_cast %swap3A_1420 : vector<1x32xbf16> to vector<32xbf16>
    %swap3A_1422 = vector.shape_cast %broadcast_in_dim3A_7 : vector<32xbf16> to vector<1x32xbf16>
    tpu.vector_store %arg8[%swap3A_1418, %swap3A_1419], %swap3A_1422 {strides = array<i32>} : memref<1024x64xbf16, #tpu.memory_space<vmem>>, vector<1x32xbf16>,
    %swap3A_1423 = arith.constant 118 : i32
    %swap3A_1424 = arith.index_cast %swap3A_1423 : i32 to index
    %swap3A_1425 = arith.constant 0 : index
    %swap3A_1426 = tpu.vector_load %arg8[%swap3A_1424, %swap3A_1425] {strides = array<i32>} : memref<1024x64xbf16, #tpu.memory_space<vmem>>, vector<1x32xbf16>,
    %swap3A_1427 = vector.shape_cast %swap3A_1426 : vector<1x32xbf16> to vector<32xbf16>
    %swap3A_1428 = vector.shape_cast %broadcast_in_dim3A_7 : vector<32xbf16> to vector<1x32xbf16>
    tpu.vector_store %arg8[%swap3A_1424, %swap3A_1425], %swap3A_1428 {strides = array<i32>} : memref<1024x64xbf16, #tpu.memory_space<vmem>>, vector<1x32xbf16>,
    %swap3A_1429 = arith.constant 118 : i32
    %swap3A_1430 = arith.index_cast %swap3A_1429 : i32 to index
    %swap3A_1431 = arith.constant 32 : index
    %swap3A_1432 = tpu.vector_load %arg8[%swap3A_1430, %swap3A_1431] {strides = array<i32>} : memref<1024x64xbf16, #tpu.memory_space<vmem>>, vector<1x32xbf16>,
    %swap3A_1433 = vector.shape_cast %swap3A_1432 : vector<1x32xbf16> to vector<32xbf16>
    %swap3A_1434 = vector.shape_cast %broadcast_in_dim3A_7 : vector<32xbf16> to vector<1x32xbf16>
    tpu.vector_store %arg8[%swap3A_1430, %swap3A_1431], %swap3A_1434 {strides = array<i32>} : memref<1024x64xbf16, #tpu.memory_space<vmem>>, vector<1x32xbf16>,
    %swap3A_1435 = arith.constant 119 : i32
    %swap3A_1436 = arith.index_cast %swap3A_1435 : i32 to index
    %swap3A_1437 = arith.constant 0 : index
    %swap3A_1438 = tpu.vector_load %arg8[%swap3A_1436, %swap3A_1437] {strides = array<i32>} : memref<1024x64xbf16, #tpu.memory_space<vmem>>, vector<1x32xbf16>,
    %swap3A_1439 = vector.shape_cast %swap3A_1438 : vector<1x32xbf16> to vector<32xbf16>
    %swap3A_1440 = vector.shape_cast %broadcast_in_dim3A_7 : vector<32xbf16> to vector<1x32xbf16>
    tpu.vector_store %arg8[%swap3A_1436, %swap3A_1437], %swap3A_1440 {strides = array<i32>} : memref<1024x64xbf16, #tpu.memory_space<vmem>>, vector<1x32xbf16>,
    %swap3A_1441 = arith.constant 119 : i32
    %swap3A_1442 = arith.index_cast %swap3A_1441 : i32 to index
    %swap3A_1443 = arith.constant 32 : index
    %swap3A_1444 = tpu.vector_load %arg8[%swap3A_1442, %swap3A_1443] {strides = array<i32>} : memref<1024x64xbf16, #tpu.memory_space<vmem>>, vector<1x32xbf16>,
    %swap3A_1445 = vector.shape_cast %swap3A_1444 : vector<1x32xbf16> to vector<32xbf16>
    %swap3A_1446 = vector.shape_cast %broadcast_in_dim3A_7 : vector<32xbf16> to vector<1x32xbf16>
    tpu.vector_store %arg8[%swap3A_1442, %swap3A_1443], %swap3A_1446 {strides = array<i32>} : memref<1024x64xbf16, #tpu.memory_space<vmem>>, vector<1x32xbf16>,
    %swap3A_1447 = arith.constant 120 : i32
    %swap3A_1448 = arith.index_cast %swap3A_1447 : i32 to index
    %swap3A_1449 = arith.constant 0 : index
    %swap3A_1450 = tpu.vector_load %arg8[%swap3A_1448, %swap3A_1449] {strides = array<i32>} : memref<1024x64xbf16, #tpu.memory_space<vmem>>, vector<1x32xbf16>,
    %swap3A_1451 = vector.shape_cast %swap3A_1450 : vector<1x32xbf16> to vector<32xbf16>
    %swap3A_1452 = vector.shape_cast %broadcast_in_dim3A_7 : vector<32xbf16> to vector<1x32xbf16>
    tpu.vector_store %arg8[%swap3A_1448, %swap3A_1449], %swap3A_1452 {strides = array<i32>} : memref<1024x64xbf16, #tpu.memory_space<vmem>>, vector<1x32xbf16>,
    %swap3A_1453 = arith.constant 120 : i32
    %swap3A_1454 = arith.index_cast %swap3A_1453 : i32 to index
    %swap3A_1455 = arith.constant 32 : index
    %swap3A_1456 = tpu.vector_load %arg8[%swap3A_1454, %swap3A_1455] {strides = array<i32>} : memref<1024x64xbf16, #tpu.memory_space<vmem>>, vector<1x32xbf16>,
    %swap3A_1457 = vector.shape_cast %swap3A_1456 : vector<1x32xbf16> to vector<32xbf16>
    %swap3A_1458 = vector.shape_cast %broadcast_in_dim3A_7 : vector<32xbf16> to vector<1x32xbf16>
    tpu.vector_store %arg8[%swap3A_1454, %swap3A_1455], %swap3A_1458 {strides = array<i32>} : memref<1024x64xbf16, #tpu.memory_space<vmem>>, vector<1x32xbf16>,
    %swap3A_1459 = arith.constant 121 : i32
    %swap3A_1460 = arith.index_cast %swap3A_1459 : i32 to index
    %swap3A_1461 = arith.constant 0 : index
    %swap3A_1462 = tpu.vector_load %arg8[%swap3A_1460, %swap3A_1461] {strides = array<i32>} : memref<1024x64xbf16, #tpu.memory_space<vmem>>, vector<1x32xbf16>,
    %swap3A_1463 = vector.shape_cast %swap3A_1462 : vector<1x32xbf16> to vector<32xbf16>
    %swap3A_1464 = vector.shape_cast %broadcast_in_dim3A_7 : vector<32xbf16> to vector<1x32xbf16>
    tpu.vector_store %arg8[%swap3A_1460, %swap3A_1461], %swap3A_1464 {strides = array<i32>} : memref<1024x64xbf16, #tpu.memory_space<vmem>>, vector<1x32xbf16>,
    %swap3A_1465 = arith.constant 121 : i32
    %swap3A_1466 = arith.index_cast %swap3A_1465 : i32 to index
    %swap3A_1467 = arith.constant 32 : index
    %swap3A_1468 = tpu.vector_load %arg8[%swap3A_1466, %swap3A_1467] {strides = array<i32>} : memref<1024x64xbf16, #tpu.memory_space<vmem>>, vector<1x32xbf16>,
    %swap3A_1469 = vector.shape_cast %swap3A_1468 : vector<1x32xbf16> to vector<32xbf16>
    %swap3A_1470 = vector.shape_cast %broadcast_in_dim3A_7 : vector<32xbf16> to vector<1x32xbf16>
    tpu.vector_store %arg8[%swap3A_1466, %swap3A_1467], %swap3A_1470 {strides = array<i32>} : memref<1024x64xbf16, #tpu.memory_space<vmem>>, vector<1x32xbf16>,
    %swap3A_1471 = arith.constant 122 : i32
    %swap3A_1472 = arith.index_cast %swap3A_1471 : i32 to index
    %swap3A_1473 = arith.constant 0 : index
    %swap3A_1474 = tpu.vector_load %arg8[%swap3A_1472, %swap3A_1473] {strides = array<i32>} : memref<1024x64xbf16, #tpu.memory_space<vmem>>, vector<1x32xbf16>,
    %swap3A_1475 = vector.shape_cast %swap3A_1474 : vector<1x32xbf16> to vector<32xbf16>
    %swap3A_1476 = vector.shape_cast %broadcast_in_dim3A_7 : vector<32xbf16> to vector<1x32xbf16>
    tpu.vector_store %arg8[%swap3A_1472, %swap3A_1473], %swap3A_1476 {strides = array<i32>} : memref<1024x64xbf16, #tpu.memory_space<vmem>>, vector<1x32xbf16>,
    %swap3A_1477 = arith.constant 122 : i32
    %swap3A_1478 = arith.index_cast %swap3A_1477 : i32 to index
    %swap3A_1479 = arith.constant 32 : index
    %swap3A_1480 = tpu.vector_load %arg8[%swap3A_1478, %swap3A_1479] {strides = array<i32>} : memref<1024x64xbf16, #tpu.memory_space<vmem>>, vector<1x32xbf16>,
    %swap3A_1481 = vector.shape_cast %swap3A_1480 : vector<1x32xbf16> to vector<32xbf16>
    %swap3A_1482 = vector.shape_cast %broadcast_in_dim3A_7 : vector<32xbf16> to vector<1x32xbf16>
    tpu.vector_store %arg8[%swap3A_1478, %swap3A_1479], %swap3A_1482 {strides = array<i32>} : memref<1024x64xbf16, #tpu.memory_space<vmem>>, vector<1x32xbf16>,
    %swap3A_1483 = arith.constant 123 : i32
    %swap3A_1484 = arith.index_cast %swap3A_1483 : i32 to index
    %swap3A_1485 = arith.constant 0 : index
    %swap3A_1486 = tpu.vector_load %arg8[%swap3A_1484, %swap3A_1485] {strides = array<i32>} : memref<1024x64xbf16, #tpu.memory_space<vmem>>, vector<1x32xbf16>,
    %swap3A_1487 = vector.shape_cast %swap3A_1486 : vector<1x32xbf16> to vector<32xbf16>
    %swap3A_1488 = vector.shape_cast %broadcast_in_dim3A_7 : vector<32xbf16> to vector<1x32xbf16>
    tpu.vector_store %arg8[%swap3A_1484, %swap3A_1485], %swap3A_1488 {strides = array<i32>} : memref<1024x64xbf16, #tpu.memory_space<vmem>>, vector<1x32xbf16>,
    %swap3A_1489 = arith.constant 123 : i32
    %swap3A_1490 = arith.index_cast %swap3A_1489 : i32 to index
    %swap3A_1491 = arith.constant 32 : index
    %swap3A_1492 = tpu.vector_load %arg8[%swap3A_1490, %swap3A_1491] {strides = array<i32>} : memref<1024x64xbf16, #tpu.memory_space<vmem>>, vector<1x32xbf16>,
    %swap3A_1493 = vector.shape_cast %swap3A_1492 : vector<1x32xbf16> to vector<32xbf16>
    %swap3A_1494 = vector.shape_cast %broadcast_in_dim3A_7 : vector<32xbf16> to vector<1x32xbf16>
    tpu.vector_store %arg8[%swap3A_1490, %swap3A_1491], %swap3A_1494 {strides = array<i32>} : memref<1024x64xbf16, #tpu.memory_space<vmem>>, vector<1x32xbf16>,
    %swap3A_1495 = arith.constant 124 : i32
    %swap3A_1496 = arith.index_cast %swap3A_1495 : i32 to index
    %swap3A_1497 = arith.constant 0 : index
    %swap3A_1498 = tpu.vector_load %arg8[%swap3A_1496, %swap3A_1497] {strides = array<i32>} : memref<1024x64xbf16, #tpu.memory_space<vmem>>, vector<1x32xbf16>,
    %swap3A_1499 = vector.shape_cast %swap3A_1498 : vector<1x32xbf16> to vector<32xbf16>
    %swap3A_1500 = vector.shape_cast %broadcast_in_dim3A_7 : vector<32xbf16> to vector<1x32xbf16>
    tpu.vector_store %arg8[%swap3A_1496, %swap3A_1497], %swap3A_1500 {strides = array<i32>} : memref<1024x64xbf16, #tpu.memory_space<vmem>>, vector<1x32xbf16>,
    %swap3A_1501 = arith.constant 124 : i32
    %swap3A_1502 = arith.index_cast %swap3A_1501 : i32 to index
    %swap3A_1503 = arith.constant 32 : index
    %swap3A_1504 = tpu.vector_load %arg8[%swap3A_1502, %swap3A_1503] {strides = array<i32>} : memref<1024x64xbf16, #tpu.memory_space<vmem>>, vector<1x32xbf16>,
    %swap3A_1505 = vector.shape_cast %swap3A_1504 : vector<1x32xbf16> to vector<32xbf16>
    %swap3A_1506 = vector.shape_cast %broadcast_in_dim3A_7 : vector<32xbf16> to vector<1x32xbf16>
    tpu.vector_store %arg8[%swap3A_1502, %swap3A_1503], %swap3A_1506 {strides = array<i32>} : memref<1024x64xbf16, #tpu.memory_space<vmem>>, vector<1x32xbf16>,
    %swap3A_1507 = arith.constant 125 : i32
    %swap3A_1508 = arith.index_cast %swap3A_1507 : i32 to index
    %swap3A_1509 = arith.constant 0 : index
    %swap3A_1510 = tpu.vector_load %arg8[%swap3A_1508, %swap3A_1509] {strides = array<i32>} : memref<1024x64xbf16, #tpu.memory_space<vmem>>, vector<1x32xbf16>,
    %swap3A_1511 = vector.shape_cast %swap3A_1510 : vector<1x32xbf16> to vector<32xbf16>
    %swap3A_1512 = vector.shape_cast %broadcast_in_dim3A_7 : vector<32xbf16> to vector<1x32xbf16>
    tpu.vector_store %arg8[%swap3A_1508, %swap3A_1509], %swap3A_1512 {strides = array<i32>} : memref<1024x64xbf16, #tpu.memory_space<vmem>>, vector<1x32xbf16>,
    %swap3A_1513 = arith.constant 125 : i32
    %swap3A_1514 = arith.index_cast %swap3A_1513 : i32 to index
    %swap3A_1515 = arith.constant 32 : index
    %swap3A_1516 = tpu.vector_load %arg8[%swap3A_1514, %swap3A_1515] {strides = array<i32>} : memref<1024x64xbf16, #tpu.memory_space<vmem>>, vector<1x32xbf16>,
    %swap3A_1517 = vector.shape_cast %swap3A_1516 : vector<1x32xbf16> to vector<32xbf16>
    %swap3A_1518 = vector.shape_cast %broadcast_in_dim3A_7 : vector<32xbf16> to vector<1x32xbf16>
    tpu.vector_store %arg8[%swap3A_1514, %swap3A_1515], %swap3A_1518 {strides = array<i32>} : memref<1024x64xbf16, #tpu.memory_space<vmem>>, vector<1x32xbf16>,
    %swap3A_1519 = arith.constant 126 : i32
    %swap3A_1520 = arith.index_cast %swap3A_1519 : i32 to index
    %swap3A_1521 = arith.constant 0 : index
    %swap3A_1522 = tpu.vector_load %arg8[%swap3A_1520, %swap3A_1521] {strides = array<i32>} : memref<1024x64xbf16, #tpu.memory_space<vmem>>, vector<1x32xbf16>,
    %swap3A_1523 = vector.shape_cast %swap3A_1522 : vector<1x32xbf16> to vector<32xbf16>
    %swap3A_1524 = vector.shape_cast %broadcast_in_dim3A_7 : vector<32xbf16> to vector<1x32xbf16>
    tpu.vector_store %arg8[%swap3A_1520, %swap3A_1521], %swap3A_1524 {strides = array<i32>} : memref<1024x64xbf16, #tpu.memory_space<vmem>>, vector<1x32xbf16>,
    %swap3A_1525 = arith.constant 126 : i32
    %swap3A_1526 = arith.index_cast %swap3A_1525 : i32 to index
    %swap3A_1527 = arith.constant 32 : index
    %swap3A_1528 = tpu.vector_load %arg8[%swap3A_1526, %swap3A_1527] {strides = array<i32>} : memref<1024x64xbf16, #tpu.memory_space<vmem>>, vector<1x32xbf16>,
    %swap3A_1529 = vector.shape_cast %swap3A_1528 : vector<1x32xbf16> to vector<32xbf16>
    %swap3A_1530 = vector.shape_cast %broadcast_in_dim3A_7 : vector<32xbf16> to vector<1x32xbf16>
    tpu.vector_store %arg8[%swap3A_1526, %swap3A_1527], %swap3A_1530 {strides = array<i32>} : memref<1024x64xbf16, #tpu.memory_space<vmem>>, vector<1x32xbf16>,
    %swap3A_1531 = arith.constant 127 : i32
    %swap3A_1532 = arith.index_cast %swap3A_1531 : i32 to index
    %swap3A_1533 = arith.constant 0 : index
    %swap3A_1534 = tpu.vector_load %arg8[%swap3A_1532, %swap3A_1533] {strides = array<i32>} : memref<1024x64xbf16, #tpu.memory_space<vmem>>, vector<1x32xbf16>,
    %swap3A_1535 = vector.shape_cast %swap3A_1534 : vector<1x32xbf16> to vector<32xbf16>
    %swap3A_1536 = vector.shape_cast %broadcast_in_dim3A_7 : vector<32xbf16> to vector<1x32xbf16>
    tpu.vector_store %arg8[%swap3A_1532, %swap3A_1533], %swap3A_1536 {strides = array<i32>} : memref<1024x64xbf16, #tpu.memory_space<vmem>>, vector<1x32xbf16>,
    %swap3A_1537 = arith.constant 127 : i32
    %swap3A_1538 = arith.index_cast %swap3A_1537 : i32 to index
    %swap3A_1539 = arith.constant 32 : index
    %swap3A_1540 = tpu.vector_load %arg8[%swap3A_1538, %swap3A_1539] {strides = array<i32>} : memref<1024x64xbf16, #tpu.memory_space<vmem>>, vector<1x32xbf16>,
    %swap3A_1541 = vector.shape_cast %swap3A_1540 : vector<1x32xbf16> to vector<32xbf16>
    %swap3A_1542 = vector.shape_cast %broadcast_in_dim3A_7 : vector<32xbf16> to vector<1x32xbf16>
    tpu.vector_store %arg8[%swap3A_1538, %swap3A_1539], %swap3A_1542 {strides = array<i32>} : memref<1024x64xbf16, #tpu.memory_space<vmem>>, vector<1x32xbf16>,
    %mul3A_1543 = arith.constant 626 : i32
    %mul3A_1544 = arith.muli %arg1, %mul3A_1543 : i32
    %add3A_1545 = arith.constant 10016 : i32
    %add3A_1546 = arith.addi %add3A_1545, %mul3A_1544 : i32
    %add3A_1547 = arith.constant 0 : i32
    %add3A_1548 = arith.addi %add3A_1546, %add3A_1547 : i32
    "tpu.region"() ({
      %run_scoped3A = tpu.sem_alloc : memref<!tpu.dma_semaphore, #tpu.memory_space<semaphore_mem>>
      %dma_start3A_3178 = arith.constant 0 : i32
      %dma_start3A_3179 = arith.constant 0 : i32
      %dma_start3A_3180 = tpu.memref_slice %arg8[%dma_start3A_3178, %dma_start3A_3179] : memref<1024x64xbf16, #tpu.memory_space<vmem>> -> memref<128x64xbf16, #tpu.memory_space<vmem>>
      %dma_start3A_3181 = arith.constant 0 : i32
      %dma_start3A_3182 = tpu.memref_slice %arg12[%add3A_1548, %dma_start3A_3181] : memref<40064x64xbf16, #tpu.memory_space<vmem_shared>> -> memref<128x64xbf16, #tpu.memory_space<vmem_shared>>
      %dma_start3A_3183 = arith.constant 0 : i32
      %dma_start3A_3184 = tpu.memref_slice %arg12[%add3A_1548, %dma_start3A_3183] : memref<40064x64xbf16, #tpu.memory_space<vmem_shared>> -> memref<128x64xbf16, #tpu.memory_space<vmem_shared>>
      %dma_start3A_3185 = arith.constant 0 : i32
      %dma_start3A_3186 = arith.constant 0 : i32
      %dma_start3A_3187 = tpu.memref_slice %arg8[%dma_start3A_3185, %dma_start3A_3186] : memref<1024x64xbf16, #tpu.memory_space<vmem>> -> memref<128x64xbf16, #tpu.memory_space<vmem>>
      tpu.enqueue_dma source(%dma_start3A_3187 : memref<128x64xbf16, #tpu.memory_space<vmem>>) target(%dma_start3A_3184 : memref<128x64xbf16, #tpu.memory_space<vmem_shared>>) target_semaphore(%run_scoped3A : memref<!tpu.dma_semaphore, #tpu.memory_space<semaphore_mem>>)
      %dma_wait3A_3188 = arith.constant 0 : i32
      %dma_wait3A_3189 = arith.constant 0 : i32
      %dma_wait3A_3190 = tpu.memref_slice %arg8[%dma_wait3A_3188, %dma_wait3A_3189] : memref<1024x64xbf16, #tpu.memory_space<vmem>> -> memref<128x64xbf16, #tpu.memory_space<vmem>>
      %dma_wait3A_3191 = arith.constant 0 : i32
      %dma_wait3A_3192 = tpu.memref_slice %arg12[%add3A_1548, %dma_wait3A_3191] : memref<40064x64xbf16, #tpu.memory_space<vmem_shared>> -> memref<128x64xbf16, #tpu.memory_space<vmem_shared>>
      %dma_wait3A_3193 = arith.constant 0 : i32
      %dma_wait3A_3194 = tpu.memref_slice %arg12[%add3A_1548, %dma_wait3A_3193] : memref<40064x64xbf16, #tpu.memory_space<vmem_shared>> -> memref<128x64xbf16, #tpu.memory_space<vmem_shared>>
      %dma_wait3A_3195 = arith.constant 0 : i32
      %dma_wait3A_3196 = arith.constant 0 : i32
      %dma_wait3A_3197 = tpu.memref_slice %arg8[%dma_wait3A_3195, %dma_wait3A_3196] : memref<1024x64xbf16, #tpu.memory_space<vmem>> -> memref<128x64xbf16, #tpu.memory_space<vmem>>
      tpu.wait_dma2 semaphore(%run_scoped3A : memref<!tpu.dma_semaphore, #tpu.memory_space<semaphore_mem>>) src(%dma_wait3A_3197 : memref<128x64xbf16, #tpu.memory_space<vmem>>) dst(%dma_wait3A_3194 : memref<128x64xbf16, #tpu.memory_space<vmem_shared>>)
      tpu.yield
    }) : () -> ()
    %add3A_1549 = arith.constant 10016 : i32
    %add3A_1550 = arith.addi %add3A_1549, %mul3A_1544 : i32
    %add3A_1551 = arith.constant 128 : i32
    %add3A_1552 = arith.addi %add3A_1550, %add3A_1551 : i32
    "tpu.region"() ({
      %run_scoped3A = tpu.sem_alloc : memref<!tpu.dma_semaphore, #tpu.memory_space<semaphore_mem>>
      %dma_start3A_3178 = arith.constant 0 : i32
      %dma_start3A_3179 = arith.constant 0 : i32
      %dma_start3A_3180 = tpu.memref_slice %arg8[%dma_start3A_3178, %dma_start3A_3179] : memref<1024x64xbf16, #tpu.memory_space<vmem>> -> memref<128x64xbf16, #tpu.memory_space<vmem>>
      %dma_start3A_3181 = arith.constant 0 : i32
      %dma_start3A_3182 = tpu.memref_slice %arg12[%add3A_1552, %dma_start3A_3181] : memref<40064x64xbf16, #tpu.memory_space<vmem_shared>> -> memref<128x64xbf16, #tpu.memory_space<vmem_shared>>
      %dma_start3A_3183 = arith.constant 0 : i32
      %dma_start3A_3184 = tpu.memref_slice %arg12[%add3A_1552, %dma_start3A_3183] : memref<40064x64xbf16, #tpu.memory_space<vmem_shared>> -> memref<128x64xbf16, #tpu.memory_space<vmem_shared>>
      %dma_start3A_3185 = arith.constant 0 : i32
      %dma_start3A_3186 = arith.constant 0 : i32
      %dma_start3A_3187 = tpu.memref_slice %arg8[%dma_start3A_3185, %dma_start3A_3186] : memref<1024x64xbf16, #tpu.memory_space<vmem>> -> memref<128x64xbf16, #tpu.memory_space<vmem>>
      tpu.enqueue_dma source(%dma_start3A_3187 : memref<128x64xbf16, #tpu.memory_space<vmem>>) target(%dma_start3A_3184 : memref<128x64xbf16, #tpu.memory_space<vmem_shared>>) target_semaphore(%run_scoped3A : memref<!tpu.dma_semaphore, #tpu.memory_space<semaphore_mem>>)
      %dma_wait3A_3188 = arith.constant 0 : i32
      %dma_wait3A_3189 = arith.constant 0 : i32
      %dma_wait3A_3190 = tpu.memref_slice %arg8[%dma_wait3A_3188, %dma_wait3A_3189] : memref<1024x64xbf16, #tpu.memory_space<vmem>> -> memref<128x64xbf16, #tpu.memory_space<vmem>>
      %dma_wait3A_3191 = arith.constant 0 : i32
      %dma_wait3A_3192 = tpu.memref_slice %arg12[%add3A_1552, %dma_wait3A_3191] : memref<40064x64xbf16, #tpu.memory_space<vmem_shared>> -> memref<128x64xbf16, #tpu.memory_space<vmem_shared>>
      %dma_wait3A_3193 = arith.constant 0 : i32
      %dma_wait3A_3194 = tpu.memref_slice %arg12[%add3A_1552, %dma_wait3A_3193] : memref<40064x64xbf16, #tpu.memory_space<vmem_shared>> -> memref<128x64xbf16, #tpu.memory_space<vmem_shared>>
      %dma_wait3A_3195 = arith.constant 0 : i32
      %dma_wait3A_3196 = arith.constant 0 : i32
      %dma_wait3A_3197 = tpu.memref_slice %arg8[%dma_wait3A_3195, %dma_wait3A_3196] : memref<1024x64xbf16, #tpu.memory_space<vmem>> -> memref<128x64xbf16, #tpu.memory_space<vmem>>
      tpu.wait_dma2 semaphore(%run_scoped3A : memref<!tpu.dma_semaphore, #tpu.memory_space<semaphore_mem>>) src(%dma_wait3A_3197 : memref<128x64xbf16, #tpu.memory_space<vmem>>) dst(%dma_wait3A_3194 : memref<128x64xbf16, #tpu.memory_space<vmem_shared>>)
      tpu.yield
    }) : () -> ()
    %add3A_1553 = arith.constant 10016 : i32
    %add3A_1554 = arith.addi %add3A_1553, %mul3A_1544 : i32
    %add3A_1555 = arith.constant 256 : i32
    %add3A_1556 = arith.addi %add3A_1554, %add3A_1555 : i32
    "tpu.region"() ({
      %run_scoped3A = tpu.sem_alloc : memref<!tpu.dma_semaphore, #tpu.memory_space<semaphore_mem>>
      %dma_start3A_3178 = arith.constant 0 : i32
      %dma_start3A_3179 = arith.constant 0 : i32
      %dma_start3A_3180 = tpu.memref_slice %arg8[%dma_start3A_3178, %dma_start3A_3179] : memref<1024x64xbf16, #tpu.memory_space<vmem>> -> memref<128x64xbf16, #tpu.memory_space<vmem>>
      %dma_start3A_3181 = arith.constant 0 : i32
      %dma_start3A_3182 = tpu.memref_slice %arg12[%add3A_1556, %dma_start3A_3181] : memref<40064x64xbf16, #tpu.memory_space<vmem_shared>> -> memref<128x64xbf16, #tpu.memory_space<vmem_shared>>
      %dma_start3A_3183 = arith.constant 0 : i32
      %dma_start3A_3184 = tpu.memref_slice %arg12[%add3A_1556, %dma_start3A_3183] : memref<40064x64xbf16, #tpu.memory_space<vmem_shared>> -> memref<128x64xbf16, #tpu.memory_space<vmem_shared>>
      %dma_start3A_3185 = arith.constant 0 : i32
      %dma_start3A_3186 = arith.constant 0 : i32
      %dma_start3A_3187 = tpu.memref_slice %arg8[%dma_start3A_3185, %dma_start3A_3186] : memref<1024x64xbf16, #tpu.memory_space<vmem>> -> memref<128x64xbf16, #tpu.memory_space<vmem>>
      tpu.enqueue_dma source(%dma_start3A_3187 : memref<128x64xbf16, #tpu.memory_space<vmem>>) target(%dma_start3A_3184 : memref<128x64xbf16, #tpu.memory_space<vmem_shared>>) target_semaphore(%run_scoped3A : memref<!tpu.dma_semaphore, #tpu.memory_space<semaphore_mem>>)
      %dma_wait3A_3188 = arith.constant 0 : i32
      %dma_wait3A_3189 = arith.constant 0 : i32
      %dma_wait3A_3190 = tpu.memref_slice %arg8[%dma_wait3A_3188, %dma_wait3A_3189] : memref<1024x64xbf16, #tpu.memory_space<vmem>> -> memref<128x64xbf16, #tpu.memory_space<vmem>>
      %dma_wait3A_3191 = arith.constant 0 : i32
      %dma_wait3A_3192 = tpu.memref_slice %arg12[%add3A_1556, %dma_wait3A_3191] : memref<40064x64xbf16, #tpu.memory_space<vmem_shared>> -> memref<128x64xbf16, #tpu.memory_space<vmem_shared>>
      %dma_wait3A_3193 = arith.constant 0 : i32
      %dma_wait3A_3194 = tpu.memref_slice %arg12[%add3A_1556, %dma_wait3A_3193] : memref<40064x64xbf16, #tpu.memory_space<vmem_shared>> -> memref<128x64xbf16, #tpu.memory_space<vmem_shared>>
      %dma_wait3A_3195 = arith.constant 0 : i32
      %dma_wait3A_3196 = arith.constant 0 : i32
      %dma_wait3A_3197 = tpu.memref_slice %arg8[%dma_wait3A_3195, %dma_wait3A_3196] : memref<1024x64xbf16, #tpu.memory_space<vmem>> -> memref<128x64xbf16, #tpu.memory_space<vmem>>
      tpu.wait_dma2 semaphore(%run_scoped3A : memref<!tpu.dma_semaphore, #tpu.memory_space<semaphore_mem>>) src(%dma_wait3A_3197 : memref<128x64xbf16, #tpu.memory_space<vmem>>) dst(%dma_wait3A_3194 : memref<128x64xbf16, #tpu.memory_space<vmem_shared>>)
      tpu.yield
    }) : () -> ()
    %add3A_1557 = arith.constant 10016 : i32
    %add3A_1558 = arith.addi %add3A_1557, %mul3A_1544 : i32
    %add3A_1559 = arith.constant 384 : i32
    %add3A_1560 = arith.addi %add3A_1558, %add3A_1559 : i32
    "tpu.region"() ({
      %run_scoped3A = tpu.sem_alloc : memref<!tpu.dma_semaphore, #tpu.memory_space<semaphore_mem>>
      %dma_start3A_3178 = arith.constant 0 : i32
      %dma_start3A_3179 = arith.constant 0 : i32
      %dma_start3A_3180 = tpu.memref_slice %arg8[%dma_start3A_3178, %dma_start3A_3179] : memref<1024x64xbf16, #tpu.memory_space<vmem>> -> memref<128x64xbf16, #tpu.memory_space<vmem>>
      %dma_start3A_3181 = arith.constant 0 : i32
      %dma_start3A_3182 = tpu.memref_slice %arg12[%add3A_1560, %dma_start3A_3181] : memref<40064x64xbf16, #tpu.memory_space<vmem_shared>> -> memref<128x64xbf16, #tpu.memory_space<vmem_shared>>
      %dma_start3A_3183 = arith.constant 0 : i32
      %dma_start3A_3184 = tpu.memref_slice %arg12[%add3A_1560, %dma_start3A_3183] : memref<40064x64xbf16, #tpu.memory_space<vmem_shared>> -> memref<128x64xbf16, #tpu.memory_space<vmem_shared>>
      %dma_start3A_3185 = arith.constant 0 : i32
      %dma_start3A_3186 = arith.constant 0 : i32
      %dma_start3A_3187 = tpu.memref_slice %arg8[%dma_start3A_3185, %dma_start3A_3186] : memref<1024x64xbf16, #tpu.memory_space<vmem>> -> memref<128x64xbf16, #tpu.memory_space<vmem>>
      tpu.enqueue_dma source(%dma_start3A_3187 : memref<128x64xbf16, #tpu.memory_space<vmem>>) target(%dma_start3A_3184 : memref<128x64xbf16, #tpu.memory_space<vmem_shared>>) target_semaphore(%run_scoped3A : memref<!tpu.dma_semaphore, #tpu.memory_space<semaphore_mem>>)
      %dma_wait3A_3188 = arith.constant 0 : i32
      %dma_wait3A_3189 = arith.constant 0 : i32
      %dma_wait3A_3190 = tpu.memref_slice %arg8[%dma_wait3A_3188, %dma_wait3A_3189] : memref<1024x64xbf16, #tpu.memory_space<vmem>> -> memref<128x64xbf16, #tpu.memory_space<vmem>>
      %dma_wait3A_3191 = arith.constant 0 : i32
      %dma_wait3A_3192 = tpu.memref_slice %arg12[%add3A_1560, %dma_wait3A_3191] : memref<40064x64xbf16, #tpu.memory_space<vmem_shared>> -> memref<128x64xbf16, #tpu.memory_space<vmem_shared>>
      %dma_wait3A_3193 = arith.constant 0 : i32
      %dma_wait3A_3194 = tpu.memref_slice %arg12[%add3A_1560, %dma_wait3A_3193] : memref<40064x64xbf16, #tpu.memory_space<vmem_shared>> -> memref<128x64xbf16, #tpu.memory_space<vmem_shared>>
      %dma_wait3A_3195 = arith.constant 0 : i32
      %dma_wait3A_3196 = arith.constant 0 : i32
      %dma_wait3A_3197 = tpu.memref_slice %arg8[%dma_wait3A_3195, %dma_wait3A_3196] : memref<1024x64xbf16, #tpu.memory_space<vmem>> -> memref<128x64xbf16, #tpu.memory_space<vmem>>
      tpu.wait_dma2 semaphore(%run_scoped3A : memref<!tpu.dma_semaphore, #tpu.memory_space<semaphore_mem>>) src(%dma_wait3A_3197 : memref<128x64xbf16, #tpu.memory_space<vmem>>) dst(%dma_wait3A_3194 : memref<128x64xbf16, #tpu.memory_space<vmem_shared>>)
      tpu.yield
    }) : () -> ()
    %add3A_1561 = arith.constant 10016 : i32
    %add3A_1562 = arith.addi %add3A_1561, %mul3A_1544 : i32
    %add3A_1563 = arith.constant 512 : i32
    %add3A_1564 = arith.addi %add3A_1562, %add3A_1563 : i32
    "tpu.region"() ({
      %run_scoped3A = tpu.sem_alloc : memref<!tpu.dma_semaphore, #tpu.memory_space<semaphore_mem>>
      %dma_start3A_3178 = arith.constant 0 : i32
      %dma_start3A_3179 = arith.constant 0 : i32
      %dma_start3A_3180 = tpu.memref_slice %arg8[%dma_start3A_3178, %dma_start3A_3179] : memref<1024x64xbf16, #tpu.memory_space<vmem>> -> memref<114x64xbf16, #tpu.memory_space<vmem>>
      %dma_start3A_3181 = arith.constant 0 : i32
      %dma_start3A_3182 = tpu.memref_slice %arg12[%add3A_1564, %dma_start3A_3181] : memref<40064x64xbf16, #tpu.memory_space<vmem_shared>> -> memref<114x64xbf16, #tpu.memory_space<vmem_shared>>
      %dma_start3A_3183 = arith.constant 0 : i32
      %dma_start3A_3184 = tpu.memref_slice %arg12[%add3A_1564, %dma_start3A_3183] : memref<40064x64xbf16, #tpu.memory_space<vmem_shared>> -> memref<114x64xbf16, #tpu.memory_space<vmem_shared>>
      %dma_start3A_3185 = arith.constant 0 : i32
      %dma_start3A_3186 = arith.constant 0 : i32
      %dma_start3A_3187 = tpu.memref_slice %arg8[%dma_start3A_3185, %dma_start3A_3186] : memref<1024x64xbf16, #tpu.memory_space<vmem>> -> memref<114x64xbf16, #tpu.memory_space<vmem>>
      tpu.enqueue_dma source(%dma_start3A_3187 : memref<114x64xbf16, #tpu.memory_space<vmem>>) target(%dma_start3A_3184 : memref<114x64xbf16, #tpu.memory_space<vmem_shared>>) target_semaphore(%run_scoped3A : memref<!tpu.dma_semaphore, #tpu.memory_space<semaphore_mem>>)
      %dma_wait3A_3188 = arith.constant 0 : i32
      %dma_wait3A_3189 = arith.constant 0 : i32
      %dma_wait3A_3190 = tpu.memref_slice %arg8[%dma_wait3A_3188, %dma_wait3A_3189] : memref<1024x64xbf16, #tpu.memory_space<vmem>> -> memref<114x64xbf16, #tpu.memory_space<vmem>>
      %dma_wait3A_3191 = arith.constant 0 : i32
      %dma_wait3A_3192 = tpu.memref_slice %arg12[%add3A_1564, %dma_wait3A_3191] : memref<40064x64xbf16, #tpu.memory_space<vmem_shared>> -> memref<114x64xbf16, #tpu.memory_space<vmem_shared>>
      %dma_wait3A_3193 = arith.constant 0 : i32
      %dma_wait3A_3194 = tpu.memref_slice %arg12[%add3A_1564, %dma_wait3A_3193] : memref<40064x64xbf16, #tpu.memory_space<vmem_shared>> -> memref<114x64xbf16, #tpu.memory_space<vmem_shared>>
      %dma_wait3A_3195 = arith.constant 0 : i32
      %dma_wait3A_3196 = arith.constant 0 : i32
      %dma_wait3A_3197 = tpu.memref_slice %arg8[%dma_wait3A_3195, %dma_wait3A_3196] : memref<1024x64xbf16, #tpu.memory_space<vmem>> -> memref<114x64xbf16, #tpu.memory_space<vmem>>
      tpu.wait_dma2 semaphore(%run_scoped3A : memref<!tpu.dma_semaphore, #tpu.memory_space<semaphore_mem>>) src(%dma_wait3A_3197 : memref<114x64xbf16, #tpu.memory_space<vmem>>) dst(%dma_wait3A_3194 : memref<114x64xbf16, #tpu.memory_space<vmem_shared>>)
      tpu.yield
    }) : () -> ()
    %add3A_1565 = arith.constant 20032 : i32
    %add3A_1566 = arith.addi %add3A_1565, %mul3A_1544 : i32
    %add3A_1567 = arith.constant 0 : i32
    %add3A_1568 = arith.addi %add3A_1566, %add3A_1567 : i32
    "tpu.region"() ({
      %run_scoped3A = tpu.sem_alloc : memref<!tpu.dma_semaphore, #tpu.memory_space<semaphore_mem>>
      %dma_start3A_3178 = arith.constant 0 : i32
      %dma_start3A_3179 = arith.constant 0 : i32
      %dma_start3A_3180 = tpu.memref_slice %arg8[%dma_start3A_3178, %dma_start3A_3179] : memref<1024x64xbf16, #tpu.memory_space<vmem>> -> memref<128x64xbf16, #tpu.memory_space<vmem>>
      %dma_start3A_3181 = arith.constant 0 : i32
      %dma_start3A_3182 = tpu.memref_slice %arg12[%add3A_1568, %dma_start3A_3181] : memref<40064x64xbf16, #tpu.memory_space<vmem_shared>> -> memref<128x64xbf16, #tpu.memory_space<vmem_shared>>
      %dma_start3A_3183 = arith.constant 0 : i32
      %dma_start3A_3184 = tpu.memref_slice %arg12[%add3A_1568, %dma_start3A_3183] : memref<40064x64xbf16, #tpu.memory_space<vmem_shared>> -> memref<128x64xbf16, #tpu.memory_space<vmem_shared>>
      %dma_start3A_3185 = arith.constant 0 : i32
      %dma_start3A_3186 = arith.constant 0 : i32
      %dma_start3A_3187 = tpu.memref_slice %arg8[%dma_start3A_3185, %dma_start3A_3186] : memref<1024x64xbf16, #tpu.memory_space<vmem>> -> memref<128x64xbf16, #tpu.memory_space<vmem>>
      tpu.enqueue_dma source(%dma_start3A_3187 : memref<128x64xbf16, #tpu.memory_space<vmem>>) target(%dma_start3A_3184 : memref<128x64xbf16, #tpu.memory_space<vmem_shared>>) target_semaphore(%run_scoped3A : memref<!tpu.dma_semaphore, #tpu.memory_space<semaphore_mem>>)
      %dma_wait3A_3188 = arith.constant 0 : i32
      %dma_wait3A_3189 = arith.constant 0 : i32
      %dma_wait3A_3190 = tpu.memref_slice %arg8[%dma_wait3A_3188, %dma_wait3A_3189] : memref<1024x64xbf16, #tpu.memory_space<vmem>> -> memref<128x64xbf16, #tpu.memory_space<vmem>>
      %dma_wait3A_3191 = arith.constant 0 : i32
      %dma_wait3A_3192 = tpu.memref_slice %arg12[%add3A_1568, %dma_wait3A_3191] : memref<40064x64xbf16, #tpu.memory_space<vmem_shared>> -> memref<128x64xbf16, #tpu.memory_space<vmem_shared>>
      %dma_wait3A_3193 = arith.constant 0 : i32
      %dma_wait3A_3194 = tpu.memref_slice %arg12[%add3A_1568, %dma_wait3A_3193] : memref<40064x64xbf16, #tpu.memory_space<vmem_shared>> -> memref<128x64xbf16, #tpu.memory_space<vmem_shared>>
      %dma_wait3A_3195 = arith.constant 0 : i32
      %dma_wait3A_3196 = arith.constant 0 : i32
      %dma_wait3A_3197 = tpu.memref_slice %arg8[%dma_wait3A_3195, %dma_wait3A_3196] : memref<1024x64xbf16, #tpu.memory_space<vmem>> -> memref<128x64xbf16, #tpu.memory_space<vmem>>
      tpu.wait_dma2 semaphore(%run_scoped3A : memref<!tpu.dma_semaphore, #tpu.memory_space<semaphore_mem>>) src(%dma_wait3A_3197 : memref<128x64xbf16, #tpu.memory_space<vmem>>) dst(%dma_wait3A_3194 : memref<128x64xbf16, #tpu.memory_space<vmem_shared>>)
      tpu.yield
    }) : () -> ()
    %add3A_1569 = arith.constant 20032 : i32
    %add3A_1570 = arith.addi %add3A_1569, %mul3A_1544 : i32
    %add3A_1571 = arith.constant 128 : i32
    %add3A_1572 = arith.addi %add3A_1570, %add3A_1571 : i32
    "tpu.region"() ({
      %run_scoped3A = tpu.sem_alloc : memref<!tpu.dma_semaphore, #tpu.memory_space<semaphore_mem>>
      %dma_start3A_3178 = arith.constant 0 : i32
      %dma_start3A_3179 = arith.constant 0 : i32
      %dma_start3A_3180 = tpu.memref_slice %arg8[%dma_start3A_3178, %dma_start3A_3179] : memref<1024x64xbf16, #tpu.memory_space<vmem>> -> memref<128x64xbf16, #tpu.memory_space<vmem>>
      %dma_start3A_3181 = arith.constant 0 : i32
      %dma_start3A_3182 = tpu.memref_slice %arg12[%add3A_1572, %dma_start3A_3181] : memref<40064x64xbf16, #tpu.memory_space<vmem_shared>> -> memref<128x64xbf16, #tpu.memory_space<vmem_shared>>
      %dma_start3A_3183 = arith.constant 0 : i32
      %dma_start3A_3184 = tpu.memref_slice %arg12[%add3A_1572, %dma_start3A_3183] : memref<40064x64xbf16, #tpu.memory_space<vmem_shared>> -> memref<128x64xbf16, #tpu.memory_space<vmem_shared>>
      %dma_start3A_3185 = arith.constant 0 : i32
      %dma_start3A_3186 = arith.constant 0 : i32
      %dma_start3A_3187 = tpu.memref_slice %arg8[%dma_start3A_3185, %dma_start3A_3186] : memref<1024x64xbf16, #tpu.memory_space<vmem>> -> memref<128x64xbf16, #tpu.memory_space<vmem>>
      tpu.enqueue_dma source(%dma_start3A_3187 : memref<128x64xbf16, #tpu.memory_space<vmem>>) target(%dma_start3A_3184 : memref<128x64xbf16, #tpu.memory_space<vmem_shared>>) target_semaphore(%run_scoped3A : memref<!tpu.dma_semaphore, #tpu.memory_space<semaphore_mem>>)
      %dma_wait3A_3188 = arith.constant 0 : i32
      %dma_wait3A_3189 = arith.constant 0 : i32
      %dma_wait3A_3190 = tpu.memref_slice %arg8[%dma_wait3A_3188, %dma_wait3A_3189] : memref<1024x64xbf16, #tpu.memory_space<vmem>> -> memref<128x64xbf16, #tpu.memory_space<vmem>>
      %dma_wait3A_3191 = arith.constant 0 : i32
      %dma_wait3A_3192 = tpu.memref_slice %arg12[%add3A_1572, %dma_wait3A_3191] : memref<40064x64xbf16, #tpu.memory_space<vmem_shared>> -> memref<128x64xbf16, #tpu.memory_space<vmem_shared>>
      %dma_wait3A_3193 = arith.constant 0 : i32
      %dma_wait3A_3194 = tpu.memref_slice %arg12[%add3A_1572, %dma_wait3A_3193] : memref<40064x64xbf16, #tpu.memory_space<vmem_shared>> -> memref<128x64xbf16, #tpu.memory_space<vmem_shared>>
      %dma_wait3A_3195 = arith.constant 0 : i32
      %dma_wait3A_3196 = arith.constant 0 : i32
      %dma_wait3A_3197 = tpu.memref_slice %arg8[%dma_wait3A_3195, %dma_wait3A_3196] : memref<1024x64xbf16, #tpu.memory_space<vmem>> -> memref<128x64xbf16, #tpu.memory_space<vmem>>
      tpu.wait_dma2 semaphore(%run_scoped3A : memref<!tpu.dma_semaphore, #tpu.memory_space<semaphore_mem>>) src(%dma_wait3A_3197 : memref<128x64xbf16, #tpu.memory_space<vmem>>) dst(%dma_wait3A_3194 : memref<128x64xbf16, #tpu.memory_space<vmem_shared>>)
      tpu.yield
    }) : () -> ()
    %add3A_1573 = arith.constant 20032 : i32
    %add3A_1574 = arith.addi %add3A_1573, %mul3A_1544 : i32
    %add3A_1575 = arith.constant 256 : i32
    %add3A_1576 = arith.addi %add3A_1574, %add3A_1575 : i32
    "tpu.region"() ({
      %run_scoped3A = tpu.sem_alloc : memref<!tpu.dma_semaphore, #tpu.memory_space<semaphore_mem>>
      %dma_start3A_3178 = arith.constant 0 : i32
      %dma_start3A_3179 = arith.constant 0 : i32
      %dma_start3A_3180 = tpu.memref_slice %arg8[%dma_start3A_3178, %dma_start3A_3179] : memref<1024x64xbf16, #tpu.memory_space<vmem>> -> memref<128x64xbf16, #tpu.memory_space<vmem>>
      %dma_start3A_3181 = arith.constant 0 : i32
      %dma_start3A_3182 = tpu.memref_slice %arg12[%add3A_1576, %dma_start3A_3181] : memref<40064x64xbf16, #tpu.memory_space<vmem_shared>> -> memref<128x64xbf16, #tpu.memory_space<vmem_shared>>
      %dma_start3A_3183 = arith.constant 0 : i32
      %dma_start3A_3184 = tpu.memref_slice %arg12[%add3A_1576, %dma_start3A_3183] : memref<40064x64xbf16, #tpu.memory_space<vmem_shared>> -> memref<128x64xbf16, #tpu.memory_space<vmem_shared>>
      %dma_start3A_3185 = arith.constant 0 : i32
      %dma_start3A_3186 = arith.constant 0 : i32
      %dma_start3A_3187 = tpu.memref_slice %arg8[%dma_start3A_3185, %dma_start3A_3186] : memref<1024x64xbf16, #tpu.memory_space<vmem>> -> memref<128x64xbf16, #tpu.memory_space<vmem>>
      tpu.enqueue_dma source(%dma_start3A_3187 : memref<128x64xbf16, #tpu.memory_space<vmem>>) target(%dma_start3A_3184 : memref<128x64xbf16, #tpu.memory_space<vmem_shared>>) target_semaphore(%run_scoped3A : memref<!tpu.dma_semaphore, #tpu.memory_space<semaphore_mem>>)
      %dma_wait3A_3188 = arith.constant 0 : i32
      %dma_wait3A_3189 = arith.constant 0 : i32
      %dma_wait3A_3190 = tpu.memref_slice %arg8[%dma_wait3A_3188, %dma_wait3A_3189] : memref<1024x64xbf16, #tpu.memory_space<vmem>> -> memref<128x64xbf16, #tpu.memory_space<vmem>>
      %dma_wait3A_3191 = arith.constant 0 : i32
      %dma_wait3A_3192 = tpu.memref_slice %arg12[%add3A_1576, %dma_wait3A_3191] : memref<40064x64xbf16, #tpu.memory_space<vmem_shared>> -> memref<128x64xbf16, #tpu.memory_space<vmem_shared>>
      %dma_wait3A_3193 = arith.constant 0 : i32
      %dma_wait3A_3194 = tpu.memref_slice %arg12[%add3A_1576, %dma_wait3A_3193] : memref<40064x64xbf16, #tpu.memory_space<vmem_shared>> -> memref<128x64xbf16, #tpu.memory_space<vmem_shared>>
      %dma_wait3A_3195 = arith.constant 0 : i32
      %dma_wait3A_3196 = arith.constant 0 : i32
      %dma_wait3A_3197 = tpu.memref_slice %arg8[%dma_wait3A_3195, %dma_wait3A_3196] : memref<1024x64xbf16, #tpu.memory_space<vmem>> -> memref<128x64xbf16, #tpu.memory_space<vmem>>
      tpu.wait_dma2 semaphore(%run_scoped3A : memref<!tpu.dma_semaphore, #tpu.memory_space<semaphore_mem>>) src(%dma_wait3A_3197 : memref<128x64xbf16, #tpu.memory_space<vmem>>) dst(%dma_wait3A_3194 : memref<128x64xbf16, #tpu.memory_space<vmem_shared>>)
      tpu.yield
    }) : () -> ()
    %add3A_1577 = arith.constant 20032 : i32
    %add3A_1578 = arith.addi %add3A_1577, %mul3A_1544 : i32
    %add3A_1579 = arith.constant 384 : i32
    %add3A_1580 = arith.addi %add3A_1578, %add3A_1579 : i32
    "tpu.region"() ({
      %run_scoped3A = tpu.sem_alloc : memref<!tpu.dma_semaphore, #tpu.memory_space<semaphore_mem>>
      %dma_start3A_3178 = arith.constant 0 : i32
      %dma_start3A_3179 = arith.constant 0 : i32
      %dma_start3A_3180 = tpu.memref_slice %arg8[%dma_start3A_3178, %dma_start3A_3179] : memref<1024x64xbf16, #tpu.memory_space<vmem>> -> memref<128x64xbf16, #tpu.memory_space<vmem>>
      %dma_start3A_3181 = arith.constant 0 : i32
      %dma_start3A_3182 = tpu.memref_slice %arg12[%add3A_1580, %dma_start3A_3181] : memref<40064x64xbf16, #tpu.memory_space<vmem_shared>> -> memref<128x64xbf16, #tpu.memory_space<vmem_shared>>
      %dma_start3A_3183 = arith.constant 0 : i32
      %dma_start3A_3184 = tpu.memref_slice %arg12[%add3A_1580, %dma_start3A_3183] : memref<40064x64xbf16, #tpu.memory_space<vmem_shared>> -> memref<128x64xbf16, #tpu.memory_space<vmem_shared>>
      %dma_start3A_3185 = arith.constant 0 : i32
      %dma_start3A_3186 = arith.constant 0 : i32
      %dma_start3A_3187 = tpu.memref_slice %arg8[%dma_start3A_3185, %dma_start3A_3186] : memref<1024x64xbf16, #tpu.memory_space<vmem>> -> memref<128x64xbf16, #tpu.memory_space<vmem>>
      tpu.enqueue_dma source(%dma_start3A_3187 : memref<128x64xbf16, #tpu.memory_space<vmem>>) target(%dma_start3A_3184 : memref<128x64xbf16, #tpu.memory_space<vmem_shared>>) target_semaphore(%run_scoped3A : memref<!tpu.dma_semaphore, #tpu.memory_space<semaphore_mem>>)
      %dma_wait3A_3188 = arith.constant 0 : i32
      %dma_wait3A_3189 = arith.constant 0 : i32
      %dma_wait3A_3190 = tpu.memref_slice %arg8[%dma_wait3A_3188, %dma_wait3A_3189] : memref<1024x64xbf16, #tpu.memory_space<vmem>> -> memref<128x64xbf16, #tpu.memory_space<vmem>>
      %dma_wait3A_3191 = arith.constant 0 : i32
      %dma_wait3A_3192 = tpu.memref_slice %arg12[%add3A_1580, %dma_wait3A_3191] : memref<40064x64xbf16, #tpu.memory_space<vmem_shared>> -> memref<128x64xbf16, #tpu.memory_space<vmem_shared>>
      %dma_wait3A_3193 = arith.constant 0 : i32
      %dma_wait3A_3194 = tpu.memref_slice %arg12[%add3A_1580, %dma_wait3A_3193] : memref<40064x64xbf16, #tpu.memory_space<vmem_shared>> -> memref<128x64xbf16, #tpu.memory_space<vmem_shared>>
      %dma_wait3A_3195 = arith.constant 0 : i32
      %dma_wait3A_3196 = arith.constant 0 : i32
      %dma_wait3A_3197 = tpu.memref_slice %arg8[%dma_wait3A_3195, %dma_wait3A_3196] : memref<1024x64xbf16, #tpu.memory_space<vmem>> -> memref<128x64xbf16, #tpu.memory_space<vmem>>
      tpu.wait_dma2 semaphore(%run_scoped3A : memref<!tpu.dma_semaphore, #tpu.memory_space<semaphore_mem>>) src(%dma_wait3A_3197 : memref<128x64xbf16, #tpu.memory_space<vmem>>) dst(%dma_wait3A_3194 : memref<128x64xbf16, #tpu.memory_space<vmem_shared>>)
      tpu.yield
    }) : () -> ()
    %add3A_1581 = arith.constant 20032 : i32
    %add3A_1582 = arith.addi %add3A_1581, %mul3A_1544 : i32
    %add3A_1583 = arith.constant 512 : i32
    %add3A_1584 = arith.addi %add3A_1582, %add3A_1583 : i32
    "tpu.region"() ({
      %run_scoped3A = tpu.sem_alloc : memref<!tpu.dma_semaphore, #tpu.memory_space<semaphore_mem>>
      %dma_start3A_3178 = arith.constant 0 : i32
      %dma_start3A_3179 = arith.constant 0 : i32
      %dma_start3A_3180 = tpu.memref_slice %arg8[%dma_start3A_3178, %dma_start3A_3179] : memref<1024x64xbf16, #tpu.memory_space<vmem>> -> memref<114x64xbf16, #tpu.memory_space<vmem>>
      %dma_start3A_3181 = arith.constant 0 : i32
      %dma_start3A_3182 = tpu.memref_slice %arg12[%add3A_1584, %dma_start3A_3181] : memref<40064x64xbf16, #tpu.memory_space<vmem_shared>> -> memref<114x64xbf16, #tpu.memory_space<vmem_shared>>
      %dma_start3A_3183 = arith.constant 0 : i32
      %dma_start3A_3184 = tpu.memref_slice %arg12[%add3A_1584, %dma_start3A_3183] : memref<40064x64xbf16, #tpu.memory_space<vmem_shared>> -> memref<114x64xbf16, #tpu.memory_space<vmem_shared>>
      %dma_start3A_3185 = arith.constant 0 : i32
      %dma_start3A_3186 = arith.constant 0 : i32
      %dma_start3A_3187 = tpu.memref_slice %arg8[%dma_start3A_3185, %dma_start3A_3186] : memref<1024x64xbf16, #tpu.memory_space<vmem>> -> memref<114x64xbf16, #tpu.memory_space<vmem>>
      tpu.enqueue_dma source(%dma_start3A_3187 : memref<114x64xbf16, #tpu.memory_space<vmem>>) target(%dma_start3A_3184 : memref<114x64xbf16, #tpu.memory_space<vmem_shared>>) target_semaphore(%run_scoped3A : memref<!tpu.dma_semaphore, #tpu.memory_space<semaphore_mem>>)
      %dma_wait3A_3188 = arith.constant 0 : i32
      %dma_wait3A_3189 = arith.constant 0 : i32
      %dma_wait3A_3190 = tpu.memref_slice %arg8[%dma_wait3A_3188, %dma_wait3A_3189] : memref<1024x64xbf16, #tpu.memory_space<vmem>> -> memref<114x64xbf16, #tpu.memory_space<vmem>>
      %dma_wait3A_3191 = arith.constant 0 : i32
      %dma_wait3A_3192 = tpu.memref_slice %arg12[%add3A_1584, %dma_wait3A_3191] : memref<40064x64xbf16, #tpu.memory_space<vmem_shared>> -> memref<114x64xbf16, #tpu.memory_space<vmem_shared>>
      %dma_wait3A_3193 = arith.constant 0 : i32
      %dma_wait3A_3194 = tpu.memref_slice %arg12[%add3A_1584, %dma_wait3A_3193] : memref<40064x64xbf16, #tpu.memory_space<vmem_shared>> -> memref<114x64xbf16, #tpu.memory_space<vmem_shared>>
      %dma_wait3A_3195 = arith.constant 0 : i32
      %dma_wait3A_3196 = arith.constant 0 : i32
      %dma_wait3A_3197 = tpu.memref_slice %arg8[%dma_wait3A_3195, %dma_wait3A_3196] : memref<1024x64xbf16, #tpu.memory_space<vmem>> -> memref<114x64xbf16, #tpu.memory_space<vmem>>
      tpu.wait_dma2 semaphore(%run_scoped3A : memref<!tpu.dma_semaphore, #tpu.memory_space<semaphore_mem>>) src(%dma_wait3A_3197 : memref<114x64xbf16, #tpu.memory_space<vmem>>) dst(%dma_wait3A_3194 : memref<114x64xbf16, #tpu.memory_space<vmem_shared>>)
      tpu.yield
    }) : () -> ()
    %add3A_1585 = arith.constant 30048 : i32
    %add3A_1586 = arith.addi %add3A_1585, %mul3A_1544 : i32
    %add3A_1587 = arith.constant 0 : i32
    %add3A_1588 = arith.addi %add3A_1586, %add3A_1587 : i32
    "tpu.region"() ({
      %run_scoped3A = tpu.sem_alloc : memref<!tpu.dma_semaphore, #tpu.memory_space<semaphore_mem>>
      %dma_start3A_3178 = arith.constant 0 : i32
      %dma_start3A_3179 = arith.constant 0 : i32
      %dma_start3A_3180 = tpu.memref_slice %arg8[%dma_start3A_3178, %dma_start3A_3179] : memref<1024x64xbf16, #tpu.memory_space<vmem>> -> memref<128x64xbf16, #tpu.memory_space<vmem>>
      %dma_start3A_3181 = arith.constant 0 : i32
      %dma_start3A_3182 = tpu.memref_slice %arg12[%add3A_1588, %dma_start3A_3181] : memref<40064x64xbf16, #tpu.memory_space<vmem_shared>> -> memref<128x64xbf16, #tpu.memory_space<vmem_shared>>
      %dma_start3A_3183 = arith.constant 0 : i32
      %dma_start3A_3184 = tpu.memref_slice %arg12[%add3A_1588, %dma_start3A_3183] : memref<40064x64xbf16, #tpu.memory_space<vmem_shared>> -> memref<128x64xbf16, #tpu.memory_space<vmem_shared>>
      %dma_start3A_3185 = arith.constant 0 : i32
      %dma_start3A_3186 = arith.constant 0 : i32
      %dma_start3A_3187 = tpu.memref_slice %arg8[%dma_start3A_3185, %dma_start3A_3186] : memref<1024x64xbf16, #tpu.memory_space<vmem>> -> memref<128x64xbf16, #tpu.memory_space<vmem>>
      tpu.enqueue_dma source(%dma_start3A_3187 : memref<128x64xbf16, #tpu.memory_space<vmem>>) target(%dma_start3A_3184 : memref<128x64xbf16, #tpu.memory_space<vmem_shared>>) target_semaphore(%run_scoped3A : memref<!tpu.dma_semaphore, #tpu.memory_space<semaphore_mem>>)
      %dma_wait3A_3188 = arith.constant 0 : i32
      %dma_wait3A_3189 = arith.constant 0 : i32
      %dma_wait3A_3190 = tpu.memref_slice %arg8[%dma_wait3A_3188, %dma_wait3A_3189] : memref<1024x64xbf16, #tpu.memory_space<vmem>> -> memref<128x64xbf16, #tpu.memory_space<vmem>>
      %dma_wait3A_3191 = arith.constant 0 : i32
      %dma_wait3A_3192 = tpu.memref_slice %arg12[%add3A_1588, %dma_wait3A_3191] : memref<40064x64xbf16, #tpu.memory_space<vmem_shared>> -> memref<128x64xbf16, #tpu.memory_space<vmem_shared>>
      %dma_wait3A_3193 = arith.constant 0 : i32
      %dma_wait3A_3194 = tpu.memref_slice %arg12[%add3A_1588, %dma_wait3A_3193] : memref<40064x64xbf16, #tpu.memory_space<vmem_shared>> -> memref<128x64xbf16, #tpu.memory_space<vmem_shared>>
      %dma_wait3A_3195 = arith.constant 0 : i32
      %dma_wait3A_3196 = arith.constant 0 : i32
      %dma_wait3A_3197 = tpu.memref_slice %arg8[%dma_wait3A_3195, %dma_wait3A_3196] : memref<1024x64xbf16, #tpu.memory_space<vmem>> -> memref<128x64xbf16, #tpu.memory_space<vmem>>
      tpu.wait_dma2 semaphore(%run_scoped3A : memref<!tpu.dma_semaphore, #tpu.memory_space<semaphore_mem>>) src(%dma_wait3A_3197 : memref<128x64xbf16, #tpu.memory_space<vmem>>) dst(%dma_wait3A_3194 : memref<128x64xbf16, #tpu.memory_space<vmem_shared>>)
      tpu.yield
    }) : () -> ()
    %add3A_1589 = arith.constant 30048 : i32
    %add3A_1590 = arith.addi %add3A_1589, %mul3A_1544 : i32
    %add3A_1591 = arith.constant 128 : i32
    %add3A_1592 = arith.addi %add3A_1590, %add3A_1591 : i32
    "tpu.region"() ({
      %run_scoped3A = tpu.sem_alloc : memref<!tpu.dma_semaphore, #tpu.memory_space<semaphore_mem>>
      %dma_start3A_3178 = arith.constant 0 : i32
      %dma_start3A_3179 = arith.constant 0 : i32
      %dma_start3A_3180 = tpu.memref_slice %arg8[%dma_start3A_3178, %dma_start3A_3179] : memref<1024x64xbf16, #tpu.memory_space<vmem>> -> memref<128x64xbf16, #tpu.memory_space<vmem>>
      %dma_start3A_3181 = arith.constant 0 : i32
      %dma_start3A_3182 = tpu.memref_slice %arg12[%add3A_1592, %dma_start3A_3181] : memref<40064x64xbf16, #tpu.memory_space<vmem_shared>> -> memref<128x64xbf16, #tpu.memory_space<vmem_shared>>
      %dma_start3A_3183 = arith.constant 0 : i32
      %dma_start3A_3184 = tpu.memref_slice %arg12[%add3A_1592, %dma_start3A_3183] : memref<40064x64xbf16, #tpu.memory_space<vmem_shared>> -> memref<128x64xbf16, #tpu.memory_space<vmem_shared>>
      %dma_start3A_3185 = arith.constant 0 : i32
      %dma_start3A_3186 = arith.constant 0 : i32
      %dma_start3A_3187 = tpu.memref_slice %arg8[%dma_start3A_3185, %dma_start3A_3186] : memref<1024x64xbf16, #tpu.memory_space<vmem>> -> memref<128x64xbf16, #tpu.memory_space<vmem>>
      tpu.enqueue_dma source(%dma_start3A_3187 : memref<128x64xbf16, #tpu.memory_space<vmem>>) target(%dma_start3A_3184 : memref<128x64xbf16, #tpu.memory_space<vmem_shared>>) target_semaphore(%run_scoped3A : memref<!tpu.dma_semaphore, #tpu.memory_space<semaphore_mem>>)
      %dma_wait3A_3188 = arith.constant 0 : i32
      %dma_wait3A_3189 = arith.constant 0 : i32
      %dma_wait3A_3190 = tpu.memref_slice %arg8[%dma_wait3A_3188, %dma_wait3A_3189] : memref<1024x64xbf16, #tpu.memory_space<vmem>> -> memref<128x64xbf16, #tpu.memory_space<vmem>>
      %dma_wait3A_3191 = arith.constant 0 : i32
      %dma_wait3A_3192 = tpu.memref_slice %arg12[%add3A_1592, %dma_wait3A_3191] : memref<40064x64xbf16, #tpu.memory_space<vmem_shared>> -> memref<128x64xbf16, #tpu.memory_space<vmem_shared>>
      %dma_wait3A_3193 = arith.constant 0 : i32
      %dma_wait3A_3194 = tpu.memref_slice %arg12[%add3A_1592, %dma_wait3A_3193] : memref<40064x64xbf16, #tpu.memory_space<vmem_shared>> -> memref<128x64xbf16, #tpu.memory_space<vmem_shared>>
      %dma_wait3A_3195 = arith.constant 0 : i32
      %dma_wait3A_3196 = arith.constant 0 : i32
      %dma_wait3A_3197 = tpu.memref_slice %arg8[%dma_wait3A_3195, %dma_wait3A_3196] : memref<1024x64xbf16, #tpu.memory_space<vmem>> -> memref<128x64xbf16, #tpu.memory_space<vmem>>
      tpu.wait_dma2 semaphore(%run_scoped3A : memref<!tpu.dma_semaphore, #tpu.memory_space<semaphore_mem>>) src(%dma_wait3A_3197 : memref<128x64xbf16, #tpu.memory_space<vmem>>) dst(%dma_wait3A_3194 : memref<128x64xbf16, #tpu.memory_space<vmem_shared>>)
      tpu.yield
    }) : () -> ()
    %add3A_1593 = arith.constant 30048 : i32
    %add3A_1594 = arith.addi %add3A_1593, %mul3A_1544 : i32
    %add3A_1595 = arith.constant 256 : i32
    %add3A_1596 = arith.addi %add3A_1594, %add3A_1595 : i32
    "tpu.region"() ({
      %run_scoped3A = tpu.sem_alloc : memref<!tpu.dma_semaphore, #tpu.memory_space<semaphore_mem>>
      %dma_start3A_3178 = arith.constant 0 : i32
      %dma_start3A_3179 = arith.constant 0 : i32
      %dma_start3A_3180 = tpu.memref_slice %arg8[%dma_start3A_3178, %dma_start3A_3179] : memref<1024x64xbf16, #tpu.memory_space<vmem>> -> memref<128x64xbf16, #tpu.memory_space<vmem>>
      %dma_start3A_3181 = arith.constant 0 : i32
      %dma_start3A_3182 = tpu.memref_slice %arg12[%add3A_1596, %dma_start3A_3181] : memref<40064x64xbf16, #tpu.memory_space<vmem_shared>> -> memref<128x64xbf16, #tpu.memory_space<vmem_shared>>
      %dma_start3A_3183 = arith.constant 0 : i32
      %dma_start3A_3184 = tpu.memref_slice %arg12[%add3A_1596, %dma_start3A_3183] : memref<40064x64xbf16, #tpu.memory_space<vmem_shared>> -> memref<128x64xbf16, #tpu.memory_space<vmem_shared>>
      %dma_start3A_3185 = arith.constant 0 : i32
      %dma_start3A_3186 = arith.constant 0 : i32
      %dma_start3A_3187 = tpu.memref_slice %arg8[%dma_start3A_3185, %dma_start3A_3186] : memref<1024x64xbf16, #tpu.memory_space<vmem>> -> memref<128x64xbf16, #tpu.memory_space<vmem>>
      tpu.enqueue_dma source(%dma_start3A_3187 : memref<128x64xbf16, #tpu.memory_space<vmem>>) target(%dma_start3A_3184 : memref<128x64xbf16, #tpu.memory_space<vmem_shared>>) target_semaphore(%run_scoped3A : memref<!tpu.dma_semaphore, #tpu.memory_space<semaphore_mem>>)
      %dma_wait3A_3188 = arith.constant 0 : i32
      %dma_wait3A_3189 = arith.constant 0 : i32
      %dma_wait3A_3190 = tpu.memref_slice %arg8[%dma_wait3A_3188, %dma_wait3A_3189] : memref<1024x64xbf16, #tpu.memory_space<vmem>> -> memref<128x64xbf16, #tpu.memory_space<vmem>>
      %dma_wait3A_3191 = arith.constant 0 : i32
      %dma_wait3A_3192 = tpu.memref_slice %arg12[%add3A_1596, %dma_wait3A_3191] : memref<40064x64xbf16, #tpu.memory_space<vmem_shared>> -> memref<128x64xbf16, #tpu.memory_space<vmem_shared>>
      %dma_wait3A_3193 = arith.constant 0 : i32
      %dma_wait3A_3194 = tpu.memref_slice %arg12[%add3A_1596, %dma_wait3A_3193] : memref<40064x64xbf16, #tpu.memory_space<vmem_shared>> -> memref<128x64xbf16, #tpu.memory_space<vmem_shared>>
      %dma_wait3A_3195 = arith.constant 0 : i32
      %dma_wait3A_3196 = arith.constant 0 : i32
      %dma_wait3A_3197 = tpu.memref_slice %arg8[%dma_wait3A_3195, %dma_wait3A_3196] : memref<1024x64xbf16, #tpu.memory_space<vmem>> -> memref<128x64xbf16, #tpu.memory_space<vmem>>
      tpu.wait_dma2 semaphore(%run_scoped3A : memref<!tpu.dma_semaphore, #tpu.memory_space<semaphore_mem>>) src(%dma_wait3A_3197 : memref<128x64xbf16, #tpu.memory_space<vmem>>) dst(%dma_wait3A_3194 : memref<128x64xbf16, #tpu.memory_space<vmem_shared>>)
      tpu.yield
    }) : () -> ()
    %add3A_1597 = arith.constant 30048 : i32
    %add3A_1598 = arith.addi %add3A_1597, %mul3A_1544 : i32
    %add3A_1599 = arith.constant 384 : i32
    %add3A_1600 = arith.addi %add3A_1598, %add3A_1599 : i32
    "tpu.region"() ({
      %run_scoped3A = tpu.sem_alloc : memref<!tpu.dma_semaphore, #tpu.memory_space<semaphore_mem>>
      %dma_start3A_3178 = arith.constant 0 : i32
      %dma_start3A_3179 = arith.constant 0 : i32
      %dma_start3A_3180 = tpu.memref_slice %arg8[%dma_start3A_3178, %dma_start3A_3179] : memref<1024x64xbf16, #tpu.memory_space<vmem>> -> memref<128x64xbf16, #tpu.memory_space<vmem>>
      %dma_start3A_3181 = arith.constant 0 : i32
      %dma_start3A_3182 = tpu.memref_slice %arg12[%add3A_1600, %dma_start3A_3181] : memref<40064x64xbf16, #tpu.memory_space<vmem_shared>> -> memref<128x64xbf16, #tpu.memory_space<vmem_shared>>
      %dma_start3A_3183 = arith.constant 0 : i32
      %dma_start3A_3184 = tpu.memref_slice %arg12[%add3A_1600, %dma_start3A_3183] : memref<40064x64xbf16, #tpu.memory_space<vmem_shared>> -> memref<128x64xbf16, #tpu.memory_space<vmem_shared>>
      %dma_start3A_3185 = arith.constant 0 : i32
      %dma_start3A_3186 = arith.constant 0 : i32
      %dma_start3A_3187 = tpu.memref_slice %arg8[%dma_start3A_3185, %dma_start3A_3186] : memref<1024x64xbf16, #tpu.memory_space<vmem>> -> memref<128x64xbf16, #tpu.memory_space<vmem>>
      tpu.enqueue_dma source(%dma_start3A_3187 : memref<128x64xbf16, #tpu.memory_space<vmem>>) target(%dma_start3A_3184 : memref<128x64xbf16, #tpu.memory_space<vmem_shared>>) target_semaphore(%run_scoped3A : memref<!tpu.dma_semaphore, #tpu.memory_space<semaphore_mem>>)
      %dma_wait3A_3188 = arith.constant 0 : i32
      %dma_wait3A_3189 = arith.constant 0 : i32
      %dma_wait3A_3190 = tpu.memref_slice %arg8[%dma_wait3A_3188, %dma_wait3A_3189] : memref<1024x64xbf16, #tpu.memory_space<vmem>> -> memref<128x64xbf16, #tpu.memory_space<vmem>>
      %dma_wait3A_3191 = arith.constant 0 : i32
      %dma_wait3A_3192 = tpu.memref_slice %arg12[%add3A_1600, %dma_wait3A_3191] : memref<40064x64xbf16, #tpu.memory_space<vmem_shared>> -> memref<128x64xbf16, #tpu.memory_space<vmem_shared>>
      %dma_wait3A_3193 = arith.constant 0 : i32
      %dma_wait3A_3194 = tpu.memref_slice %arg12[%add3A_1600, %dma_wait3A_3193] : memref<40064x64xbf16, #tpu.memory_space<vmem_shared>> -> memref<128x64xbf16, #tpu.memory_space<vmem_shared>>
      %dma_wait3A_3195 = arith.constant 0 : i32
      %dma_wait3A_3196 = arith.constant 0 : i32
      %dma_wait3A_3197 = tpu.memref_slice %arg8[%dma_wait3A_3195, %dma_wait3A_3196] : memref<1024x64xbf16, #tpu.memory_space<vmem>> -> memref<128x64xbf16, #tpu.memory_space<vmem>>
      tpu.wait_dma2 semaphore(%run_scoped3A : memref<!tpu.dma_semaphore, #tpu.memory_space<semaphore_mem>>) src(%dma_wait3A_3197 : memref<128x64xbf16, #tpu.memory_space<vmem>>) dst(%dma_wait3A_3194 : memref<128x64xbf16, #tpu.memory_space<vmem_shared>>)
      tpu.yield
    }) : () -> ()
    %add3A_1601 = arith.constant 30048 : i32
    %add3A_1602 = arith.addi %add3A_1601, %mul3A_1544 : i32
    %add3A_1603 = arith.constant 512 : i32
    %add3A_1604 = arith.addi %add3A_1602, %add3A_1603 : i32
    "tpu.region"() ({
      %run_scoped3A = tpu.sem_alloc : memref<!tpu.dma_semaphore, #tpu.memory_space<semaphore_mem>>
      %dma_start3A_3178 = arith.constant 0 : i32
      %dma_start3A_3179 = arith.constant 0 : i32
      %dma_start3A_3180 = tpu.memref_slice %arg8[%dma_start3A_3178, %dma_start3A_3179] : memref<1024x64xbf16, #tpu.memory_space<vmem>> -> memref<114x64xbf16, #tpu.memory_space<vmem>>
      %dma_start3A_3181 = arith.constant 0 : i32
      %dma_start3A_3182 = tpu.memref_slice %arg12[%add3A_1604, %dma_start3A_3181] : memref<40064x64xbf16, #tpu.memory_space<vmem_shared>> -> memref<114x64xbf16, #tpu.memory_space<vmem_shared>>
      %dma_start3A_3183 = arith.constant 0 : i32
      %dma_start3A_3184 = tpu.memref_slice %arg12[%add3A_1604, %dma_start3A_3183] : memref<40064x64xbf16, #tpu.memory_space<vmem_shared>> -> memref<114x64xbf16, #tpu.memory_space<vmem_shared>>
      %dma_start3A_3185 = arith.constant 0 : i32
      %dma_start3A_3186 = arith.constant 0 : i32
      %dma_start3A_3187 = tpu.memref_slice %arg8[%dma_start3A_3185, %dma_start3A_3186] : memref<1024x64xbf16, #tpu.memory_space<vmem>> -> memref<114x64xbf16, #tpu.memory_space<vmem>>
      tpu.enqueue_dma source(%dma_start3A_3187 : memref<114x64xbf16, #tpu.memory_space<vmem>>) target(%dma_start3A_3184 : memref<114x64xbf16, #tpu.memory_space<vmem_shared>>) target_semaphore(%run_scoped3A : memref<!tpu.dma_semaphore, #tpu.memory_space<semaphore_mem>>)
      %dma_wait3A_3188 = arith.constant 0 : i32
      %dma_wait3A_3189 = arith.constant 0 : i32
      %dma_wait3A_3190 = tpu.memref_slice %arg8[%dma_wait3A_3188, %dma_wait3A_3189] : memref<1024x64xbf16, #tpu.memory_space<vmem>> -> memref<114x64xbf16, #tpu.memory_space<vmem>>
      %dma_wait3A_3191 = arith.constant 0 : i32
      %dma_wait3A_3192 = tpu.memref_slice %arg12[%add3A_1604, %dma_wait3A_3191] : memref<40064x64xbf16, #tpu.memory_space<vmem_shared>> -> memref<114x64xbf16, #tpu.memory_space<vmem_shared>>
      %dma_wait3A_3193 = arith.constant 0 : i32
      %dma_wait3A_3194 = tpu.memref_slice %arg12[%add3A_1604, %dma_wait3A_3193] : memref<40064x64xbf16, #tpu.memory_space<vmem_shared>> -> memref<114x64xbf16, #tpu.memory_space<vmem_shared>>
      %dma_wait3A_3195 = arith.constant 0 : i32
      %dma_wait3A_3196 = arith.constant 0 : i32
      %dma_wait3A_3197 = tpu.memref_slice %arg8[%dma_wait3A_3195, %dma_wait3A_3196] : memref<1024x64xbf16, #tpu.memory_space<vmem>> -> memref<114x64xbf16, #tpu.memory_space<vmem>>
      tpu.wait_dma2 semaphore(%run_scoped3A : memref<!tpu.dma_semaphore, #tpu.memory_space<semaphore_mem>>) src(%dma_wait3A_3197 : memref<114x64xbf16, #tpu.memory_space<vmem>>) dst(%dma_wait3A_3194 : memref<114x64xbf16, #tpu.memory_space<vmem_shared>>)
      tpu.yield
    }) : () -> ()
    %mul3A_1605 = arith.constant 640 : i32
    %mul3A_1606 = arith.muli %arg1, %mul3A_1605 : i32
    %min3A = arith.constant 9360 : i32
    %min3A_1607 = arith.minsi %mul3A_1606, %min3A : i32
    "tpu.region"() ({
      %run_scoped3A = tpu.sem_alloc : memref<!tpu.dma_semaphore, #tpu.memory_space<semaphore_mem>>
      %dma_start3A_3178 = arith.constant 0 : i32
      %dma_start3A_3179 = arith.constant 0 : i32
      %dma_start3A_3180 = tpu.memref_slice %arg8[%dma_start3A_3178, %dma_start3A_3179] : memref<1024x64xbf16, #tpu.memory_space<vmem>> -> memref<640x64xbf16, #tpu.memory_space<vmem>>
      %dma_start3A_3181 = tpu.memref_slice %arg3[%min3A_1607, %mul3A_0] : memref<10000x128xbf16, #tpu.memory_space<hbm>> -> memref<640x64xbf16, #tpu.memory_space<hbm>>
      %dma_start3A_3182 = arith.constant 0 : i32
      %dma_start3A_3183 = arith.constant 0 : i32
      %dma_start3A_3184 = tpu.memref_slice %arg8[%dma_start3A_3182, %dma_start3A_3183] : memref<1024x64xbf16, #tpu.memory_space<vmem>> -> memref<640x64xbf16, #tpu.memory_space<vmem>>
      %dma_start3A_3185 = tpu.memref_slice %arg3[%min3A_1607, %mul3A_0] : memref<10000x128xbf16, #tpu.memory_space<hbm>> -> memref<640x64xbf16, #tpu.memory_space<hbm>>
      tpu.enqueue_dma source(%dma_start3A_3185 : memref<640x64xbf16, #tpu.memory_space<hbm>>) target(%dma_start3A_3184 : memref<640x64xbf16, #tpu.memory_space<vmem>>) target_semaphore(%run_scoped3A : memref<!tpu.dma_semaphore, #tpu.memory_space<semaphore_mem>>)
      %dma_wait3A_3186 = arith.constant 0 : i32
      %dma_wait3A_3187 = arith.constant 0 : i32
      %dma_wait3A_3188 = tpu.memref_slice %arg8[%dma_wait3A_3186, %dma_wait3A_3187] : memref<1024x64xbf16, #tpu.memory_space<vmem>> -> memref<640x64xbf16, #tpu.memory_space<vmem>>
      %dma_wait3A_3189 = tpu.memref_slice %arg3[%min3A_1607, %mul3A_0] : memref<10000x128xbf16, #tpu.memory_space<hbm>> -> memref<640x64xbf16, #tpu.memory_space<hbm>>
      %dma_wait3A_3190 = arith.constant 0 : i32
      %dma_wait3A_3191 = arith.constant 0 : i32
      %dma_wait3A_3192 = tpu.memref_slice %arg8[%dma_wait3A_3190, %dma_wait3A_3191] : memref<1024x64xbf16, #tpu.memory_space<vmem>> -> memref<640x64xbf16, #tpu.memory_space<vmem>>
      %dma_wait3A_3193 = tpu.memref_slice %arg3[%min3A_1607, %mul3A_0] : memref<10000x128xbf16, #tpu.memory_space<hbm>> -> memref<640x64xbf16, #tpu.memory_space<hbm>>
      tpu.wait_dma2 semaphore(%run_scoped3A : memref<!tpu.dma_semaphore, #tpu.memory_space<semaphore_mem>>) src(%dma_wait3A_3193 : memref<640x64xbf16, #tpu.memory_space<hbm>>) dst(%dma_wait3A_3192 : memref<640x64xbf16, #tpu.memory_space<vmem>>)
      tpu.yield
    }) : () -> ()
    "tpu.region"() ({
      %run_scoped3A = tpu.sem_alloc : memref<!tpu.dma_semaphore, #tpu.memory_space<semaphore_mem>>
      %dma_start3A_3178 = arith.constant 0 : i32
      %dma_start3A_3179 = arith.constant 0 : i32
      %dma_start3A_3180 = tpu.memref_slice %arg8[%dma_start3A_3178, %dma_start3A_3179] : memref<1024x64xbf16, #tpu.memory_space<vmem>> -> memref<640x64xbf16, #tpu.memory_space<vmem>>
      %dma_start3A_3181 = arith.constant 0 : i32
      %dma_start3A_3182 = tpu.memref_slice %arg12[%min3A_1607, %dma_start3A_3181] : memref<40064x64xbf16, #tpu.memory_space<vmem_shared>> -> memref<640x64xbf16, #tpu.memory_space<vmem_shared>>
      %dma_start3A_3183 = arith.constant 0 : i32
      %dma_start3A_3184 = tpu.memref_slice %arg12[%min3A_1607, %dma_start3A_3183] : memref<40064x64xbf16, #tpu.memory_space<vmem_shared>> -> memref<640x64xbf16, #tpu.memory_space<vmem_shared>>
      %dma_start3A_3185 = arith.constant 0 : i32
      %dma_start3A_3186 = arith.constant 0 : i32
      %dma_start3A_3187 = tpu.memref_slice %arg8[%dma_start3A_3185, %dma_start3A_3186] : memref<1024x64xbf16, #tpu.memory_space<vmem>> -> memref<640x64xbf16, #tpu.memory_space<vmem>>
      tpu.enqueue_dma source(%dma_start3A_3187 : memref<640x64xbf16, #tpu.memory_space<vmem>>) target(%dma_start3A_3184 : memref<640x64xbf16, #tpu.memory_space<vmem_shared>>) target_semaphore(%run_scoped3A : memref<!tpu.dma_semaphore, #tpu.memory_space<semaphore_mem>>)
      %dma_wait3A_3188 = arith.constant 0 : i32
      %dma_wait3A_3189 = arith.constant 0 : i32
      %dma_wait3A_3190 = tpu.memref_slice %arg8[%dma_wait3A_3188, %dma_wait3A_3189] : memref<1024x64xbf16, #tpu.memory_space<vmem>> -> memref<640x64xbf16, #tpu.memory_space<vmem>>
      %dma_wait3A_3191 = arith.constant 0 : i32
      %dma_wait3A_3192 = tpu.memref_slice %arg12[%min3A_1607, %dma_wait3A_3191] : memref<40064x64xbf16, #tpu.memory_space<vmem_shared>> -> memref<640x64xbf16, #tpu.memory_space<vmem_shared>>
      %dma_wait3A_3193 = arith.constant 0 : i32
      %dma_wait3A_3194 = tpu.memref_slice %arg12[%min3A_1607, %dma_wait3A_3193] : memref<40064x64xbf16, #tpu.memory_space<vmem_shared>> -> memref<640x64xbf16, #tpu.memory_space<vmem_shared>>
      %dma_wait3A_3195 = arith.constant 0 : i32
      %dma_wait3A_3196 = arith.constant 0 : i32
      %dma_wait3A_3197 = tpu.memref_slice %arg8[%dma_wait3A_3195, %dma_wait3A_3196] : memref<1024x64xbf16, #tpu.memory_space<vmem>> -> memref<640x64xbf16, #tpu.memory_space<vmem>>
      tpu.wait_dma2 semaphore(%run_scoped3A : memref<!tpu.dma_semaphore, #tpu.memory_space<semaphore_mem>>) src(%dma_wait3A_3197 : memref<640x64xbf16, #tpu.memory_space<vmem>>) dst(%dma_wait3A_3194 : memref<640x64xbf16, #tpu.memory_space<vmem_shared>>)
      tpu.yield
    }) : () -> ()
    %barrier3A = arith.constant 0 : index
    tpu.barrier barrier_id(%barrier3A)
    %add3A_1608 = arith.constant 0 : i32
    %add3A_1609 = arith.addi %mul3A_4, %add3A_1608 : i32
    %rem3A = arith.constant 0 : i32
    %rem3A_1610 = arith.constant 2 : i32
    %rem3A_1611 = arith.remsi %rem3A, %rem3A_1610 : i32
    %mul3A_1612 = arith.constant 8 : i32
    %mul3A_1613 = arith.muli %rem3A_1611, %mul3A_1612 : i32
    %dma_start3A = arith.constant 0 : i32
    %dma_start3A_1614 = tpu.memref_slice %arg9[%mul3A_1613, %dma_start3A] : memref<16x128xi32, #tpu.memory_space<vmem>> -> memref<8x128xi32, #tpu.memory_space<vmem>>
    %dma_start3A_1615 = arith.constant 0 : i32
    %dma_start3A_1616 = tpu.memref_slice %arg4[%add3A_1609, %dma_start3A_1615] : memref<5120x128xi32, #tpu.memory_space<hbm>> -> memref<8x128xi32, #tpu.memory_space<hbm>>
    %dma_start3A_1617 = arith.constant 0 : i32
    %dma_start3A_1618 = tpu.memref_slice %arg9[%mul3A_1613, %dma_start3A_1617] : memref<16x128xi32, #tpu.memory_space<vmem>> -> memref<8x128xi32, #tpu.memory_space<vmem>>
    %dma_start3A_1619 = arith.constant 0 : i32
    %dma_start3A_1620 = tpu.memref_slice %arg4[%add3A_1609, %dma_start3A_1619] : memref<5120x128xi32, #tpu.memory_space<hbm>> -> memref<8x128xi32, #tpu.memory_space<hbm>>
    tpu.enqueue_dma source(%dma_start3A_1620 : memref<8x128xi32, #tpu.memory_space<hbm>>) target(%dma_start3A_1618 : memref<8x128xi32, #tpu.memory_space<vmem>>) target_semaphore(%arg15 : memref<!tpu.dma_semaphore, #tpu.memory_space<semaphore_mem>>)
    %add3A_1621 = arith.constant 0 : i32
    %add3A_1622 = arith.addi %mul3A_6, %add3A_1621 : i32
    %rem3A_1623 = arith.constant 0 : i32
    %rem3A_1624 = arith.constant 2 : i32
    %rem3A_1625 = arith.remsi %rem3A_1623, %rem3A_1624 : i32
    %mul3A_1626 = arith.constant 8 : i32
    %mul3A_1627 = arith.muli %rem3A_1625, %mul3A_1626 : i32
    %dma_start3A_1628 = arith.constant 0 : i32
    %dma_start3A_1629 = tpu.memref_slice %arg10[%mul3A_1627, %dma_start3A_1628] : memref<16x128xi32, #tpu.memory_space<vmem>> -> memref<8x128xi32, #tpu.memory_space<vmem>>
    %dma_start3A_1630 = arith.constant 0 : i32
    %dma_start3A_1631 = tpu.memref_slice %arg5[%add3A_1622, %dma_start3A_1630] : memref<2560x128xi32, #tpu.memory_space<hbm>> -> memref<8x128xi32, #tpu.memory_space<hbm>>
    %dma_start3A_1632 = arith.constant 0 : i32
    %dma_start3A_1633 = tpu.memref_slice %arg10[%mul3A_1627, %dma_start3A_1632] : memref<16x128xi32, #tpu.memory_space<vmem>> -> memref<8x128xi32, #tpu.memory_space<vmem>>
    %dma_start3A_1634 = arith.constant 0 : i32
    %dma_start3A_1635 = tpu.memref_slice %arg5[%add3A_1622, %dma_start3A_1634] : memref<2560x128xi32, #tpu.memory_space<hbm>> -> memref<8x128xi32, #tpu.memory_space<hbm>>
    tpu.enqueue_dma source(%dma_start3A_1635 : memref<8x128xi32, #tpu.memory_space<hbm>>) target(%dma_start3A_1633 : memref<8x128xi32, #tpu.memory_space<vmem>>) target_semaphore(%arg15 : memref<!tpu.dma_semaphore, #tpu.memory_space<semaphore_mem>>)
    %add3A_1636 = arith.constant 0 : i32
    %add3A_1637 = arith.addi %mul3A_4, %add3A_1636 : i32
    %rem3A_1638 = arith.constant 0 : i32
    %rem3A_1639 = arith.constant 2 : i32
    %rem3A_1640 = arith.remsi %rem3A_1638, %rem3A_1639 : i32
    %mul3A_1641 = arith.constant 8 : i32
    %mul3A_1642 = arith.muli %rem3A_1640, %mul3A_1641 : i32
    %dma_wait3A = arith.constant 0 : i32
    %dma_wait3A_1643 = tpu.memref_slice %arg9[%mul3A_1642, %dma_wait3A] : memref<16x128xi32, #tpu.memory_space<vmem>> -> memref<8x128xi32, #tpu.memory_space<vmem>>
    %dma_wait3A_1644 = arith.constant 0 : i32
    %dma_wait3A_1645 = tpu.memref_slice %arg4[%add3A_1637, %dma_wait3A_1644] : memref<5120x128xi32, #tpu.memory_space<hbm>> -> memref<8x128xi32, #tpu.memory_space<hbm>>
    %dma_wait3A_1646 = arith.constant 0 : i32
    %dma_wait3A_1647 = tpu.memref_slice %arg9[%mul3A_1642, %dma_wait3A_1646] : memref<16x128xi32, #tpu.memory_space<vmem>> -> memref<8x128xi32, #tpu.memory_space<vmem>>
    %dma_wait3A_1648 = arith.constant 0 : i32
    %dma_wait3A_1649 = tpu.memref_slice %arg4[%add3A_1637, %dma_wait3A_1648] : memref<5120x128xi32, #tpu.memory_space<hbm>> -> memref<8x128xi32, #tpu.memory_space<hbm>>
    tpu.wait_dma2 semaphore(%arg15 : memref<!tpu.dma_semaphore, #tpu.memory_space<semaphore_mem>>) src(%dma_wait3A_1649 : memref<8x128xi32, #tpu.memory_space<hbm>>) dst(%dma_wait3A_1647 : memref<8x128xi32, #tpu.memory_space<vmem>>)
    %add3A_1650 = arith.constant 0 : i32
    %add3A_1651 = arith.addi %mul3A_6, %add3A_1650 : i32
    %rem3A_1652 = arith.constant 0 : i32
    %rem3A_1653 = arith.constant 2 : i32
    %rem3A_1654 = arith.remsi %rem3A_1652, %rem3A_1653 : i32
    %mul3A_1655 = arith.constant 8 : i32
    %mul3A_1656 = arith.muli %rem3A_1654, %mul3A_1655 : i32
    %dma_wait3A_1657 = arith.constant 0 : i32
    %dma_wait3A_1658 = tpu.memref_slice %arg10[%mul3A_1656, %dma_wait3A_1657] : memref<16x128xi32, #tpu.memory_space<vmem>> -> memref<8x128xi32, #tpu.memory_space<vmem>>
    %dma_wait3A_1659 = arith.constant 0 : i32
    %dma_wait3A_1660 = tpu.memref_slice %arg5[%add3A_1651, %dma_wait3A_1659] : memref<2560x128xi32, #tpu.memory_space<hbm>> -> memref<8x128xi32, #tpu.memory_space<hbm>>
    %dma_wait3A_1661 = arith.constant 0 : i32
    %dma_wait3A_1662 = tpu.memref_slice %arg10[%mul3A_1656, %dma_wait3A_1661] : memref<16x128xi32, #tpu.memory_space<vmem>> -> memref<8x128xi32, #tpu.memory_space<vmem>>
    %dma_wait3A_1663 = arith.constant 0 : i32
    %dma_wait3A_1664 = tpu.memref_slice %arg5[%add3A_1651, %dma_wait3A_1663] : memref<2560x128xi32, #tpu.memory_space<hbm>> -> memref<8x128xi32, #tpu.memory_space<hbm>>
    tpu.wait_dma2 semaphore(%arg15 : memref<!tpu.dma_semaphore, #tpu.memory_space<semaphore_mem>>) src(%dma_wait3A_1664 : memref<8x128xi32, #tpu.memory_space<hbm>>) dst(%dma_wait3A_1662 : memref<8x128xi32, #tpu.memory_space<vmem>>)
    %rem3A_1665 = arith.constant 0 : i32
    %rem3A_1666 = arith.constant 2 : i32
    %rem3A_1667 = arith.remsi %rem3A_1665, %rem3A_1666 : i32
    %mul3A_1668 = arith.constant 8 : i32
    %mul3A_1669 = arith.muli %rem3A_1667, %mul3A_1668 : i32
    %add3A_1670 = arith.constant 0 : i32
    %add3A_1671 = arith.addi %mul3A_1669, %add3A_1670 : i32
    %add3A_1672 = arith.constant 0 : i32
    %add3A_1673 = arith.addi %add3A_1671, %add3A_1672 : i32
    %dma_start3A_1674 = arith.constant 0 : i32
    %dma_start3A_1675 = arith.constant 0 : i32
    %dma_start3A_1676 = tpu.memref_slice %arg8[%dma_start3A_1674, %dma_start3A_1675] : memref<1024x64xbf16, #tpu.memory_space<vmem>> -> memref<128x64xbf16, #tpu.memory_space<vmem>>
    %dma_start3A_1677 = arith.constant 0 : i32
    %dma_start3A_1678 = tpu.memref_slice %arg9[%add3A_1673, %dma_start3A_1677] : memref<16x128xi32, #tpu.memory_space<vmem>> -> memref<1x128xi32, #tpu.memory_space<vmem>>
    %dma_start3A_1679 = tpu.memref_squeeze %dma_start3A_1678 : memref<1x128xi32, #tpu.memory_space<vmem>> -> memref<128xi32, #tpu.memory_space<vmem>>
    %dma_start3A_1680 = arith.constant 0 : i32
    %dma_start3A_1681 = arith.constant 0 : i32
    %dma_start3A_1682 = tpu.memref_slice %arg2[%dma_start3A_1680, %dma_start3A_1681] : memref<20000x64xbf16, #tpu.memory_space<hbm>> -> memref<20000x64xbf16, #tpu.memory_space<hbm>>
    tpu.enqueue_indirect_dma source(%dma_start3A_1682 : memref<20000x64xbf16, #tpu.memory_space<hbm>>) target(%dma_start3A_1676 : memref<128x64xbf16, #tpu.memory_space<vmem>>) offsets(%dma_start3A_1679 : memref<128xi32, #tpu.memory_space<vmem>>) semaphore(%arg13 : memref<!tpu.dma_semaphore, #tpu.memory_space<semaphore_mem>>)
    %rem3A_1683 = arith.constant 0 : i32
    %rem3A_1684 = arith.constant 2 : i32
    %rem3A_1685 = arith.remsi %rem3A_1683, %rem3A_1684 : i32
    %mul3A_1686 = arith.constant 8 : i32
    %mul3A_1687 = arith.muli %rem3A_1685, %mul3A_1686 : i32
    %add3A_1688 = arith.constant 0 : i32
    %add3A_1689 = arith.addi %mul3A_1687, %add3A_1688 : i32
    %add3A_1690 = arith.constant 1 : i32
    %add3A_1691 = arith.addi %add3A_1689, %add3A_1690 : i32
    %dma_start3A_1692 = arith.constant 128 : i32
    %dma_start3A_1693 = arith.constant 0 : i32
    %dma_start3A_1694 = tpu.memref_slice %arg8[%dma_start3A_1692, %dma_start3A_1693] : memref<1024x64xbf16, #tpu.memory_space<vmem>> -> memref<128x64xbf16, #tpu.memory_space<vmem>>
    %dma_start3A_1695 = arith.constant 0 : i32
    %dma_start3A_1696 = tpu.memref_slice %arg9[%add3A_1691, %dma_start3A_1695] : memref<16x128xi32, #tpu.memory_space<vmem>> -> memref<1x128xi32, #tpu.memory_space<vmem>>
    %dma_start3A_1697 = tpu.memref_squeeze %dma_start3A_1696 : memref<1x128xi32, #tpu.memory_space<vmem>> -> memref<128xi32, #tpu.memory_space<vmem>>
    %dma_start3A_1698 = arith.constant 0 : i32
    %dma_start3A_1699 = arith.constant 0 : i32
    %dma_start3A_1700 = tpu.memref_slice %arg2[%dma_start3A_1698, %dma_start3A_1699] : memref<20000x64xbf16, #tpu.memory_space<hbm>> -> memref<20000x64xbf16, #tpu.memory_space<hbm>>
    tpu.enqueue_indirect_dma source(%dma_start3A_1700 : memref<20000x64xbf16, #tpu.memory_space<hbm>>) target(%dma_start3A_1694 : memref<128x64xbf16, #tpu.memory_space<vmem>>) offsets(%dma_start3A_1697 : memref<128xi32, #tpu.memory_space<vmem>>) semaphore(%arg13 : memref<!tpu.dma_semaphore, #tpu.memory_space<semaphore_mem>>)
    %rem3A_1701 = arith.constant 0 : i32
    %rem3A_1702 = arith.constant 2 : i32
    %rem3A_1703 = arith.remsi %rem3A_1701, %rem3A_1702 : i32
    %mul3A_1704 = arith.constant 8 : i32
    %mul3A_1705 = arith.muli %rem3A_1703, %mul3A_1704 : i32
    %add3A_1706 = arith.constant 0 : i32
    %add3A_1707 = arith.addi %mul3A_1705, %add3A_1706 : i32
    %add3A_1708 = arith.constant 2 : i32
    %add3A_1709 = arith.addi %add3A_1707, %add3A_1708 : i32
    %dma_start3A_1710 = arith.constant 256 : i32
    %dma_start3A_1711 = arith.constant 0 : i32
    %dma_start3A_1712 = tpu.memref_slice %arg8[%dma_start3A_1710, %dma_start3A_1711] : memref<1024x64xbf16, #tpu.memory_space<vmem>> -> memref<128x64xbf16, #tpu.memory_space<vmem>>
    %dma_start3A_1713 = arith.constant 0 : i32
    %dma_start3A_1714 = tpu.memref_slice %arg9[%add3A_1709, %dma_start3A_1713] : memref<16x128xi32, #tpu.memory_space<vmem>> -> memref<1x128xi32, #tpu.memory_space<vmem>>
    %dma_start3A_1715 = tpu.memref_squeeze %dma_start3A_1714 : memref<1x128xi32, #tpu.memory_space<vmem>> -> memref<128xi32, #tpu.memory_space<vmem>>
    %dma_start3A_1716 = arith.constant 0 : i32
    %dma_start3A_1717 = arith.constant 0 : i32
    %dma_start3A_1718 = tpu.memref_slice %arg2[%dma_start3A_1716, %dma_start3A_1717] : memref<20000x64xbf16, #tpu.memory_space<hbm>> -> memref<20000x64xbf16, #tpu.memory_space<hbm>>
    tpu.enqueue_indirect_dma source(%dma_start3A_1718 : memref<20000x64xbf16, #tpu.memory_space<hbm>>) target(%dma_start3A_1712 : memref<128x64xbf16, #tpu.memory_space<vmem>>) offsets(%dma_start3A_1715 : memref<128xi32, #tpu.memory_space<vmem>>) semaphore(%arg13 : memref<!tpu.dma_semaphore, #tpu.memory_space<semaphore_mem>>)
    %rem3A_1719 = arith.constant 0 : i32
    %rem3A_1720 = arith.constant 2 : i32
    %rem3A_1721 = arith.remsi %rem3A_1719, %rem3A_1720 : i32
    %mul3A_1722 = arith.constant 8 : i32
    %mul3A_1723 = arith.muli %rem3A_1721, %mul3A_1722 : i32
    %add3A_1724 = arith.constant 0 : i32
    %add3A_1725 = arith.addi %mul3A_1723, %add3A_1724 : i32
    %add3A_1726 = arith.constant 3 : i32
    %add3A_1727 = arith.addi %add3A_1725, %add3A_1726 : i32
    %dma_start3A_1728 = arith.constant 384 : i32
    %dma_start3A_1729 = arith.constant 0 : i32
    %dma_start3A_1730 = tpu.memref_slice %arg8[%dma_start3A_1728, %dma_start3A_1729] : memref<1024x64xbf16, #tpu.memory_space<vmem>> -> memref<128x64xbf16, #tpu.memory_space<vmem>>
    %dma_start3A_1731 = arith.constant 0 : i32
    %dma_start3A_1732 = tpu.memref_slice %arg9[%add3A_1727, %dma_start3A_1731] : memref<16x128xi32, #tpu.memory_space<vmem>> -> memref<1x128xi32, #tpu.memory_space<vmem>>
    %dma_start3A_1733 = tpu.memref_squeeze %dma_start3A_1732 : memref<1x128xi32, #tpu.memory_space<vmem>> -> memref<128xi32, #tpu.memory_space<vmem>>
    %dma_start3A_1734 = arith.constant 0 : i32
    %dma_start3A_1735 = arith.constant 0 : i32
    %dma_start3A_1736 = tpu.memref_slice %arg2[%dma_start3A_1734, %dma_start3A_1735] : memref<20000x64xbf16, #tpu.memory_space<hbm>> -> memref<20000x64xbf16, #tpu.memory_space<hbm>>
    tpu.enqueue_indirect_dma source(%dma_start3A_1736 : memref<20000x64xbf16, #tpu.memory_space<hbm>>) target(%dma_start3A_1730 : memref<128x64xbf16, #tpu.memory_space<vmem>>) offsets(%dma_start3A_1733 : memref<128xi32, #tpu.memory_space<vmem>>) semaphore(%arg13 : memref<!tpu.dma_semaphore, #tpu.memory_space<semaphore_mem>>)
    %scan3A = arith.constant 0 : i32
    %scan3A_1737 = arith.constant 0 : i32
    %scan3A_1738 = arith.constant 20 : i32
    %scan3A_1739 = arith.addi %scan3A_1737, %scan3A_1738 : i32
    %scan3A_1740 = arith.constant 1 : i32
    scf.for %scan3A_3178 = %scan3A_1737 to %scan3A_1739 step %scan3A_1740  : i32 {
      %rem3A_3179 = arith.constant 2 : i32
      %rem3A_3180 = arith.remsi %scan3A_3178, %rem3A_3179 : i32
      %mul3A_3181 = arith.constant 8 : i32
      %mul3A_3182 = arith.muli %rem3A_3180, %mul3A_3181 : i32
      %add3A_3183 = arith.constant 0 : i32
      %add3A_3184 = arith.addi %mul3A_3182, %add3A_3183 : i32
      %add3A_3185 = arith.constant 0 : i32
      %add3A_3186 = arith.addi %add3A_3184, %add3A_3185 : i32
      %dma_wait3A_3187 = arith.constant 0 : i32
      %dma_wait3A_3188 = arith.constant 0 : i32
      %dma_wait3A_3189 = tpu.memref_slice %arg8[%dma_wait3A_3187, %dma_wait3A_3188] : memref<1024x64xbf16, #tpu.memory_space<vmem>> -> memref<128x64xbf16, #tpu.memory_space<vmem>>
      %dma_wait3A_3190 = arith.constant 0 : i32
      %dma_wait3A_3191 = tpu.memref_slice %arg9[%add3A_3186, %dma_wait3A_3190] : memref<16x128xi32, #tpu.memory_space<vmem>> -> memref<1x128xi32, #tpu.memory_space<vmem>>
      %dma_wait3A_3192 = tpu.memref_squeeze %dma_wait3A_3191 : memref<1x128xi32, #tpu.memory_space<vmem>> -> memref<128xi32, #tpu.memory_space<vmem>>
      %dma_wait3A_3193 = arith.constant 0 : i32
      %dma_wait3A_3194 = arith.constant 0 : i32
      %dma_wait3A_3195 = tpu.memref_slice %arg2[%dma_wait3A_3193, %dma_wait3A_3194] : memref<20000x64xbf16, #tpu.memory_space<hbm>> -> memref<20000x64xbf16, #tpu.memory_space<hbm>>
      tpu.wait_indirect_dma semaphore(%arg13 : memref<!tpu.dma_semaphore, #tpu.memory_space<semaphore_mem>>) src(%dma_wait3A_3195 : memref<20000x64xbf16, #tpu.memory_space<hbm>>) dst(%dma_wait3A_3189 : memref<128x64xbf16, #tpu.memory_space<vmem>>)
      %rem3A_3196 = arith.constant 2 : i32
      %rem3A_3197 = arith.remsi %scan3A_3178, %rem3A_3196 : i32
      %mul3A_3198 = arith.constant 8 : i32
      %mul3A_3199 = arith.muli %rem3A_3197, %mul3A_3198 : i32
      %add3A_3200 = arith.constant 0 : i32
      %add3A_3201 = arith.addi %mul3A_3199, %add3A_3200 : i32
      %add3A_3202 = arith.constant 1 : i32
      %add3A_3203 = arith.addi %add3A_3201, %add3A_3202 : i32
      %dma_wait3A_3204 = arith.constant 128 : i32
      %dma_wait3A_3205 = arith.constant 0 : i32
      %dma_wait3A_3206 = tpu.memref_slice %arg8[%dma_wait3A_3204, %dma_wait3A_3205] : memref<1024x64xbf16, #tpu.memory_space<vmem>> -> memref<128x64xbf16, #tpu.memory_space<vmem>>
      %dma_wait3A_3207 = arith.constant 0 : i32
      %dma_wait3A_3208 = tpu.memref_slice %arg9[%add3A_3203, %dma_wait3A_3207] : memref<16x128xi32, #tpu.memory_space<vmem>> -> memref<1x128xi32, #tpu.memory_space<vmem>>
      %dma_wait3A_3209 = tpu.memref_squeeze %dma_wait3A_3208 : memref<1x128xi32, #tpu.memory_space<vmem>> -> memref<128xi32, #tpu.memory_space<vmem>>
      %dma_wait3A_3210 = arith.constant 0 : i32
      %dma_wait3A_3211 = arith.constant 0 : i32
      %dma_wait3A_3212 = tpu.memref_slice %arg2[%dma_wait3A_3210, %dma_wait3A_3211] : memref<20000x64xbf16, #tpu.memory_space<hbm>> -> memref<20000x64xbf16, #tpu.memory_space<hbm>>
      tpu.wait_indirect_dma semaphore(%arg13 : memref<!tpu.dma_semaphore, #tpu.memory_space<semaphore_mem>>) src(%dma_wait3A_3212 : memref<20000x64xbf16, #tpu.memory_space<hbm>>) dst(%dma_wait3A_3206 : memref<128x64xbf16, #tpu.memory_space<vmem>>)
      %rem3A_3213 = arith.constant 2 : i32
      %rem3A_3214 = arith.remsi %scan3A_3178, %rem3A_3213 : i32
      %mul3A_3215 = arith.constant 8 : i32
      %mul3A_3216 = arith.muli %rem3A_3214, %mul3A_3215 : i32
      %add3A_3217 = arith.constant 0 : i32
      %add3A_3218 = arith.addi %mul3A_3216, %add3A_3217 : i32
      %add3A_3219 = arith.constant 2 : i32
      %add3A_3220 = arith.addi %add3A_3218, %add3A_3219 : i32
      %dma_wait3A_3221 = arith.constant 256 : i32
      %dma_wait3A_3222 = arith.constant 0 : i32
      %dma_wait3A_3223 = tpu.memref_slice %arg8[%dma_wait3A_3221, %dma_wait3A_3222] : memref<1024x64xbf16, #tpu.memory_space<vmem>> -> memref<128x64xbf16, #tpu.memory_space<vmem>>
      %dma_wait3A_3224 = arith.constant 0 : i32
      %dma_wait3A_3225 = tpu.memref_slice %arg9[%add3A_3220, %dma_wait3A_3224] : memref<16x128xi32, #tpu.memory_space<vmem>> -> memref<1x128xi32, #tpu.memory_space<vmem>>
      %dma_wait3A_3226 = tpu.memref_squeeze %dma_wait3A_3225 : memref<1x128xi32, #tpu.memory_space<vmem>> -> memref<128xi32, #tpu.memory_space<vmem>>
      %dma_wait3A_3227 = arith.constant 0 : i32
      %dma_wait3A_3228 = arith.constant 0 : i32
      %dma_wait3A_3229 = tpu.memref_slice %arg2[%dma_wait3A_3227, %dma_wait3A_3228] : memref<20000x64xbf16, #tpu.memory_space<hbm>> -> memref<20000x64xbf16, #tpu.memory_space<hbm>>
      tpu.wait_indirect_dma semaphore(%arg13 : memref<!tpu.dma_semaphore, #tpu.memory_space<semaphore_mem>>) src(%dma_wait3A_3229 : memref<20000x64xbf16, #tpu.memory_space<hbm>>) dst(%dma_wait3A_3223 : memref<128x64xbf16, #tpu.memory_space<vmem>>)
      %rem3A_3230 = arith.constant 2 : i32
      %rem3A_3231 = arith.remsi %scan3A_3178, %rem3A_3230 : i32
      %mul3A_3232 = arith.constant 8 : i32
      %mul3A_3233 = arith.muli %rem3A_3231, %mul3A_3232 : i32
      %add3A_3234 = arith.constant 0 : i32
      %add3A_3235 = arith.addi %mul3A_3233, %add3A_3234 : i32
      %add3A_3236 = arith.constant 3 : i32
      %add3A_3237 = arith.addi %add3A_3235, %add3A_3236 : i32
      %dma_wait3A_3238 = arith.constant 384 : i32
      %dma_wait3A_3239 = arith.constant 0 : i32
      %dma_wait3A_3240 = tpu.memref_slice %arg8[%dma_wait3A_3238, %dma_wait3A_3239] : memref<1024x64xbf16, #tpu.memory_space<vmem>> -> memref<128x64xbf16, #tpu.memory_space<vmem>>
      %dma_wait3A_3241 = arith.constant 0 : i32
      %dma_wait3A_3242 = tpu.memref_slice %arg9[%add3A_3237, %dma_wait3A_3241] : memref<16x128xi32, #tpu.memory_space<vmem>> -> memref<1x128xi32, #tpu.memory_space<vmem>>
      %dma_wait3A_3243 = tpu.memref_squeeze %dma_wait3A_3242 : memref<1x128xi32, #tpu.memory_space<vmem>> -> memref<128xi32, #tpu.memory_space<vmem>>
      %dma_wait3A_3244 = arith.constant 0 : i32
      %dma_wait3A_3245 = arith.constant 0 : i32
      %dma_wait3A_3246 = tpu.memref_slice %arg2[%dma_wait3A_3244, %dma_wait3A_3245] : memref<20000x64xbf16, #tpu.memory_space<hbm>> -> memref<20000x64xbf16, #tpu.memory_space<hbm>>
      tpu.wait_indirect_dma semaphore(%arg13 : memref<!tpu.dma_semaphore, #tpu.memory_space<semaphore_mem>>) src(%dma_wait3A_3246 : memref<20000x64xbf16, #tpu.memory_space<hbm>>) dst(%dma_wait3A_3240 : memref<128x64xbf16, #tpu.memory_space<vmem>>)
      %gt3A = arith.constant 0 : i32
      %gt3A_3247 = arith.cmpi sgt, %scan3A_3178, %gt3A : i32
      %convert_element_type3A = arith.extui %gt3A_3247 : i1 to i32
      %cond3A = arith.constant 0 : i32
      %cond3A_3248 = arith.cmpi ne, %convert_element_type3A, %cond3A : i32
      scf.if %cond3A_3248 {
        %rem3A_3599 = arith.constant 2 : i32
        %rem3A_3600 = arith.remsi %scan3A_3178, %rem3A_3599 : i32
        %mul3A_3601 = arith.constant 8 : i32
        %mul3A_3602 = arith.muli %rem3A_3600, %mul3A_3601 : i32
        %add3A_3603 = arith.constant 4 : i32
        %add3A_3604 = arith.addi %mul3A_3602, %add3A_3603 : i32
        %add3A_3605 = arith.constant 0 : i32
        %add3A_3606 = arith.addi %add3A_3604, %add3A_3605 : i32
        %dma_wait3A_3607 = arith.constant 512 : i32
        %dma_wait3A_3608 = arith.constant 0 : i32
        %dma_wait3A_3609 = tpu.memref_slice %arg8[%dma_wait3A_3607, %dma_wait3A_3608] : memref<1024x64xbf16, #tpu.memory_space<vmem>> -> memref<128x64xbf16, #tpu.memory_space<vmem>>
        %dma_wait3A_3610 = arith.constant 0 : i32
        %dma_wait3A_3611 = tpu.memref_slice %arg10[%add3A_3606, %dma_wait3A_3610] : memref<16x128xi32, #tpu.memory_space<vmem>> -> memref<1x128xi32, #tpu.memory_space<vmem>>
        %dma_wait3A_3612 = tpu.memref_squeeze %dma_wait3A_3611 : memref<1x128xi32, #tpu.memory_space<vmem>> -> memref<128xi32, #tpu.memory_space<vmem>>
        %dma_wait3A_3613 = arith.constant 0 : i32
        %dma_wait3A_3614 = arith.constant 0 : i32
        %dma_wait3A_3615 = tpu.memref_slice %arg12[%dma_wait3A_3613, %dma_wait3A_3614] : memref<40064x64xbf16, #tpu.memory_space<vmem_shared>> -> memref<40064x64xbf16, #tpu.memory_space<vmem_shared>>
        tpu.wait_indirect_dma semaphore(%arg14 : memref<!tpu.dma_semaphore, #tpu.memory_space<semaphore_mem>>) src(%dma_wait3A_3609 : memref<128x64xbf16, #tpu.memory_space<vmem>>) dst(%dma_wait3A_3615 : memref<40064x64xbf16, #tpu.memory_space<vmem_shared>>)
        %rem3A_3616 = arith.constant 2 : i32
        %rem3A_3617 = arith.remsi %scan3A_3178, %rem3A_3616 : i32
        %mul3A_3618 = arith.constant 8 : i32
        %mul3A_3619 = arith.muli %rem3A_3617, %mul3A_3618 : i32
        %add3A_3620 = arith.constant 4 : i32
        %add3A_3621 = arith.addi %mul3A_3619, %add3A_3620 : i32
        %add3A_3622 = arith.constant 1 : i32
        %add3A_3623 = arith.addi %add3A_3621, %add3A_3622 : i32
        %dma_wait3A_3624 = arith.constant 640 : i32
        %dma_wait3A_3625 = arith.constant 0 : i32
        %dma_wait3A_3626 = tpu.memref_slice %arg8[%dma_wait3A_3624, %dma_wait3A_3625] : memref<1024x64xbf16, #tpu.memory_space<vmem>> -> memref<128x64xbf16, #tpu.memory_space<vmem>>
        %dma_wait3A_3627 = arith.constant 0 : i32
        %dma_wait3A_3628 = tpu.memref_slice %arg10[%add3A_3623, %dma_wait3A_3627] : memref<16x128xi32, #tpu.memory_space<vmem>> -> memref<1x128xi32, #tpu.memory_space<vmem>>
        %dma_wait3A_3629 = tpu.memref_squeeze %dma_wait3A_3628 : memref<1x128xi32, #tpu.memory_space<vmem>> -> memref<128xi32, #tpu.memory_space<vmem>>
        %dma_wait3A_3630 = arith.constant 0 : i32
        %dma_wait3A_3631 = arith.constant 0 : i32
        %dma_wait3A_3632 = tpu.memref_slice %arg12[%dma_wait3A_3630, %dma_wait3A_3631] : memref<40064x64xbf16, #tpu.memory_space<vmem_shared>> -> memref<40064x64xbf16, #tpu.memory_space<vmem_shared>>
        tpu.wait_indirect_dma semaphore(%arg14 : memref<!tpu.dma_semaphore, #tpu.memory_space<semaphore_mem>>) src(%dma_wait3A_3626 : memref<128x64xbf16, #tpu.memory_space<vmem>>) dst(%dma_wait3A_3632 : memref<40064x64xbf16, #tpu.memory_space<vmem_shared>>)
        %rem3A_3633 = arith.constant 2 : i32
        %rem3A_3634 = arith.remsi %scan3A_3178, %rem3A_3633 : i32
        %mul3A_3635 = arith.constant 8 : i32
        %mul3A_3636 = arith.muli %rem3A_3634, %mul3A_3635 : i32
        %add3A_3637 = arith.constant 4 : i32
        %add3A_3638 = arith.addi %mul3A_3636, %add3A_3637 : i32
        %add3A_3639 = arith.constant 2 : i32
        %add3A_3640 = arith.addi %add3A_3638, %add3A_3639 : i32
        %dma_wait3A_3641 = arith.constant 768 : i32
        %dma_wait3A_3642 = arith.constant 0 : i32
        %dma_wait3A_3643 = tpu.memref_slice %arg8[%dma_wait3A_3641, %dma_wait3A_3642] : memref<1024x64xbf16, #tpu.memory_space<vmem>> -> memref<128x64xbf16, #tpu.memory_space<vmem>>
        %dma_wait3A_3644 = arith.constant 0 : i32
        %dma_wait3A_3645 = tpu.memref_slice %arg10[%add3A_3640, %dma_wait3A_3644] : memref<16x128xi32, #tpu.memory_space<vmem>> -> memref<1x128xi32, #tpu.memory_space<vmem>>
        %dma_wait3A_3646 = tpu.memref_squeeze %dma_wait3A_3645 : memref<1x128xi32, #tpu.memory_space<vmem>> -> memref<128xi32, #tpu.memory_space<vmem>>
        %dma_wait3A_3647 = arith.constant 0 : i32
        %dma_wait3A_3648 = arith.constant 0 : i32
        %dma_wait3A_3649 = tpu.memref_slice %arg12[%dma_wait3A_3647, %dma_wait3A_3648] : memref<40064x64xbf16, #tpu.memory_space<vmem_shared>> -> memref<40064x64xbf16, #tpu.memory_space<vmem_shared>>
        tpu.wait_indirect_dma semaphore(%arg14 : memref<!tpu.dma_semaphore, #tpu.memory_space<semaphore_mem>>) src(%dma_wait3A_3643 : memref<128x64xbf16, #tpu.memory_space<vmem>>) dst(%dma_wait3A_3649 : memref<40064x64xbf16, #tpu.memory_space<vmem_shared>>)
        %rem3A_3650 = arith.constant 2 : i32
        %rem3A_3651 = arith.remsi %scan3A_3178, %rem3A_3650 : i32
        %mul3A_3652 = arith.constant 8 : i32
        %mul3A_3653 = arith.muli %rem3A_3651, %mul3A_3652 : i32
        %add3A_3654 = arith.constant 4 : i32
        %add3A_3655 = arith.addi %mul3A_3653, %add3A_3654 : i32
        %add3A_3656 = arith.constant 3 : i32
        %add3A_3657 = arith.addi %add3A_3655, %add3A_3656 : i32
        %dma_wait3A_3658 = arith.constant 896 : i32
        %dma_wait3A_3659 = arith.constant 0 : i32
        %dma_wait3A_3660 = tpu.memref_slice %arg8[%dma_wait3A_3658, %dma_wait3A_3659] : memref<1024x64xbf16, #tpu.memory_space<vmem>> -> memref<128x64xbf16, #tpu.memory_space<vmem>>
        %dma_wait3A_3661 = arith.constant 0 : i32
        %dma_wait3A_3662 = tpu.memref_slice %arg10[%add3A_3657, %dma_wait3A_3661] : memref<16x128xi32, #tpu.memory_space<vmem>> -> memref<1x128xi32, #tpu.memory_space<vmem>>
        %dma_wait3A_3663 = tpu.memref_squeeze %dma_wait3A_3662 : memref<1x128xi32, #tpu.memory_space<vmem>> -> memref<128xi32, #tpu.memory_space<vmem>>
        %dma_wait3A_3664 = arith.constant 0 : i32
        %dma_wait3A_3665 = arith.constant 0 : i32
        %dma_wait3A_3666 = tpu.memref_slice %arg12[%dma_wait3A_3664, %dma_wait3A_3665] : memref<40064x64xbf16, #tpu.memory_space<vmem_shared>> -> memref<40064x64xbf16, #tpu.memory_space<vmem_shared>>
        tpu.wait_indirect_dma semaphore(%arg14 : memref<!tpu.dma_semaphore, #tpu.memory_space<semaphore_mem>>) src(%dma_wait3A_3660 : memref<128x64xbf16, #tpu.memory_space<vmem>>) dst(%dma_wait3A_3666 : memref<40064x64xbf16, #tpu.memory_space<vmem_shared>>)
      } else {
      }
      %lt3A_3249 = arith.constant 19 : i32
      %lt3A_3250 = arith.cmpi slt, %scan3A_3178, %lt3A_3249 : i32
      %convert_element_type3A_3251 = arith.extui %lt3A_3250 : i1 to i32
      %cond3A_3252 = arith.constant 0 : i32
      %cond3A_3253 = arith.cmpi ne, %convert_element_type3A_3251, %cond3A_3252 : i32
      scf.if %cond3A_3253 {
        %add3A_3599 = arith.constant 1 : i32
        %add3A_3600 = arith.addi %scan3A_3178, %add3A_3599 : i32
        %mul3A_3601 = arith.constant 8 : i32
        %mul3A_3602 = arith.muli %add3A_3600, %mul3A_3601 : i32
        %add3A_3603 = arith.addi %mul3A_4, %mul3A_3602 : i32
        %rem3A_3604 = arith.constant 2 : i32
        %rem3A_3605 = arith.remsi %add3A_3600, %rem3A_3604 : i32
        %mul3A_3606 = arith.constant 8 : i32
        %mul3A_3607 = arith.muli %rem3A_3605, %mul3A_3606 : i32
        %dma_start3A_3608 = arith.constant 0 : i32
        %dma_start3A_3609 = tpu.memref_slice %arg9[%mul3A_3607, %dma_start3A_3608] : memref<16x128xi32, #tpu.memory_space<vmem>> -> memref<8x128xi32, #tpu.memory_space<vmem>>
        %dma_start3A_3610 = arith.constant 0 : i32
        %dma_start3A_3611 = tpu.memref_slice %arg4[%add3A_3603, %dma_start3A_3610] : memref<5120x128xi32, #tpu.memory_space<hbm>> -> memref<8x128xi32, #tpu.memory_space<hbm>>
        %dma_start3A_3612 = arith.constant 0 : i32
        %dma_start3A_3613 = tpu.memref_slice %arg9[%mul3A_3607, %dma_start3A_3612] : memref<16x128xi32, #tpu.memory_space<vmem>> -> memref<8x128xi32, #tpu.memory_space<vmem>>
        %dma_start3A_3614 = arith.constant 0 : i32
        %dma_start3A_3615 = tpu.memref_slice %arg4[%add3A_3603, %dma_start3A_3614] : memref<5120x128xi32, #tpu.memory_space<hbm>> -> memref<8x128xi32, #tpu.memory_space<hbm>>
        tpu.enqueue_dma source(%dma_start3A_3615 : memref<8x128xi32, #tpu.memory_space<hbm>>) target(%dma_start3A_3613 : memref<8x128xi32, #tpu.memory_space<vmem>>) target_semaphore(%arg15 : memref<!tpu.dma_semaphore, #tpu.memory_space<semaphore_mem>>)
        %add3A_3616 = arith.constant 1 : i32
        %add3A_3617 = arith.addi %scan3A_3178, %add3A_3616 : i32
        %mul3A_3618 = arith.constant 8 : i32
        %mul3A_3619 = arith.muli %add3A_3617, %mul3A_3618 : i32
        %add3A_3620 = arith.addi %mul3A_6, %mul3A_3619 : i32
        %rem3A_3621 = arith.constant 2 : i32
        %rem3A_3622 = arith.remsi %add3A_3617, %rem3A_3621 : i32
        %mul3A_3623 = arith.constant 8 : i32
        %mul3A_3624 = arith.muli %rem3A_3622, %mul3A_3623 : i32
        %dma_start3A_3625 = arith.constant 0 : i32
        %dma_start3A_3626 = tpu.memref_slice %arg10[%mul3A_3624, %dma_start3A_3625] : memref<16x128xi32, #tpu.memory_space<vmem>> -> memref<8x128xi32, #tpu.memory_space<vmem>>
        %dma_start3A_3627 = arith.constant 0 : i32
        %dma_start3A_3628 = tpu.memref_slice %arg5[%add3A_3620, %dma_start3A_3627] : memref<2560x128xi32, #tpu.memory_space<hbm>> -> memref<8x128xi32, #tpu.memory_space<hbm>>
        %dma_start3A_3629 = arith.constant 0 : i32
        %dma_start3A_3630 = tpu.memref_slice %arg10[%mul3A_3624, %dma_start3A_3629] : memref<16x128xi32, #tpu.memory_space<vmem>> -> memref<8x128xi32, #tpu.memory_space<vmem>>
        %dma_start3A_3631 = arith.constant 0 : i32
        %dma_start3A_3632 = tpu.memref_slice %arg5[%add3A_3620, %dma_start3A_3631] : memref<2560x128xi32, #tpu.memory_space<hbm>> -> memref<8x128xi32, #tpu.memory_space<hbm>>
        tpu.enqueue_dma source(%dma_start3A_3632 : memref<8x128xi32, #tpu.memory_space<hbm>>) target(%dma_start3A_3630 : memref<8x128xi32, #tpu.memory_space<vmem>>) target_semaphore(%arg15 : memref<!tpu.dma_semaphore, #tpu.memory_space<semaphore_mem>>)
      } else {
      }
      %rem3A_3254 = arith.constant 2 : i32
      %rem3A_3255 = arith.remsi %scan3A_3178, %rem3A_3254 : i32
      %mul3A_3256 = arith.constant 8 : i32
      %mul3A_3257 = arith.muli %rem3A_3255, %mul3A_3256 : i32
      %add3A_3258 = arith.constant 4 : i32
      %add3A_3259 = arith.addi %mul3A_3257, %add3A_3258 : i32
      %add3A_3260 = arith.constant 0 : i32
      %add3A_3261 = arith.addi %add3A_3259, %add3A_3260 : i32
      %dma_start3A_3262 = arith.constant 512 : i32
      %dma_start3A_3263 = arith.constant 0 : i32
      %dma_start3A_3264 = tpu.memref_slice %arg8[%dma_start3A_3262, %dma_start3A_3263] : memref<1024x64xbf16, #tpu.memory_space<vmem>> -> memref<128x64xbf16, #tpu.memory_space<vmem>>
      %dma_start3A_3265 = arith.constant 0 : i32
      %dma_start3A_3266 = tpu.memref_slice %arg9[%add3A_3261, %dma_start3A_3265] : memref<16x128xi32, #tpu.memory_space<vmem>> -> memref<1x128xi32, #tpu.memory_space<vmem>>
      %dma_start3A_3267 = tpu.memref_squeeze %dma_start3A_3266 : memref<1x128xi32, #tpu.memory_space<vmem>> -> memref<128xi32, #tpu.memory_space<vmem>>
      %dma_start3A_3268 = arith.constant 0 : i32
      %dma_start3A_3269 = arith.constant 0 : i32
      %dma_start3A_3270 = tpu.memref_slice %arg2[%dma_start3A_3268, %dma_start3A_3269] : memref<20000x64xbf16, #tpu.memory_space<hbm>> -> memref<20000x64xbf16, #tpu.memory_space<hbm>>
      tpu.enqueue_indirect_dma source(%dma_start3A_3270 : memref<20000x64xbf16, #tpu.memory_space<hbm>>) target(%dma_start3A_3264 : memref<128x64xbf16, #tpu.memory_space<vmem>>) offsets(%dma_start3A_3267 : memref<128xi32, #tpu.memory_space<vmem>>) semaphore(%arg13 : memref<!tpu.dma_semaphore, #tpu.memory_space<semaphore_mem>>)
      %rem3A_3271 = arith.constant 2 : i32
      %rem3A_3272 = arith.remsi %scan3A_3178, %rem3A_3271 : i32
      %mul3A_3273 = arith.constant 8 : i32
      %mul3A_3274 = arith.muli %rem3A_3272, %mul3A_3273 : i32
      %add3A_3275 = arith.constant 4 : i32
      %add3A_3276 = arith.addi %mul3A_3274, %add3A_3275 : i32
      %add3A_3277 = arith.constant 1 : i32
      %add3A_3278 = arith.addi %add3A_3276, %add3A_3277 : i32
      %dma_start3A_3279 = arith.constant 640 : i32
      %dma_start3A_3280 = arith.constant 0 : i32
      %dma_start3A_3281 = tpu.memref_slice %arg8[%dma_start3A_3279, %dma_start3A_3280] : memref<1024x64xbf16, #tpu.memory_space<vmem>> -> memref<128x64xbf16, #tpu.memory_space<vmem>>
      %dma_start3A_3282 = arith.constant 0 : i32
      %dma_start3A_3283 = tpu.memref_slice %arg9[%add3A_3278, %dma_start3A_3282] : memref<16x128xi32, #tpu.memory_space<vmem>> -> memref<1x128xi32, #tpu.memory_space<vmem>>
      %dma_start3A_3284 = tpu.memref_squeeze %dma_start3A_3283 : memref<1x128xi32, #tpu.memory_space<vmem>> -> memref<128xi32, #tpu.memory_space<vmem>>
      %dma_start3A_3285 = arith.constant 0 : i32
      %dma_start3A_3286 = arith.constant 0 : i32
      %dma_start3A_3287 = tpu.memref_slice %arg2[%dma_start3A_3285, %dma_start3A_3286] : memref<20000x64xbf16, #tpu.memory_space<hbm>> -> memref<20000x64xbf16, #tpu.memory_space<hbm>>
      tpu.enqueue_indirect_dma source(%dma_start3A_3287 : memref<20000x64xbf16, #tpu.memory_space<hbm>>) target(%dma_start3A_3281 : memref<128x64xbf16, #tpu.memory_space<vmem>>) offsets(%dma_start3A_3284 : memref<128xi32, #tpu.memory_space<vmem>>) semaphore(%arg13 : memref<!tpu.dma_semaphore, #tpu.memory_space<semaphore_mem>>)
      %rem3A_3288 = arith.constant 2 : i32
      %rem3A_3289 = arith.remsi %scan3A_3178, %rem3A_3288 : i32
      %mul3A_3290 = arith.constant 8 : i32
      %mul3A_3291 = arith.muli %rem3A_3289, %mul3A_3290 : i32
      %add3A_3292 = arith.constant 4 : i32
      %add3A_3293 = arith.addi %mul3A_3291, %add3A_3292 : i32
      %add3A_3294 = arith.constant 2 : i32
      %add3A_3295 = arith.addi %add3A_3293, %add3A_3294 : i32
      %dma_start3A_3296 = arith.constant 768 : i32
      %dma_start3A_3297 = arith.constant 0 : i32
      %dma_start3A_3298 = tpu.memref_slice %arg8[%dma_start3A_3296, %dma_start3A_3297] : memref<1024x64xbf16, #tpu.memory_space<vmem>> -> memref<128x64xbf16, #tpu.memory_space<vmem>>
      %dma_start3A_3299 = arith.constant 0 : i32
      %dma_start3A_3300 = tpu.memref_slice %arg9[%add3A_3295, %dma_start3A_3299] : memref<16x128xi32, #tpu.memory_space<vmem>> -> memref<1x128xi32, #tpu.memory_space<vmem>>
      %dma_start3A_3301 = tpu.memref_squeeze %dma_start3A_3300 : memref<1x128xi32, #tpu.memory_space<vmem>> -> memref<128xi32, #tpu.memory_space<vmem>>
      %dma_start3A_3302 = arith.constant 0 : i32
      %dma_start3A_3303 = arith.constant 0 : i32
      %dma_start3A_3304 = tpu.memref_slice %arg2[%dma_start3A_3302, %dma_start3A_3303] : memref<20000x64xbf16, #tpu.memory_space<hbm>> -> memref<20000x64xbf16, #tpu.memory_space<hbm>>
      tpu.enqueue_indirect_dma source(%dma_start3A_3304 : memref<20000x64xbf16, #tpu.memory_space<hbm>>) target(%dma_start3A_3298 : memref<128x64xbf16, #tpu.memory_space<vmem>>) offsets(%dma_start3A_3301 : memref<128xi32, #tpu.memory_space<vmem>>) semaphore(%arg13 : memref<!tpu.dma_semaphore, #tpu.memory_space<semaphore_mem>>)
      %rem3A_3305 = arith.constant 2 : i32
      %rem3A_3306 = arith.remsi %scan3A_3178, %rem3A_3305 : i32
      %mul3A_3307 = arith.constant 8 : i32
      %mul3A_3308 = arith.muli %rem3A_3306, %mul3A_3307 : i32
      %add3A_3309 = arith.constant 4 : i32
      %add3A_3310 = arith.addi %mul3A_3308, %add3A_3309 : i32
      %add3A_3311 = arith.constant 3 : i32
      %add3A_3312 = arith.addi %add3A_3310, %add3A_3311 : i32
      %dma_start3A_3313 = arith.constant 896 : i32
      %dma_start3A_3314 = arith.constant 0 : i32
      %dma_start3A_3315 = tpu.memref_slice %arg8[%dma_start3A_3313, %dma_start3A_3314] : memref<1024x64xbf16, #tpu.memory_space<vmem>> -> memref<128x64xbf16, #tpu.memory_space<vmem>>
      %dma_start3A_3316 = arith.constant 0 : i32
      %dma_start3A_3317 = tpu.memref_slice %arg9[%add3A_3312, %dma_start3A_3316] : memref<16x128xi32, #tpu.memory_space<vmem>> -> memref<1x128xi32, #tpu.memory_space<vmem>>
      %dma_start3A_3318 = tpu.memref_squeeze %dma_start3A_3317 : memref<1x128xi32, #tpu.memory_space<vmem>> -> memref<128xi32, #tpu.memory_space<vmem>>
      %dma_start3A_3319 = arith.constant 0 : i32
      %dma_start3A_3320 = arith.constant 0 : i32
      %dma_start3A_3321 = tpu.memref_slice %arg2[%dma_start3A_3319, %dma_start3A_3320] : memref<20000x64xbf16, #tpu.memory_space<hbm>> -> memref<20000x64xbf16, #tpu.memory_space<hbm>>
      tpu.enqueue_indirect_dma source(%dma_start3A_3321 : memref<20000x64xbf16, #tpu.memory_space<hbm>>) target(%dma_start3A_3315 : memref<128x64xbf16, #tpu.memory_space<vmem>>) offsets(%dma_start3A_3318 : memref<128xi32, #tpu.memory_space<vmem>>) semaphore(%arg13 : memref<!tpu.dma_semaphore, #tpu.memory_space<semaphore_mem>>)
      %rem3A_3322 = arith.constant 2 : i32
      %rem3A_3323 = arith.remsi %scan3A_3178, %rem3A_3322 : i32
      %mul3A_3324 = arith.constant 8 : i32
      %mul3A_3325 = arith.muli %rem3A_3323, %mul3A_3324 : i32
      %add3A_3326 = arith.constant 0 : i32
      %add3A_3327 = arith.addi %mul3A_3325, %add3A_3326 : i32
      %add3A_3328 = arith.constant 0 : i32
      %add3A_3329 = arith.addi %add3A_3327, %add3A_3328 : i32
      %dma_start3A_3330 = arith.constant 0 : i32
      %dma_start3A_3331 = arith.constant 0 : i32
      %dma_start3A_3332 = tpu.memref_slice %arg8[%dma_start3A_3330, %dma_start3A_3331] : memref<1024x64xbf16, #tpu.memory_space<vmem>> -> memref<128x64xbf16, #tpu.memory_space<vmem>>
      %dma_start3A_3333 = arith.constant 0 : i32
      %dma_start3A_3334 = tpu.memref_slice %arg10[%add3A_3329, %dma_start3A_3333] : memref<16x128xi32, #tpu.memory_space<vmem>> -> memref<1x128xi32, #tpu.memory_space<vmem>>
      %dma_start3A_3335 = tpu.memref_squeeze %dma_start3A_3334 : memref<1x128xi32, #tpu.memory_space<vmem>> -> memref<128xi32, #tpu.memory_space<vmem>>
      %dma_start3A_3336 = arith.constant 0 : i32
      %dma_start3A_3337 = arith.constant 0 : i32
      %dma_start3A_3338 = tpu.memref_slice %arg12[%dma_start3A_3336, %dma_start3A_3337] : memref<40064x64xbf16, #tpu.memory_space<vmem_shared>> -> memref<40064x64xbf16, #tpu.memory_space<vmem_shared>>
      tpu.enqueue_indirect_dma source(%dma_start3A_3332 : memref<128x64xbf16, #tpu.memory_space<vmem>>) target(%dma_start3A_3338 : memref<40064x64xbf16, #tpu.memory_space<vmem_shared>>) offsets(%dma_start3A_3335 : memref<128xi32, #tpu.memory_space<vmem>>) semaphore(%arg14 : memref<!tpu.dma_semaphore, #tpu.memory_space<semaphore_mem>>) {add = true}
      %rem3A_3339 = arith.constant 2 : i32
      %rem3A_3340 = arith.remsi %scan3A_3178, %rem3A_3339 : i32
      %mul3A_3341 = arith.constant 8 : i32
      %mul3A_3342 = arith.muli %rem3A_3340, %mul3A_3341 : i32
      %add3A_3343 = arith.constant 0 : i32
      %add3A_3344 = arith.addi %mul3A_3342, %add3A_3343 : i32
      %add3A_3345 = arith.constant 1 : i32
      %add3A_3346 = arith.addi %add3A_3344, %add3A_3345 : i32
      %dma_start3A_3347 = arith.constant 128 : i32
      %dma_start3A_3348 = arith.constant 0 : i32
      %dma_start3A_3349 = tpu.memref_slice %arg8[%dma_start3A_3347, %dma_start3A_3348] : memref<1024x64xbf16, #tpu.memory_space<vmem>> -> memref<128x64xbf16, #tpu.memory_space<vmem>>
      %dma_start3A_3350 = arith.constant 0 : i32
      %dma_start3A_3351 = tpu.memref_slice %arg10[%add3A_3346, %dma_start3A_3350] : memref<16x128xi32, #tpu.memory_space<vmem>> -> memref<1x128xi32, #tpu.memory_space<vmem>>
      %dma_start3A_3352 = tpu.memref_squeeze %dma_start3A_3351 : memref<1x128xi32, #tpu.memory_space<vmem>> -> memref<128xi32, #tpu.memory_space<vmem>>
      %dma_start3A_3353 = arith.constant 0 : i32
      %dma_start3A_3354 = arith.constant 0 : i32
      %dma_start3A_3355 = tpu.memref_slice %arg12[%dma_start3A_3353, %dma_start3A_3354] : memref<40064x64xbf16, #tpu.memory_space<vmem_shared>> -> memref<40064x64xbf16, #tpu.memory_space<vmem_shared>>
      tpu.enqueue_indirect_dma source(%dma_start3A_3349 : memref<128x64xbf16, #tpu.memory_space<vmem>>) target(%dma_start3A_3355 : memref<40064x64xbf16, #tpu.memory_space<vmem_shared>>) offsets(%dma_start3A_3352 : memref<128xi32, #tpu.memory_space<vmem>>) semaphore(%arg14 : memref<!tpu.dma_semaphore, #tpu.memory_space<semaphore_mem>>) {add = true}
      %rem3A_3356 = arith.constant 2 : i32
      %rem3A_3357 = arith.remsi %scan3A_3178, %rem3A_3356 : i32
      %mul3A_3358 = arith.constant 8 : i32
      %mul3A_3359 = arith.muli %rem3A_3357, %mul3A_3358 : i32
      %add3A_3360 = arith.constant 0 : i32
      %add3A_3361 = arith.addi %mul3A_3359, %add3A_3360 : i32
      %add3A_3362 = arith.constant 2 : i32
      %add3A_3363 = arith.addi %add3A_3361, %add3A_3362 : i32
      %dma_start3A_3364 = arith.constant 256 : i32
      %dma_start3A_3365 = arith.constant 0 : i32
      %dma_start3A_3366 = tpu.memref_slice %arg8[%dma_start3A_3364, %dma_start3A_3365] : memref<1024x64xbf16, #tpu.memory_space<vmem>> -> memref<128x64xbf16, #tpu.memory_space<vmem>>
      %dma_start3A_3367 = arith.constant 0 : i32
      %dma_start3A_3368 = tpu.memref_slice %arg10[%add3A_3363, %dma_start3A_3367] : memref<16x128xi32, #tpu.memory_space<vmem>> -> memref<1x128xi32, #tpu.memory_space<vmem>>
      %dma_start3A_3369 = tpu.memref_squeeze %dma_start3A_3368 : memref<1x128xi32, #tpu.memory_space<vmem>> -> memref<128xi32, #tpu.memory_space<vmem>>
      %dma_start3A_3370 = arith.constant 0 : i32
      %dma_start3A_3371 = arith.constant 0 : i32
      %dma_start3A_3372 = tpu.memref_slice %arg12[%dma_start3A_3370, %dma_start3A_3371] : memref<40064x64xbf16, #tpu.memory_space<vmem_shared>> -> memref<40064x64xbf16, #tpu.memory_space<vmem_shared>>
      tpu.enqueue_indirect_dma source(%dma_start3A_3366 : memref<128x64xbf16, #tpu.memory_space<vmem>>) target(%dma_start3A_3372 : memref<40064x64xbf16, #tpu.memory_space<vmem_shared>>) offsets(%dma_start3A_3369 : memref<128xi32, #tpu.memory_space<vmem>>) semaphore(%arg14 : memref<!tpu.dma_semaphore, #tpu.memory_space<semaphore_mem>>) {add = true}
      %rem3A_3373 = arith.constant 2 : i32
      %rem3A_3374 = arith.remsi %scan3A_3178, %rem3A_3373 : i32
      %mul3A_3375 = arith.constant 8 : i32
      %mul3A_3376 = arith.muli %rem3A_3374, %mul3A_3375 : i32
      %add3A_3377 = arith.constant 0 : i32
      %add3A_3378 = arith.addi %mul3A_3376, %add3A_3377 : i32
      %add3A_3379 = arith.constant 3 : i32
      %add3A_3380 = arith.addi %add3A_3378, %add3A_3379 : i32
      %dma_start3A_3381 = arith.constant 384 : i32
      %dma_start3A_3382 = arith.constant 0 : i32
      %dma_start3A_3383 = tpu.memref_slice %arg8[%dma_start3A_3381, %dma_start3A_3382] : memref<1024x64xbf16, #tpu.memory_space<vmem>> -> memref<128x64xbf16, #tpu.memory_space<vmem>>
      %dma_start3A_3384 = arith.constant 0 : i32
      %dma_start3A_3385 = tpu.memref_slice %arg10[%add3A_3380, %dma_start3A_3384] : memref<16x128xi32, #tpu.memory_space<vmem>> -> memref<1x128xi32, #tpu.memory_space<vmem>>
      %dma_start3A_3386 = tpu.memref_squeeze %dma_start3A_3385 : memref<1x128xi32, #tpu.memory_space<vmem>> -> memref<128xi32, #tpu.memory_space<vmem>>
      %dma_start3A_3387 = arith.constant 0 : i32
      %dma_start3A_3388 = arith.constant 0 : i32
      %dma_start3A_3389 = tpu.memref_slice %arg12[%dma_start3A_3387, %dma_start3A_3388] : memref<40064x64xbf16, #tpu.memory_space<vmem_shared>> -> memref<40064x64xbf16, #tpu.memory_space<vmem_shared>>
      tpu.enqueue_indirect_dma source(%dma_start3A_3383 : memref<128x64xbf16, #tpu.memory_space<vmem>>) target(%dma_start3A_3389 : memref<40064x64xbf16, #tpu.memory_space<vmem_shared>>) offsets(%dma_start3A_3386 : memref<128xi32, #tpu.memory_space<vmem>>) semaphore(%arg14 : memref<!tpu.dma_semaphore, #tpu.memory_space<semaphore_mem>>) {add = true}
      %rem3A_3390 = arith.constant 2 : i32
      %rem3A_3391 = arith.remsi %scan3A_3178, %rem3A_3390 : i32
      %mul3A_3392 = arith.constant 8 : i32
      %mul3A_3393 = arith.muli %rem3A_3391, %mul3A_3392 : i32
      %add3A_3394 = arith.constant 4 : i32
      %add3A_3395 = arith.addi %mul3A_3393, %add3A_3394 : i32
      %add3A_3396 = arith.constant 0 : i32
      %add3A_3397 = arith.addi %add3A_3395, %add3A_3396 : i32
      %dma_wait3A_3398 = arith.constant 512 : i32
      %dma_wait3A_3399 = arith.constant 0 : i32
      %dma_wait3A_3400 = tpu.memref_slice %arg8[%dma_wait3A_3398, %dma_wait3A_3399] : memref<1024x64xbf16, #tpu.memory_space<vmem>> -> memref<128x64xbf16, #tpu.memory_space<vmem>>
      %dma_wait3A_3401 = arith.constant 0 : i32
      %dma_wait3A_3402 = tpu.memref_slice %arg9[%add3A_3397, %dma_wait3A_3401] : memref<16x128xi32, #tpu.memory_space<vmem>> -> memref<1x128xi32, #tpu.memory_space<vmem>>
      %dma_wait3A_3403 = tpu.memref_squeeze %dma_wait3A_3402 : memref<1x128xi32, #tpu.memory_space<vmem>> -> memref<128xi32, #tpu.memory_space<vmem>>
      %dma_wait3A_3404 = arith.constant 0 : i32
      %dma_wait3A_3405 = arith.constant 0 : i32
      %dma_wait3A_3406 = tpu.memref_slice %arg2[%dma_wait3A_3404, %dma_wait3A_3405] : memref<20000x64xbf16, #tpu.memory_space<hbm>> -> memref<20000x64xbf16, #tpu.memory_space<hbm>>
      tpu.wait_indirect_dma semaphore(%arg13 : memref<!tpu.dma_semaphore, #tpu.memory_space<semaphore_mem>>) src(%dma_wait3A_3406 : memref<20000x64xbf16, #tpu.memory_space<hbm>>) dst(%dma_wait3A_3400 : memref<128x64xbf16, #tpu.memory_space<vmem>>)
      %rem3A_3407 = arith.constant 2 : i32
      %rem3A_3408 = arith.remsi %scan3A_3178, %rem3A_3407 : i32
      %mul3A_3409 = arith.constant 8 : i32
      %mul3A_3410 = arith.muli %rem3A_3408, %mul3A_3409 : i32
      %add3A_3411 = arith.constant 4 : i32
      %add3A_3412 = arith.addi %mul3A_3410, %add3A_3411 : i32
      %add3A_3413 = arith.constant 1 : i32
      %add3A_3414 = arith.addi %add3A_3412, %add3A_3413 : i32
      %dma_wait3A_3415 = arith.constant 640 : i32
      %dma_wait3A_3416 = arith.constant 0 : i32
      %dma_wait3A_3417 = tpu.memref_slice %arg8[%dma_wait3A_3415, %dma_wait3A_3416] : memref<1024x64xbf16, #tpu.memory_space<vmem>> -> memref<128x64xbf16, #tpu.memory_space<vmem>>
      %dma_wait3A_3418 = arith.constant 0 : i32
      %dma_wait3A_3419 = tpu.memref_slice %arg9[%add3A_3414, %dma_wait3A_3418] : memref<16x128xi32, #tpu.memory_space<vmem>> -> memref<1x128xi32, #tpu.memory_space<vmem>>
      %dma_wait3A_3420 = tpu.memref_squeeze %dma_wait3A_3419 : memref<1x128xi32, #tpu.memory_space<vmem>> -> memref<128xi32, #tpu.memory_space<vmem>>
      %dma_wait3A_3421 = arith.constant 0 : i32
      %dma_wait3A_3422 = arith.constant 0 : i32
      %dma_wait3A_3423 = tpu.memref_slice %arg2[%dma_wait3A_3421, %dma_wait3A_3422] : memref<20000x64xbf16, #tpu.memory_space<hbm>> -> memref<20000x64xbf16, #tpu.memory_space<hbm>>
      tpu.wait_indirect_dma semaphore(%arg13 : memref<!tpu.dma_semaphore, #tpu.memory_space<semaphore_mem>>) src(%dma_wait3A_3423 : memref<20000x64xbf16, #tpu.memory_space<hbm>>) dst(%dma_wait3A_3417 : memref<128x64xbf16, #tpu.memory_space<vmem>>)
      %rem3A_3424 = arith.constant 2 : i32
      %rem3A_3425 = arith.remsi %scan3A_3178, %rem3A_3424 : i32
      %mul3A_3426 = arith.constant 8 : i32
      %mul3A_3427 = arith.muli %rem3A_3425, %mul3A_3426 : i32
      %add3A_3428 = arith.constant 4 : i32
      %add3A_3429 = arith.addi %mul3A_3427, %add3A_3428 : i32
      %add3A_3430 = arith.constant 2 : i32
      %add3A_3431 = arith.addi %add3A_3429, %add3A_3430 : i32
      %dma_wait3A_3432 = arith.constant 768 : i32
      %dma_wait3A_3433 = arith.constant 0 : i32
      %dma_wait3A_3434 = tpu.memref_slice %arg8[%dma_wait3A_3432, %dma_wait3A_3433] : memref<1024x64xbf16, #tpu.memory_space<vmem>> -> memref<128x64xbf16, #tpu.memory_space<vmem>>
      %dma_wait3A_3435 = arith.constant 0 : i32
      %dma_wait3A_3436 = tpu.memref_slice %arg9[%add3A_3431, %dma_wait3A_3435] : memref<16x128xi32, #tpu.memory_space<vmem>> -> memref<1x128xi32, #tpu.memory_space<vmem>>
      %dma_wait3A_3437 = tpu.memref_squeeze %dma_wait3A_3436 : memref<1x128xi32, #tpu.memory_space<vmem>> -> memref<128xi32, #tpu.memory_space<vmem>>
      %dma_wait3A_3438 = arith.constant 0 : i32
      %dma_wait3A_3439 = arith.constant 0 : i32
      %dma_wait3A_3440 = tpu.memref_slice %arg2[%dma_wait3A_3438, %dma_wait3A_3439] : memref<20000x64xbf16, #tpu.memory_space<hbm>> -> memref<20000x64xbf16, #tpu.memory_space<hbm>>
      tpu.wait_indirect_dma semaphore(%arg13 : memref<!tpu.dma_semaphore, #tpu.memory_space<semaphore_mem>>) src(%dma_wait3A_3440 : memref<20000x64xbf16, #tpu.memory_space<hbm>>) dst(%dma_wait3A_3434 : memref<128x64xbf16, #tpu.memory_space<vmem>>)
      %rem3A_3441 = arith.constant 2 : i32
      %rem3A_3442 = arith.remsi %scan3A_3178, %rem3A_3441 : i32
      %mul3A_3443 = arith.constant 8 : i32
      %mul3A_3444 = arith.muli %rem3A_3442, %mul3A_3443 : i32
      %add3A_3445 = arith.constant 4 : i32
      %add3A_3446 = arith.addi %mul3A_3444, %add3A_3445 : i32
      %add3A_3447 = arith.constant 3 : i32
      %add3A_3448 = arith.addi %add3A_3446, %add3A_3447 : i32
      %dma_wait3A_3449 = arith.constant 896 : i32
      %dma_wait3A_3450 = arith.constant 0 : i32
      %dma_wait3A_3451 = tpu.memref_slice %arg8[%dma_wait3A_3449, %dma_wait3A_3450] : memref<1024x64xbf16, #tpu.memory_space<vmem>> -> memref<128x64xbf16, #tpu.memory_space<vmem>>
      %dma_wait3A_3452 = arith.constant 0 : i32
      %dma_wait3A_3453 = tpu.memref_slice %arg9[%add3A_3448, %dma_wait3A_3452] : memref<16x128xi32, #tpu.memory_space<vmem>> -> memref<1x128xi32, #tpu.memory_space<vmem>>
      %dma_wait3A_3454 = tpu.memref_squeeze %dma_wait3A_3453 : memref<1x128xi32, #tpu.memory_space<vmem>> -> memref<128xi32, #tpu.memory_space<vmem>>
      %dma_wait3A_3455 = arith.constant 0 : i32
      %dma_wait3A_3456 = arith.constant 0 : i32
      %dma_wait3A_3457 = tpu.memref_slice %arg2[%dma_wait3A_3455, %dma_wait3A_3456] : memref<20000x64xbf16, #tpu.memory_space<hbm>> -> memref<20000x64xbf16, #tpu.memory_space<hbm>>
      tpu.wait_indirect_dma semaphore(%arg13 : memref<!tpu.dma_semaphore, #tpu.memory_space<semaphore_mem>>) src(%dma_wait3A_3457 : memref<20000x64xbf16, #tpu.memory_space<hbm>>) dst(%dma_wait3A_3451 : memref<128x64xbf16, #tpu.memory_space<vmem>>)
      %rem3A_3458 = arith.constant 2 : i32
      %rem3A_3459 = arith.remsi %scan3A_3178, %rem3A_3458 : i32
      %mul3A_3460 = arith.constant 8 : i32
      %mul3A_3461 = arith.muli %rem3A_3459, %mul3A_3460 : i32
      %add3A_3462 = arith.constant 0 : i32
      %add3A_3463 = arith.addi %mul3A_3461, %add3A_3462 : i32
      %add3A_3464 = arith.constant 0 : i32
      %add3A_3465 = arith.addi %add3A_3463, %add3A_3464 : i32
      %dma_wait3A_3466 = arith.constant 0 : i32
      %dma_wait3A_3467 = arith.constant 0 : i32
      %dma_wait3A_3468 = tpu.memref_slice %arg8[%dma_wait3A_3466, %dma_wait3A_3467] : memref<1024x64xbf16, #tpu.memory_space<vmem>> -> memref<128x64xbf16, #tpu.memory_space<vmem>>
      %dma_wait3A_3469 = arith.constant 0 : i32
      %dma_wait3A_3470 = tpu.memref_slice %arg10[%add3A_3465, %dma_wait3A_3469] : memref<16x128xi32, #tpu.memory_space<vmem>> -> memref<1x128xi32, #tpu.memory_space<vmem>>
      %dma_wait3A_3471 = tpu.memref_squeeze %dma_wait3A_3470 : memref<1x128xi32, #tpu.memory_space<vmem>> -> memref<128xi32, #tpu.memory_space<vmem>>
      %dma_wait3A_3472 = arith.constant 0 : i32
      %dma_wait3A_3473 = arith.constant 0 : i32
      %dma_wait3A_3474 = tpu.memref_slice %arg12[%dma_wait3A_3472, %dma_wait3A_3473] : memref<40064x64xbf16, #tpu.memory_space<vmem_shared>> -> memref<40064x64xbf16, #tpu.memory_space<vmem_shared>>
      tpu.wait_indirect_dma semaphore(%arg14 : memref<!tpu.dma_semaphore, #tpu.memory_space<semaphore_mem>>) src(%dma_wait3A_3468 : memref<128x64xbf16, #tpu.memory_space<vmem>>) dst(%dma_wait3A_3474 : memref<40064x64xbf16, #tpu.memory_space<vmem_shared>>)
      %rem3A_3475 = arith.constant 2 : i32
      %rem3A_3476 = arith.remsi %scan3A_3178, %rem3A_3475 : i32
      %mul3A_3477 = arith.constant 8 : i32
      %mul3A_3478 = arith.muli %rem3A_3476, %mul3A_3477 : i32
      %add3A_3479 = arith.constant 0 : i32
      %add3A_3480 = arith.addi %mul3A_3478, %add3A_3479 : i32
      %add3A_3481 = arith.constant 1 : i32
      %add3A_3482 = arith.addi %add3A_3480, %add3A_3481 : i32
      %dma_wait3A_3483 = arith.constant 128 : i32
      %dma_wait3A_3484 = arith.constant 0 : i32
      %dma_wait3A_3485 = tpu.memref_slice %arg8[%dma_wait3A_3483, %dma_wait3A_3484] : memref<1024x64xbf16, #tpu.memory_space<vmem>> -> memref<128x64xbf16, #tpu.memory_space<vmem>>
      %dma_wait3A_3486 = arith.constant 0 : i32
      %dma_wait3A_3487 = tpu.memref_slice %arg10[%add3A_3482, %dma_wait3A_3486] : memref<16x128xi32, #tpu.memory_space<vmem>> -> memref<1x128xi32, #tpu.memory_space<vmem>>
      %dma_wait3A_3488 = tpu.memref_squeeze %dma_wait3A_3487 : memref<1x128xi32, #tpu.memory_space<vmem>> -> memref<128xi32, #tpu.memory_space<vmem>>
      %dma_wait3A_3489 = arith.constant 0 : i32
      %dma_wait3A_3490 = arith.constant 0 : i32
      %dma_wait3A_3491 = tpu.memref_slice %arg12[%dma_wait3A_3489, %dma_wait3A_3490] : memref<40064x64xbf16, #tpu.memory_space<vmem_shared>> -> memref<40064x64xbf16, #tpu.memory_space<vmem_shared>>
      tpu.wait_indirect_dma semaphore(%arg14 : memref<!tpu.dma_semaphore, #tpu.memory_space<semaphore_mem>>) src(%dma_wait3A_3485 : memref<128x64xbf16, #tpu.memory_space<vmem>>) dst(%dma_wait3A_3491 : memref<40064x64xbf16, #tpu.memory_space<vmem_shared>>)
      %rem3A_3492 = arith.constant 2 : i32
      %rem3A_3493 = arith.remsi %scan3A_3178, %rem3A_3492 : i32
      %mul3A_3494 = arith.constant 8 : i32
      %mul3A_3495 = arith.muli %rem3A_3493, %mul3A_3494 : i32
      %add3A_3496 = arith.constant 0 : i32
      %add3A_3497 = arith.addi %mul3A_3495, %add3A_3496 : i32
      %add3A_3498 = arith.constant 2 : i32
      %add3A_3499 = arith.addi %add3A_3497, %add3A_3498 : i32
      %dma_wait3A_3500 = arith.constant 256 : i32
      %dma_wait3A_3501 = arith.constant 0 : i32
      %dma_wait3A_3502 = tpu.memref_slice %arg8[%dma_wait3A_3500, %dma_wait3A_3501] : memref<1024x64xbf16, #tpu.memory_space<vmem>> -> memref<128x64xbf16, #tpu.memory_space<vmem>>
      %dma_wait3A_3503 = arith.constant 0 : i32
      %dma_wait3A_3504 = tpu.memref_slice %arg10[%add3A_3499, %dma_wait3A_3503] : memref<16x128xi32, #tpu.memory_space<vmem>> -> memref<1x128xi32, #tpu.memory_space<vmem>>
      %dma_wait3A_3505 = tpu.memref_squeeze %dma_wait3A_3504 : memref<1x128xi32, #tpu.memory_space<vmem>> -> memref<128xi32, #tpu.memory_space<vmem>>
      %dma_wait3A_3506 = arith.constant 0 : i32
      %dma_wait3A_3507 = arith.constant 0 : i32
      %dma_wait3A_3508 = tpu.memref_slice %arg12[%dma_wait3A_3506, %dma_wait3A_3507] : memref<40064x64xbf16, #tpu.memory_space<vmem_shared>> -> memref<40064x64xbf16, #tpu.memory_space<vmem_shared>>
      tpu.wait_indirect_dma semaphore(%arg14 : memref<!tpu.dma_semaphore, #tpu.memory_space<semaphore_mem>>) src(%dma_wait3A_3502 : memref<128x64xbf16, #tpu.memory_space<vmem>>) dst(%dma_wait3A_3508 : memref<40064x64xbf16, #tpu.memory_space<vmem_shared>>)
      %rem3A_3509 = arith.constant 2 : i32
      %rem3A_3510 = arith.remsi %scan3A_3178, %rem3A_3509 : i32
      %mul3A_3511 = arith.constant 8 : i32
      %mul3A_3512 = arith.muli %rem3A_3510, %mul3A_3511 : i32
      %add3A_3513 = arith.constant 0 : i32
      %add3A_3514 = arith.addi %mul3A_3512, %add3A_3513 : i32
      %add3A_3515 = arith.constant 3 : i32
      %add3A_3516 = arith.addi %add3A_3514, %add3A_3515 : i32
      %dma_wait3A_3517 = arith.constant 384 : i32
      %dma_wait3A_3518 = arith.constant 0 : i32
      %dma_wait3A_3519 = tpu.memref_slice %arg8[%dma_wait3A_3517, %dma_wait3A_3518] : memref<1024x64xbf16, #tpu.memory_space<vmem>> -> memref<128x64xbf16, #tpu.memory_space<vmem>>
      %dma_wait3A_3520 = arith.constant 0 : i32
      %dma_wait3A_3521 = tpu.memref_slice %arg10[%add3A_3516, %dma_wait3A_3520] : memref<16x128xi32, #tpu.memory_space<vmem>> -> memref<1x128xi32, #tpu.memory_space<vmem>>
      %dma_wait3A_3522 = tpu.memref_squeeze %dma_wait3A_3521 : memref<1x128xi32, #tpu.memory_space<vmem>> -> memref<128xi32, #tpu.memory_space<vmem>>
      %dma_wait3A_3523 = arith.constant 0 : i32
      %dma_wait3A_3524 = arith.constant 0 : i32
      %dma_wait3A_3525 = tpu.memref_slice %arg12[%dma_wait3A_3523, %dma_wait3A_3524] : memref<40064x64xbf16, #tpu.memory_space<vmem_shared>> -> memref<40064x64xbf16, #tpu.memory_space<vmem_shared>>
      tpu.wait_indirect_dma semaphore(%arg14 : memref<!tpu.dma_semaphore, #tpu.memory_space<semaphore_mem>>) src(%dma_wait3A_3519 : memref<128x64xbf16, #tpu.memory_space<vmem>>) dst(%dma_wait3A_3525 : memref<40064x64xbf16, #tpu.memory_space<vmem_shared>>)
      %lt3A_3526 = arith.constant 19 : i32
      %lt3A_3527 = arith.cmpi slt, %scan3A_3178, %lt3A_3526 : i32
      %convert_element_type3A_3528 = arith.extui %lt3A_3527 : i1 to i32
      %cond3A_3529 = arith.constant 0 : i32
      %cond3A_3530 = arith.cmpi ne, %convert_element_type3A_3528, %cond3A_3529 : i32
      scf.if %cond3A_3530 {
        %add3A_3599 = arith.constant 1 : i32
        %add3A_3600 = arith.addi %scan3A_3178, %add3A_3599 : i32
        %mul3A_3601 = arith.constant 8 : i32
        %mul3A_3602 = arith.muli %add3A_3600, %mul3A_3601 : i32
        %add3A_3603 = arith.addi %mul3A_4, %mul3A_3602 : i32
        %rem3A_3604 = arith.constant 2 : i32
        %rem3A_3605 = arith.remsi %add3A_3600, %rem3A_3604 : i32
        %mul3A_3606 = arith.constant 8 : i32
        %mul3A_3607 = arith.muli %rem3A_3605, %mul3A_3606 : i32
        %dma_wait3A_3608 = arith.constant 0 : i32
        %dma_wait3A_3609 = tpu.memref_slice %arg9[%mul3A_3607, %dma_wait3A_3608] : memref<16x128xi32, #tpu.memory_space<vmem>> -> memref<8x128xi32, #tpu.memory_space<vmem>>
        %dma_wait3A_3610 = arith.constant 0 : i32
        %dma_wait3A_3611 = tpu.memref_slice %arg4[%add3A_3603, %dma_wait3A_3610] : memref<5120x128xi32, #tpu.memory_space<hbm>> -> memref<8x128xi32, #tpu.memory_space<hbm>>
        %dma_wait3A_3612 = arith.constant 0 : i32
        %dma_wait3A_3613 = tpu.memref_slice %arg9[%mul3A_3607, %dma_wait3A_3612] : memref<16x128xi32, #tpu.memory_space<vmem>> -> memref<8x128xi32, #tpu.memory_space<vmem>>
        %dma_wait3A_3614 = arith.constant 0 : i32
        %dma_wait3A_3615 = tpu.memref_slice %arg4[%add3A_3603, %dma_wait3A_3614] : memref<5120x128xi32, #tpu.memory_space<hbm>> -> memref<8x128xi32, #tpu.memory_space<hbm>>
        tpu.wait_dma2 semaphore(%arg15 : memref<!tpu.dma_semaphore, #tpu.memory_space<semaphore_mem>>) src(%dma_wait3A_3615 : memref<8x128xi32, #tpu.memory_space<hbm>>) dst(%dma_wait3A_3613 : memref<8x128xi32, #tpu.memory_space<vmem>>)
        %add3A_3616 = arith.constant 1 : i32
        %add3A_3617 = arith.addi %scan3A_3178, %add3A_3616 : i32
        %mul3A_3618 = arith.constant 8 : i32
        %mul3A_3619 = arith.muli %add3A_3617, %mul3A_3618 : i32
        %add3A_3620 = arith.addi %mul3A_6, %mul3A_3619 : i32
        %rem3A_3621 = arith.constant 2 : i32
        %rem3A_3622 = arith.remsi %add3A_3617, %rem3A_3621 : i32
        %mul3A_3623 = arith.constant 8 : i32
        %mul3A_3624 = arith.muli %rem3A_3622, %mul3A_3623 : i32
        %dma_wait3A_3625 = arith.constant 0 : i32
        %dma_wait3A_3626 = tpu.memref_slice %arg10[%mul3A_3624, %dma_wait3A_3625] : memref<16x128xi32, #tpu.memory_space<vmem>> -> memref<8x128xi32, #tpu.memory_space<vmem>>
        %dma_wait3A_3627 = arith.constant 0 : i32
        %dma_wait3A_3628 = tpu.memref_slice %arg5[%add3A_3620, %dma_wait3A_3627] : memref<2560x128xi32, #tpu.memory_space<hbm>> -> memref<8x128xi32, #tpu.memory_space<hbm>>
        %dma_wait3A_3629 = arith.constant 0 : i32
        %dma_wait3A_3630 = tpu.memref_slice %arg10[%mul3A_3624, %dma_wait3A_3629] : memref<16x128xi32, #tpu.memory_space<vmem>> -> memref<8x128xi32, #tpu.memory_space<vmem>>
        %dma_wait3A_3631 = arith.constant 0 : i32
        %dma_wait3A_3632 = tpu.memref_slice %arg5[%add3A_3620, %dma_wait3A_3631] : memref<2560x128xi32, #tpu.memory_space<hbm>> -> memref<8x128xi32, #tpu.memory_space<hbm>>
        tpu.wait_dma2 semaphore(%arg15 : memref<!tpu.dma_semaphore, #tpu.memory_space<semaphore_mem>>) src(%dma_wait3A_3632 : memref<8x128xi32, #tpu.memory_space<hbm>>) dst(%dma_wait3A_3630 : memref<8x128xi32, #tpu.memory_space<vmem>>)
        %add3A_3633 = arith.constant 1 : i32
        %add3A_3634 = arith.addi %scan3A_3178, %add3A_3633 : i32
        %rem3A_3635 = arith.constant 2 : i32
        %rem3A_3636 = arith.remsi %add3A_3634, %rem3A_3635 : i32
        %mul3A_3637 = arith.constant 8 : i32
        %mul3A_3638 = arith.muli %rem3A_3636, %mul3A_3637 : i32
        %add3A_3639 = arith.constant 0 : i32
        %add3A_3640 = arith.addi %mul3A_3638, %add3A_3639 : i32
        %add3A_3641 = arith.constant 0 : i32
        %add3A_3642 = arith.addi %add3A_3640, %add3A_3641 : i32
        %dma_start3A_3643 = arith.constant 0 : i32
        %dma_start3A_3644 = arith.constant 0 : i32
        %dma_start3A_3645 = tpu.memref_slice %arg8[%dma_start3A_3643, %dma_start3A_3644] : memref<1024x64xbf16, #tpu.memory_space<vmem>> -> memref<128x64xbf16, #tpu.memory_space<vmem>>
        %dma_start3A_3646 = arith.constant 0 : i32
        %dma_start3A_3647 = tpu.memref_slice %arg9[%add3A_3642, %dma_start3A_3646] : memref<16x128xi32, #tpu.memory_space<vmem>> -> memref<1x128xi32, #tpu.memory_space<vmem>>
        %dma_start3A_3648 = tpu.memref_squeeze %dma_start3A_3647 : memref<1x128xi32, #tpu.memory_space<vmem>> -> memref<128xi32, #tpu.memory_space<vmem>>
        %dma_start3A_3649 = arith.constant 0 : i32
        %dma_start3A_3650 = arith.constant 0 : i32
        %dma_start3A_3651 = tpu.memref_slice %arg2[%dma_start3A_3649, %dma_start3A_3650] : memref<20000x64xbf16, #tpu.memory_space<hbm>> -> memref<20000x64xbf16, #tpu.memory_space<hbm>>
        tpu.enqueue_indirect_dma source(%dma_start3A_3651 : memref<20000x64xbf16, #tpu.memory_space<hbm>>) target(%dma_start3A_3645 : memref<128x64xbf16, #tpu.memory_space<vmem>>) offsets(%dma_start3A_3648 : memref<128xi32, #tpu.memory_space<vmem>>) semaphore(%arg13 : memref<!tpu.dma_semaphore, #tpu.memory_space<semaphore_mem>>)
        %add3A_3652 = arith.constant 1 : i32
        %add3A_3653 = arith.addi %scan3A_3178, %add3A_3652 : i32
        %rem3A_3654 = arith.constant 2 : i32
        %rem3A_3655 = arith.remsi %add3A_3653, %rem3A_3654 : i32
        %mul3A_3656 = arith.constant 8 : i32
        %mul3A_3657 = arith.muli %rem3A_3655, %mul3A_3656 : i32
        %add3A_3658 = arith.constant 0 : i32
        %add3A_3659 = arith.addi %mul3A_3657, %add3A_3658 : i32
        %add3A_3660 = arith.constant 1 : i32
        %add3A_3661 = arith.addi %add3A_3659, %add3A_3660 : i32
        %dma_start3A_3662 = arith.constant 128 : i32
        %dma_start3A_3663 = arith.constant 0 : i32
        %dma_start3A_3664 = tpu.memref_slice %arg8[%dma_start3A_3662, %dma_start3A_3663] : memref<1024x64xbf16, #tpu.memory_space<vmem>> -> memref<128x64xbf16, #tpu.memory_space<vmem>>
        %dma_start3A_3665 = arith.constant 0 : i32
        %dma_start3A_3666 = tpu.memref_slice %arg9[%add3A_3661, %dma_start3A_3665] : memref<16x128xi32, #tpu.memory_space<vmem>> -> memref<1x128xi32, #tpu.memory_space<vmem>>
        %dma_start3A_3667 = tpu.memref_squeeze %dma_start3A_3666 : memref<1x128xi32, #tpu.memory_space<vmem>> -> memref<128xi32, #tpu.memory_space<vmem>>
        %dma_start3A_3668 = arith.constant 0 : i32
        %dma_start3A_3669 = arith.constant 0 : i32
        %dma_start3A_3670 = tpu.memref_slice %arg2[%dma_start3A_3668, %dma_start3A_3669] : memref<20000x64xbf16, #tpu.memory_space<hbm>> -> memref<20000x64xbf16, #tpu.memory_space<hbm>>
        tpu.enqueue_indirect_dma source(%dma_start3A_3670 : memref<20000x64xbf16, #tpu.memory_space<hbm>>) target(%dma_start3A_3664 : memref<128x64xbf16, #tpu.memory_space<vmem>>) offsets(%dma_start3A_3667 : memref<128xi32, #tpu.memory_space<vmem>>) semaphore(%arg13 : memref<!tpu.dma_semaphore, #tpu.memory_space<semaphore_mem>>)
        %add3A_3671 = arith.constant 1 : i32
        %add3A_3672 = arith.addi %scan3A_3178, %add3A_3671 : i32
        %rem3A_3673 = arith.constant 2 : i32
        %rem3A_3674 = arith.remsi %add3A_3672, %rem3A_3673 : i32
        %mul3A_3675 = arith.constant 8 : i32
        %mul3A_3676 = arith.muli %rem3A_3674, %mul3A_3675 : i32
        %add3A_3677 = arith.constant 0 : i32
        %add3A_3678 = arith.addi %mul3A_3676, %add3A_3677 : i32
        %add3A_3679 = arith.constant 2 : i32
        %add3A_3680 = arith.addi %add3A_3678, %add3A_3679 : i32
        %dma_start3A_3681 = arith.constant 256 : i32
        %dma_start3A_3682 = arith.constant 0 : i32
        %dma_start3A_3683 = tpu.memref_slice %arg8[%dma_start3A_3681, %dma_start3A_3682] : memref<1024x64xbf16, #tpu.memory_space<vmem>> -> memref<128x64xbf16, #tpu.memory_space<vmem>>
        %dma_start3A_3684 = arith.constant 0 : i32
        %dma_start3A_3685 = tpu.memref_slice %arg9[%add3A_3680, %dma_start3A_3684] : memref<16x128xi32, #tpu.memory_space<vmem>> -> memref<1x128xi32, #tpu.memory_space<vmem>>
        %dma_start3A_3686 = tpu.memref_squeeze %dma_start3A_3685 : memref<1x128xi32, #tpu.memory_space<vmem>> -> memref<128xi32, #tpu.memory_space<vmem>>
        %dma_start3A_3687 = arith.constant 0 : i32
        %dma_start3A_3688 = arith.constant 0 : i32
        %dma_start3A_3689 = tpu.memref_slice %arg2[%dma_start3A_3687, %dma_start3A_3688] : memref<20000x64xbf16, #tpu.memory_space<hbm>> -> memref<20000x64xbf16, #tpu.memory_space<hbm>>
        tpu.enqueue_indirect_dma source(%dma_start3A_3689 : memref<20000x64xbf16, #tpu.memory_space<hbm>>) target(%dma_start3A_3683 : memref<128x64xbf16, #tpu.memory_space<vmem>>) offsets(%dma_start3A_3686 : memref<128xi32, #tpu.memory_space<vmem>>) semaphore(%arg13 : memref<!tpu.dma_semaphore, #tpu.memory_space<semaphore_mem>>)
        %add3A_3690 = arith.constant 1 : i32
        %add3A_3691 = arith.addi %scan3A_3178, %add3A_3690 : i32
        %rem3A_3692 = arith.constant 2 : i32
        %rem3A_3693 = arith.remsi %add3A_3691, %rem3A_3692 : i32
        %mul3A_3694 = arith.constant 8 : i32
        %mul3A_3695 = arith.muli %rem3A_3693, %mul3A_3694 : i32
        %add3A_3696 = arith.constant 0 : i32
        %add3A_3697 = arith.addi %mul3A_3695, %add3A_3696 : i32
        %add3A_3698 = arith.constant 3 : i32
        %add3A_3699 = arith.addi %add3A_3697, %add3A_3698 : i32
        %dma_start3A_3700 = arith.constant 384 : i32
        %dma_start3A_3701 = arith.constant 0 : i32
        %dma_start3A_3702 = tpu.memref_slice %arg8[%dma_start3A_3700, %dma_start3A_3701] : memref<1024x64xbf16, #tpu.memory_space<vmem>> -> memref<128x64xbf16, #tpu.memory_space<vmem>>
        %dma_start3A_3703 = arith.constant 0 : i32
        %dma_start3A_3704 = tpu.memref_slice %arg9[%add3A_3699, %dma_start3A_3703] : memref<16x128xi32, #tpu.memory_space<vmem>> -> memref<1x128xi32, #tpu.memory_space<vmem>>
        %dma_start3A_3705 = tpu.memref_squeeze %dma_start3A_3704 : memref<1x128xi32, #tpu.memory_space<vmem>> -> memref<128xi32, #tpu.memory_space<vmem>>
        %dma_start3A_3706 = arith.constant 0 : i32
        %dma_start3A_3707 = arith.constant 0 : i32
        %dma_start3A_3708 = tpu.memref_slice %arg2[%dma_start3A_3706, %dma_start3A_3707] : memref<20000x64xbf16, #tpu.memory_space<hbm>> -> memref<20000x64xbf16, #tpu.memory_space<hbm>>
        tpu.enqueue_indirect_dma source(%dma_start3A_3708 : memref<20000x64xbf16, #tpu.memory_space<hbm>>) target(%dma_start3A_3702 : memref<128x64xbf16, #tpu.memory_space<vmem>>) offsets(%dma_start3A_3705 : memref<128xi32, #tpu.memory_space<vmem>>) semaphore(%arg13 : memref<!tpu.dma_semaphore, #tpu.memory_space<semaphore_mem>>)
      } else {
      }
      %rem3A_3531 = arith.constant 2 : i32
      %rem3A_3532 = arith.remsi %scan3A_3178, %rem3A_3531 : i32
      %mul3A_3533 = arith.constant 8 : i32
      %mul3A_3534 = arith.muli %rem3A_3532, %mul3A_3533 : i32
      %add3A_3535 = arith.constant 4 : i32
      %add3A_3536 = arith.addi %mul3A_3534, %add3A_3535 : i32
      %add3A_3537 = arith.constant 0 : i32
      %add3A_3538 = arith.addi %add3A_3536, %add3A_3537 : i32
      %dma_start3A_3539 = arith.constant 512 : i32
      %dma_start3A_3540 = arith.constant 0 : i32
      %dma_start3A_3541 = tpu.memref_slice %arg8[%dma_start3A_3539, %dma_start3A_3540] : memref<1024x64xbf16, #tpu.memory_space<vmem>> -> memref<128x64xbf16, #tpu.memory_space<vmem>>
      %dma_start3A_3542 = arith.constant 0 : i32
      %dma_start3A_3543 = tpu.memref_slice %arg10[%add3A_3538, %dma_start3A_3542] : memref<16x128xi32, #tpu.memory_space<vmem>> -> memref<1x128xi32, #tpu.memory_space<vmem>>
      %dma_start3A_3544 = tpu.memref_squeeze %dma_start3A_3543 : memref<1x128xi32, #tpu.memory_space<vmem>> -> memref<128xi32, #tpu.memory_space<vmem>>
      %dma_start3A_3545 = arith.constant 0 : i32
      %dma_start3A_3546 = arith.constant 0 : i32
      %dma_start3A_3547 = tpu.memref_slice %arg12[%dma_start3A_3545, %dma_start3A_3546] : memref<40064x64xbf16, #tpu.memory_space<vmem_shared>> -> memref<40064x64xbf16, #tpu.memory_space<vmem_shared>>
      tpu.enqueue_indirect_dma source(%dma_start3A_3541 : memref<128x64xbf16, #tpu.memory_space<vmem>>) target(%dma_start3A_3547 : memref<40064x64xbf16, #tpu.memory_space<vmem_shared>>) offsets(%dma_start3A_3544 : memref<128xi32, #tpu.memory_space<vmem>>) semaphore(%arg14 : memref<!tpu.dma_semaphore, #tpu.memory_space<semaphore_mem>>) {add = true}
      %rem3A_3548 = arith.constant 2 : i32
      %rem3A_3549 = arith.remsi %scan3A_3178, %rem3A_3548 : i32
      %mul3A_3550 = arith.constant 8 : i32
      %mul3A_3551 = arith.muli %rem3A_3549, %mul3A_3550 : i32
      %add3A_3552 = arith.constant 4 : i32
      %add3A_3553 = arith.addi %mul3A_3551, %add3A_3552 : i32
      %add3A_3554 = arith.constant 1 : i32
      %add3A_3555 = arith.addi %add3A_3553, %add3A_3554 : i32
      %dma_start3A_3556 = arith.constant 640 : i32
      %dma_start3A_3557 = arith.constant 0 : i32
      %dma_start3A_3558 = tpu.memref_slice %arg8[%dma_start3A_3556, %dma_start3A_3557] : memref<1024x64xbf16, #tpu.memory_space<vmem>> -> memref<128x64xbf16, #tpu.memory_space<vmem>>
      %dma_start3A_3559 = arith.constant 0 : i32
      %dma_start3A_3560 = tpu.memref_slice %arg10[%add3A_3555, %dma_start3A_3559] : memref<16x128xi32, #tpu.memory_space<vmem>> -> memref<1x128xi32, #tpu.memory_space<vmem>>
      %dma_start3A_3561 = tpu.memref_squeeze %dma_start3A_3560 : memref<1x128xi32, #tpu.memory_space<vmem>> -> memref<128xi32, #tpu.memory_space<vmem>>
      %dma_start3A_3562 = arith.constant 0 : i32
      %dma_start3A_3563 = arith.constant 0 : i32
      %dma_start3A_3564 = tpu.memref_slice %arg12[%dma_start3A_3562, %dma_start3A_3563] : memref<40064x64xbf16, #tpu.memory_space<vmem_shared>> -> memref<40064x64xbf16, #tpu.memory_space<vmem_shared>>
      tpu.enqueue_indirect_dma source(%dma_start3A_3558 : memref<128x64xbf16, #tpu.memory_space<vmem>>) target(%dma_start3A_3564 : memref<40064x64xbf16, #tpu.memory_space<vmem_shared>>) offsets(%dma_start3A_3561 : memref<128xi32, #tpu.memory_space<vmem>>) semaphore(%arg14 : memref<!tpu.dma_semaphore, #tpu.memory_space<semaphore_mem>>) {add = true}
      %rem3A_3565 = arith.constant 2 : i32
      %rem3A_3566 = arith.remsi %scan3A_3178, %rem3A_3565 : i32
      %mul3A_3567 = arith.constant 8 : i32
      %mul3A_3568 = arith.muli %rem3A_3566, %mul3A_3567 : i32
      %add3A_3569 = arith.constant 4 : i32
      %add3A_3570 = arith.addi %mul3A_3568, %add3A_3569 : i32
      %add3A_3571 = arith.constant 2 : i32
      %add3A_3572 = arith.addi %add3A_3570, %add3A_3571 : i32
      %dma_start3A_3573 = arith.constant 768 : i32
      %dma_start3A_3574 = arith.constant 0 : i32
      %dma_start3A_3575 = tpu.memref_slice %arg8[%dma_start3A_3573, %dma_start3A_3574] : memref<1024x64xbf16, #tpu.memory_space<vmem>> -> memref<128x64xbf16, #tpu.memory_space<vmem>>
      %dma_start3A_3576 = arith.constant 0 : i32
      %dma_start3A_3577 = tpu.memref_slice %arg10[%add3A_3572, %dma_start3A_3576] : memref<16x128xi32, #tpu.memory_space<vmem>> -> memref<1x128xi32, #tpu.memory_space<vmem>>
      %dma_start3A_3578 = tpu.memref_squeeze %dma_start3A_3577 : memref<1x128xi32, #tpu.memory_space<vmem>> -> memref<128xi32, #tpu.memory_space<vmem>>
      %dma_start3A_3579 = arith.constant 0 : i32
      %dma_start3A_3580 = arith.constant 0 : i32
      %dma_start3A_3581 = tpu.memref_slice %arg12[%dma_start3A_3579, %dma_start3A_3580] : memref<40064x64xbf16, #tpu.memory_space<vmem_shared>> -> memref<40064x64xbf16, #tpu.memory_space<vmem_shared>>
      tpu.enqueue_indirect_dma source(%dma_start3A_3575 : memref<128x64xbf16, #tpu.memory_space<vmem>>) target(%dma_start3A_3581 : memref<40064x64xbf16, #tpu.memory_space<vmem_shared>>) offsets(%dma_start3A_3578 : memref<128xi32, #tpu.memory_space<vmem>>) semaphore(%arg14 : memref<!tpu.dma_semaphore, #tpu.memory_space<semaphore_mem>>) {add = true}
      %rem3A_3582 = arith.constant 2 : i32
      %rem3A_3583 = arith.remsi %scan3A_3178, %rem3A_3582 : i32
      %mul3A_3584 = arith.constant 8 : i32
      %mul3A_3585 = arith.muli %rem3A_3583, %mul3A_3584 : i32
      %add3A_3586 = arith.constant 4 : i32
      %add3A_3587 = arith.addi %mul3A_3585, %add3A_3586 : i32
      %add3A_3588 = arith.constant 3 : i32
      %add3A_3589 = arith.addi %add3A_3587, %add3A_3588 : i32
      %dma_start3A_3590 = arith.constant 896 : i32
      %dma_start3A_3591 = arith.constant 0 : i32
      %dma_start3A_3592 = tpu.memref_slice %arg8[%dma_start3A_3590, %dma_start3A_3591] : memref<1024x64xbf16, #tpu.memory_space<vmem>> -> memref<128x64xbf16, #tpu.memory_space<vmem>>
      %dma_start3A_3593 = arith.constant 0 : i32
      %dma_start3A_3594 = tpu.memref_slice %arg10[%add3A_3589, %dma_start3A_3593] : memref<16x128xi32, #tpu.memory_space<vmem>> -> memref<1x128xi32, #tpu.memory_space<vmem>>
      %dma_start3A_3595 = tpu.memref_squeeze %dma_start3A_3594 : memref<1x128xi32, #tpu.memory_space<vmem>> -> memref<128xi32, #tpu.memory_space<vmem>>
      %dma_start3A_3596 = arith.constant 0 : i32
      %dma_start3A_3597 = arith.constant 0 : i32
      %dma_start3A_3598 = tpu.memref_slice %arg12[%dma_start3A_3596, %dma_start3A_3597] : memref<40064x64xbf16, #tpu.memory_space<vmem_shared>> -> memref<40064x64xbf16, #tpu.memory_space<vmem_shared>>
      tpu.enqueue_indirect_dma source(%dma_start3A_3592 : memref<128x64xbf16, #tpu.memory_space<vmem>>) target(%dma_start3A_3598 : memref<40064x64xbf16, #tpu.memory_space<vmem_shared>>) offsets(%dma_start3A_3595 : memref<128xi32, #tpu.memory_space<vmem>>) semaphore(%arg14 : memref<!tpu.dma_semaphore, #tpu.memory_space<semaphore_mem>>) {add = true}
    }
    %scan3A_1741 = arith.constant 20 : i32
    %rem3A_1742 = arith.constant 19 : i32
    %rem3A_1743 = arith.constant 2 : i32
    %rem3A_1744 = arith.remsi %rem3A_1742, %rem3A_1743 : i32
    %mul3A_1745 = arith.constant 8 : i32
    %mul3A_1746 = arith.muli %rem3A_1744, %mul3A_1745 : i32
    %add3A_1747 = arith.constant 4 : i32
    %add3A_1748 = arith.addi %mul3A_1746, %add3A_1747 : i32
    %add3A_1749 = arith.constant 0 : i32
    %add3A_1750 = arith.addi %add3A_1748, %add3A_1749 : i32
    %dma_wait3A_1751 = arith.constant 512 : i32
    %dma_wait3A_1752 = arith.constant 0 : i32
    %dma_wait3A_1753 = tpu.memref_slice %arg8[%dma_wait3A_1751, %dma_wait3A_1752] : memref<1024x64xbf16, #tpu.memory_space<vmem>> -> memref<128x64xbf16, #tpu.memory_space<vmem>>
    %dma_wait3A_1754 = arith.constant 0 : i32
    %dma_wait3A_1755 = tpu.memref_slice %arg10[%add3A_1750, %dma_wait3A_1754] : memref<16x128xi32, #tpu.memory_space<vmem>> -> memref<1x128xi32, #tpu.memory_space<vmem>>
    %dma_wait3A_1756 = tpu.memref_squeeze %dma_wait3A_1755 : memref<1x128xi32, #tpu.memory_space<vmem>> -> memref<128xi32, #tpu.memory_space<vmem>>
    %dma_wait3A_1757 = arith.constant 0 : i32
    %dma_wait3A_1758 = arith.constant 0 : i32
    %dma_wait3A_1759 = tpu.memref_slice %arg12[%dma_wait3A_1757, %dma_wait3A_1758] : memref<40064x64xbf16, #tpu.memory_space<vmem_shared>> -> memref<40064x64xbf16, #tpu.memory_space<vmem_shared>>
    tpu.wait_indirect_dma semaphore(%arg14 : memref<!tpu.dma_semaphore, #tpu.memory_space<semaphore_mem>>) src(%dma_wait3A_1753 : memref<128x64xbf16, #tpu.memory_space<vmem>>) dst(%dma_wait3A_1759 : memref<40064x64xbf16, #tpu.memory_space<vmem_shared>>)
    %rem3A_1760 = arith.constant 19 : i32
    %rem3A_1761 = arith.constant 2 : i32
    %rem3A_1762 = arith.remsi %rem3A_1760, %rem3A_1761 : i32
    %mul3A_1763 = arith.constant 8 : i32
    %mul3A_1764 = arith.muli %rem3A_1762, %mul3A_1763 : i32
    %add3A_1765 = arith.constant 4 : i32
    %add3A_1766 = arith.addi %mul3A_1764, %add3A_1765 : i32
    %add3A_1767 = arith.constant 1 : i32
    %add3A_1768 = arith.addi %add3A_1766, %add3A_1767 : i32
    %dma_wait3A_1769 = arith.constant 640 : i32
    %dma_wait3A_1770 = arith.constant 0 : i32
    %dma_wait3A_1771 = tpu.memref_slice %arg8[%dma_wait3A_1769, %dma_wait3A_1770] : memref<1024x64xbf16, #tpu.memory_space<vmem>> -> memref<128x64xbf16, #tpu.memory_space<vmem>>
    %dma_wait3A_1772 = arith.constant 0 : i32
    %dma_wait3A_1773 = tpu.memref_slice %arg10[%add3A_1768, %dma_wait3A_1772] : memref<16x128xi32, #tpu.memory_space<vmem>> -> memref<1x128xi32, #tpu.memory_space<vmem>>
    %dma_wait3A_1774 = tpu.memref_squeeze %dma_wait3A_1773 : memref<1x128xi32, #tpu.memory_space<vmem>> -> memref<128xi32, #tpu.memory_space<vmem>>
    %dma_wait3A_1775 = arith.constant 0 : i32
    %dma_wait3A_1776 = arith.constant 0 : i32
    %dma_wait3A_1777 = tpu.memref_slice %arg12[%dma_wait3A_1775, %dma_wait3A_1776] : memref<40064x64xbf16, #tpu.memory_space<vmem_shared>> -> memref<40064x64xbf16, #tpu.memory_space<vmem_shared>>
    tpu.wait_indirect_dma semaphore(%arg14 : memref<!tpu.dma_semaphore, #tpu.memory_space<semaphore_mem>>) src(%dma_wait3A_1771 : memref<128x64xbf16, #tpu.memory_space<vmem>>) dst(%dma_wait3A_1777 : memref<40064x64xbf16, #tpu.memory_space<vmem_shared>>)
    %rem3A_1778 = arith.constant 19 : i32
    %rem3A_1779 = arith.constant 2 : i32
    %rem3A_1780 = arith.remsi %rem3A_1778, %rem3A_1779 : i32
    %mul3A_1781 = arith.constant 8 : i32
    %mul3A_1782 = arith.muli %rem3A_1780, %mul3A_1781 : i32
    %add3A_1783 = arith.constant 4 : i32
    %add3A_1784 = arith.addi %mul3A_1782, %add3A_1783 : i32
    %add3A_1785 = arith.constant 2 : i32
    %add3A_1786 = arith.addi %add3A_1784, %add3A_1785 : i32
    %dma_wait3A_1787 = arith.constant 768 : i32
    %dma_wait3A_1788 = arith.constant 0 : i32
    %dma_wait3A_1789 = tpu.memref_slice %arg8[%dma_wait3A_1787, %dma_wait3A_1788] : memref<1024x64xbf16, #tpu.memory_space<vmem>> -> memref<128x64xbf16, #tpu.memory_space<vmem>>
    %dma_wait3A_1790 = arith.constant 0 : i32
    %dma_wait3A_1791 = tpu.memref_slice %arg10[%add3A_1786, %dma_wait3A_1790] : memref<16x128xi32, #tpu.memory_space<vmem>> -> memref<1x128xi32, #tpu.memory_space<vmem>>
    %dma_wait3A_1792 = tpu.memref_squeeze %dma_wait3A_1791 : memref<1x128xi32, #tpu.memory_space<vmem>> -> memref<128xi32, #tpu.memory_space<vmem>>
    %dma_wait3A_1793 = arith.constant 0 : i32
    %dma_wait3A_1794 = arith.constant 0 : i32
    %dma_wait3A_1795 = tpu.memref_slice %arg12[%dma_wait3A_1793, %dma_wait3A_1794] : memref<40064x64xbf16, #tpu.memory_space<vmem_shared>> -> memref<40064x64xbf16, #tpu.memory_space<vmem_shared>>
    tpu.wait_indirect_dma semaphore(%arg14 : memref<!tpu.dma_semaphore, #tpu.memory_space<semaphore_mem>>) src(%dma_wait3A_1789 : memref<128x64xbf16, #tpu.memory_space<vmem>>) dst(%dma_wait3A_1795 : memref<40064x64xbf16, #tpu.memory_space<vmem_shared>>)
    %rem3A_1796 = arith.constant 19 : i32
    %rem3A_1797 = arith.constant 2 : i32
    %rem3A_1798 = arith.remsi %rem3A_1796, %rem3A_1797 : i32
    %mul3A_1799 = arith.constant 8 : i32
    %mul3A_1800 = arith.muli %rem3A_1798, %mul3A_1799 : i32
    %add3A_1801 = arith.constant 4 : i32
    %add3A_1802 = arith.addi %mul3A_1800, %add3A_1801 : i32
    %add3A_1803 = arith.constant 3 : i32
    %add3A_1804 = arith.addi %add3A_1802, %add3A_1803 : i32
    %dma_wait3A_1805 = arith.constant 896 : i32
    %dma_wait3A_1806 = arith.constant 0 : i32
    %dma_wait3A_1807 = tpu.memref_slice %arg8[%dma_wait3A_1805, %dma_wait3A_1806] : memref<1024x64xbf16, #tpu.memory_space<vmem>> -> memref<128x64xbf16, #tpu.memory_space<vmem>>
    %dma_wait3A_1808 = arith.constant 0 : i32
    %dma_wait3A_1809 = tpu.memref_slice %arg10[%add3A_1804, %dma_wait3A_1808] : memref<16x128xi32, #tpu.memory_space<vmem>> -> memref<1x128xi32, #tpu.memory_space<vmem>>
    %dma_wait3A_1810 = tpu.memref_squeeze %dma_wait3A_1809 : memref<1x128xi32, #tpu.memory_space<vmem>> -> memref<128xi32, #tpu.memory_space<vmem>>
    %dma_wait3A_1811 = arith.constant 0 : i32
    %dma_wait3A_1812 = arith.constant 0 : i32
    %dma_wait3A_1813 = tpu.memref_slice %arg12[%dma_wait3A_1811, %dma_wait3A_1812] : memref<40064x64xbf16, #tpu.memory_space<vmem_shared>> -> memref<40064x64xbf16, #tpu.memory_space<vmem_shared>>
    tpu.wait_indirect_dma semaphore(%arg14 : memref<!tpu.dma_semaphore, #tpu.memory_space<semaphore_mem>>) src(%dma_wait3A_1807 : memref<128x64xbf16, #tpu.memory_space<vmem>>) dst(%dma_wait3A_1813 : memref<40064x64xbf16, #tpu.memory_space<vmem_shared>>)
    %barrier3A_1814 = arith.constant 0 : index
    tpu.barrier barrier_id(%barrier3A_1814)
    %add3A_1815 = arith.constant 0 : i32
    %add3A_1816 = arith.addi %mul3A_1544, %add3A_1815 : i32
    %add3A_1817 = arith.constant 0 : i32
    %add3A_1818 = arith.addi %add3A_1816, %add3A_1817 : i32
    %iota3A = tpu.iota {dimensions = array<i32: 0>} : vector<16xi32>
    %add3A_1819 = vector.broadcast %add3A_1818 : i32 to vector<16xi32>
    %add3A_1820 = arith.addi %add3A_1819, %iota3A : vector<16xi32>
    %add3A_1821 = arith.constant 626 : i32
    %add3A_1822 = arith.addi %mul3A_1544, %add3A_1821 : i32
    %lt3A = vector.broadcast %add3A_1822 : i32 to vector<16xi32>
    %lt3A_1823 = arith.cmpi slt, %add3A_1820, %lt3A : vector<16xi32>
    %jit3A = arith.constant 10000 : i32
    %broadcast_in_dim3A_1824 = vector.broadcast %jit3A : i32 to vector<16xi32>
    %select_n3A = arith.select %lt3A_1823, %add3A_1820, %broadcast_in_dim3A_1824 : vector<16xi1>, vector<16xi32>
    %swap3A_1825 = arith.constant 0 : i32
    %swap3A_1826 = arith.index_cast %swap3A_1825 : i32 to index
    %swap3A_1827 = arith.constant 0 : index
    %swap3A_1828 = tpu.vector_load %arg11[%swap3A_1826, %swap3A_1827] {strides = array<i32>} : memref<10x128xi32, #tpu.memory_space<vmem>>, vector<1x16xi32>,
    %swap3A_1829 = vector.shape_cast %swap3A_1828 : vector<1x16xi32> to vector<16xi32>
    %swap3A_1830 = vector.shape_cast %select_n3A : vector<16xi32> to vector<1x16xi32>
    tpu.vector_store %arg11[%swap3A_1826, %swap3A_1827], %swap3A_1830 {strides = array<i32>} : memref<10x128xi32, #tpu.memory_space<vmem>>, vector<1x16xi32>,
    %add3A_1831 = arith.constant 0 : i32
    %add3A_1832 = arith.addi %mul3A_1544, %add3A_1831 : i32
    %add3A_1833 = arith.constant 16 : i32
    %add3A_1834 = arith.addi %add3A_1832, %add3A_1833 : i32
    %iota3A_1835 = tpu.iota {dimensions = array<i32: 0>} : vector<16xi32>
    %add3A_1836 = vector.broadcast %add3A_1834 : i32 to vector<16xi32>
    %add3A_1837 = arith.addi %add3A_1836, %iota3A_1835 : vector<16xi32>
    %add3A_1838 = arith.constant 626 : i32
    %add3A_1839 = arith.addi %mul3A_1544, %add3A_1838 : i32
    %lt3A_1840 = vector.broadcast %add3A_1839 : i32 to vector<16xi32>
    %lt3A_1841 = arith.cmpi slt, %add3A_1837, %lt3A_1840 : vector<16xi32>
    %jit3A_1842 = arith.constant 10000 : i32
    %broadcast_in_dim3A_1843 = vector.broadcast %jit3A_1842 : i32 to vector<16xi32>
    %select_n3A_1844 = arith.select %lt3A_1841, %add3A_1837, %broadcast_in_dim3A_1843 : vector<16xi1>, vector<16xi32>
    %swap3A_1845 = arith.constant 0 : i32
    %swap3A_1846 = arith.index_cast %swap3A_1845 : i32 to index
    %swap3A_1847 = arith.constant 16 : index
    %swap3A_1848 = tpu.vector_load %arg11[%swap3A_1846, %swap3A_1847] {strides = array<i32>} : memref<10x128xi32, #tpu.memory_space<vmem>>, vector<1x16xi32>,
    %swap3A_1849 = vector.shape_cast %swap3A_1848 : vector<1x16xi32> to vector<16xi32>
    %swap3A_1850 = vector.shape_cast %select_n3A_1844 : vector<16xi32> to vector<1x16xi32>
    tpu.vector_store %arg11[%swap3A_1846, %swap3A_1847], %swap3A_1850 {strides = array<i32>} : memref<10x128xi32, #tpu.memory_space<vmem>>, vector<1x16xi32>,
    %add3A_1851 = arith.constant 0 : i32
    %add3A_1852 = arith.addi %mul3A_1544, %add3A_1851 : i32
    %add3A_1853 = arith.constant 32 : i32
    %add3A_1854 = arith.addi %add3A_1852, %add3A_1853 : i32
    %iota3A_1855 = tpu.iota {dimensions = array<i32: 0>} : vector<16xi32>
    %add3A_1856 = vector.broadcast %add3A_1854 : i32 to vector<16xi32>
    %add3A_1857 = arith.addi %add3A_1856, %iota3A_1855 : vector<16xi32>
    %add3A_1858 = arith.constant 626 : i32
    %add3A_1859 = arith.addi %mul3A_1544, %add3A_1858 : i32
    %lt3A_1860 = vector.broadcast %add3A_1859 : i32 to vector<16xi32>
    %lt3A_1861 = arith.cmpi slt, %add3A_1857, %lt3A_1860 : vector<16xi32>
    %jit3A_1862 = arith.constant 10000 : i32
    %broadcast_in_dim3A_1863 = vector.broadcast %jit3A_1862 : i32 to vector<16xi32>
    %select_n3A_1864 = arith.select %lt3A_1861, %add3A_1857, %broadcast_in_dim3A_1863 : vector<16xi1>, vector<16xi32>
    %swap3A_1865 = arith.constant 0 : i32
    %swap3A_1866 = arith.index_cast %swap3A_1865 : i32 to index
    %swap3A_1867 = arith.constant 32 : index
    %swap3A_1868 = tpu.vector_load %arg11[%swap3A_1866, %swap3A_1867] {strides = array<i32>} : memref<10x128xi32, #tpu.memory_space<vmem>>, vector<1x16xi32>,
    %swap3A_1869 = vector.shape_cast %swap3A_1868 : vector<1x16xi32> to vector<16xi32>
    %swap3A_1870 = vector.shape_cast %select_n3A_1864 : vector<16xi32> to vector<1x16xi32>
    tpu.vector_store %arg11[%swap3A_1866, %swap3A_1867], %swap3A_1870 {strides = array<i32>} : memref<10x128xi32, #tpu.memory_space<vmem>>, vector<1x16xi32>,
    %add3A_1871 = arith.constant 0 : i32
    %add3A_1872 = arith.addi %mul3A_1544, %add3A_1871 : i32
    %add3A_1873 = arith.constant 48 : i32
    %add3A_1874 = arith.addi %add3A_1872, %add3A_1873 : i32
    %iota3A_1875 = tpu.iota {dimensions = array<i32: 0>} : vector<16xi32>
    %add3A_1876 = vector.broadcast %add3A_1874 : i32 to vector<16xi32>
    %add3A_1877 = arith.addi %add3A_1876, %iota3A_1875 : vector<16xi32>
    %add3A_1878 = arith.constant 626 : i32
    %add3A_1879 = arith.addi %mul3A_1544, %add3A_1878 : i32
    %lt3A_1880 = vector.broadcast %add3A_1879 : i32 to vector<16xi32>
    %lt3A_1881 = arith.cmpi slt, %add3A_1877, %lt3A_1880 : vector<16xi32>
    %jit3A_1882 = arith.constant 10000 : i32
    %broadcast_in_dim3A_1883 = vector.broadcast %jit3A_1882 : i32 to vector<16xi32>
    %select_n3A_1884 = arith.select %lt3A_1881, %add3A_1877, %broadcast_in_dim3A_1883 : vector<16xi1>, vector<16xi32>
    %swap3A_1885 = arith.constant 0 : i32
    %swap3A_1886 = arith.index_cast %swap3A_1885 : i32 to index
    %swap3A_1887 = arith.constant 48 : index
    %swap3A_1888 = tpu.vector_load %arg11[%swap3A_1886, %swap3A_1887] {strides = array<i32>} : memref<10x128xi32, #tpu.memory_space<vmem>>, vector<1x16xi32>,
    %swap3A_1889 = vector.shape_cast %swap3A_1888 : vector<1x16xi32> to vector<16xi32>
    %swap3A_1890 = vector.shape_cast %select_n3A_1884 : vector<16xi32> to vector<1x16xi32>
    tpu.vector_store %arg11[%swap3A_1886, %swap3A_1887], %swap3A_1890 {strides = array<i32>} : memref<10x128xi32, #tpu.memory_space<vmem>>, vector<1x16xi32>,
    %add3A_1891 = arith.constant 0 : i32
    %add3A_1892 = arith.addi %mul3A_1544, %add3A_1891 : i32
    %add3A_1893 = arith.constant 64 : i32
    %add3A_1894 = arith.addi %add3A_1892, %add3A_1893 : i32
    %iota3A_1895 = tpu.iota {dimensions = array<i32: 0>} : vector<16xi32>
    %add3A_1896 = vector.broadcast %add3A_1894 : i32 to vector<16xi32>
    %add3A_1897 = arith.addi %add3A_1896, %iota3A_1895 : vector<16xi32>
    %add3A_1898 = arith.constant 626 : i32
    %add3A_1899 = arith.addi %mul3A_1544, %add3A_1898 : i32
    %lt3A_1900 = vector.broadcast %add3A_1899 : i32 to vector<16xi32>
    %lt3A_1901 = arith.cmpi slt, %add3A_1897, %lt3A_1900 : vector<16xi32>
    %jit3A_1902 = arith.constant 10000 : i32
    %broadcast_in_dim3A_1903 = vector.broadcast %jit3A_1902 : i32 to vector<16xi32>
    %select_n3A_1904 = arith.select %lt3A_1901, %add3A_1897, %broadcast_in_dim3A_1903 : vector<16xi1>, vector<16xi32>
    %swap3A_1905 = arith.constant 0 : i32
    %swap3A_1906 = arith.index_cast %swap3A_1905 : i32 to index
    %swap3A_1907 = arith.constant 64 : index
    %swap3A_1908 = tpu.vector_load %arg11[%swap3A_1906, %swap3A_1907] {strides = array<i32>} : memref<10x128xi32, #tpu.memory_space<vmem>>, vector<1x16xi32>,
    %swap3A_1909 = vector.shape_cast %swap3A_1908 : vector<1x16xi32> to vector<16xi32>
    %swap3A_1910 = vector.shape_cast %select_n3A_1904 : vector<16xi32> to vector<1x16xi32>
    tpu.vector_store %arg11[%swap3A_1906, %swap3A_1907], %swap3A_1910 {strides = array<i32>} : memref<10x128xi32, #tpu.memory_space<vmem>>, vector<1x16xi32>,
    %add3A_1911 = arith.constant 0 : i32
    %add3A_1912 = arith.addi %mul3A_1544, %add3A_1911 : i32
    %add3A_1913 = arith.constant 80 : i32
    %add3A_1914 = arith.addi %add3A_1912, %add3A_1913 : i32
    %iota3A_1915 = tpu.iota {dimensions = array<i32: 0>} : vector<16xi32>
    %add3A_1916 = vector.broadcast %add3A_1914 : i32 to vector<16xi32>
    %add3A_1917 = arith.addi %add3A_1916, %iota3A_1915 : vector<16xi32>
    %add3A_1918 = arith.constant 626 : i32
    %add3A_1919 = arith.addi %mul3A_1544, %add3A_1918 : i32
    %lt3A_1920 = vector.broadcast %add3A_1919 : i32 to vector<16xi32>
    %lt3A_1921 = arith.cmpi slt, %add3A_1917, %lt3A_1920 : vector<16xi32>
    %jit3A_1922 = arith.constant 10000 : i32
    %broadcast_in_dim3A_1923 = vector.broadcast %jit3A_1922 : i32 to vector<16xi32>
    %select_n3A_1924 = arith.select %lt3A_1921, %add3A_1917, %broadcast_in_dim3A_1923 : vector<16xi1>, vector<16xi32>
    %swap3A_1925 = arith.constant 0 : i32
    %swap3A_1926 = arith.index_cast %swap3A_1925 : i32 to index
    %swap3A_1927 = arith.constant 80 : index
    %swap3A_1928 = tpu.vector_load %arg11[%swap3A_1926, %swap3A_1927] {strides = array<i32>} : memref<10x128xi32, #tpu.memory_space<vmem>>, vector<1x16xi32>,
    %swap3A_1929 = vector.shape_cast %swap3A_1928 : vector<1x16xi32> to vector<16xi32>
    %swap3A_1930 = vector.shape_cast %select_n3A_1924 : vector<16xi32> to vector<1x16xi32>
    tpu.vector_store %arg11[%swap3A_1926, %swap3A_1927], %swap3A_1930 {strides = array<i32>} : memref<10x128xi32, #tpu.memory_space<vmem>>, vector<1x16xi32>,
    %add3A_1931 = arith.constant 0 : i32
    %add3A_1932 = arith.addi %mul3A_1544, %add3A_1931 : i32
    %add3A_1933 = arith.constant 96 : i32
    %add3A_1934 = arith.addi %add3A_1932, %add3A_1933 : i32
    %iota3A_1935 = tpu.iota {dimensions = array<i32: 0>} : vector<16xi32>
    %add3A_1936 = vector.broadcast %add3A_1934 : i32 to vector<16xi32>
    %add3A_1937 = arith.addi %add3A_1936, %iota3A_1935 : vector<16xi32>
    %add3A_1938 = arith.constant 626 : i32
    %add3A_1939 = arith.addi %mul3A_1544, %add3A_1938 : i32
    %lt3A_1940 = vector.broadcast %add3A_1939 : i32 to vector<16xi32>
    %lt3A_1941 = arith.cmpi slt, %add3A_1937, %lt3A_1940 : vector<16xi32>
    %jit3A_1942 = arith.constant 10000 : i32
    %broadcast_in_dim3A_1943 = vector.broadcast %jit3A_1942 : i32 to vector<16xi32>
    %select_n3A_1944 = arith.select %lt3A_1941, %add3A_1937, %broadcast_in_dim3A_1943 : vector<16xi1>, vector<16xi32>
    %swap3A_1945 = arith.constant 0 : i32
    %swap3A_1946 = arith.index_cast %swap3A_1945 : i32 to index
    %swap3A_1947 = arith.constant 96 : index
    %swap3A_1948 = tpu.vector_load %arg11[%swap3A_1946, %swap3A_1947] {strides = array<i32>} : memref<10x128xi32, #tpu.memory_space<vmem>>, vector<1x16xi32>,
    %swap3A_1949 = vector.shape_cast %swap3A_1948 : vector<1x16xi32> to vector<16xi32>
    %swap3A_1950 = vector.shape_cast %select_n3A_1944 : vector<16xi32> to vector<1x16xi32>
    tpu.vector_store %arg11[%swap3A_1946, %swap3A_1947], %swap3A_1950 {strides = array<i32>} : memref<10x128xi32, #tpu.memory_space<vmem>>, vector<1x16xi32>,
    %add3A_1951 = arith.constant 0 : i32
    %add3A_1952 = arith.addi %mul3A_1544, %add3A_1951 : i32
    %add3A_1953 = arith.constant 112 : i32
    %add3A_1954 = arith.addi %add3A_1952, %add3A_1953 : i32
    %iota3A_1955 = tpu.iota {dimensions = array<i32: 0>} : vector<16xi32>
    %add3A_1956 = vector.broadcast %add3A_1954 : i32 to vector<16xi32>
    %add3A_1957 = arith.addi %add3A_1956, %iota3A_1955 : vector<16xi32>
    %add3A_1958 = arith.constant 626 : i32
    %add3A_1959 = arith.addi %mul3A_1544, %add3A_1958 : i32
    %lt3A_1960 = vector.broadcast %add3A_1959 : i32 to vector<16xi32>
    %lt3A_1961 = arith.cmpi slt, %add3A_1957, %lt3A_1960 : vector<16xi32>
    %jit3A_1962 = arith.constant 10000 : i32
    %broadcast_in_dim3A_1963 = vector.broadcast %jit3A_1962 : i32 to vector<16xi32>
    %select_n3A_1964 = arith.select %lt3A_1961, %add3A_1957, %broadcast_in_dim3A_1963 : vector<16xi1>, vector<16xi32>
    %swap3A_1965 = arith.constant 0 : i32
    %swap3A_1966 = arith.index_cast %swap3A_1965 : i32 to index
    %swap3A_1967 = arith.constant 112 : index
    %swap3A_1968 = tpu.vector_load %arg11[%swap3A_1966, %swap3A_1967] {strides = array<i32>} : memref<10x128xi32, #tpu.memory_space<vmem>>, vector<1x16xi32>,
    %swap3A_1969 = vector.shape_cast %swap3A_1968 : vector<1x16xi32> to vector<16xi32>
    %swap3A_1970 = vector.shape_cast %select_n3A_1964 : vector<16xi32> to vector<1x16xi32>
    tpu.vector_store %arg11[%swap3A_1966, %swap3A_1967], %swap3A_1970 {strides = array<i32>} : memref<10x128xi32, #tpu.memory_space<vmem>>, vector<1x16xi32>,
    %add3A_1971 = arith.constant 128 : i32
    %add3A_1972 = arith.addi %mul3A_1544, %add3A_1971 : i32
    %add3A_1973 = arith.constant 0 : i32
    %add3A_1974 = arith.addi %add3A_1972, %add3A_1973 : i32
    %iota3A_1975 = tpu.iota {dimensions = array<i32: 0>} : vector<16xi32>
    %add3A_1976 = vector.broadcast %add3A_1974 : i32 to vector<16xi32>
    %add3A_1977 = arith.addi %add3A_1976, %iota3A_1975 : vector<16xi32>
    %add3A_1978 = arith.constant 626 : i32
    %add3A_1979 = arith.addi %mul3A_1544, %add3A_1978 : i32
    %lt3A_1980 = vector.broadcast %add3A_1979 : i32 to vector<16xi32>
    %lt3A_1981 = arith.cmpi slt, %add3A_1977, %lt3A_1980 : vector<16xi32>
    %jit3A_1982 = arith.constant 10000 : i32
    %broadcast_in_dim3A_1983 = vector.broadcast %jit3A_1982 : i32 to vector<16xi32>
    %select_n3A_1984 = arith.select %lt3A_1981, %add3A_1977, %broadcast_in_dim3A_1983 : vector<16xi1>, vector<16xi32>
    %swap3A_1985 = arith.constant 1 : i32
    %swap3A_1986 = arith.index_cast %swap3A_1985 : i32 to index
    %swap3A_1987 = arith.constant 0 : index
    %swap3A_1988 = tpu.vector_load %arg11[%swap3A_1986, %swap3A_1987] {strides = array<i32>} : memref<10x128xi32, #tpu.memory_space<vmem>>, vector<1x16xi32>,
    %swap3A_1989 = vector.shape_cast %swap3A_1988 : vector<1x16xi32> to vector<16xi32>
    %swap3A_1990 = vector.shape_cast %select_n3A_1984 : vector<16xi32> to vector<1x16xi32>
    tpu.vector_store %arg11[%swap3A_1986, %swap3A_1987], %swap3A_1990 {strides = array<i32>} : memref<10x128xi32, #tpu.memory_space<vmem>>, vector<1x16xi32>,
    %add3A_1991 = arith.constant 128 : i32
    %add3A_1992 = arith.addi %mul3A_1544, %add3A_1991 : i32
    %add3A_1993 = arith.constant 16 : i32
    %add3A_1994 = arith.addi %add3A_1992, %add3A_1993 : i32
    %iota3A_1995 = tpu.iota {dimensions = array<i32: 0>} : vector<16xi32>
    %add3A_1996 = vector.broadcast %add3A_1994 : i32 to vector<16xi32>
    %add3A_1997 = arith.addi %add3A_1996, %iota3A_1995 : vector<16xi32>
    %add3A_1998 = arith.constant 626 : i32
    %add3A_1999 = arith.addi %mul3A_1544, %add3A_1998 : i32
    %lt3A_2000 = vector.broadcast %add3A_1999 : i32 to vector<16xi32>
    %lt3A_2001 = arith.cmpi slt, %add3A_1997, %lt3A_2000 : vector<16xi32>
    %jit3A_2002 = arith.constant 10000 : i32
    %broadcast_in_dim3A_2003 = vector.broadcast %jit3A_2002 : i32 to vector<16xi32>
    %select_n3A_2004 = arith.select %lt3A_2001, %add3A_1997, %broadcast_in_dim3A_2003 : vector<16xi1>, vector<16xi32>
    %swap3A_2005 = arith.constant 1 : i32
    %swap3A_2006 = arith.index_cast %swap3A_2005 : i32 to index
    %swap3A_2007 = arith.constant 16 : index
    %swap3A_2008 = tpu.vector_load %arg11[%swap3A_2006, %swap3A_2007] {strides = array<i32>} : memref<10x128xi32, #tpu.memory_space<vmem>>, vector<1x16xi32>,
    %swap3A_2009 = vector.shape_cast %swap3A_2008 : vector<1x16xi32> to vector<16xi32>
    %swap3A_2010 = vector.shape_cast %select_n3A_2004 : vector<16xi32> to vector<1x16xi32>
    tpu.vector_store %arg11[%swap3A_2006, %swap3A_2007], %swap3A_2010 {strides = array<i32>} : memref<10x128xi32, #tpu.memory_space<vmem>>, vector<1x16xi32>,
    %add3A_2011 = arith.constant 128 : i32
    %add3A_2012 = arith.addi %mul3A_1544, %add3A_2011 : i32
    %add3A_2013 = arith.constant 32 : i32
    %add3A_2014 = arith.addi %add3A_2012, %add3A_2013 : i32
    %iota3A_2015 = tpu.iota {dimensions = array<i32: 0>} : vector<16xi32>
    %add3A_2016 = vector.broadcast %add3A_2014 : i32 to vector<16xi32>
    %add3A_2017 = arith.addi %add3A_2016, %iota3A_2015 : vector<16xi32>
    %add3A_2018 = arith.constant 626 : i32
    %add3A_2019 = arith.addi %mul3A_1544, %add3A_2018 : i32
    %lt3A_2020 = vector.broadcast %add3A_2019 : i32 to vector<16xi32>
    %lt3A_2021 = arith.cmpi slt, %add3A_2017, %lt3A_2020 : vector<16xi32>
    %jit3A_2022 = arith.constant 10000 : i32
    %broadcast_in_dim3A_2023 = vector.broadcast %jit3A_2022 : i32 to vector<16xi32>
    %select_n3A_2024 = arith.select %lt3A_2021, %add3A_2017, %broadcast_in_dim3A_2023 : vector<16xi1>, vector<16xi32>
    %swap3A_2025 = arith.constant 1 : i32
    %swap3A_2026 = arith.index_cast %swap3A_2025 : i32 to index
    %swap3A_2027 = arith.constant 32 : index
    %swap3A_2028 = tpu.vector_load %arg11[%swap3A_2026, %swap3A_2027] {strides = array<i32>} : memref<10x128xi32, #tpu.memory_space<vmem>>, vector<1x16xi32>,
    %swap3A_2029 = vector.shape_cast %swap3A_2028 : vector<1x16xi32> to vector<16xi32>
    %swap3A_2030 = vector.shape_cast %select_n3A_2024 : vector<16xi32> to vector<1x16xi32>
    tpu.vector_store %arg11[%swap3A_2026, %swap3A_2027], %swap3A_2030 {strides = array<i32>} : memref<10x128xi32, #tpu.memory_space<vmem>>, vector<1x16xi32>,
    %add3A_2031 = arith.constant 128 : i32
    %add3A_2032 = arith.addi %mul3A_1544, %add3A_2031 : i32
    %add3A_2033 = arith.constant 48 : i32
    %add3A_2034 = arith.addi %add3A_2032, %add3A_2033 : i32
    %iota3A_2035 = tpu.iota {dimensions = array<i32: 0>} : vector<16xi32>
    %add3A_2036 = vector.broadcast %add3A_2034 : i32 to vector<16xi32>
    %add3A_2037 = arith.addi %add3A_2036, %iota3A_2035 : vector<16xi32>
    %add3A_2038 = arith.constant 626 : i32
    %add3A_2039 = arith.addi %mul3A_1544, %add3A_2038 : i32
    %lt3A_2040 = vector.broadcast %add3A_2039 : i32 to vector<16xi32>
    %lt3A_2041 = arith.cmpi slt, %add3A_2037, %lt3A_2040 : vector<16xi32>
    %jit3A_2042 = arith.constant 10000 : i32
    %broadcast_in_dim3A_2043 = vector.broadcast %jit3A_2042 : i32 to vector<16xi32>
    %select_n3A_2044 = arith.select %lt3A_2041, %add3A_2037, %broadcast_in_dim3A_2043 : vector<16xi1>, vector<16xi32>
    %swap3A_2045 = arith.constant 1 : i32
    %swap3A_2046 = arith.index_cast %swap3A_2045 : i32 to index
    %swap3A_2047 = arith.constant 48 : index
    %swap3A_2048 = tpu.vector_load %arg11[%swap3A_2046, %swap3A_2047] {strides = array<i32>} : memref<10x128xi32, #tpu.memory_space<vmem>>, vector<1x16xi32>,
    %swap3A_2049 = vector.shape_cast %swap3A_2048 : vector<1x16xi32> to vector<16xi32>
    %swap3A_2050 = vector.shape_cast %select_n3A_2044 : vector<16xi32> to vector<1x16xi32>
    tpu.vector_store %arg11[%swap3A_2046, %swap3A_2047], %swap3A_2050 {strides = array<i32>} : memref<10x128xi32, #tpu.memory_space<vmem>>, vector<1x16xi32>,
    %add3A_2051 = arith.constant 128 : i32
    %add3A_2052 = arith.addi %mul3A_1544, %add3A_2051 : i32
    %add3A_2053 = arith.constant 64 : i32
    %add3A_2054 = arith.addi %add3A_2052, %add3A_2053 : i32
    %iota3A_2055 = tpu.iota {dimensions = array<i32: 0>} : vector<16xi32>
    %add3A_2056 = vector.broadcast %add3A_2054 : i32 to vector<16xi32>
    %add3A_2057 = arith.addi %add3A_2056, %iota3A_2055 : vector<16xi32>
    %add3A_2058 = arith.constant 626 : i32
    %add3A_2059 = arith.addi %mul3A_1544, %add3A_2058 : i32
    %lt3A_2060 = vector.broadcast %add3A_2059 : i32 to vector<16xi32>
    %lt3A_2061 = arith.cmpi slt, %add3A_2057, %lt3A_2060 : vector<16xi32>
    %jit3A_2062 = arith.constant 10000 : i32
    %broadcast_in_dim3A_2063 = vector.broadcast %jit3A_2062 : i32 to vector<16xi32>
    %select_n3A_2064 = arith.select %lt3A_2061, %add3A_2057, %broadcast_in_dim3A_2063 : vector<16xi1>, vector<16xi32>
    %swap3A_2065 = arith.constant 1 : i32
    %swap3A_2066 = arith.index_cast %swap3A_2065 : i32 to index
    %swap3A_2067 = arith.constant 64 : index
    %swap3A_2068 = tpu.vector_load %arg11[%swap3A_2066, %swap3A_2067] {strides = array<i32>} : memref<10x128xi32, #tpu.memory_space<vmem>>, vector<1x16xi32>,
    %swap3A_2069 = vector.shape_cast %swap3A_2068 : vector<1x16xi32> to vector<16xi32>
    %swap3A_2070 = vector.shape_cast %select_n3A_2064 : vector<16xi32> to vector<1x16xi32>
    tpu.vector_store %arg11[%swap3A_2066, %swap3A_2067], %swap3A_2070 {strides = array<i32>} : memref<10x128xi32, #tpu.memory_space<vmem>>, vector<1x16xi32>,
    %add3A_2071 = arith.constant 128 : i32
    %add3A_2072 = arith.addi %mul3A_1544, %add3A_2071 : i32
    %add3A_2073 = arith.constant 80 : i32
    %add3A_2074 = arith.addi %add3A_2072, %add3A_2073 : i32
    %iota3A_2075 = tpu.iota {dimensions = array<i32: 0>} : vector<16xi32>
    %add3A_2076 = vector.broadcast %add3A_2074 : i32 to vector<16xi32>
    %add3A_2077 = arith.addi %add3A_2076, %iota3A_2075 : vector<16xi32>
    %add3A_2078 = arith.constant 626 : i32
    %add3A_2079 = arith.addi %mul3A_1544, %add3A_2078 : i32
    %lt3A_2080 = vector.broadcast %add3A_2079 : i32 to vector<16xi32>
    %lt3A_2081 = arith.cmpi slt, %add3A_2077, %lt3A_2080 : vector<16xi32>
    %jit3A_2082 = arith.constant 10000 : i32
    %broadcast_in_dim3A_2083 = vector.broadcast %jit3A_2082 : i32 to vector<16xi32>
    %select_n3A_2084 = arith.select %lt3A_2081, %add3A_2077, %broadcast_in_dim3A_2083 : vector<16xi1>, vector<16xi32>
    %swap3A_2085 = arith.constant 1 : i32
    %swap3A_2086 = arith.index_cast %swap3A_2085 : i32 to index
    %swap3A_2087 = arith.constant 80 : index
    %swap3A_2088 = tpu.vector_load %arg11[%swap3A_2086, %swap3A_2087] {strides = array<i32>} : memref<10x128xi32, #tpu.memory_space<vmem>>, vector<1x16xi32>,
    %swap3A_2089 = vector.shape_cast %swap3A_2088 : vector<1x16xi32> to vector<16xi32>
    %swap3A_2090 = vector.shape_cast %select_n3A_2084 : vector<16xi32> to vector<1x16xi32>
    tpu.vector_store %arg11[%swap3A_2086, %swap3A_2087], %swap3A_2090 {strides = array<i32>} : memref<10x128xi32, #tpu.memory_space<vmem>>, vector<1x16xi32>,
    %add3A_2091 = arith.constant 128 : i32
    %add3A_2092 = arith.addi %mul3A_1544, %add3A_2091 : i32
    %add3A_2093 = arith.constant 96 : i32
    %add3A_2094 = arith.addi %add3A_2092, %add3A_2093 : i32
    %iota3A_2095 = tpu.iota {dimensions = array<i32: 0>} : vector<16xi32>
    %add3A_2096 = vector.broadcast %add3A_2094 : i32 to vector<16xi32>
    %add3A_2097 = arith.addi %add3A_2096, %iota3A_2095 : vector<16xi32>
    %add3A_2098 = arith.constant 626 : i32
    %add3A_2099 = arith.addi %mul3A_1544, %add3A_2098 : i32
    %lt3A_2100 = vector.broadcast %add3A_2099 : i32 to vector<16xi32>
    %lt3A_2101 = arith.cmpi slt, %add3A_2097, %lt3A_2100 : vector<16xi32>
    %jit3A_2102 = arith.constant 10000 : i32
    %broadcast_in_dim3A_2103 = vector.broadcast %jit3A_2102 : i32 to vector<16xi32>
    %select_n3A_2104 = arith.select %lt3A_2101, %add3A_2097, %broadcast_in_dim3A_2103 : vector<16xi1>, vector<16xi32>
    %swap3A_2105 = arith.constant 1 : i32
    %swap3A_2106 = arith.index_cast %swap3A_2105 : i32 to index
    %swap3A_2107 = arith.constant 96 : index
    %swap3A_2108 = tpu.vector_load %arg11[%swap3A_2106, %swap3A_2107] {strides = array<i32>} : memref<10x128xi32, #tpu.memory_space<vmem>>, vector<1x16xi32>,
    %swap3A_2109 = vector.shape_cast %swap3A_2108 : vector<1x16xi32> to vector<16xi32>
    %swap3A_2110 = vector.shape_cast %select_n3A_2104 : vector<16xi32> to vector<1x16xi32>
    tpu.vector_store %arg11[%swap3A_2106, %swap3A_2107], %swap3A_2110 {strides = array<i32>} : memref<10x128xi32, #tpu.memory_space<vmem>>, vector<1x16xi32>,
    %add3A_2111 = arith.constant 128 : i32
    %add3A_2112 = arith.addi %mul3A_1544, %add3A_2111 : i32
    %add3A_2113 = arith.constant 112 : i32
    %add3A_2114 = arith.addi %add3A_2112, %add3A_2113 : i32
    %iota3A_2115 = tpu.iota {dimensions = array<i32: 0>} : vector<16xi32>
    %add3A_2116 = vector.broadcast %add3A_2114 : i32 to vector<16xi32>
    %add3A_2117 = arith.addi %add3A_2116, %iota3A_2115 : vector<16xi32>
    %add3A_2118 = arith.constant 626 : i32
    %add3A_2119 = arith.addi %mul3A_1544, %add3A_2118 : i32
    %lt3A_2120 = vector.broadcast %add3A_2119 : i32 to vector<16xi32>
    %lt3A_2121 = arith.cmpi slt, %add3A_2117, %lt3A_2120 : vector<16xi32>
    %jit3A_2122 = arith.constant 10000 : i32
    %broadcast_in_dim3A_2123 = vector.broadcast %jit3A_2122 : i32 to vector<16xi32>
    %select_n3A_2124 = arith.select %lt3A_2121, %add3A_2117, %broadcast_in_dim3A_2123 : vector<16xi1>, vector<16xi32>
    %swap3A_2125 = arith.constant 1 : i32
    %swap3A_2126 = arith.index_cast %swap3A_2125 : i32 to index
    %swap3A_2127 = arith.constant 112 : index
    %swap3A_2128 = tpu.vector_load %arg11[%swap3A_2126, %swap3A_2127] {strides = array<i32>} : memref<10x128xi32, #tpu.memory_space<vmem>>, vector<1x16xi32>,
    %swap3A_2129 = vector.shape_cast %swap3A_2128 : vector<1x16xi32> to vector<16xi32>
    %swap3A_2130 = vector.shape_cast %select_n3A_2124 : vector<16xi32> to vector<1x16xi32>
    tpu.vector_store %arg11[%swap3A_2126, %swap3A_2127], %swap3A_2130 {strides = array<i32>} : memref<10x128xi32, #tpu.memory_space<vmem>>, vector<1x16xi32>,
    %add3A_2131 = arith.constant 256 : i32
    %add3A_2132 = arith.addi %mul3A_1544, %add3A_2131 : i32
    %add3A_2133 = arith.constant 0 : i32
    %add3A_2134 = arith.addi %add3A_2132, %add3A_2133 : i32
    %iota3A_2135 = tpu.iota {dimensions = array<i32: 0>} : vector<16xi32>
    %add3A_2136 = vector.broadcast %add3A_2134 : i32 to vector<16xi32>
    %add3A_2137 = arith.addi %add3A_2136, %iota3A_2135 : vector<16xi32>
    %add3A_2138 = arith.constant 626 : i32
    %add3A_2139 = arith.addi %mul3A_1544, %add3A_2138 : i32
    %lt3A_2140 = vector.broadcast %add3A_2139 : i32 to vector<16xi32>
    %lt3A_2141 = arith.cmpi slt, %add3A_2137, %lt3A_2140 : vector<16xi32>
    %jit3A_2142 = arith.constant 10000 : i32
    %broadcast_in_dim3A_2143 = vector.broadcast %jit3A_2142 : i32 to vector<16xi32>
    %select_n3A_2144 = arith.select %lt3A_2141, %add3A_2137, %broadcast_in_dim3A_2143 : vector<16xi1>, vector<16xi32>
    %swap3A_2145 = arith.constant 2 : i32
    %swap3A_2146 = arith.index_cast %swap3A_2145 : i32 to index
    %swap3A_2147 = arith.constant 0 : index
    %swap3A_2148 = tpu.vector_load %arg11[%swap3A_2146, %swap3A_2147] {strides = array<i32>} : memref<10x128xi32, #tpu.memory_space<vmem>>, vector<1x16xi32>,
    %swap3A_2149 = vector.shape_cast %swap3A_2148 : vector<1x16xi32> to vector<16xi32>
    %swap3A_2150 = vector.shape_cast %select_n3A_2144 : vector<16xi32> to vector<1x16xi32>
    tpu.vector_store %arg11[%swap3A_2146, %swap3A_2147], %swap3A_2150 {strides = array<i32>} : memref<10x128xi32, #tpu.memory_space<vmem>>, vector<1x16xi32>,
    %add3A_2151 = arith.constant 256 : i32
    %add3A_2152 = arith.addi %mul3A_1544, %add3A_2151 : i32
    %add3A_2153 = arith.constant 16 : i32
    %add3A_2154 = arith.addi %add3A_2152, %add3A_2153 : i32
    %iota3A_2155 = tpu.iota {dimensions = array<i32: 0>} : vector<16xi32>
    %add3A_2156 = vector.broadcast %add3A_2154 : i32 to vector<16xi32>
    %add3A_2157 = arith.addi %add3A_2156, %iota3A_2155 : vector<16xi32>
    %add3A_2158 = arith.constant 626 : i32
    %add3A_2159 = arith.addi %mul3A_1544, %add3A_2158 : i32
    %lt3A_2160 = vector.broadcast %add3A_2159 : i32 to vector<16xi32>
    %lt3A_2161 = arith.cmpi slt, %add3A_2157, %lt3A_2160 : vector<16xi32>
    %jit3A_2162 = arith.constant 10000 : i32
    %broadcast_in_dim3A_2163 = vector.broadcast %jit3A_2162 : i32 to vector<16xi32>
    %select_n3A_2164 = arith.select %lt3A_2161, %add3A_2157, %broadcast_in_dim3A_2163 : vector<16xi1>, vector<16xi32>
    %swap3A_2165 = arith.constant 2 : i32
    %swap3A_2166 = arith.index_cast %swap3A_2165 : i32 to index
    %swap3A_2167 = arith.constant 16 : index
    %swap3A_2168 = tpu.vector_load %arg11[%swap3A_2166, %swap3A_2167] {strides = array<i32>} : memref<10x128xi32, #tpu.memory_space<vmem>>, vector<1x16xi32>,
    %swap3A_2169 = vector.shape_cast %swap3A_2168 : vector<1x16xi32> to vector<16xi32>
    %swap3A_2170 = vector.shape_cast %select_n3A_2164 : vector<16xi32> to vector<1x16xi32>
    tpu.vector_store %arg11[%swap3A_2166, %swap3A_2167], %swap3A_2170 {strides = array<i32>} : memref<10x128xi32, #tpu.memory_space<vmem>>, vector<1x16xi32>,
    %add3A_2171 = arith.constant 256 : i32
    %add3A_2172 = arith.addi %mul3A_1544, %add3A_2171 : i32
    %add3A_2173 = arith.constant 32 : i32
    %add3A_2174 = arith.addi %add3A_2172, %add3A_2173 : i32
    %iota3A_2175 = tpu.iota {dimensions = array<i32: 0>} : vector<16xi32>
    %add3A_2176 = vector.broadcast %add3A_2174 : i32 to vector<16xi32>
    %add3A_2177 = arith.addi %add3A_2176, %iota3A_2175 : vector<16xi32>
    %add3A_2178 = arith.constant 626 : i32
    %add3A_2179 = arith.addi %mul3A_1544, %add3A_2178 : i32
    %lt3A_2180 = vector.broadcast %add3A_2179 : i32 to vector<16xi32>
    %lt3A_2181 = arith.cmpi slt, %add3A_2177, %lt3A_2180 : vector<16xi32>
    %jit3A_2182 = arith.constant 10000 : i32
    %broadcast_in_dim3A_2183 = vector.broadcast %jit3A_2182 : i32 to vector<16xi32>
    %select_n3A_2184 = arith.select %lt3A_2181, %add3A_2177, %broadcast_in_dim3A_2183 : vector<16xi1>, vector<16xi32>
    %swap3A_2185 = arith.constant 2 : i32
    %swap3A_2186 = arith.index_cast %swap3A_2185 : i32 to index
    %swap3A_2187 = arith.constant 32 : index
    %swap3A_2188 = tpu.vector_load %arg11[%swap3A_2186, %swap3A_2187] {strides = array<i32>} : memref<10x128xi32, #tpu.memory_space<vmem>>, vector<1x16xi32>,
    %swap3A_2189 = vector.shape_cast %swap3A_2188 : vector<1x16xi32> to vector<16xi32>
    %swap3A_2190 = vector.shape_cast %select_n3A_2184 : vector<16xi32> to vector<1x16xi32>
    tpu.vector_store %arg11[%swap3A_2186, %swap3A_2187], %swap3A_2190 {strides = array<i32>} : memref<10x128xi32, #tpu.memory_space<vmem>>, vector<1x16xi32>,
    %add3A_2191 = arith.constant 256 : i32
    %add3A_2192 = arith.addi %mul3A_1544, %add3A_2191 : i32
    %add3A_2193 = arith.constant 48 : i32
    %add3A_2194 = arith.addi %add3A_2192, %add3A_2193 : i32
    %iota3A_2195 = tpu.iota {dimensions = array<i32: 0>} : vector<16xi32>
    %add3A_2196 = vector.broadcast %add3A_2194 : i32 to vector<16xi32>
    %add3A_2197 = arith.addi %add3A_2196, %iota3A_2195 : vector<16xi32>
    %add3A_2198 = arith.constant 626 : i32
    %add3A_2199 = arith.addi %mul3A_1544, %add3A_2198 : i32
    %lt3A_2200 = vector.broadcast %add3A_2199 : i32 to vector<16xi32>
    %lt3A_2201 = arith.cmpi slt, %add3A_2197, %lt3A_2200 : vector<16xi32>
    %jit3A_2202 = arith.constant 10000 : i32
    %broadcast_in_dim3A_2203 = vector.broadcast %jit3A_2202 : i32 to vector<16xi32>
    %select_n3A_2204 = arith.select %lt3A_2201, %add3A_2197, %broadcast_in_dim3A_2203 : vector<16xi1>, vector<16xi32>
    %swap3A_2205 = arith.constant 2 : i32
    %swap3A_2206 = arith.index_cast %swap3A_2205 : i32 to index
    %swap3A_2207 = arith.constant 48 : index
    %swap3A_2208 = tpu.vector_load %arg11[%swap3A_2206, %swap3A_2207] {strides = array<i32>} : memref<10x128xi32, #tpu.memory_space<vmem>>, vector<1x16xi32>,
    %swap3A_2209 = vector.shape_cast %swap3A_2208 : vector<1x16xi32> to vector<16xi32>
    %swap3A_2210 = vector.shape_cast %select_n3A_2204 : vector<16xi32> to vector<1x16xi32>
    tpu.vector_store %arg11[%swap3A_2206, %swap3A_2207], %swap3A_2210 {strides = array<i32>} : memref<10x128xi32, #tpu.memory_space<vmem>>, vector<1x16xi32>,
    %add3A_2211 = arith.constant 256 : i32
    %add3A_2212 = arith.addi %mul3A_1544, %add3A_2211 : i32
    %add3A_2213 = arith.constant 64 : i32
    %add3A_2214 = arith.addi %add3A_2212, %add3A_2213 : i32
    %iota3A_2215 = tpu.iota {dimensions = array<i32: 0>} : vector<16xi32>
    %add3A_2216 = vector.broadcast %add3A_2214 : i32 to vector<16xi32>
    %add3A_2217 = arith.addi %add3A_2216, %iota3A_2215 : vector<16xi32>
    %add3A_2218 = arith.constant 626 : i32
    %add3A_2219 = arith.addi %mul3A_1544, %add3A_2218 : i32
    %lt3A_2220 = vector.broadcast %add3A_2219 : i32 to vector<16xi32>
    %lt3A_2221 = arith.cmpi slt, %add3A_2217, %lt3A_2220 : vector<16xi32>
    %jit3A_2222 = arith.constant 10000 : i32
    %broadcast_in_dim3A_2223 = vector.broadcast %jit3A_2222 : i32 to vector<16xi32>
    %select_n3A_2224 = arith.select %lt3A_2221, %add3A_2217, %broadcast_in_dim3A_2223 : vector<16xi1>, vector<16xi32>
    %swap3A_2225 = arith.constant 2 : i32
    %swap3A_2226 = arith.index_cast %swap3A_2225 : i32 to index
    %swap3A_2227 = arith.constant 64 : index
    %swap3A_2228 = tpu.vector_load %arg11[%swap3A_2226, %swap3A_2227] {strides = array<i32>} : memref<10x128xi32, #tpu.memory_space<vmem>>, vector<1x16xi32>,
    %swap3A_2229 = vector.shape_cast %swap3A_2228 : vector<1x16xi32> to vector<16xi32>
    %swap3A_2230 = vector.shape_cast %select_n3A_2224 : vector<16xi32> to vector<1x16xi32>
    tpu.vector_store %arg11[%swap3A_2226, %swap3A_2227], %swap3A_2230 {strides = array<i32>} : memref<10x128xi32, #tpu.memory_space<vmem>>, vector<1x16xi32>,
    %add3A_2231 = arith.constant 256 : i32
    %add3A_2232 = arith.addi %mul3A_1544, %add3A_2231 : i32
    %add3A_2233 = arith.constant 80 : i32
    %add3A_2234 = arith.addi %add3A_2232, %add3A_2233 : i32
    %iota3A_2235 = tpu.iota {dimensions = array<i32: 0>} : vector<16xi32>
    %add3A_2236 = vector.broadcast %add3A_2234 : i32 to vector<16xi32>
    %add3A_2237 = arith.addi %add3A_2236, %iota3A_2235 : vector<16xi32>
    %add3A_2238 = arith.constant 626 : i32
    %add3A_2239 = arith.addi %mul3A_1544, %add3A_2238 : i32
    %lt3A_2240 = vector.broadcast %add3A_2239 : i32 to vector<16xi32>
    %lt3A_2241 = arith.cmpi slt, %add3A_2237, %lt3A_2240 : vector<16xi32>
    %jit3A_2242 = arith.constant 10000 : i32
    %broadcast_in_dim3A_2243 = vector.broadcast %jit3A_2242 : i32 to vector<16xi32>
    %select_n3A_2244 = arith.select %lt3A_2241, %add3A_2237, %broadcast_in_dim3A_2243 : vector<16xi1>, vector<16xi32>
    %swap3A_2245 = arith.constant 2 : i32
    %swap3A_2246 = arith.index_cast %swap3A_2245 : i32 to index
    %swap3A_2247 = arith.constant 80 : index
    %swap3A_2248 = tpu.vector_load %arg11[%swap3A_2246, %swap3A_2247] {strides = array<i32>} : memref<10x128xi32, #tpu.memory_space<vmem>>, vector<1x16xi32>,
    %swap3A_2249 = vector.shape_cast %swap3A_2248 : vector<1x16xi32> to vector<16xi32>
    %swap3A_2250 = vector.shape_cast %select_n3A_2244 : vector<16xi32> to vector<1x16xi32>
    tpu.vector_store %arg11[%swap3A_2246, %swap3A_2247], %swap3A_2250 {strides = array<i32>} : memref<10x128xi32, #tpu.memory_space<vmem>>, vector<1x16xi32>,
    %add3A_2251 = arith.constant 256 : i32
    %add3A_2252 = arith.addi %mul3A_1544, %add3A_2251 : i32
    %add3A_2253 = arith.constant 96 : i32
    %add3A_2254 = arith.addi %add3A_2252, %add3A_2253 : i32
    %iota3A_2255 = tpu.iota {dimensions = array<i32: 0>} : vector<16xi32>
    %add3A_2256 = vector.broadcast %add3A_2254 : i32 to vector<16xi32>
    %add3A_2257 = arith.addi %add3A_2256, %iota3A_2255 : vector<16xi32>
    %add3A_2258 = arith.constant 626 : i32
    %add3A_2259 = arith.addi %mul3A_1544, %add3A_2258 : i32
    %lt3A_2260 = vector.broadcast %add3A_2259 : i32 to vector<16xi32>
    %lt3A_2261 = arith.cmpi slt, %add3A_2257, %lt3A_2260 : vector<16xi32>
    %jit3A_2262 = arith.constant 10000 : i32
    %broadcast_in_dim3A_2263 = vector.broadcast %jit3A_2262 : i32 to vector<16xi32>
    %select_n3A_2264 = arith.select %lt3A_2261, %add3A_2257, %broadcast_in_dim3A_2263 : vector<16xi1>, vector<16xi32>
    %swap3A_2265 = arith.constant 2 : i32
    %swap3A_2266 = arith.index_cast %swap3A_2265 : i32 to index
    %swap3A_2267 = arith.constant 96 : index
    %swap3A_2268 = tpu.vector_load %arg11[%swap3A_2266, %swap3A_2267] {strides = array<i32>} : memref<10x128xi32, #tpu.memory_space<vmem>>, vector<1x16xi32>,
    %swap3A_2269 = vector.shape_cast %swap3A_2268 : vector<1x16xi32> to vector<16xi32>
    %swap3A_2270 = vector.shape_cast %select_n3A_2264 : vector<16xi32> to vector<1x16xi32>
    tpu.vector_store %arg11[%swap3A_2266, %swap3A_2267], %swap3A_2270 {strides = array<i32>} : memref<10x128xi32, #tpu.memory_space<vmem>>, vector<1x16xi32>,
    %add3A_2271 = arith.constant 256 : i32
    %add3A_2272 = arith.addi %mul3A_1544, %add3A_2271 : i32
    %add3A_2273 = arith.constant 112 : i32
    %add3A_2274 = arith.addi %add3A_2272, %add3A_2273 : i32
    %iota3A_2275 = tpu.iota {dimensions = array<i32: 0>} : vector<16xi32>
    %add3A_2276 = vector.broadcast %add3A_2274 : i32 to vector<16xi32>
    %add3A_2277 = arith.addi %add3A_2276, %iota3A_2275 : vector<16xi32>
    %add3A_2278 = arith.constant 626 : i32
    %add3A_2279 = arith.addi %mul3A_1544, %add3A_2278 : i32
    %lt3A_2280 = vector.broadcast %add3A_2279 : i32 to vector<16xi32>
    %lt3A_2281 = arith.cmpi slt, %add3A_2277, %lt3A_2280 : vector<16xi32>
    %jit3A_2282 = arith.constant 10000 : i32
    %broadcast_in_dim3A_2283 = vector.broadcast %jit3A_2282 : i32 to vector<16xi32>
    %select_n3A_2284 = arith.select %lt3A_2281, %add3A_2277, %broadcast_in_dim3A_2283 : vector<16xi1>, vector<16xi32>
    %swap3A_2285 = arith.constant 2 : i32
    %swap3A_2286 = arith.index_cast %swap3A_2285 : i32 to index
    %swap3A_2287 = arith.constant 112 : index
    %swap3A_2288 = tpu.vector_load %arg11[%swap3A_2286, %swap3A_2287] {strides = array<i32>} : memref<10x128xi32, #tpu.memory_space<vmem>>, vector<1x16xi32>,
    %swap3A_2289 = vector.shape_cast %swap3A_2288 : vector<1x16xi32> to vector<16xi32>
    %swap3A_2290 = vector.shape_cast %select_n3A_2284 : vector<16xi32> to vector<1x16xi32>
    tpu.vector_store %arg11[%swap3A_2286, %swap3A_2287], %swap3A_2290 {strides = array<i32>} : memref<10x128xi32, #tpu.memory_space<vmem>>, vector<1x16xi32>,
    %add3A_2291 = arith.constant 384 : i32
    %add3A_2292 = arith.addi %mul3A_1544, %add3A_2291 : i32
    %add3A_2293 = arith.constant 0 : i32
    %add3A_2294 = arith.addi %add3A_2292, %add3A_2293 : i32
    %iota3A_2295 = tpu.iota {dimensions = array<i32: 0>} : vector<16xi32>
    %add3A_2296 = vector.broadcast %add3A_2294 : i32 to vector<16xi32>
    %add3A_2297 = arith.addi %add3A_2296, %iota3A_2295 : vector<16xi32>
    %add3A_2298 = arith.constant 626 : i32
    %add3A_2299 = arith.addi %mul3A_1544, %add3A_2298 : i32
    %lt3A_2300 = vector.broadcast %add3A_2299 : i32 to vector<16xi32>
    %lt3A_2301 = arith.cmpi slt, %add3A_2297, %lt3A_2300 : vector<16xi32>
    %jit3A_2302 = arith.constant 10000 : i32
    %broadcast_in_dim3A_2303 = vector.broadcast %jit3A_2302 : i32 to vector<16xi32>
    %select_n3A_2304 = arith.select %lt3A_2301, %add3A_2297, %broadcast_in_dim3A_2303 : vector<16xi1>, vector<16xi32>
    %swap3A_2305 = arith.constant 3 : i32
    %swap3A_2306 = arith.index_cast %swap3A_2305 : i32 to index
    %swap3A_2307 = arith.constant 0 : index
    %swap3A_2308 = tpu.vector_load %arg11[%swap3A_2306, %swap3A_2307] {strides = array<i32>} : memref<10x128xi32, #tpu.memory_space<vmem>>, vector<1x16xi32>,
    %swap3A_2309 = vector.shape_cast %swap3A_2308 : vector<1x16xi32> to vector<16xi32>
    %swap3A_2310 = vector.shape_cast %select_n3A_2304 : vector<16xi32> to vector<1x16xi32>
    tpu.vector_store %arg11[%swap3A_2306, %swap3A_2307], %swap3A_2310 {strides = array<i32>} : memref<10x128xi32, #tpu.memory_space<vmem>>, vector<1x16xi32>,
    %add3A_2311 = arith.constant 384 : i32
    %add3A_2312 = arith.addi %mul3A_1544, %add3A_2311 : i32
    %add3A_2313 = arith.constant 16 : i32
    %add3A_2314 = arith.addi %add3A_2312, %add3A_2313 : i32
    %iota3A_2315 = tpu.iota {dimensions = array<i32: 0>} : vector<16xi32>
    %add3A_2316 = vector.broadcast %add3A_2314 : i32 to vector<16xi32>
    %add3A_2317 = arith.addi %add3A_2316, %iota3A_2315 : vector<16xi32>
    %add3A_2318 = arith.constant 626 : i32
    %add3A_2319 = arith.addi %mul3A_1544, %add3A_2318 : i32
    %lt3A_2320 = vector.broadcast %add3A_2319 : i32 to vector<16xi32>
    %lt3A_2321 = arith.cmpi slt, %add3A_2317, %lt3A_2320 : vector<16xi32>
    %jit3A_2322 = arith.constant 10000 : i32
    %broadcast_in_dim3A_2323 = vector.broadcast %jit3A_2322 : i32 to vector<16xi32>
    %select_n3A_2324 = arith.select %lt3A_2321, %add3A_2317, %broadcast_in_dim3A_2323 : vector<16xi1>, vector<16xi32>
    %swap3A_2325 = arith.constant 3 : i32
    %swap3A_2326 = arith.index_cast %swap3A_2325 : i32 to index
    %swap3A_2327 = arith.constant 16 : index
    %swap3A_2328 = tpu.vector_load %arg11[%swap3A_2326, %swap3A_2327] {strides = array<i32>} : memref<10x128xi32, #tpu.memory_space<vmem>>, vector<1x16xi32>,
    %swap3A_2329 = vector.shape_cast %swap3A_2328 : vector<1x16xi32> to vector<16xi32>
    %swap3A_2330 = vector.shape_cast %select_n3A_2324 : vector<16xi32> to vector<1x16xi32>
    tpu.vector_store %arg11[%swap3A_2326, %swap3A_2327], %swap3A_2330 {strides = array<i32>} : memref<10x128xi32, #tpu.memory_space<vmem>>, vector<1x16xi32>,
    %add3A_2331 = arith.constant 384 : i32
    %add3A_2332 = arith.addi %mul3A_1544, %add3A_2331 : i32
    %add3A_2333 = arith.constant 32 : i32
    %add3A_2334 = arith.addi %add3A_2332, %add3A_2333 : i32
    %iota3A_2335 = tpu.iota {dimensions = array<i32: 0>} : vector<16xi32>
    %add3A_2336 = vector.broadcast %add3A_2334 : i32 to vector<16xi32>
    %add3A_2337 = arith.addi %add3A_2336, %iota3A_2335 : vector<16xi32>
    %add3A_2338 = arith.constant 626 : i32
    %add3A_2339 = arith.addi %mul3A_1544, %add3A_2338 : i32
    %lt3A_2340 = vector.broadcast %add3A_2339 : i32 to vector<16xi32>
    %lt3A_2341 = arith.cmpi slt, %add3A_2337, %lt3A_2340 : vector<16xi32>
    %jit3A_2342 = arith.constant 10000 : i32
    %broadcast_in_dim3A_2343 = vector.broadcast %jit3A_2342 : i32 to vector<16xi32>
    %select_n3A_2344 = arith.select %lt3A_2341, %add3A_2337, %broadcast_in_dim3A_2343 : vector<16xi1>, vector<16xi32>
    %swap3A_2345 = arith.constant 3 : i32
    %swap3A_2346 = arith.index_cast %swap3A_2345 : i32 to index
    %swap3A_2347 = arith.constant 32 : index
    %swap3A_2348 = tpu.vector_load %arg11[%swap3A_2346, %swap3A_2347] {strides = array<i32>} : memref<10x128xi32, #tpu.memory_space<vmem>>, vector<1x16xi32>,
    %swap3A_2349 = vector.shape_cast %swap3A_2348 : vector<1x16xi32> to vector<16xi32>
    %swap3A_2350 = vector.shape_cast %select_n3A_2344 : vector<16xi32> to vector<1x16xi32>
    tpu.vector_store %arg11[%swap3A_2346, %swap3A_2347], %swap3A_2350 {strides = array<i32>} : memref<10x128xi32, #tpu.memory_space<vmem>>, vector<1x16xi32>,
    %add3A_2351 = arith.constant 384 : i32
    %add3A_2352 = arith.addi %mul3A_1544, %add3A_2351 : i32
    %add3A_2353 = arith.constant 48 : i32
    %add3A_2354 = arith.addi %add3A_2352, %add3A_2353 : i32
    %iota3A_2355 = tpu.iota {dimensions = array<i32: 0>} : vector<16xi32>
    %add3A_2356 = vector.broadcast %add3A_2354 : i32 to vector<16xi32>
    %add3A_2357 = arith.addi %add3A_2356, %iota3A_2355 : vector<16xi32>
    %add3A_2358 = arith.constant 626 : i32
    %add3A_2359 = arith.addi %mul3A_1544, %add3A_2358 : i32
    %lt3A_2360 = vector.broadcast %add3A_2359 : i32 to vector<16xi32>
    %lt3A_2361 = arith.cmpi slt, %add3A_2357, %lt3A_2360 : vector<16xi32>
    %jit3A_2362 = arith.constant 10000 : i32
    %broadcast_in_dim3A_2363 = vector.broadcast %jit3A_2362 : i32 to vector<16xi32>
    %select_n3A_2364 = arith.select %lt3A_2361, %add3A_2357, %broadcast_in_dim3A_2363 : vector<16xi1>, vector<16xi32>
    %swap3A_2365 = arith.constant 3 : i32
    %swap3A_2366 = arith.index_cast %swap3A_2365 : i32 to index
    %swap3A_2367 = arith.constant 48 : index
    %swap3A_2368 = tpu.vector_load %arg11[%swap3A_2366, %swap3A_2367] {strides = array<i32>} : memref<10x128xi32, #tpu.memory_space<vmem>>, vector<1x16xi32>,
    %swap3A_2369 = vector.shape_cast %swap3A_2368 : vector<1x16xi32> to vector<16xi32>
    %swap3A_2370 = vector.shape_cast %select_n3A_2364 : vector<16xi32> to vector<1x16xi32>
    tpu.vector_store %arg11[%swap3A_2366, %swap3A_2367], %swap3A_2370 {strides = array<i32>} : memref<10x128xi32, #tpu.memory_space<vmem>>, vector<1x16xi32>,
    %add3A_2371 = arith.constant 384 : i32
    %add3A_2372 = arith.addi %mul3A_1544, %add3A_2371 : i32
    %add3A_2373 = arith.constant 64 : i32
    %add3A_2374 = arith.addi %add3A_2372, %add3A_2373 : i32
    %iota3A_2375 = tpu.iota {dimensions = array<i32: 0>} : vector<16xi32>
    %add3A_2376 = vector.broadcast %add3A_2374 : i32 to vector<16xi32>
    %add3A_2377 = arith.addi %add3A_2376, %iota3A_2375 : vector<16xi32>
    %add3A_2378 = arith.constant 626 : i32
    %add3A_2379 = arith.addi %mul3A_1544, %add3A_2378 : i32
    %lt3A_2380 = vector.broadcast %add3A_2379 : i32 to vector<16xi32>
    %lt3A_2381 = arith.cmpi slt, %add3A_2377, %lt3A_2380 : vector<16xi32>
    %jit3A_2382 = arith.constant 10000 : i32
    %broadcast_in_dim3A_2383 = vector.broadcast %jit3A_2382 : i32 to vector<16xi32>
    %select_n3A_2384 = arith.select %lt3A_2381, %add3A_2377, %broadcast_in_dim3A_2383 : vector<16xi1>, vector<16xi32>
    %swap3A_2385 = arith.constant 3 : i32
    %swap3A_2386 = arith.index_cast %swap3A_2385 : i32 to index
    %swap3A_2387 = arith.constant 64 : index
    %swap3A_2388 = tpu.vector_load %arg11[%swap3A_2386, %swap3A_2387] {strides = array<i32>} : memref<10x128xi32, #tpu.memory_space<vmem>>, vector<1x16xi32>,
    %swap3A_2389 = vector.shape_cast %swap3A_2388 : vector<1x16xi32> to vector<16xi32>
    %swap3A_2390 = vector.shape_cast %select_n3A_2384 : vector<16xi32> to vector<1x16xi32>
    tpu.vector_store %arg11[%swap3A_2386, %swap3A_2387], %swap3A_2390 {strides = array<i32>} : memref<10x128xi32, #tpu.memory_space<vmem>>, vector<1x16xi32>,
    %add3A_2391 = arith.constant 384 : i32
    %add3A_2392 = arith.addi %mul3A_1544, %add3A_2391 : i32
    %add3A_2393 = arith.constant 80 : i32
    %add3A_2394 = arith.addi %add3A_2392, %add3A_2393 : i32
    %iota3A_2395 = tpu.iota {dimensions = array<i32: 0>} : vector<16xi32>
    %add3A_2396 = vector.broadcast %add3A_2394 : i32 to vector<16xi32>
    %add3A_2397 = arith.addi %add3A_2396, %iota3A_2395 : vector<16xi32>
    %add3A_2398 = arith.constant 626 : i32
    %add3A_2399 = arith.addi %mul3A_1544, %add3A_2398 : i32
    %lt3A_2400 = vector.broadcast %add3A_2399 : i32 to vector<16xi32>
    %lt3A_2401 = arith.cmpi slt, %add3A_2397, %lt3A_2400 : vector<16xi32>
    %jit3A_2402 = arith.constant 10000 : i32
    %broadcast_in_dim3A_2403 = vector.broadcast %jit3A_2402 : i32 to vector<16xi32>
    %select_n3A_2404 = arith.select %lt3A_2401, %add3A_2397, %broadcast_in_dim3A_2403 : vector<16xi1>, vector<16xi32>
    %swap3A_2405 = arith.constant 3 : i32
    %swap3A_2406 = arith.index_cast %swap3A_2405 : i32 to index
    %swap3A_2407 = arith.constant 80 : index
    %swap3A_2408 = tpu.vector_load %arg11[%swap3A_2406, %swap3A_2407] {strides = array<i32>} : memref<10x128xi32, #tpu.memory_space<vmem>>, vector<1x16xi32>,
    %swap3A_2409 = vector.shape_cast %swap3A_2408 : vector<1x16xi32> to vector<16xi32>
    %swap3A_2410 = vector.shape_cast %select_n3A_2404 : vector<16xi32> to vector<1x16xi32>
    tpu.vector_store %arg11[%swap3A_2406, %swap3A_2407], %swap3A_2410 {strides = array<i32>} : memref<10x128xi32, #tpu.memory_space<vmem>>, vector<1x16xi32>,
    %add3A_2411 = arith.constant 384 : i32
    %add3A_2412 = arith.addi %mul3A_1544, %add3A_2411 : i32
    %add3A_2413 = arith.constant 96 : i32
    %add3A_2414 = arith.addi %add3A_2412, %add3A_2413 : i32
    %iota3A_2415 = tpu.iota {dimensions = array<i32: 0>} : vector<16xi32>
    %add3A_2416 = vector.broadcast %add3A_2414 : i32 to vector<16xi32>
    %add3A_2417 = arith.addi %add3A_2416, %iota3A_2415 : vector<16xi32>
    %add3A_2418 = arith.constant 626 : i32
    %add3A_2419 = arith.addi %mul3A_1544, %add3A_2418 : i32
    %lt3A_2420 = vector.broadcast %add3A_2419 : i32 to vector<16xi32>
    %lt3A_2421 = arith.cmpi slt, %add3A_2417, %lt3A_2420 : vector<16xi32>
    %jit3A_2422 = arith.constant 10000 : i32
    %broadcast_in_dim3A_2423 = vector.broadcast %jit3A_2422 : i32 to vector<16xi32>
    %select_n3A_2424 = arith.select %lt3A_2421, %add3A_2417, %broadcast_in_dim3A_2423 : vector<16xi1>, vector<16xi32>
    %swap3A_2425 = arith.constant 3 : i32
    %swap3A_2426 = arith.index_cast %swap3A_2425 : i32 to index
    %swap3A_2427 = arith.constant 96 : index
    %swap3A_2428 = tpu.vector_load %arg11[%swap3A_2426, %swap3A_2427] {strides = array<i32>} : memref<10x128xi32, #tpu.memory_space<vmem>>, vector<1x16xi32>,
    %swap3A_2429 = vector.shape_cast %swap3A_2428 : vector<1x16xi32> to vector<16xi32>
    %swap3A_2430 = vector.shape_cast %select_n3A_2424 : vector<16xi32> to vector<1x16xi32>
    tpu.vector_store %arg11[%swap3A_2426, %swap3A_2427], %swap3A_2430 {strides = array<i32>} : memref<10x128xi32, #tpu.memory_space<vmem>>, vector<1x16xi32>,
    %add3A_2431 = arith.constant 384 : i32
    %add3A_2432 = arith.addi %mul3A_1544, %add3A_2431 : i32
    %add3A_2433 = arith.constant 112 : i32
    %add3A_2434 = arith.addi %add3A_2432, %add3A_2433 : i32
    %iota3A_2435 = tpu.iota {dimensions = array<i32: 0>} : vector<16xi32>
    %add3A_2436 = vector.broadcast %add3A_2434 : i32 to vector<16xi32>
    %add3A_2437 = arith.addi %add3A_2436, %iota3A_2435 : vector<16xi32>
    %add3A_2438 = arith.constant 626 : i32
    %add3A_2439 = arith.addi %mul3A_1544, %add3A_2438 : i32
    %lt3A_2440 = vector.broadcast %add3A_2439 : i32 to vector<16xi32>
    %lt3A_2441 = arith.cmpi slt, %add3A_2437, %lt3A_2440 : vector<16xi32>
    %jit3A_2442 = arith.constant 10000 : i32
    %broadcast_in_dim3A_2443 = vector.broadcast %jit3A_2442 : i32 to vector<16xi32>
    %select_n3A_2444 = arith.select %lt3A_2441, %add3A_2437, %broadcast_in_dim3A_2443 : vector<16xi1>, vector<16xi32>
    %swap3A_2445 = arith.constant 3 : i32
    %swap3A_2446 = arith.index_cast %swap3A_2445 : i32 to index
    %swap3A_2447 = arith.constant 112 : index
    %swap3A_2448 = tpu.vector_load %arg11[%swap3A_2446, %swap3A_2447] {strides = array<i32>} : memref<10x128xi32, #tpu.memory_space<vmem>>, vector<1x16xi32>,
    %swap3A_2449 = vector.shape_cast %swap3A_2448 : vector<1x16xi32> to vector<16xi32>
    %swap3A_2450 = vector.shape_cast %select_n3A_2444 : vector<16xi32> to vector<1x16xi32>
    tpu.vector_store %arg11[%swap3A_2446, %swap3A_2447], %swap3A_2450 {strides = array<i32>} : memref<10x128xi32, #tpu.memory_space<vmem>>, vector<1x16xi32>,
    %add3A_2451 = arith.constant 512 : i32
    %add3A_2452 = arith.addi %mul3A_1544, %add3A_2451 : i32
    %add3A_2453 = arith.constant 0 : i32
    %add3A_2454 = arith.addi %add3A_2452, %add3A_2453 : i32
    %iota3A_2455 = tpu.iota {dimensions = array<i32: 0>} : vector<16xi32>
    %add3A_2456 = vector.broadcast %add3A_2454 : i32 to vector<16xi32>
    %add3A_2457 = arith.addi %add3A_2456, %iota3A_2455 : vector<16xi32>
    %add3A_2458 = arith.constant 626 : i32
    %add3A_2459 = arith.addi %mul3A_1544, %add3A_2458 : i32
    %lt3A_2460 = vector.broadcast %add3A_2459 : i32 to vector<16xi32>
    %lt3A_2461 = arith.cmpi slt, %add3A_2457, %lt3A_2460 : vector<16xi32>
    %jit3A_2462 = arith.constant 10000 : i32
    %broadcast_in_dim3A_2463 = vector.broadcast %jit3A_2462 : i32 to vector<16xi32>
    %select_n3A_2464 = arith.select %lt3A_2461, %add3A_2457, %broadcast_in_dim3A_2463 : vector<16xi1>, vector<16xi32>
    %swap3A_2465 = arith.constant 4 : i32
    %swap3A_2466 = arith.index_cast %swap3A_2465 : i32 to index
    %swap3A_2467 = arith.constant 0 : index
    %swap3A_2468 = tpu.vector_load %arg11[%swap3A_2466, %swap3A_2467] {strides = array<i32>} : memref<10x128xi32, #tpu.memory_space<vmem>>, vector<1x16xi32>,
    %swap3A_2469 = vector.shape_cast %swap3A_2468 : vector<1x16xi32> to vector<16xi32>
    %swap3A_2470 = vector.shape_cast %select_n3A_2464 : vector<16xi32> to vector<1x16xi32>
    tpu.vector_store %arg11[%swap3A_2466, %swap3A_2467], %swap3A_2470 {strides = array<i32>} : memref<10x128xi32, #tpu.memory_space<vmem>>, vector<1x16xi32>,
    %add3A_2471 = arith.constant 512 : i32
    %add3A_2472 = arith.addi %mul3A_1544, %add3A_2471 : i32
    %add3A_2473 = arith.constant 16 : i32
    %add3A_2474 = arith.addi %add3A_2472, %add3A_2473 : i32
    %iota3A_2475 = tpu.iota {dimensions = array<i32: 0>} : vector<16xi32>
    %add3A_2476 = vector.broadcast %add3A_2474 : i32 to vector<16xi32>
    %add3A_2477 = arith.addi %add3A_2476, %iota3A_2475 : vector<16xi32>
    %add3A_2478 = arith.constant 626 : i32
    %add3A_2479 = arith.addi %mul3A_1544, %add3A_2478 : i32
    %lt3A_2480 = vector.broadcast %add3A_2479 : i32 to vector<16xi32>
    %lt3A_2481 = arith.cmpi slt, %add3A_2477, %lt3A_2480 : vector<16xi32>
    %jit3A_2482 = arith.constant 10000 : i32
    %broadcast_in_dim3A_2483 = vector.broadcast %jit3A_2482 : i32 to vector<16xi32>
    %select_n3A_2484 = arith.select %lt3A_2481, %add3A_2477, %broadcast_in_dim3A_2483 : vector<16xi1>, vector<16xi32>
    %swap3A_2485 = arith.constant 4 : i32
    %swap3A_2486 = arith.index_cast %swap3A_2485 : i32 to index
    %swap3A_2487 = arith.constant 16 : index
    %swap3A_2488 = tpu.vector_load %arg11[%swap3A_2486, %swap3A_2487] {strides = array<i32>} : memref<10x128xi32, #tpu.memory_space<vmem>>, vector<1x16xi32>,
    %swap3A_2489 = vector.shape_cast %swap3A_2488 : vector<1x16xi32> to vector<16xi32>
    %swap3A_2490 = vector.shape_cast %select_n3A_2484 : vector<16xi32> to vector<1x16xi32>
    tpu.vector_store %arg11[%swap3A_2486, %swap3A_2487], %swap3A_2490 {strides = array<i32>} : memref<10x128xi32, #tpu.memory_space<vmem>>, vector<1x16xi32>,
    %add3A_2491 = arith.constant 512 : i32
    %add3A_2492 = arith.addi %mul3A_1544, %add3A_2491 : i32
    %add3A_2493 = arith.constant 32 : i32
    %add3A_2494 = arith.addi %add3A_2492, %add3A_2493 : i32
    %iota3A_2495 = tpu.iota {dimensions = array<i32: 0>} : vector<16xi32>
    %add3A_2496 = vector.broadcast %add3A_2494 : i32 to vector<16xi32>
    %add3A_2497 = arith.addi %add3A_2496, %iota3A_2495 : vector<16xi32>
    %add3A_2498 = arith.constant 626 : i32
    %add3A_2499 = arith.addi %mul3A_1544, %add3A_2498 : i32
    %lt3A_2500 = vector.broadcast %add3A_2499 : i32 to vector<16xi32>
    %lt3A_2501 = arith.cmpi slt, %add3A_2497, %lt3A_2500 : vector<16xi32>
    %jit3A_2502 = arith.constant 10000 : i32
    %broadcast_in_dim3A_2503 = vector.broadcast %jit3A_2502 : i32 to vector<16xi32>
    %select_n3A_2504 = arith.select %lt3A_2501, %add3A_2497, %broadcast_in_dim3A_2503 : vector<16xi1>, vector<16xi32>
    %swap3A_2505 = arith.constant 4 : i32
    %swap3A_2506 = arith.index_cast %swap3A_2505 : i32 to index
    %swap3A_2507 = arith.constant 32 : index
    %swap3A_2508 = tpu.vector_load %arg11[%swap3A_2506, %swap3A_2507] {strides = array<i32>} : memref<10x128xi32, #tpu.memory_space<vmem>>, vector<1x16xi32>,
    %swap3A_2509 = vector.shape_cast %swap3A_2508 : vector<1x16xi32> to vector<16xi32>
    %swap3A_2510 = vector.shape_cast %select_n3A_2504 : vector<16xi32> to vector<1x16xi32>
    tpu.vector_store %arg11[%swap3A_2506, %swap3A_2507], %swap3A_2510 {strides = array<i32>} : memref<10x128xi32, #tpu.memory_space<vmem>>, vector<1x16xi32>,
    %add3A_2511 = arith.constant 512 : i32
    %add3A_2512 = arith.addi %mul3A_1544, %add3A_2511 : i32
    %add3A_2513 = arith.constant 48 : i32
    %add3A_2514 = arith.addi %add3A_2512, %add3A_2513 : i32
    %iota3A_2515 = tpu.iota {dimensions = array<i32: 0>} : vector<16xi32>
    %add3A_2516 = vector.broadcast %add3A_2514 : i32 to vector<16xi32>
    %add3A_2517 = arith.addi %add3A_2516, %iota3A_2515 : vector<16xi32>
    %add3A_2518 = arith.constant 626 : i32
    %add3A_2519 = arith.addi %mul3A_1544, %add3A_2518 : i32
    %lt3A_2520 = vector.broadcast %add3A_2519 : i32 to vector<16xi32>
    %lt3A_2521 = arith.cmpi slt, %add3A_2517, %lt3A_2520 : vector<16xi32>
    %jit3A_2522 = arith.constant 10000 : i32
    %broadcast_in_dim3A_2523 = vector.broadcast %jit3A_2522 : i32 to vector<16xi32>
    %select_n3A_2524 = arith.select %lt3A_2521, %add3A_2517, %broadcast_in_dim3A_2523 : vector<16xi1>, vector<16xi32>
    %swap3A_2525 = arith.constant 4 : i32
    %swap3A_2526 = arith.index_cast %swap3A_2525 : i32 to index
    %swap3A_2527 = arith.constant 48 : index
    %swap3A_2528 = tpu.vector_load %arg11[%swap3A_2526, %swap3A_2527] {strides = array<i32>} : memref<10x128xi32, #tpu.memory_space<vmem>>, vector<1x16xi32>,
    %swap3A_2529 = vector.shape_cast %swap3A_2528 : vector<1x16xi32> to vector<16xi32>
    %swap3A_2530 = vector.shape_cast %select_n3A_2524 : vector<16xi32> to vector<1x16xi32>
    tpu.vector_store %arg11[%swap3A_2526, %swap3A_2527], %swap3A_2530 {strides = array<i32>} : memref<10x128xi32, #tpu.memory_space<vmem>>, vector<1x16xi32>,
    %add3A_2531 = arith.constant 512 : i32
    %add3A_2532 = arith.addi %mul3A_1544, %add3A_2531 : i32
    %add3A_2533 = arith.constant 64 : i32
    %add3A_2534 = arith.addi %add3A_2532, %add3A_2533 : i32
    %iota3A_2535 = tpu.iota {dimensions = array<i32: 0>} : vector<16xi32>
    %add3A_2536 = vector.broadcast %add3A_2534 : i32 to vector<16xi32>
    %add3A_2537 = arith.addi %add3A_2536, %iota3A_2535 : vector<16xi32>
    %add3A_2538 = arith.constant 626 : i32
    %add3A_2539 = arith.addi %mul3A_1544, %add3A_2538 : i32
    %lt3A_2540 = vector.broadcast %add3A_2539 : i32 to vector<16xi32>
    %lt3A_2541 = arith.cmpi slt, %add3A_2537, %lt3A_2540 : vector<16xi32>
    %jit3A_2542 = arith.constant 10000 : i32
    %broadcast_in_dim3A_2543 = vector.broadcast %jit3A_2542 : i32 to vector<16xi32>
    %select_n3A_2544 = arith.select %lt3A_2541, %add3A_2537, %broadcast_in_dim3A_2543 : vector<16xi1>, vector<16xi32>
    %swap3A_2545 = arith.constant 4 : i32
    %swap3A_2546 = arith.index_cast %swap3A_2545 : i32 to index
    %swap3A_2547 = arith.constant 64 : index
    %swap3A_2548 = tpu.vector_load %arg11[%swap3A_2546, %swap3A_2547] {strides = array<i32>} : memref<10x128xi32, #tpu.memory_space<vmem>>, vector<1x16xi32>,
    %swap3A_2549 = vector.shape_cast %swap3A_2548 : vector<1x16xi32> to vector<16xi32>
    %swap3A_2550 = vector.shape_cast %select_n3A_2544 : vector<16xi32> to vector<1x16xi32>
    tpu.vector_store %arg11[%swap3A_2546, %swap3A_2547], %swap3A_2550 {strides = array<i32>} : memref<10x128xi32, #tpu.memory_space<vmem>>, vector<1x16xi32>,
    %add3A_2551 = arith.constant 512 : i32
    %add3A_2552 = arith.addi %mul3A_1544, %add3A_2551 : i32
    %add3A_2553 = arith.constant 80 : i32
    %add3A_2554 = arith.addi %add3A_2552, %add3A_2553 : i32
    %iota3A_2555 = tpu.iota {dimensions = array<i32: 0>} : vector<16xi32>
    %add3A_2556 = vector.broadcast %add3A_2554 : i32 to vector<16xi32>
    %add3A_2557 = arith.addi %add3A_2556, %iota3A_2555 : vector<16xi32>
    %add3A_2558 = arith.constant 626 : i32
    %add3A_2559 = arith.addi %mul3A_1544, %add3A_2558 : i32
    %lt3A_2560 = vector.broadcast %add3A_2559 : i32 to vector<16xi32>
    %lt3A_2561 = arith.cmpi slt, %add3A_2557, %lt3A_2560 : vector<16xi32>
    %jit3A_2562 = arith.constant 10000 : i32
    %broadcast_in_dim3A_2563 = vector.broadcast %jit3A_2562 : i32 to vector<16xi32>
    %select_n3A_2564 = arith.select %lt3A_2561, %add3A_2557, %broadcast_in_dim3A_2563 : vector<16xi1>, vector<16xi32>
    %swap3A_2565 = arith.constant 4 : i32
    %swap3A_2566 = arith.index_cast %swap3A_2565 : i32 to index
    %swap3A_2567 = arith.constant 80 : index
    %swap3A_2568 = tpu.vector_load %arg11[%swap3A_2566, %swap3A_2567] {strides = array<i32>} : memref<10x128xi32, #tpu.memory_space<vmem>>, vector<1x16xi32>,
    %swap3A_2569 = vector.shape_cast %swap3A_2568 : vector<1x16xi32> to vector<16xi32>
    %swap3A_2570 = vector.shape_cast %select_n3A_2564 : vector<16xi32> to vector<1x16xi32>
    tpu.vector_store %arg11[%swap3A_2566, %swap3A_2567], %swap3A_2570 {strides = array<i32>} : memref<10x128xi32, #tpu.memory_space<vmem>>, vector<1x16xi32>,
    %add3A_2571 = arith.constant 512 : i32
    %add3A_2572 = arith.addi %mul3A_1544, %add3A_2571 : i32
    %add3A_2573 = arith.constant 96 : i32
    %add3A_2574 = arith.addi %add3A_2572, %add3A_2573 : i32
    %iota3A_2575 = tpu.iota {dimensions = array<i32: 0>} : vector<16xi32>
    %add3A_2576 = vector.broadcast %add3A_2574 : i32 to vector<16xi32>
    %add3A_2577 = arith.addi %add3A_2576, %iota3A_2575 : vector<16xi32>
    %add3A_2578 = arith.constant 626 : i32
    %add3A_2579 = arith.addi %mul3A_1544, %add3A_2578 : i32
    %lt3A_2580 = vector.broadcast %add3A_2579 : i32 to vector<16xi32>
    %lt3A_2581 = arith.cmpi slt, %add3A_2577, %lt3A_2580 : vector<16xi32>
    %jit3A_2582 = arith.constant 10000 : i32
    %broadcast_in_dim3A_2583 = vector.broadcast %jit3A_2582 : i32 to vector<16xi32>
    %select_n3A_2584 = arith.select %lt3A_2581, %add3A_2577, %broadcast_in_dim3A_2583 : vector<16xi1>, vector<16xi32>
    %swap3A_2585 = arith.constant 4 : i32
    %swap3A_2586 = arith.index_cast %swap3A_2585 : i32 to index
    %swap3A_2587 = arith.constant 96 : index
    %swap3A_2588 = tpu.vector_load %arg11[%swap3A_2586, %swap3A_2587] {strides = array<i32>} : memref<10x128xi32, #tpu.memory_space<vmem>>, vector<1x16xi32>,
    %swap3A_2589 = vector.shape_cast %swap3A_2588 : vector<1x16xi32> to vector<16xi32>
    %swap3A_2590 = vector.shape_cast %select_n3A_2584 : vector<16xi32> to vector<1x16xi32>
    tpu.vector_store %arg11[%swap3A_2586, %swap3A_2587], %swap3A_2590 {strides = array<i32>} : memref<10x128xi32, #tpu.memory_space<vmem>>, vector<1x16xi32>,
    %add3A_2591 = arith.constant 512 : i32
    %add3A_2592 = arith.addi %mul3A_1544, %add3A_2591 : i32
    %add3A_2593 = arith.constant 112 : i32
    %add3A_2594 = arith.addi %add3A_2592, %add3A_2593 : i32
    %iota3A_2595 = tpu.iota {dimensions = array<i32: 0>} : vector<16xi32>
    %add3A_2596 = vector.broadcast %add3A_2594 : i32 to vector<16xi32>
    %add3A_2597 = arith.addi %add3A_2596, %iota3A_2595 : vector<16xi32>
    %add3A_2598 = arith.constant 626 : i32
    %add3A_2599 = arith.addi %mul3A_1544, %add3A_2598 : i32
    %lt3A_2600 = vector.broadcast %add3A_2599 : i32 to vector<16xi32>
    %lt3A_2601 = arith.cmpi slt, %add3A_2597, %lt3A_2600 : vector<16xi32>
    %jit3A_2602 = arith.constant 10000 : i32
    %broadcast_in_dim3A_2603 = vector.broadcast %jit3A_2602 : i32 to vector<16xi32>
    %select_n3A_2604 = arith.select %lt3A_2601, %add3A_2597, %broadcast_in_dim3A_2603 : vector<16xi1>, vector<16xi32>
    %swap3A_2605 = arith.constant 4 : i32
    %swap3A_2606 = arith.index_cast %swap3A_2605 : i32 to index
    %swap3A_2607 = arith.constant 112 : index
    %swap3A_2608 = tpu.vector_load %arg11[%swap3A_2606, %swap3A_2607] {strides = array<i32>} : memref<10x128xi32, #tpu.memory_space<vmem>>, vector<1x16xi32>,
    %swap3A_2609 = vector.shape_cast %swap3A_2608 : vector<1x16xi32> to vector<16xi32>
    %swap3A_2610 = vector.shape_cast %select_n3A_2604 : vector<16xi32> to vector<1x16xi32>
    tpu.vector_store %arg11[%swap3A_2606, %swap3A_2607], %swap3A_2610 {strides = array<i32>} : memref<10x128xi32, #tpu.memory_space<vmem>>, vector<1x16xi32>,
    %add3A_2611 = arith.constant 10016 : i32
    %add3A_2612 = arith.addi %add3A_2611, %mul3A_1544 : i32
    "tpu.region"() ({
      %run_scoped3A = tpu.sem_alloc : memref<!tpu.dma_semaphore, #tpu.memory_space<semaphore_mem>>
      %dma_start3A_3178 = arith.constant 0 : i32
      %dma_start3A_3179 = arith.constant 0 : i32
      %dma_start3A_3180 = tpu.memref_slice %arg8[%dma_start3A_3178, %dma_start3A_3179] : memref<1024x64xbf16, #tpu.memory_space<vmem>> -> memref<626x64xbf16, #tpu.memory_space<vmem>>
      %dma_start3A_3181 = arith.constant 0 : i32
      %dma_start3A_3182 = tpu.memref_slice %arg12[%add3A_2612, %dma_start3A_3181] : memref<40064x64xbf16, #tpu.memory_space<vmem_shared>> -> memref<626x64xbf16, #tpu.memory_space<vmem_shared>>
      %dma_start3A_3183 = arith.constant 0 : i32
      %dma_start3A_3184 = arith.constant 0 : i32
      %dma_start3A_3185 = tpu.memref_slice %arg8[%dma_start3A_3183, %dma_start3A_3184] : memref<1024x64xbf16, #tpu.memory_space<vmem>> -> memref<626x64xbf16, #tpu.memory_space<vmem>>
      %dma_start3A_3186 = arith.constant 0 : i32
      %dma_start3A_3187 = tpu.memref_slice %arg12[%add3A_2612, %dma_start3A_3186] : memref<40064x64xbf16, #tpu.memory_space<vmem_shared>> -> memref<626x64xbf16, #tpu.memory_space<vmem_shared>>
      tpu.enqueue_dma source(%dma_start3A_3187 : memref<626x64xbf16, #tpu.memory_space<vmem_shared>>) target(%dma_start3A_3185 : memref<626x64xbf16, #tpu.memory_space<vmem>>) target_semaphore(%run_scoped3A : memref<!tpu.dma_semaphore, #tpu.memory_space<semaphore_mem>>)
      %dma_wait3A_3188 = arith.constant 0 : i32
      %dma_wait3A_3189 = arith.constant 0 : i32
      %dma_wait3A_3190 = tpu.memref_slice %arg8[%dma_wait3A_3188, %dma_wait3A_3189] : memref<1024x64xbf16, #tpu.memory_space<vmem>> -> memref<626x64xbf16, #tpu.memory_space<vmem>>
      %dma_wait3A_3191 = arith.constant 0 : i32
      %dma_wait3A_3192 = tpu.memref_slice %arg12[%add3A_2612, %dma_wait3A_3191] : memref<40064x64xbf16, #tpu.memory_space<vmem_shared>> -> memref<626x64xbf16, #tpu.memory_space<vmem_shared>>
      %dma_wait3A_3193 = arith.constant 0 : i32
      %dma_wait3A_3194 = arith.constant 0 : i32
      %dma_wait3A_3195 = tpu.memref_slice %arg8[%dma_wait3A_3193, %dma_wait3A_3194] : memref<1024x64xbf16, #tpu.memory_space<vmem>> -> memref<626x64xbf16, #tpu.memory_space<vmem>>
      %dma_wait3A_3196 = arith.constant 0 : i32
      %dma_wait3A_3197 = tpu.memref_slice %arg12[%add3A_2612, %dma_wait3A_3196] : memref<40064x64xbf16, #tpu.memory_space<vmem_shared>> -> memref<626x64xbf16, #tpu.memory_space<vmem_shared>>
      tpu.wait_dma2 semaphore(%run_scoped3A : memref<!tpu.dma_semaphore, #tpu.memory_space<semaphore_mem>>) src(%dma_wait3A_3197 : memref<626x64xbf16, #tpu.memory_space<vmem_shared>>) dst(%dma_wait3A_3195 : memref<626x64xbf16, #tpu.memory_space<vmem>>)
      tpu.yield
    }) : () -> ()
    %dma_start3A_2613 = arith.constant 0 : i32
    %dma_start3A_2614 = arith.constant 0 : i32
    %dma_start3A_2615 = arith.constant 0 : i32
    %dma_start3A_2616 = tpu.memref_slice %arg8[%dma_start3A_2614, %dma_start3A_2615] : memref<1024x64xbf16, #tpu.memory_space<vmem>> -> memref<128x64xbf16, #tpu.memory_space<vmem>>
    %dma_start3A_2617 = arith.constant 0 : i32
    %dma_start3A_2618 = tpu.memref_slice %arg11[%dma_start3A_2613, %dma_start3A_2617] : memref<10x128xi32, #tpu.memory_space<vmem>> -> memref<1x128xi32, #tpu.memory_space<vmem>>
    %dma_start3A_2619 = tpu.memref_squeeze %dma_start3A_2618 : memref<1x128xi32, #tpu.memory_space<vmem>> -> memref<128xi32, #tpu.memory_space<vmem>>
    %dma_start3A_2620 = arith.constant 0 : i32
    %dma_start3A_2621 = arith.constant 0 : i32
    %dma_start3A_2622 = tpu.memref_slice %arg12[%dma_start3A_2620, %dma_start3A_2621] : memref<40064x64xbf16, #tpu.memory_space<vmem_shared>> -> memref<40064x64xbf16, #tpu.memory_space<vmem_shared>>
    tpu.enqueue_indirect_dma source(%dma_start3A_2616 : memref<128x64xbf16, #tpu.memory_space<vmem>>) target(%dma_start3A_2622 : memref<40064x64xbf16, #tpu.memory_space<vmem_shared>>) offsets(%dma_start3A_2619 : memref<128xi32, #tpu.memory_space<vmem>>) semaphore(%arg14 : memref<!tpu.dma_semaphore, #tpu.memory_space<semaphore_mem>>) {add = true}
    %dma_start3A_2623 = arith.constant 1 : i32
    %dma_start3A_2624 = arith.constant 128 : i32
    %dma_start3A_2625 = arith.constant 0 : i32
    %dma_start3A_2626 = tpu.memref_slice %arg8[%dma_start3A_2624, %dma_start3A_2625] : memref<1024x64xbf16, #tpu.memory_space<vmem>> -> memref<128x64xbf16, #tpu.memory_space<vmem>>
    %dma_start3A_2627 = arith.constant 0 : i32
    %dma_start3A_2628 = tpu.memref_slice %arg11[%dma_start3A_2623, %dma_start3A_2627] : memref<10x128xi32, #tpu.memory_space<vmem>> -> memref<1x128xi32, #tpu.memory_space<vmem>>
    %dma_start3A_2629 = tpu.memref_squeeze %dma_start3A_2628 : memref<1x128xi32, #tpu.memory_space<vmem>> -> memref<128xi32, #tpu.memory_space<vmem>>
    %dma_start3A_2630 = arith.constant 0 : i32
    %dma_start3A_2631 = arith.constant 0 : i32
    %dma_start3A_2632 = tpu.memref_slice %arg12[%dma_start3A_2630, %dma_start3A_2631] : memref<40064x64xbf16, #tpu.memory_space<vmem_shared>> -> memref<40064x64xbf16, #tpu.memory_space<vmem_shared>>
    tpu.enqueue_indirect_dma source(%dma_start3A_2626 : memref<128x64xbf16, #tpu.memory_space<vmem>>) target(%dma_start3A_2632 : memref<40064x64xbf16, #tpu.memory_space<vmem_shared>>) offsets(%dma_start3A_2629 : memref<128xi32, #tpu.memory_space<vmem>>) semaphore(%arg14 : memref<!tpu.dma_semaphore, #tpu.memory_space<semaphore_mem>>) {add = true}
    %dma_start3A_2633 = arith.constant 2 : i32
    %dma_start3A_2634 = arith.constant 256 : i32
    %dma_start3A_2635 = arith.constant 0 : i32
    %dma_start3A_2636 = tpu.memref_slice %arg8[%dma_start3A_2634, %dma_start3A_2635] : memref<1024x64xbf16, #tpu.memory_space<vmem>> -> memref<128x64xbf16, #tpu.memory_space<vmem>>
    %dma_start3A_2637 = arith.constant 0 : i32
    %dma_start3A_2638 = tpu.memref_slice %arg11[%dma_start3A_2633, %dma_start3A_2637] : memref<10x128xi32, #tpu.memory_space<vmem>> -> memref<1x128xi32, #tpu.memory_space<vmem>>
    %dma_start3A_2639 = tpu.memref_squeeze %dma_start3A_2638 : memref<1x128xi32, #tpu.memory_space<vmem>> -> memref<128xi32, #tpu.memory_space<vmem>>
    %dma_start3A_2640 = arith.constant 0 : i32
    %dma_start3A_2641 = arith.constant 0 : i32
    %dma_start3A_2642 = tpu.memref_slice %arg12[%dma_start3A_2640, %dma_start3A_2641] : memref<40064x64xbf16, #tpu.memory_space<vmem_shared>> -> memref<40064x64xbf16, #tpu.memory_space<vmem_shared>>
    tpu.enqueue_indirect_dma source(%dma_start3A_2636 : memref<128x64xbf16, #tpu.memory_space<vmem>>) target(%dma_start3A_2642 : memref<40064x64xbf16, #tpu.memory_space<vmem_shared>>) offsets(%dma_start3A_2639 : memref<128xi32, #tpu.memory_space<vmem>>) semaphore(%arg14 : memref<!tpu.dma_semaphore, #tpu.memory_space<semaphore_mem>>) {add = true}
    %dma_start3A_2643 = arith.constant 3 : i32
    %dma_start3A_2644 = arith.constant 384 : i32
    %dma_start3A_2645 = arith.constant 0 : i32
    %dma_start3A_2646 = tpu.memref_slice %arg8[%dma_start3A_2644, %dma_start3A_2645] : memref<1024x64xbf16, #tpu.memory_space<vmem>> -> memref<128x64xbf16, #tpu.memory_space<vmem>>
    %dma_start3A_2647 = arith.constant 0 : i32
    %dma_start3A_2648 = tpu.memref_slice %arg11[%dma_start3A_2643, %dma_start3A_2647] : memref<10x128xi32, #tpu.memory_space<vmem>> -> memref<1x128xi32, #tpu.memory_space<vmem>>
    %dma_start3A_2649 = tpu.memref_squeeze %dma_start3A_2648 : memref<1x128xi32, #tpu.memory_space<vmem>> -> memref<128xi32, #tpu.memory_space<vmem>>
    %dma_start3A_2650 = arith.constant 0 : i32
    %dma_start3A_2651 = arith.constant 0 : i32
    %dma_start3A_2652 = tpu.memref_slice %arg12[%dma_start3A_2650, %dma_start3A_2651] : memref<40064x64xbf16, #tpu.memory_space<vmem_shared>> -> memref<40064x64xbf16, #tpu.memory_space<vmem_shared>>
    tpu.enqueue_indirect_dma source(%dma_start3A_2646 : memref<128x64xbf16, #tpu.memory_space<vmem>>) target(%dma_start3A_2652 : memref<40064x64xbf16, #tpu.memory_space<vmem_shared>>) offsets(%dma_start3A_2649 : memref<128xi32, #tpu.memory_space<vmem>>) semaphore(%arg14 : memref<!tpu.dma_semaphore, #tpu.memory_space<semaphore_mem>>) {add = true}
    %dma_start3A_2653 = arith.constant 4 : i32
    %dma_start3A_2654 = arith.constant 512 : i32
    %dma_start3A_2655 = arith.constant 0 : i32
    %dma_start3A_2656 = tpu.memref_slice %arg8[%dma_start3A_2654, %dma_start3A_2655] : memref<1024x64xbf16, #tpu.memory_space<vmem>> -> memref<128x64xbf16, #tpu.memory_space<vmem>>
    %dma_start3A_2657 = arith.constant 0 : i32
    %dma_start3A_2658 = tpu.memref_slice %arg11[%dma_start3A_2653, %dma_start3A_2657] : memref<10x128xi32, #tpu.memory_space<vmem>> -> memref<1x128xi32, #tpu.memory_space<vmem>>
    %dma_start3A_2659 = tpu.memref_squeeze %dma_start3A_2658 : memref<1x128xi32, #tpu.memory_space<vmem>> -> memref<128xi32, #tpu.memory_space<vmem>>
    %dma_start3A_2660 = arith.constant 0 : i32
    %dma_start3A_2661 = arith.constant 0 : i32
    %dma_start3A_2662 = tpu.memref_slice %arg12[%dma_start3A_2660, %dma_start3A_2661] : memref<40064x64xbf16, #tpu.memory_space<vmem_shared>> -> memref<40064x64xbf16, #tpu.memory_space<vmem_shared>>
    tpu.enqueue_indirect_dma source(%dma_start3A_2656 : memref<128x64xbf16, #tpu.memory_space<vmem>>) target(%dma_start3A_2662 : memref<40064x64xbf16, #tpu.memory_space<vmem_shared>>) offsets(%dma_start3A_2659 : memref<128xi32, #tpu.memory_space<vmem>>) semaphore(%arg14 : memref<!tpu.dma_semaphore, #tpu.memory_space<semaphore_mem>>) {add = true}
    %dma_wait3A_2663 = arith.constant 0 : i32
    %dma_wait3A_2664 = arith.constant 0 : i32
    %dma_wait3A_2665 = arith.constant 0 : i32
    %dma_wait3A_2666 = tpu.memref_slice %arg8[%dma_wait3A_2664, %dma_wait3A_2665] : memref<1024x64xbf16, #tpu.memory_space<vmem>> -> memref<128x64xbf16, #tpu.memory_space<vmem>>
    %dma_wait3A_2667 = arith.constant 0 : i32
    %dma_wait3A_2668 = tpu.memref_slice %arg11[%dma_wait3A_2663, %dma_wait3A_2667] : memref<10x128xi32, #tpu.memory_space<vmem>> -> memref<1x128xi32, #tpu.memory_space<vmem>>
    %dma_wait3A_2669 = tpu.memref_squeeze %dma_wait3A_2668 : memref<1x128xi32, #tpu.memory_space<vmem>> -> memref<128xi32, #tpu.memory_space<vmem>>
    %dma_wait3A_2670 = arith.constant 0 : i32
    %dma_wait3A_2671 = arith.constant 0 : i32
    %dma_wait3A_2672 = tpu.memref_slice %arg12[%dma_wait3A_2670, %dma_wait3A_2671] : memref<40064x64xbf16, #tpu.memory_space<vmem_shared>> -> memref<40064x64xbf16, #tpu.memory_space<vmem_shared>>
    tpu.wait_indirect_dma semaphore(%arg14 : memref<!tpu.dma_semaphore, #tpu.memory_space<semaphore_mem>>) src(%dma_wait3A_2666 : memref<128x64xbf16, #tpu.memory_space<vmem>>) dst(%dma_wait3A_2672 : memref<40064x64xbf16, #tpu.memory_space<vmem_shared>>)
    %dma_wait3A_2673 = arith.constant 1 : i32
    %dma_wait3A_2674 = arith.constant 128 : i32
    %dma_wait3A_2675 = arith.constant 0 : i32
    %dma_wait3A_2676 = tpu.memref_slice %arg8[%dma_wait3A_2674, %dma_wait3A_2675] : memref<1024x64xbf16, #tpu.memory_space<vmem>> -> memref<128x64xbf16, #tpu.memory_space<vmem>>
    %dma_wait3A_2677 = arith.constant 0 : i32
    %dma_wait3A_2678 = tpu.memref_slice %arg11[%dma_wait3A_2673, %dma_wait3A_2677] : memref<10x128xi32, #tpu.memory_space<vmem>> -> memref<1x128xi32, #tpu.memory_space<vmem>>
    %dma_wait3A_2679 = tpu.memref_squeeze %dma_wait3A_2678 : memref<1x128xi32, #tpu.memory_space<vmem>> -> memref<128xi32, #tpu.memory_space<vmem>>
    %dma_wait3A_2680 = arith.constant 0 : i32
    %dma_wait3A_2681 = arith.constant 0 : i32
    %dma_wait3A_2682 = tpu.memref_slice %arg12[%dma_wait3A_2680, %dma_wait3A_2681] : memref<40064x64xbf16, #tpu.memory_space<vmem_shared>> -> memref<40064x64xbf16, #tpu.memory_space<vmem_shared>>
    tpu.wait_indirect_dma semaphore(%arg14 : memref<!tpu.dma_semaphore, #tpu.memory_space<semaphore_mem>>) src(%dma_wait3A_2676 : memref<128x64xbf16, #tpu.memory_space<vmem>>) dst(%dma_wait3A_2682 : memref<40064x64xbf16, #tpu.memory_space<vmem_shared>>)
    %dma_wait3A_2683 = arith.constant 2 : i32
    %dma_wait3A_2684 = arith.constant 256 : i32
    %dma_wait3A_2685 = arith.constant 0 : i32
    %dma_wait3A_2686 = tpu.memref_slice %arg8[%dma_wait3A_2684, %dma_wait3A_2685] : memref<1024x64xbf16, #tpu.memory_space<vmem>> -> memref<128x64xbf16, #tpu.memory_space<vmem>>
    %dma_wait3A_2687 = arith.constant 0 : i32
    %dma_wait3A_2688 = tpu.memref_slice %arg11[%dma_wait3A_2683, %dma_wait3A_2687] : memref<10x128xi32, #tpu.memory_space<vmem>> -> memref<1x128xi32, #tpu.memory_space<vmem>>
    %dma_wait3A_2689 = tpu.memref_squeeze %dma_wait3A_2688 : memref<1x128xi32, #tpu.memory_space<vmem>> -> memref<128xi32, #tpu.memory_space<vmem>>
    %dma_wait3A_2690 = arith.constant 0 : i32
    %dma_wait3A_2691 = arith.constant 0 : i32
    %dma_wait3A_2692 = tpu.memref_slice %arg12[%dma_wait3A_2690, %dma_wait3A_2691] : memref<40064x64xbf16, #tpu.memory_space<vmem_shared>> -> memref<40064x64xbf16, #tpu.memory_space<vmem_shared>>
    tpu.wait_indirect_dma semaphore(%arg14 : memref<!tpu.dma_semaphore, #tpu.memory_space<semaphore_mem>>) src(%dma_wait3A_2686 : memref<128x64xbf16, #tpu.memory_space<vmem>>) dst(%dma_wait3A_2692 : memref<40064x64xbf16, #tpu.memory_space<vmem_shared>>)
    %dma_wait3A_2693 = arith.constant 3 : i32
    %dma_wait3A_2694 = arith.constant 384 : i32
    %dma_wait3A_2695 = arith.constant 0 : i32
    %dma_wait3A_2696 = tpu.memref_slice %arg8[%dma_wait3A_2694, %dma_wait3A_2695] : memref<1024x64xbf16, #tpu.memory_space<vmem>> -> memref<128x64xbf16, #tpu.memory_space<vmem>>
    %dma_wait3A_2697 = arith.constant 0 : i32
    %dma_wait3A_2698 = tpu.memref_slice %arg11[%dma_wait3A_2693, %dma_wait3A_2697] : memref<10x128xi32, #tpu.memory_space<vmem>> -> memref<1x128xi32, #tpu.memory_space<vmem>>
    %dma_wait3A_2699 = tpu.memref_squeeze %dma_wait3A_2698 : memref<1x128xi32, #tpu.memory_space<vmem>> -> memref<128xi32, #tpu.memory_space<vmem>>
    %dma_wait3A_2700 = arith.constant 0 : i32
    %dma_wait3A_2701 = arith.constant 0 : i32
    %dma_wait3A_2702 = tpu.memref_slice %arg12[%dma_wait3A_2700, %dma_wait3A_2701] : memref<40064x64xbf16, #tpu.memory_space<vmem_shared>> -> memref<40064x64xbf16, #tpu.memory_space<vmem_shared>>
    tpu.wait_indirect_dma semaphore(%arg14 : memref<!tpu.dma_semaphore, #tpu.memory_space<semaphore_mem>>) src(%dma_wait3A_2696 : memref<128x64xbf16, #tpu.memory_space<vmem>>) dst(%dma_wait3A_2702 : memref<40064x64xbf16, #tpu.memory_space<vmem_shared>>)
    %dma_wait3A_2703 = arith.constant 4 : i32
    %dma_wait3A_2704 = arith.constant 512 : i32
    %dma_wait3A_2705 = arith.constant 0 : i32
    %dma_wait3A_2706 = tpu.memref_slice %arg8[%dma_wait3A_2704, %dma_wait3A_2705] : memref<1024x64xbf16, #tpu.memory_space<vmem>> -> memref<128x64xbf16, #tpu.memory_space<vmem>>
    %dma_wait3A_2707 = arith.constant 0 : i32
    %dma_wait3A_2708 = tpu.memref_slice %arg11[%dma_wait3A_2703, %dma_wait3A_2707] : memref<10x128xi32, #tpu.memory_space<vmem>> -> memref<1x128xi32, #tpu.memory_space<vmem>>
    %dma_wait3A_2709 = tpu.memref_squeeze %dma_wait3A_2708 : memref<1x128xi32, #tpu.memory_space<vmem>> -> memref<128xi32, #tpu.memory_space<vmem>>
    %dma_wait3A_2710 = arith.constant 0 : i32
    %dma_wait3A_2711 = arith.constant 0 : i32
    %dma_wait3A_2712 = tpu.memref_slice %arg12[%dma_wait3A_2710, %dma_wait3A_2711] : memref<40064x64xbf16, #tpu.memory_space<vmem_shared>> -> memref<40064x64xbf16, #tpu.memory_space<vmem_shared>>
    tpu.wait_indirect_dma semaphore(%arg14 : memref<!tpu.dma_semaphore, #tpu.memory_space<semaphore_mem>>) src(%dma_wait3A_2706 : memref<128x64xbf16, #tpu.memory_space<vmem>>) dst(%dma_wait3A_2712 : memref<40064x64xbf16, #tpu.memory_space<vmem_shared>>)
    %add3A_2713 = arith.constant 20032 : i32
    %add3A_2714 = arith.addi %add3A_2713, %mul3A_1544 : i32
    "tpu.region"() ({
      %run_scoped3A = tpu.sem_alloc : memref<!tpu.dma_semaphore, #tpu.memory_space<semaphore_mem>>
      %dma_start3A_3178 = arith.constant 0 : i32
      %dma_start3A_3179 = arith.constant 0 : i32
      %dma_start3A_3180 = tpu.memref_slice %arg8[%dma_start3A_3178, %dma_start3A_3179] : memref<1024x64xbf16, #tpu.memory_space<vmem>> -> memref<626x64xbf16, #tpu.memory_space<vmem>>
      %dma_start3A_3181 = arith.constant 0 : i32
      %dma_start3A_3182 = tpu.memref_slice %arg12[%add3A_2714, %dma_start3A_3181] : memref<40064x64xbf16, #tpu.memory_space<vmem_shared>> -> memref<626x64xbf16, #tpu.memory_space<vmem_shared>>
      %dma_start3A_3183 = arith.constant 0 : i32
      %dma_start3A_3184 = arith.constant 0 : i32
      %dma_start3A_3185 = tpu.memref_slice %arg8[%dma_start3A_3183, %dma_start3A_3184] : memref<1024x64xbf16, #tpu.memory_space<vmem>> -> memref<626x64xbf16, #tpu.memory_space<vmem>>
      %dma_start3A_3186 = arith.constant 0 : i32
      %dma_start3A_3187 = tpu.memref_slice %arg12[%add3A_2714, %dma_start3A_3186] : memref<40064x64xbf16, #tpu.memory_space<vmem_shared>> -> memref<626x64xbf16, #tpu.memory_space<vmem_shared>>
      tpu.enqueue_dma source(%dma_start3A_3187 : memref<626x64xbf16, #tpu.memory_space<vmem_shared>>) target(%dma_start3A_3185 : memref<626x64xbf16, #tpu.memory_space<vmem>>) target_semaphore(%run_scoped3A : memref<!tpu.dma_semaphore, #tpu.memory_space<semaphore_mem>>)
      %dma_wait3A_3188 = arith.constant 0 : i32
      %dma_wait3A_3189 = arith.constant 0 : i32
      %dma_wait3A_3190 = tpu.memref_slice %arg8[%dma_wait3A_3188, %dma_wait3A_3189] : memref<1024x64xbf16, #tpu.memory_space<vmem>> -> memref<626x64xbf16, #tpu.memory_space<vmem>>
      %dma_wait3A_3191 = arith.constant 0 : i32
      %dma_wait3A_3192 = tpu.memref_slice %arg12[%add3A_2714, %dma_wait3A_3191] : memref<40064x64xbf16, #tpu.memory_space<vmem_shared>> -> memref<626x64xbf16, #tpu.memory_space<vmem_shared>>
      %dma_wait3A_3193 = arith.constant 0 : i32
      %dma_wait3A_3194 = arith.constant 0 : i32
      %dma_wait3A_3195 = tpu.memref_slice %arg8[%dma_wait3A_3193, %dma_wait3A_3194] : memref<1024x64xbf16, #tpu.memory_space<vmem>> -> memref<626x64xbf16, #tpu.memory_space<vmem>>
      %dma_wait3A_3196 = arith.constant 0 : i32
      %dma_wait3A_3197 = tpu.memref_slice %arg12[%add3A_2714, %dma_wait3A_3196] : memref<40064x64xbf16, #tpu.memory_space<vmem_shared>> -> memref<626x64xbf16, #tpu.memory_space<vmem_shared>>
      tpu.wait_dma2 semaphore(%run_scoped3A : memref<!tpu.dma_semaphore, #tpu.memory_space<semaphore_mem>>) src(%dma_wait3A_3197 : memref<626x64xbf16, #tpu.memory_space<vmem_shared>>) dst(%dma_wait3A_3195 : memref<626x64xbf16, #tpu.memory_space<vmem>>)
      tpu.yield
    }) : () -> ()
    %dma_start3A_2715 = arith.constant 0 : i32
    %dma_start3A_2716 = arith.constant 0 : i32
    %dma_start3A_2717 = arith.constant 0 : i32
    %dma_start3A_2718 = tpu.memref_slice %arg8[%dma_start3A_2716, %dma_start3A_2717] : memref<1024x64xbf16, #tpu.memory_space<vmem>> -> memref<128x64xbf16, #tpu.memory_space<vmem>>
    %dma_start3A_2719 = arith.constant 0 : i32
    %dma_start3A_2720 = tpu.memref_slice %arg11[%dma_start3A_2715, %dma_start3A_2719] : memref<10x128xi32, #tpu.memory_space<vmem>> -> memref<1x128xi32, #tpu.memory_space<vmem>>
    %dma_start3A_2721 = tpu.memref_squeeze %dma_start3A_2720 : memref<1x128xi32, #tpu.memory_space<vmem>> -> memref<128xi32, #tpu.memory_space<vmem>>
    %dma_start3A_2722 = arith.constant 0 : i32
    %dma_start3A_2723 = arith.constant 0 : i32
    %dma_start3A_2724 = tpu.memref_slice %arg12[%dma_start3A_2722, %dma_start3A_2723] : memref<40064x64xbf16, #tpu.memory_space<vmem_shared>> -> memref<40064x64xbf16, #tpu.memory_space<vmem_shared>>
    tpu.enqueue_indirect_dma source(%dma_start3A_2718 : memref<128x64xbf16, #tpu.memory_space<vmem>>) target(%dma_start3A_2724 : memref<40064x64xbf16, #tpu.memory_space<vmem_shared>>) offsets(%dma_start3A_2721 : memref<128xi32, #tpu.memory_space<vmem>>) semaphore(%arg14 : memref<!tpu.dma_semaphore, #tpu.memory_space<semaphore_mem>>) {add = true}
    %dma_start3A_2725 = arith.constant 1 : i32
    %dma_start3A_2726 = arith.constant 128 : i32
    %dma_start3A_2727 = arith.constant 0 : i32
    %dma_start3A_2728 = tpu.memref_slice %arg8[%dma_start3A_2726, %dma_start3A_2727] : memref<1024x64xbf16, #tpu.memory_space<vmem>> -> memref<128x64xbf16, #tpu.memory_space<vmem>>
    %dma_start3A_2729 = arith.constant 0 : i32
    %dma_start3A_2730 = tpu.memref_slice %arg11[%dma_start3A_2725, %dma_start3A_2729] : memref<10x128xi32, #tpu.memory_space<vmem>> -> memref<1x128xi32, #tpu.memory_space<vmem>>
    %dma_start3A_2731 = tpu.memref_squeeze %dma_start3A_2730 : memref<1x128xi32, #tpu.memory_space<vmem>> -> memref<128xi32, #tpu.memory_space<vmem>>
    %dma_start3A_2732 = arith.constant 0 : i32
    %dma_start3A_2733 = arith.constant 0 : i32
    %dma_start3A_2734 = tpu.memref_slice %arg12[%dma_start3A_2732, %dma_start3A_2733] : memref<40064x64xbf16, #tpu.memory_space<vmem_shared>> -> memref<40064x64xbf16, #tpu.memory_space<vmem_shared>>
    tpu.enqueue_indirect_dma source(%dma_start3A_2728 : memref<128x64xbf16, #tpu.memory_space<vmem>>) target(%dma_start3A_2734 : memref<40064x64xbf16, #tpu.memory_space<vmem_shared>>) offsets(%dma_start3A_2731 : memref<128xi32, #tpu.memory_space<vmem>>) semaphore(%arg14 : memref<!tpu.dma_semaphore, #tpu.memory_space<semaphore_mem>>) {add = true}
    %dma_start3A_2735 = arith.constant 2 : i32
    %dma_start3A_2736 = arith.constant 256 : i32
    %dma_start3A_2737 = arith.constant 0 : i32
    %dma_start3A_2738 = tpu.memref_slice %arg8[%dma_start3A_2736, %dma_start3A_2737] : memref<1024x64xbf16, #tpu.memory_space<vmem>> -> memref<128x64xbf16, #tpu.memory_space<vmem>>
    %dma_start3A_2739 = arith.constant 0 : i32
    %dma_start3A_2740 = tpu.memref_slice %arg11[%dma_start3A_2735, %dma_start3A_2739] : memref<10x128xi32, #tpu.memory_space<vmem>> -> memref<1x128xi32, #tpu.memory_space<vmem>>
    %dma_start3A_2741 = tpu.memref_squeeze %dma_start3A_2740 : memref<1x128xi32, #tpu.memory_space<vmem>> -> memref<128xi32, #tpu.memory_space<vmem>>
    %dma_start3A_2742 = arith.constant 0 : i32
    %dma_start3A_2743 = arith.constant 0 : i32
    %dma_start3A_2744 = tpu.memref_slice %arg12[%dma_start3A_2742, %dma_start3A_2743] : memref<40064x64xbf16, #tpu.memory_space<vmem_shared>> -> memref<40064x64xbf16, #tpu.memory_space<vmem_shared>>
    tpu.enqueue_indirect_dma source(%dma_start3A_2738 : memref<128x64xbf16, #tpu.memory_space<vmem>>) target(%dma_start3A_2744 : memref<40064x64xbf16, #tpu.memory_space<vmem_shared>>) offsets(%dma_start3A_2741 : memref<128xi32, #tpu.memory_space<vmem>>) semaphore(%arg14 : memref<!tpu.dma_semaphore, #tpu.memory_space<semaphore_mem>>) {add = true}
    %dma_start3A_2745 = arith.constant 3 : i32
    %dma_start3A_2746 = arith.constant 384 : i32
    %dma_start3A_2747 = arith.constant 0 : i32
    %dma_start3A_2748 = tpu.memref_slice %arg8[%dma_start3A_2746, %dma_start3A_2747] : memref<1024x64xbf16, #tpu.memory_space<vmem>> -> memref<128x64xbf16, #tpu.memory_space<vmem>>
    %dma_start3A_2749 = arith.constant 0 : i32
    %dma_start3A_2750 = tpu.memref_slice %arg11[%dma_start3A_2745, %dma_start3A_2749] : memref<10x128xi32, #tpu.memory_space<vmem>> -> memref<1x128xi32, #tpu.memory_space<vmem>>
    %dma_start3A_2751 = tpu.memref_squeeze %dma_start3A_2750 : memref<1x128xi32, #tpu.memory_space<vmem>> -> memref<128xi32, #tpu.memory_space<vmem>>
    %dma_start3A_2752 = arith.constant 0 : i32
    %dma_start3A_2753 = arith.constant 0 : i32
    %dma_start3A_2754 = tpu.memref_slice %arg12[%dma_start3A_2752, %dma_start3A_2753] : memref<40064x64xbf16, #tpu.memory_space<vmem_shared>> -> memref<40064x64xbf16, #tpu.memory_space<vmem_shared>>
    tpu.enqueue_indirect_dma source(%dma_start3A_2748 : memref<128x64xbf16, #tpu.memory_space<vmem>>) target(%dma_start3A_2754 : memref<40064x64xbf16, #tpu.memory_space<vmem_shared>>) offsets(%dma_start3A_2751 : memref<128xi32, #tpu.memory_space<vmem>>) semaphore(%arg14 : memref<!tpu.dma_semaphore, #tpu.memory_space<semaphore_mem>>) {add = true}
    %dma_start3A_2755 = arith.constant 4 : i32
    %dma_start3A_2756 = arith.constant 512 : i32
    %dma_start3A_2757 = arith.constant 0 : i32
    %dma_start3A_2758 = tpu.memref_slice %arg8[%dma_start3A_2756, %dma_start3A_2757] : memref<1024x64xbf16, #tpu.memory_space<vmem>> -> memref<128x64xbf16, #tpu.memory_space<vmem>>
    %dma_start3A_2759 = arith.constant 0 : i32
    %dma_start3A_2760 = tpu.memref_slice %arg11[%dma_start3A_2755, %dma_start3A_2759] : memref<10x128xi32, #tpu.memory_space<vmem>> -> memref<1x128xi32, #tpu.memory_space<vmem>>
    %dma_start3A_2761 = tpu.memref_squeeze %dma_start3A_2760 : memref<1x128xi32, #tpu.memory_space<vmem>> -> memref<128xi32, #tpu.memory_space<vmem>>
    %dma_start3A_2762 = arith.constant 0 : i32
    %dma_start3A_2763 = arith.constant 0 : i32
    %dma_start3A_2764 = tpu.memref_slice %arg12[%dma_start3A_2762, %dma_start3A_2763] : memref<40064x64xbf16, #tpu.memory_space<vmem_shared>> -> memref<40064x64xbf16, #tpu.memory_space<vmem_shared>>
    tpu.enqueue_indirect_dma source(%dma_start3A_2758 : memref<128x64xbf16, #tpu.memory_space<vmem>>) target(%dma_start3A_2764 : memref<40064x64xbf16, #tpu.memory_space<vmem_shared>>) offsets(%dma_start3A_2761 : memref<128xi32, #tpu.memory_space<vmem>>) semaphore(%arg14 : memref<!tpu.dma_semaphore, #tpu.memory_space<semaphore_mem>>) {add = true}
    %dma_wait3A_2765 = arith.constant 0 : i32
    %dma_wait3A_2766 = arith.constant 0 : i32
    %dma_wait3A_2767 = arith.constant 0 : i32
    %dma_wait3A_2768 = tpu.memref_slice %arg8[%dma_wait3A_2766, %dma_wait3A_2767] : memref<1024x64xbf16, #tpu.memory_space<vmem>> -> memref<128x64xbf16, #tpu.memory_space<vmem>>
    %dma_wait3A_2769 = arith.constant 0 : i32
    %dma_wait3A_2770 = tpu.memref_slice %arg11[%dma_wait3A_2765, %dma_wait3A_2769] : memref<10x128xi32, #tpu.memory_space<vmem>> -> memref<1x128xi32, #tpu.memory_space<vmem>>
    %dma_wait3A_2771 = tpu.memref_squeeze %dma_wait3A_2770 : memref<1x128xi32, #tpu.memory_space<vmem>> -> memref<128xi32, #tpu.memory_space<vmem>>
    %dma_wait3A_2772 = arith.constant 0 : i32
    %dma_wait3A_2773 = arith.constant 0 : i32
    %dma_wait3A_2774 = tpu.memref_slice %arg12[%dma_wait3A_2772, %dma_wait3A_2773] : memref<40064x64xbf16, #tpu.memory_space<vmem_shared>> -> memref<40064x64xbf16, #tpu.memory_space<vmem_shared>>
    tpu.wait_indirect_dma semaphore(%arg14 : memref<!tpu.dma_semaphore, #tpu.memory_space<semaphore_mem>>) src(%dma_wait3A_2768 : memref<128x64xbf16, #tpu.memory_space<vmem>>) dst(%dma_wait3A_2774 : memref<40064x64xbf16, #tpu.memory_space<vmem_shared>>)
    %dma_wait3A_2775 = arith.constant 1 : i32
    %dma_wait3A_2776 = arith.constant 128 : i32
    %dma_wait3A_2777 = arith.constant 0 : i32
    %dma_wait3A_2778 = tpu.memref_slice %arg8[%dma_wait3A_2776, %dma_wait3A_2777] : memref<1024x64xbf16, #tpu.memory_space<vmem>> -> memref<128x64xbf16, #tpu.memory_space<vmem>>
    %dma_wait3A_2779 = arith.constant 0 : i32
    %dma_wait3A_2780 = tpu.memref_slice %arg11[%dma_wait3A_2775, %dma_wait3A_2779] : memref<10x128xi32, #tpu.memory_space<vmem>> -> memref<1x128xi32, #tpu.memory_space<vmem>>
    %dma_wait3A_2781 = tpu.memref_squeeze %dma_wait3A_2780 : memref<1x128xi32, #tpu.memory_space<vmem>> -> memref<128xi32, #tpu.memory_space<vmem>>
    %dma_wait3A_2782 = arith.constant 0 : i32
    %dma_wait3A_2783 = arith.constant 0 : i32
    %dma_wait3A_2784 = tpu.memref_slice %arg12[%dma_wait3A_2782, %dma_wait3A_2783] : memref<40064x64xbf16, #tpu.memory_space<vmem_shared>> -> memref<40064x64xbf16, #tpu.memory_space<vmem_shared>>
    tpu.wait_indirect_dma semaphore(%arg14 : memref<!tpu.dma_semaphore, #tpu.memory_space<semaphore_mem>>) src(%dma_wait3A_2778 : memref<128x64xbf16, #tpu.memory_space<vmem>>) dst(%dma_wait3A_2784 : memref<40064x64xbf16, #tpu.memory_space<vmem_shared>>)
    %dma_wait3A_2785 = arith.constant 2 : i32
    %dma_wait3A_2786 = arith.constant 256 : i32
    %dma_wait3A_2787 = arith.constant 0 : i32
    %dma_wait3A_2788 = tpu.memref_slice %arg8[%dma_wait3A_2786, %dma_wait3A_2787] : memref<1024x64xbf16, #tpu.memory_space<vmem>> -> memref<128x64xbf16, #tpu.memory_space<vmem>>
    %dma_wait3A_2789 = arith.constant 0 : i32
    %dma_wait3A_2790 = tpu.memref_slice %arg11[%dma_wait3A_2785, %dma_wait3A_2789] : memref<10x128xi32, #tpu.memory_space<vmem>> -> memref<1x128xi32, #tpu.memory_space<vmem>>
    %dma_wait3A_2791 = tpu.memref_squeeze %dma_wait3A_2790 : memref<1x128xi32, #tpu.memory_space<vmem>> -> memref<128xi32, #tpu.memory_space<vmem>>
    %dma_wait3A_2792 = arith.constant 0 : i32
    %dma_wait3A_2793 = arith.constant 0 : i32
    %dma_wait3A_2794 = tpu.memref_slice %arg12[%dma_wait3A_2792, %dma_wait3A_2793] : memref<40064x64xbf16, #tpu.memory_space<vmem_shared>> -> memref<40064x64xbf16, #tpu.memory_space<vmem_shared>>
    tpu.wait_indirect_dma semaphore(%arg14 : memref<!tpu.dma_semaphore, #tpu.memory_space<semaphore_mem>>) src(%dma_wait3A_2788 : memref<128x64xbf16, #tpu.memory_space<vmem>>) dst(%dma_wait3A_2794 : memref<40064x64xbf16, #tpu.memory_space<vmem_shared>>)
    %dma_wait3A_2795 = arith.constant 3 : i32
    %dma_wait3A_2796 = arith.constant 384 : i32
    %dma_wait3A_2797 = arith.constant 0 : i32
    %dma_wait3A_2798 = tpu.memref_slice %arg8[%dma_wait3A_2796, %dma_wait3A_2797] : memref<1024x64xbf16, #tpu.memory_space<vmem>> -> memref<128x64xbf16, #tpu.memory_space<vmem>>
    %dma_wait3A_2799 = arith.constant 0 : i32
    %dma_wait3A_2800 = tpu.memref_slice %arg11[%dma_wait3A_2795, %dma_wait3A_2799] : memref<10x128xi32, #tpu.memory_space<vmem>> -> memref<1x128xi32, #tpu.memory_space<vmem>>
    %dma_wait3A_2801 = tpu.memref_squeeze %dma_wait3A_2800 : memref<1x128xi32, #tpu.memory_space<vmem>> -> memref<128xi32, #tpu.memory_space<vmem>>
    %dma_wait3A_2802 = arith.constant 0 : i32
    %dma_wait3A_2803 = arith.constant 0 : i32
    %dma_wait3A_2804 = tpu.memref_slice %arg12[%dma_wait3A_2802, %dma_wait3A_2803] : memref<40064x64xbf16, #tpu.memory_space<vmem_shared>> -> memref<40064x64xbf16, #tpu.memory_space<vmem_shared>>
    tpu.wait_indirect_dma semaphore(%arg14 : memref<!tpu.dma_semaphore, #tpu.memory_space<semaphore_mem>>) src(%dma_wait3A_2798 : memref<128x64xbf16, #tpu.memory_space<vmem>>) dst(%dma_wait3A_2804 : memref<40064x64xbf16, #tpu.memory_space<vmem_shared>>)
    %dma_wait3A_2805 = arith.constant 4 : i32
    %dma_wait3A_2806 = arith.constant 512 : i32
    %dma_wait3A_2807 = arith.constant 0 : i32
    %dma_wait3A_2808 = tpu.memref_slice %arg8[%dma_wait3A_2806, %dma_wait3A_2807] : memref<1024x64xbf16, #tpu.memory_space<vmem>> -> memref<128x64xbf16, #tpu.memory_space<vmem>>
    %dma_wait3A_2809 = arith.constant 0 : i32
    %dma_wait3A_2810 = tpu.memref_slice %arg11[%dma_wait3A_2805, %dma_wait3A_2809] : memref<10x128xi32, #tpu.memory_space<vmem>> -> memref<1x128xi32, #tpu.memory_space<vmem>>
    %dma_wait3A_2811 = tpu.memref_squeeze %dma_wait3A_2810 : memref<1x128xi32, #tpu.memory_space<vmem>> -> memref<128xi32, #tpu.memory_space<vmem>>
    %dma_wait3A_2812 = arith.constant 0 : i32
    %dma_wait3A_2813 = arith.constant 0 : i32
    %dma_wait3A_2814 = tpu.memref_slice %arg12[%dma_wait3A_2812, %dma_wait3A_2813] : memref<40064x64xbf16, #tpu.memory_space<vmem_shared>> -> memref<40064x64xbf16, #tpu.memory_space<vmem_shared>>
    tpu.wait_indirect_dma semaphore(%arg14 : memref<!tpu.dma_semaphore, #tpu.memory_space<semaphore_mem>>) src(%dma_wait3A_2808 : memref<128x64xbf16, #tpu.memory_space<vmem>>) dst(%dma_wait3A_2814 : memref<40064x64xbf16, #tpu.memory_space<vmem_shared>>)
    %add3A_2815 = arith.constant 30048 : i32
    %add3A_2816 = arith.addi %add3A_2815, %mul3A_1544 : i32
    "tpu.region"() ({
      %run_scoped3A = tpu.sem_alloc : memref<!tpu.dma_semaphore, #tpu.memory_space<semaphore_mem>>
      %dma_start3A_3178 = arith.constant 0 : i32
      %dma_start3A_3179 = arith.constant 0 : i32
      %dma_start3A_3180 = tpu.memref_slice %arg8[%dma_start3A_3178, %dma_start3A_3179] : memref<1024x64xbf16, #tpu.memory_space<vmem>> -> memref<626x64xbf16, #tpu.memory_space<vmem>>
      %dma_start3A_3181 = arith.constant 0 : i32
      %dma_start3A_3182 = tpu.memref_slice %arg12[%add3A_2816, %dma_start3A_3181] : memref<40064x64xbf16, #tpu.memory_space<vmem_shared>> -> memref<626x64xbf16, #tpu.memory_space<vmem_shared>>
      %dma_start3A_3183 = arith.constant 0 : i32
      %dma_start3A_3184 = arith.constant 0 : i32
      %dma_start3A_3185 = tpu.memref_slice %arg8[%dma_start3A_3183, %dma_start3A_3184] : memref<1024x64xbf16, #tpu.memory_space<vmem>> -> memref<626x64xbf16, #tpu.memory_space<vmem>>
      %dma_start3A_3186 = arith.constant 0 : i32
      %dma_start3A_3187 = tpu.memref_slice %arg12[%add3A_2816, %dma_start3A_3186] : memref<40064x64xbf16, #tpu.memory_space<vmem_shared>> -> memref<626x64xbf16, #tpu.memory_space<vmem_shared>>
      tpu.enqueue_dma source(%dma_start3A_3187 : memref<626x64xbf16, #tpu.memory_space<vmem_shared>>) target(%dma_start3A_3185 : memref<626x64xbf16, #tpu.memory_space<vmem>>) target_semaphore(%run_scoped3A : memref<!tpu.dma_semaphore, #tpu.memory_space<semaphore_mem>>)
      %dma_wait3A_3188 = arith.constant 0 : i32
      %dma_wait3A_3189 = arith.constant 0 : i32
      %dma_wait3A_3190 = tpu.memref_slice %arg8[%dma_wait3A_3188, %dma_wait3A_3189] : memref<1024x64xbf16, #tpu.memory_space<vmem>> -> memref<626x64xbf16, #tpu.memory_space<vmem>>
      %dma_wait3A_3191 = arith.constant 0 : i32
      %dma_wait3A_3192 = tpu.memref_slice %arg12[%add3A_2816, %dma_wait3A_3191] : memref<40064x64xbf16, #tpu.memory_space<vmem_shared>> -> memref<626x64xbf16, #tpu.memory_space<vmem_shared>>
      %dma_wait3A_3193 = arith.constant 0 : i32
      %dma_wait3A_3194 = arith.constant 0 : i32
      %dma_wait3A_3195 = tpu.memref_slice %arg8[%dma_wait3A_3193, %dma_wait3A_3194] : memref<1024x64xbf16, #tpu.memory_space<vmem>> -> memref<626x64xbf16, #tpu.memory_space<vmem>>
      %dma_wait3A_3196 = arith.constant 0 : i32
      %dma_wait3A_3197 = tpu.memref_slice %arg12[%add3A_2816, %dma_wait3A_3196] : memref<40064x64xbf16, #tpu.memory_space<vmem_shared>> -> memref<626x64xbf16, #tpu.memory_space<vmem_shared>>
      tpu.wait_dma2 semaphore(%run_scoped3A : memref<!tpu.dma_semaphore, #tpu.memory_space<semaphore_mem>>) src(%dma_wait3A_3197 : memref<626x64xbf16, #tpu.memory_space<vmem_shared>>) dst(%dma_wait3A_3195 : memref<626x64xbf16, #tpu.memory_space<vmem>>)
      tpu.yield
    }) : () -> ()
    %dma_start3A_2817 = arith.constant 0 : i32
    %dma_start3A_2818 = arith.constant 0 : i32
    %dma_start3A_2819 = arith.constant 0 : i32
    %dma_start3A_2820 = tpu.memref_slice %arg8[%dma_start3A_2818, %dma_start3A_2819] : memref<1024x64xbf16, #tpu.memory_space<vmem>> -> memref<128x64xbf16, #tpu.memory_space<vmem>>
    %dma_start3A_2821 = arith.constant 0 : i32
    %dma_start3A_2822 = tpu.memref_slice %arg11[%dma_start3A_2817, %dma_start3A_2821] : memref<10x128xi32, #tpu.memory_space<vmem>> -> memref<1x128xi32, #tpu.memory_space<vmem>>
    %dma_start3A_2823 = tpu.memref_squeeze %dma_start3A_2822 : memref<1x128xi32, #tpu.memory_space<vmem>> -> memref<128xi32, #tpu.memory_space<vmem>>
    %dma_start3A_2824 = arith.constant 0 : i32
    %dma_start3A_2825 = arith.constant 0 : i32
    %dma_start3A_2826 = tpu.memref_slice %arg12[%dma_start3A_2824, %dma_start3A_2825] : memref<40064x64xbf16, #tpu.memory_space<vmem_shared>> -> memref<40064x64xbf16, #tpu.memory_space<vmem_shared>>
    tpu.enqueue_indirect_dma source(%dma_start3A_2820 : memref<128x64xbf16, #tpu.memory_space<vmem>>) target(%dma_start3A_2826 : memref<40064x64xbf16, #tpu.memory_space<vmem_shared>>) offsets(%dma_start3A_2823 : memref<128xi32, #tpu.memory_space<vmem>>) semaphore(%arg14 : memref<!tpu.dma_semaphore, #tpu.memory_space<semaphore_mem>>) {add = true}
    %dma_start3A_2827 = arith.constant 1 : i32
    %dma_start3A_2828 = arith.constant 128 : i32
    %dma_start3A_2829 = arith.constant 0 : i32
    %dma_start3A_2830 = tpu.memref_slice %arg8[%dma_start3A_2828, %dma_start3A_2829] : memref<1024x64xbf16, #tpu.memory_space<vmem>> -> memref<128x64xbf16, #tpu.memory_space<vmem>>
    %dma_start3A_2831 = arith.constant 0 : i32
    %dma_start3A_2832 = tpu.memref_slice %arg11[%dma_start3A_2827, %dma_start3A_2831] : memref<10x128xi32, #tpu.memory_space<vmem>> -> memref<1x128xi32, #tpu.memory_space<vmem>>
    %dma_start3A_2833 = tpu.memref_squeeze %dma_start3A_2832 : memref<1x128xi32, #tpu.memory_space<vmem>> -> memref<128xi32, #tpu.memory_space<vmem>>
    %dma_start3A_2834 = arith.constant 0 : i32
    %dma_start3A_2835 = arith.constant 0 : i32
    %dma_start3A_2836 = tpu.memref_slice %arg12[%dma_start3A_2834, %dma_start3A_2835] : memref<40064x64xbf16, #tpu.memory_space<vmem_shared>> -> memref<40064x64xbf16, #tpu.memory_space<vmem_shared>>
    tpu.enqueue_indirect_dma source(%dma_start3A_2830 : memref<128x64xbf16, #tpu.memory_space<vmem>>) target(%dma_start3A_2836 : memref<40064x64xbf16, #tpu.memory_space<vmem_shared>>) offsets(%dma_start3A_2833 : memref<128xi32, #tpu.memory_space<vmem>>) semaphore(%arg14 : memref<!tpu.dma_semaphore, #tpu.memory_space<semaphore_mem>>) {add = true}
    %dma_start3A_2837 = arith.constant 2 : i32
    %dma_start3A_2838 = arith.constant 256 : i32
    %dma_start3A_2839 = arith.constant 0 : i32
    %dma_start3A_2840 = tpu.memref_slice %arg8[%dma_start3A_2838, %dma_start3A_2839] : memref<1024x64xbf16, #tpu.memory_space<vmem>> -> memref<128x64xbf16, #tpu.memory_space<vmem>>
    %dma_start3A_2841 = arith.constant 0 : i32
    %dma_start3A_2842 = tpu.memref_slice %arg11[%dma_start3A_2837, %dma_start3A_2841] : memref<10x128xi32, #tpu.memory_space<vmem>> -> memref<1x128xi32, #tpu.memory_space<vmem>>
    %dma_start3A_2843 = tpu.memref_squeeze %dma_start3A_2842 : memref<1x128xi32, #tpu.memory_space<vmem>> -> memref<128xi32, #tpu.memory_space<vmem>>
    %dma_start3A_2844 = arith.constant 0 : i32
    %dma_start3A_2845 = arith.constant 0 : i32
    %dma_start3A_2846 = tpu.memref_slice %arg12[%dma_start3A_2844, %dma_start3A_2845] : memref<40064x64xbf16, #tpu.memory_space<vmem_shared>> -> memref<40064x64xbf16, #tpu.memory_space<vmem_shared>>
    tpu.enqueue_indirect_dma source(%dma_start3A_2840 : memref<128x64xbf16, #tpu.memory_space<vmem>>) target(%dma_start3A_2846 : memref<40064x64xbf16, #tpu.memory_space<vmem_shared>>) offsets(%dma_start3A_2843 : memref<128xi32, #tpu.memory_space<vmem>>) semaphore(%arg14 : memref<!tpu.dma_semaphore, #tpu.memory_space<semaphore_mem>>) {add = true}
    %dma_start3A_2847 = arith.constant 3 : i32
    %dma_start3A_2848 = arith.constant 384 : i32
    %dma_start3A_2849 = arith.constant 0 : i32
    %dma_start3A_2850 = tpu.memref_slice %arg8[%dma_start3A_2848, %dma_start3A_2849] : memref<1024x64xbf16, #tpu.memory_space<vmem>> -> memref<128x64xbf16, #tpu.memory_space<vmem>>
    %dma_start3A_2851 = arith.constant 0 : i32
    %dma_start3A_2852 = tpu.memref_slice %arg11[%dma_start3A_2847, %dma_start3A_2851] : memref<10x128xi32, #tpu.memory_space<vmem>> -> memref<1x128xi32, #tpu.memory_space<vmem>>
    %dma_start3A_2853 = tpu.memref_squeeze %dma_start3A_2852 : memref<1x128xi32, #tpu.memory_space<vmem>> -> memref<128xi32, #tpu.memory_space<vmem>>
    %dma_start3A_2854 = arith.constant 0 : i32
    %dma_start3A_2855 = arith.constant 0 : i32
    %dma_start3A_2856 = tpu.memref_slice %arg12[%dma_start3A_2854, %dma_start3A_2855] : memref<40064x64xbf16, #tpu.memory_space<vmem_shared>> -> memref<40064x64xbf16, #tpu.memory_space<vmem_shared>>
    tpu.enqueue_indirect_dma source(%dma_start3A_2850 : memref<128x64xbf16, #tpu.memory_space<vmem>>) target(%dma_start3A_2856 : memref<40064x64xbf16, #tpu.memory_space<vmem_shared>>) offsets(%dma_start3A_2853 : memref<128xi32, #tpu.memory_space<vmem>>) semaphore(%arg14 : memref<!tpu.dma_semaphore, #tpu.memory_space<semaphore_mem>>) {add = true}
    %dma_start3A_2857 = arith.constant 4 : i32
    %dma_start3A_2858 = arith.constant 512 : i32
    %dma_start3A_2859 = arith.constant 0 : i32
    %dma_start3A_2860 = tpu.memref_slice %arg8[%dma_start3A_2858, %dma_start3A_2859] : memref<1024x64xbf16, #tpu.memory_space<vmem>> -> memref<128x64xbf16, #tpu.memory_space<vmem>>
    %dma_start3A_2861 = arith.constant 0 : i32
    %dma_start3A_2862 = tpu.memref_slice %arg11[%dma_start3A_2857, %dma_start3A_2861] : memref<10x128xi32, #tpu.memory_space<vmem>> -> memref<1x128xi32, #tpu.memory_space<vmem>>
    %dma_start3A_2863 = tpu.memref_squeeze %dma_start3A_2862 : memref<1x128xi32, #tpu.memory_space<vmem>> -> memref<128xi32, #tpu.memory_space<vmem>>
    %dma_start3A_2864 = arith.constant 0 : i32
    %dma_start3A_2865 = arith.constant 0 : i32
    %dma_start3A_2866 = tpu.memref_slice %arg12[%dma_start3A_2864, %dma_start3A_2865] : memref<40064x64xbf16, #tpu.memory_space<vmem_shared>> -> memref<40064x64xbf16, #tpu.memory_space<vmem_shared>>
    tpu.enqueue_indirect_dma source(%dma_start3A_2860 : memref<128x64xbf16, #tpu.memory_space<vmem>>) target(%dma_start3A_2866 : memref<40064x64xbf16, #tpu.memory_space<vmem_shared>>) offsets(%dma_start3A_2863 : memref<128xi32, #tpu.memory_space<vmem>>) semaphore(%arg14 : memref<!tpu.dma_semaphore, #tpu.memory_space<semaphore_mem>>) {add = true}
    %dma_wait3A_2867 = arith.constant 0 : i32
    %dma_wait3A_2868 = arith.constant 0 : i32
    %dma_wait3A_2869 = arith.constant 0 : i32
    %dma_wait3A_2870 = tpu.memref_slice %arg8[%dma_wait3A_2868, %dma_wait3A_2869] : memref<1024x64xbf16, #tpu.memory_space<vmem>> -> memref<128x64xbf16, #tpu.memory_space<vmem>>
    %dma_wait3A_2871 = arith.constant 0 : i32
    %dma_wait3A_2872 = tpu.memref_slice %arg11[%dma_wait3A_2867, %dma_wait3A_2871] : memref<10x128xi32, #tpu.memory_space<vmem>> -> memref<1x128xi32, #tpu.memory_space<vmem>>
    %dma_wait3A_2873 = tpu.memref_squeeze %dma_wait3A_2872 : memref<1x128xi32, #tpu.memory_space<vmem>> -> memref<128xi32, #tpu.memory_space<vmem>>
    %dma_wait3A_2874 = arith.constant 0 : i32
    %dma_wait3A_2875 = arith.constant 0 : i32
    %dma_wait3A_2876 = tpu.memref_slice %arg12[%dma_wait3A_2874, %dma_wait3A_2875] : memref<40064x64xbf16, #tpu.memory_space<vmem_shared>> -> memref<40064x64xbf16, #tpu.memory_space<vmem_shared>>
    tpu.wait_indirect_dma semaphore(%arg14 : memref<!tpu.dma_semaphore, #tpu.memory_space<semaphore_mem>>) src(%dma_wait3A_2870 : memref<128x64xbf16, #tpu.memory_space<vmem>>) dst(%dma_wait3A_2876 : memref<40064x64xbf16, #tpu.memory_space<vmem_shared>>)
    %dma_wait3A_2877 = arith.constant 1 : i32
    %dma_wait3A_2878 = arith.constant 128 : i32
    %dma_wait3A_2879 = arith.constant 0 : i32
    %dma_wait3A_2880 = tpu.memref_slice %arg8[%dma_wait3A_2878, %dma_wait3A_2879] : memref<1024x64xbf16, #tpu.memory_space<vmem>> -> memref<128x64xbf16, #tpu.memory_space<vmem>>
    %dma_wait3A_2881 = arith.constant 0 : i32
    %dma_wait3A_2882 = tpu.memref_slice %arg11[%dma_wait3A_2877, %dma_wait3A_2881] : memref<10x128xi32, #tpu.memory_space<vmem>> -> memref<1x128xi32, #tpu.memory_space<vmem>>
    %dma_wait3A_2883 = tpu.memref_squeeze %dma_wait3A_2882 : memref<1x128xi32, #tpu.memory_space<vmem>> -> memref<128xi32, #tpu.memory_space<vmem>>
    %dma_wait3A_2884 = arith.constant 0 : i32
    %dma_wait3A_2885 = arith.constant 0 : i32
    %dma_wait3A_2886 = tpu.memref_slice %arg12[%dma_wait3A_2884, %dma_wait3A_2885] : memref<40064x64xbf16, #tpu.memory_space<vmem_shared>> -> memref<40064x64xbf16, #tpu.memory_space<vmem_shared>>
    tpu.wait_indirect_dma semaphore(%arg14 : memref<!tpu.dma_semaphore, #tpu.memory_space<semaphore_mem>>) src(%dma_wait3A_2880 : memref<128x64xbf16, #tpu.memory_space<vmem>>) dst(%dma_wait3A_2886 : memref<40064x64xbf16, #tpu.memory_space<vmem_shared>>)
    %dma_wait3A_2887 = arith.constant 2 : i32
    %dma_wait3A_2888 = arith.constant 256 : i32
    %dma_wait3A_2889 = arith.constant 0 : i32
    %dma_wait3A_2890 = tpu.memref_slice %arg8[%dma_wait3A_2888, %dma_wait3A_2889] : memref<1024x64xbf16, #tpu.memory_space<vmem>> -> memref<128x64xbf16, #tpu.memory_space<vmem>>
    %dma_wait3A_2891 = arith.constant 0 : i32
    %dma_wait3A_2892 = tpu.memref_slice %arg11[%dma_wait3A_2887, %dma_wait3A_2891] : memref<10x128xi32, #tpu.memory_space<vmem>> -> memref<1x128xi32, #tpu.memory_space<vmem>>
    %dma_wait3A_2893 = tpu.memref_squeeze %dma_wait3A_2892 : memref<1x128xi32, #tpu.memory_space<vmem>> -> memref<128xi32, #tpu.memory_space<vmem>>
    %dma_wait3A_2894 = arith.constant 0 : i32
    %dma_wait3A_2895 = arith.constant 0 : i32
    %dma_wait3A_2896 = tpu.memref_slice %arg12[%dma_wait3A_2894, %dma_wait3A_2895] : memref<40064x64xbf16, #tpu.memory_space<vmem_shared>> -> memref<40064x64xbf16, #tpu.memory_space<vmem_shared>>
    tpu.wait_indirect_dma semaphore(%arg14 : memref<!tpu.dma_semaphore, #tpu.memory_space<semaphore_mem>>) src(%dma_wait3A_2890 : memref<128x64xbf16, #tpu.memory_space<vmem>>) dst(%dma_wait3A_2896 : memref<40064x64xbf16, #tpu.memory_space<vmem_shared>>)
    %dma_wait3A_2897 = arith.constant 3 : i32
    %dma_wait3A_2898 = arith.constant 384 : i32
    %dma_wait3A_2899 = arith.constant 0 : i32
    %dma_wait3A_2900 = tpu.memref_slice %arg8[%dma_wait3A_2898, %dma_wait3A_2899] : memref<1024x64xbf16, #tpu.memory_space<vmem>> -> memref<128x64xbf16, #tpu.memory_space<vmem>>
    %dma_wait3A_2901 = arith.constant 0 : i32
    %dma_wait3A_2902 = tpu.memref_slice %arg11[%dma_wait3A_2897, %dma_wait3A_2901] : memref<10x128xi32, #tpu.memory_space<vmem>> -> memref<1x128xi32, #tpu.memory_space<vmem>>
    %dma_wait3A_2903 = tpu.memref_squeeze %dma_wait3A_2902 : memref<1x128xi32, #tpu.memory_space<vmem>> -> memref<128xi32, #tpu.memory_space<vmem>>
    %dma_wait3A_2904 = arith.constant 0 : i32
    %dma_wait3A_2905 = arith.constant 0 : i32
    %dma_wait3A_2906 = tpu.memref_slice %arg12[%dma_wait3A_2904, %dma_wait3A_2905] : memref<40064x64xbf16, #tpu.memory_space<vmem_shared>> -> memref<40064x64xbf16, #tpu.memory_space<vmem_shared>>
    tpu.wait_indirect_dma semaphore(%arg14 : memref<!tpu.dma_semaphore, #tpu.memory_space<semaphore_mem>>) src(%dma_wait3A_2900 : memref<128x64xbf16, #tpu.memory_space<vmem>>) dst(%dma_wait3A_2906 : memref<40064x64xbf16, #tpu.memory_space<vmem_shared>>)
    %dma_wait3A_2907 = arith.constant 4 : i32
    %dma_wait3A_2908 = arith.constant 512 : i32
    %dma_wait3A_2909 = arith.constant 0 : i32
    %dma_wait3A_2910 = tpu.memref_slice %arg8[%dma_wait3A_2908, %dma_wait3A_2909] : memref<1024x64xbf16, #tpu.memory_space<vmem>> -> memref<128x64xbf16, #tpu.memory_space<vmem>>
    %dma_wait3A_2911 = arith.constant 0 : i32
    %dma_wait3A_2912 = tpu.memref_slice %arg11[%dma_wait3A_2907, %dma_wait3A_2911] : memref<10x128xi32, #tpu.memory_space<vmem>> -> memref<1x128xi32, #tpu.memory_space<vmem>>
    %dma_wait3A_2913 = tpu.memref_squeeze %dma_wait3A_2912 : memref<1x128xi32, #tpu.memory_space<vmem>> -> memref<128xi32, #tpu.memory_space<vmem>>
    %dma_wait3A_2914 = arith.constant 0 : i32
    %dma_wait3A_2915 = arith.constant 0 : i32
    %dma_wait3A_2916 = tpu.memref_slice %arg12[%dma_wait3A_2914, %dma_wait3A_2915] : memref<40064x64xbf16, #tpu.memory_space<vmem_shared>> -> memref<40064x64xbf16, #tpu.memory_space<vmem_shared>>
    tpu.wait_indirect_dma semaphore(%arg14 : memref<!tpu.dma_semaphore, #tpu.memory_space<semaphore_mem>>) src(%dma_wait3A_2910 : memref<128x64xbf16, #tpu.memory_space<vmem>>) dst(%dma_wait3A_2916 : memref<40064x64xbf16, #tpu.memory_space<vmem_shared>>)
    %barrier3A_2917 = arith.constant 0 : index
    tpu.barrier barrier_id(%barrier3A_2917)
    "tpu.region"() ({
      %run_scoped3A = tpu.sem_alloc : memref<!tpu.dma_semaphore, #tpu.memory_space<semaphore_mem>>
      %dma_start3A_3178 = arith.constant 0 : i32
      %dma_start3A_3179 = arith.constant 0 : i32
      %dma_start3A_3180 = tpu.memref_slice %arg6[%arg1, %dma_start3A_3178, %dma_start3A_3179] : memref<16x10x128xi32, #tpu.memory_space<hbm>> -> memref<1x10x128xi32, #tpu.memory_space<hbm>>
      %dma_start3A_3181 = tpu.memref_squeeze %dma_start3A_3180 : memref<1x10x128xi32, #tpu.memory_space<hbm>> -> memref<10x128xi32, #tpu.memory_space<hbm>>
      %dma_start3A_3182 = arith.constant 0 : i32
      %dma_start3A_3183 = arith.constant 0 : i32
      %dma_start3A_3184 = tpu.memref_slice %arg6[%arg1, %dma_start3A_3182, %dma_start3A_3183] : memref<16x10x128xi32, #tpu.memory_space<hbm>> -> memref<1x10x128xi32, #tpu.memory_space<hbm>>
      %dma_start3A_3185 = tpu.memref_squeeze %dma_start3A_3184 : memref<1x10x128xi32, #tpu.memory_space<hbm>> -> memref<10x128xi32, #tpu.memory_space<hbm>>
      tpu.enqueue_dma source(%dma_start3A_3185 : memref<10x128xi32, #tpu.memory_space<hbm>>) target(%arg11 : memref<10x128xi32, #tpu.memory_space<vmem>>) target_semaphore(%run_scoped3A : memref<!tpu.dma_semaphore, #tpu.memory_space<semaphore_mem>>)
      %dma_wait3A_3186 = arith.constant 0 : i32
      %dma_wait3A_3187 = arith.constant 0 : i32
      %dma_wait3A_3188 = tpu.memref_slice %arg6[%arg1, %dma_wait3A_3186, %dma_wait3A_3187] : memref<16x10x128xi32, #tpu.memory_space<hbm>> -> memref<1x10x128xi32, #tpu.memory_space<hbm>>
      %dma_wait3A_3189 = tpu.memref_squeeze %dma_wait3A_3188 : memref<1x10x128xi32, #tpu.memory_space<hbm>> -> memref<10x128xi32, #tpu.memory_space<hbm>>
      %dma_wait3A_3190 = arith.constant 0 : i32
      %dma_wait3A_3191 = arith.constant 0 : i32
      %dma_wait3A_3192 = tpu.memref_slice %arg6[%arg1, %dma_wait3A_3190, %dma_wait3A_3191] : memref<16x10x128xi32, #tpu.memory_space<hbm>> -> memref<1x10x128xi32, #tpu.memory_space<hbm>>
      %dma_wait3A_3193 = tpu.memref_squeeze %dma_wait3A_3192 : memref<1x10x128xi32, #tpu.memory_space<hbm>> -> memref<10x128xi32, #tpu.memory_space<hbm>>
      tpu.wait_dma2 semaphore(%run_scoped3A : memref<!tpu.dma_semaphore, #tpu.memory_space<semaphore_mem>>) src(%dma_wait3A_3193 : memref<10x128xi32, #tpu.memory_space<hbm>>) dst(%arg11 : memref<10x128xi32, #tpu.memory_space<vmem>>)
      tpu.yield
    }) : () -> ()
    %dma_start3A_2918 = arith.constant 0 : i32
    %dma_start3A_2919 = arith.constant 0 : i32
    %dma_start3A_2920 = arith.constant 0 : i32
    %dma_start3A_2921 = tpu.memref_slice %arg8[%dma_start3A_2919, %dma_start3A_2920] : memref<1024x64xbf16, #tpu.memory_space<vmem>> -> memref<128x64xbf16, #tpu.memory_space<vmem>>
    %dma_start3A_2922 = arith.constant 0 : i32
    %dma_start3A_2923 = tpu.memref_slice %arg11[%dma_start3A_2918, %dma_start3A_2922] : memref<10x128xi32, #tpu.memory_space<vmem>> -> memref<1x128xi32, #tpu.memory_space<vmem>>
    %dma_start3A_2924 = tpu.memref_squeeze %dma_start3A_2923 : memref<1x128xi32, #tpu.memory_space<vmem>> -> memref<128xi32, #tpu.memory_space<vmem>>
    %dma_start3A_2925 = arith.constant 0 : i32
    %dma_start3A_2926 = arith.constant 0 : i32
    %dma_start3A_2927 = tpu.memref_slice %arg12[%dma_start3A_2925, %dma_start3A_2926] : memref<40064x64xbf16, #tpu.memory_space<vmem_shared>> -> memref<40064x64xbf16, #tpu.memory_space<vmem_shared>>
    tpu.enqueue_indirect_dma source(%dma_start3A_2927 : memref<40064x64xbf16, #tpu.memory_space<vmem_shared>>) target(%dma_start3A_2921 : memref<128x64xbf16, #tpu.memory_space<vmem>>) offsets(%dma_start3A_2924 : memref<128xi32, #tpu.memory_space<vmem>>) semaphore(%arg13 : memref<!tpu.dma_semaphore, #tpu.memory_space<semaphore_mem>>)
    %dma_start3A_2928 = arith.constant 1 : i32
    %dma_start3A_2929 = arith.constant 128 : i32
    %dma_start3A_2930 = arith.constant 0 : i32
    %dma_start3A_2931 = tpu.memref_slice %arg8[%dma_start3A_2929, %dma_start3A_2930] : memref<1024x64xbf16, #tpu.memory_space<vmem>> -> memref<128x64xbf16, #tpu.memory_space<vmem>>
    %dma_start3A_2932 = arith.constant 0 : i32
    %dma_start3A_2933 = tpu.memref_slice %arg11[%dma_start3A_2928, %dma_start3A_2932] : memref<10x128xi32, #tpu.memory_space<vmem>> -> memref<1x128xi32, #tpu.memory_space<vmem>>
    %dma_start3A_2934 = tpu.memref_squeeze %dma_start3A_2933 : memref<1x128xi32, #tpu.memory_space<vmem>> -> memref<128xi32, #tpu.memory_space<vmem>>
    %dma_start3A_2935 = arith.constant 0 : i32
    %dma_start3A_2936 = arith.constant 0 : i32
    %dma_start3A_2937 = tpu.memref_slice %arg12[%dma_start3A_2935, %dma_start3A_2936] : memref<40064x64xbf16, #tpu.memory_space<vmem_shared>> -> memref<40064x64xbf16, #tpu.memory_space<vmem_shared>>
    tpu.enqueue_indirect_dma source(%dma_start3A_2937 : memref<40064x64xbf16, #tpu.memory_space<vmem_shared>>) target(%dma_start3A_2931 : memref<128x64xbf16, #tpu.memory_space<vmem>>) offsets(%dma_start3A_2934 : memref<128xi32, #tpu.memory_space<vmem>>) semaphore(%arg13 : memref<!tpu.dma_semaphore, #tpu.memory_space<semaphore_mem>>)
    %dma_start3A_2938 = arith.constant 2 : i32
    %dma_start3A_2939 = arith.constant 256 : i32
    %dma_start3A_2940 = arith.constant 0 : i32
    %dma_start3A_2941 = tpu.memref_slice %arg8[%dma_start3A_2939, %dma_start3A_2940] : memref<1024x64xbf16, #tpu.memory_space<vmem>> -> memref<128x64xbf16, #tpu.memory_space<vmem>>
    %dma_start3A_2942 = arith.constant 0 : i32
    %dma_start3A_2943 = tpu.memref_slice %arg11[%dma_start3A_2938, %dma_start3A_2942] : memref<10x128xi32, #tpu.memory_space<vmem>> -> memref<1x128xi32, #tpu.memory_space<vmem>>
    %dma_start3A_2944 = tpu.memref_squeeze %dma_start3A_2943 : memref<1x128xi32, #tpu.memory_space<vmem>> -> memref<128xi32, #tpu.memory_space<vmem>>
    %dma_start3A_2945 = arith.constant 0 : i32
    %dma_start3A_2946 = arith.constant 0 : i32
    %dma_start3A_2947 = tpu.memref_slice %arg12[%dma_start3A_2945, %dma_start3A_2946] : memref<40064x64xbf16, #tpu.memory_space<vmem_shared>> -> memref<40064x64xbf16, #tpu.memory_space<vmem_shared>>
    tpu.enqueue_indirect_dma source(%dma_start3A_2947 : memref<40064x64xbf16, #tpu.memory_space<vmem_shared>>) target(%dma_start3A_2941 : memref<128x64xbf16, #tpu.memory_space<vmem>>) offsets(%dma_start3A_2944 : memref<128xi32, #tpu.memory_space<vmem>>) semaphore(%arg13 : memref<!tpu.dma_semaphore, #tpu.memory_space<semaphore_mem>>)
    %dma_start3A_2948 = arith.constant 3 : i32
    %dma_start3A_2949 = arith.constant 384 : i32
    %dma_start3A_2950 = arith.constant 0 : i32
    %dma_start3A_2951 = tpu.memref_slice %arg8[%dma_start3A_2949, %dma_start3A_2950] : memref<1024x64xbf16, #tpu.memory_space<vmem>> -> memref<128x64xbf16, #tpu.memory_space<vmem>>
    %dma_start3A_2952 = arith.constant 0 : i32
    %dma_start3A_2953 = tpu.memref_slice %arg11[%dma_start3A_2948, %dma_start3A_2952] : memref<10x128xi32, #tpu.memory_space<vmem>> -> memref<1x128xi32, #tpu.memory_space<vmem>>
    %dma_start3A_2954 = tpu.memref_squeeze %dma_start3A_2953 : memref<1x128xi32, #tpu.memory_space<vmem>> -> memref<128xi32, #tpu.memory_space<vmem>>
    %dma_start3A_2955 = arith.constant 0 : i32
    %dma_start3A_2956 = arith.constant 0 : i32
    %dma_start3A_2957 = tpu.memref_slice %arg12[%dma_start3A_2955, %dma_start3A_2956] : memref<40064x64xbf16, #tpu.memory_space<vmem_shared>> -> memref<40064x64xbf16, #tpu.memory_space<vmem_shared>>
    tpu.enqueue_indirect_dma source(%dma_start3A_2957 : memref<40064x64xbf16, #tpu.memory_space<vmem_shared>>) target(%dma_start3A_2951 : memref<128x64xbf16, #tpu.memory_space<vmem>>) offsets(%dma_start3A_2954 : memref<128xi32, #tpu.memory_space<vmem>>) semaphore(%arg13 : memref<!tpu.dma_semaphore, #tpu.memory_space<semaphore_mem>>)
    %dma_wait3A_2958 = arith.constant 0 : i32
    %dma_wait3A_2959 = arith.constant 0 : i32
    %dma_wait3A_2960 = arith.constant 0 : i32
    %dma_wait3A_2961 = tpu.memref_slice %arg8[%dma_wait3A_2959, %dma_wait3A_2960] : memref<1024x64xbf16, #tpu.memory_space<vmem>> -> memref<128x64xbf16, #tpu.memory_space<vmem>>
    %dma_wait3A_2962 = arith.constant 0 : i32
    %dma_wait3A_2963 = tpu.memref_slice %arg11[%dma_wait3A_2958, %dma_wait3A_2962] : memref<10x128xi32, #tpu.memory_space<vmem>> -> memref<1x128xi32, #tpu.memory_space<vmem>>
    %dma_wait3A_2964 = tpu.memref_squeeze %dma_wait3A_2963 : memref<1x128xi32, #tpu.memory_space<vmem>> -> memref<128xi32, #tpu.memory_space<vmem>>
    %dma_wait3A_2965 = arith.constant 0 : i32
    %dma_wait3A_2966 = arith.constant 0 : i32
    %dma_wait3A_2967 = tpu.memref_slice %arg12[%dma_wait3A_2965, %dma_wait3A_2966] : memref<40064x64xbf16, #tpu.memory_space<vmem_shared>> -> memref<40064x64xbf16, #tpu.memory_space<vmem_shared>>
    tpu.wait_indirect_dma semaphore(%arg13 : memref<!tpu.dma_semaphore, #tpu.memory_space<semaphore_mem>>) src(%dma_wait3A_2967 : memref<40064x64xbf16, #tpu.memory_space<vmem_shared>>) dst(%dma_wait3A_2961 : memref<128x64xbf16, #tpu.memory_space<vmem>>)
    %dma_wait3A_2968 = arith.constant 1 : i32
    %dma_wait3A_2969 = arith.constant 128 : i32
    %dma_wait3A_2970 = arith.constant 0 : i32
    %dma_wait3A_2971 = tpu.memref_slice %arg8[%dma_wait3A_2969, %dma_wait3A_2970] : memref<1024x64xbf16, #tpu.memory_space<vmem>> -> memref<128x64xbf16, #tpu.memory_space<vmem>>
    %dma_wait3A_2972 = arith.constant 0 : i32
    %dma_wait3A_2973 = tpu.memref_slice %arg11[%dma_wait3A_2968, %dma_wait3A_2972] : memref<10x128xi32, #tpu.memory_space<vmem>> -> memref<1x128xi32, #tpu.memory_space<vmem>>
    %dma_wait3A_2974 = tpu.memref_squeeze %dma_wait3A_2973 : memref<1x128xi32, #tpu.memory_space<vmem>> -> memref<128xi32, #tpu.memory_space<vmem>>
    %dma_wait3A_2975 = arith.constant 0 : i32
    %dma_wait3A_2976 = arith.constant 0 : i32
    %dma_wait3A_2977 = tpu.memref_slice %arg12[%dma_wait3A_2975, %dma_wait3A_2976] : memref<40064x64xbf16, #tpu.memory_space<vmem_shared>> -> memref<40064x64xbf16, #tpu.memory_space<vmem_shared>>
    tpu.wait_indirect_dma semaphore(%arg13 : memref<!tpu.dma_semaphore, #tpu.memory_space<semaphore_mem>>) src(%dma_wait3A_2977 : memref<40064x64xbf16, #tpu.memory_space<vmem_shared>>) dst(%dma_wait3A_2971 : memref<128x64xbf16, #tpu.memory_space<vmem>>)
    %dma_wait3A_2978 = arith.constant 2 : i32
    %dma_wait3A_2979 = arith.constant 256 : i32
    %dma_wait3A_2980 = arith.constant 0 : i32
    %dma_wait3A_2981 = tpu.memref_slice %arg8[%dma_wait3A_2979, %dma_wait3A_2980] : memref<1024x64xbf16, #tpu.memory_space<vmem>> -> memref<128x64xbf16, #tpu.memory_space<vmem>>
    %dma_wait3A_2982 = arith.constant 0 : i32
    %dma_wait3A_2983 = tpu.memref_slice %arg11[%dma_wait3A_2978, %dma_wait3A_2982] : memref<10x128xi32, #tpu.memory_space<vmem>> -> memref<1x128xi32, #tpu.memory_space<vmem>>
    %dma_wait3A_2984 = tpu.memref_squeeze %dma_wait3A_2983 : memref<1x128xi32, #tpu.memory_space<vmem>> -> memref<128xi32, #tpu.memory_space<vmem>>
    %dma_wait3A_2985 = arith.constant 0 : i32
    %dma_wait3A_2986 = arith.constant 0 : i32
    %dma_wait3A_2987 = tpu.memref_slice %arg12[%dma_wait3A_2985, %dma_wait3A_2986] : memref<40064x64xbf16, #tpu.memory_space<vmem_shared>> -> memref<40064x64xbf16, #tpu.memory_space<vmem_shared>>
    tpu.wait_indirect_dma semaphore(%arg13 : memref<!tpu.dma_semaphore, #tpu.memory_space<semaphore_mem>>) src(%dma_wait3A_2987 : memref<40064x64xbf16, #tpu.memory_space<vmem_shared>>) dst(%dma_wait3A_2981 : memref<128x64xbf16, #tpu.memory_space<vmem>>)
    %dma_wait3A_2988 = arith.constant 3 : i32
    %dma_wait3A_2989 = arith.constant 384 : i32
    %dma_wait3A_2990 = arith.constant 0 : i32
    %dma_wait3A_2991 = tpu.memref_slice %arg8[%dma_wait3A_2989, %dma_wait3A_2990] : memref<1024x64xbf16, #tpu.memory_space<vmem>> -> memref<128x64xbf16, #tpu.memory_space<vmem>>
    %dma_wait3A_2992 = arith.constant 0 : i32
    %dma_wait3A_2993 = tpu.memref_slice %arg11[%dma_wait3A_2988, %dma_wait3A_2992] : memref<10x128xi32, #tpu.memory_space<vmem>> -> memref<1x128xi32, #tpu.memory_space<vmem>>
    %dma_wait3A_2994 = tpu.memref_squeeze %dma_wait3A_2993 : memref<1x128xi32, #tpu.memory_space<vmem>> -> memref<128xi32, #tpu.memory_space<vmem>>
    %dma_wait3A_2995 = arith.constant 0 : i32
    %dma_wait3A_2996 = arith.constant 0 : i32
    %dma_wait3A_2997 = tpu.memref_slice %arg12[%dma_wait3A_2995, %dma_wait3A_2996] : memref<40064x64xbf16, #tpu.memory_space<vmem_shared>> -> memref<40064x64xbf16, #tpu.memory_space<vmem_shared>>
    tpu.wait_indirect_dma semaphore(%arg13 : memref<!tpu.dma_semaphore, #tpu.memory_space<semaphore_mem>>) src(%dma_wait3A_2997 : memref<40064x64xbf16, #tpu.memory_space<vmem_shared>>) dst(%dma_wait3A_2991 : memref<128x64xbf16, #tpu.memory_space<vmem>>)
    %mul3A_2998 = arith.constant 1250 : i32
    %mul3A_2999 = arith.muli %arg1, %mul3A_2998 : i32
    %add3A_3000 = arith.constant 0 : i32
    %add3A_3001 = arith.addi %mul3A_2999, %add3A_3000 : i32
    %dma_start3A_3002 = arith.constant 0 : i32
    %dma_start3A_3003 = arith.constant 0 : i32
    %dma_start3A_3004 = tpu.memref_slice %arg8[%dma_start3A_3002, %dma_start3A_3003] : memref<1024x64xbf16, #tpu.memory_space<vmem>> -> memref<512x64xbf16, #tpu.memory_space<vmem>>
    %dma_start3A_3005 = tpu.memref_slice %arg7[%add3A_3001, %mul3A_0] : memref<20000x128xbf16, #tpu.memory_space<hbm>> -> memref<512x64xbf16, #tpu.memory_space<hbm>>
    %dma_start3A_3006 = tpu.memref_slice %arg7[%add3A_3001, %mul3A_0] : memref<20000x128xbf16, #tpu.memory_space<hbm>> -> memref<512x64xbf16, #tpu.memory_space<hbm>>
    %dma_start3A_3007 = arith.constant 0 : i32
    %dma_start3A_3008 = arith.constant 0 : i32
    %dma_start3A_3009 = tpu.memref_slice %arg8[%dma_start3A_3007, %dma_start3A_3008] : memref<1024x64xbf16, #tpu.memory_space<vmem>> -> memref<512x64xbf16, #tpu.memory_space<vmem>>
    tpu.enqueue_dma source(%dma_start3A_3009 : memref<512x64xbf16, #tpu.memory_space<vmem>>) target(%dma_start3A_3006 : memref<512x64xbf16, #tpu.memory_space<hbm>>) target_semaphore(%arg14 : memref<!tpu.dma_semaphore, #tpu.memory_space<semaphore_mem>>)
    %dma_start3A_3010 = arith.constant 4 : i32
    %dma_start3A_3011 = arith.constant 512 : i32
    %dma_start3A_3012 = arith.constant 0 : i32
    %dma_start3A_3013 = tpu.memref_slice %arg8[%dma_start3A_3011, %dma_start3A_3012] : memref<1024x64xbf16, #tpu.memory_space<vmem>> -> memref<128x64xbf16, #tpu.memory_space<vmem>>
    %dma_start3A_3014 = arith.constant 0 : i32
    %dma_start3A_3015 = tpu.memref_slice %arg11[%dma_start3A_3010, %dma_start3A_3014] : memref<10x128xi32, #tpu.memory_space<vmem>> -> memref<1x128xi32, #tpu.memory_space<vmem>>
    %dma_start3A_3016 = tpu.memref_squeeze %dma_start3A_3015 : memref<1x128xi32, #tpu.memory_space<vmem>> -> memref<128xi32, #tpu.memory_space<vmem>>
    %dma_start3A_3017 = arith.constant 0 : i32
    %dma_start3A_3018 = arith.constant 0 : i32
    %dma_start3A_3019 = tpu.memref_slice %arg12[%dma_start3A_3017, %dma_start3A_3018] : memref<40064x64xbf16, #tpu.memory_space<vmem_shared>> -> memref<40064x64xbf16, #tpu.memory_space<vmem_shared>>
    tpu.enqueue_indirect_dma source(%dma_start3A_3019 : memref<40064x64xbf16, #tpu.memory_space<vmem_shared>>) target(%dma_start3A_3013 : memref<128x64xbf16, #tpu.memory_space<vmem>>) offsets(%dma_start3A_3016 : memref<128xi32, #tpu.memory_space<vmem>>) semaphore(%arg13 : memref<!tpu.dma_semaphore, #tpu.memory_space<semaphore_mem>>)
    %dma_start3A_3020 = arith.constant 5 : i32
    %dma_start3A_3021 = arith.constant 640 : i32
    %dma_start3A_3022 = arith.constant 0 : i32
    %dma_start3A_3023 = tpu.memref_slice %arg8[%dma_start3A_3021, %dma_start3A_3022] : memref<1024x64xbf16, #tpu.memory_space<vmem>> -> memref<128x64xbf16, #tpu.memory_space<vmem>>
    %dma_start3A_3024 = arith.constant 0 : i32
    %dma_start3A_3025 = tpu.memref_slice %arg11[%dma_start3A_3020, %dma_start3A_3024] : memref<10x128xi32, #tpu.memory_space<vmem>> -> memref<1x128xi32, #tpu.memory_space<vmem>>
    %dma_start3A_3026 = tpu.memref_squeeze %dma_start3A_3025 : memref<1x128xi32, #tpu.memory_space<vmem>> -> memref<128xi32, #tpu.memory_space<vmem>>
    %dma_start3A_3027 = arith.constant 0 : i32
    %dma_start3A_3028 = arith.constant 0 : i32
    %dma_start3A_3029 = tpu.memref_slice %arg12[%dma_start3A_3027, %dma_start3A_3028] : memref<40064x64xbf16, #tpu.memory_space<vmem_shared>> -> memref<40064x64xbf16, #tpu.memory_space<vmem_shared>>
    tpu.enqueue_indirect_dma source(%dma_start3A_3029 : memref<40064x64xbf16, #tpu.memory_space<vmem_shared>>) target(%dma_start3A_3023 : memref<128x64xbf16, #tpu.memory_space<vmem>>) offsets(%dma_start3A_3026 : memref<128xi32, #tpu.memory_space<vmem>>) semaphore(%arg13 : memref<!tpu.dma_semaphore, #tpu.memory_space<semaphore_mem>>)
    %dma_start3A_3030 = arith.constant 6 : i32
    %dma_start3A_3031 = arith.constant 768 : i32
    %dma_start3A_3032 = arith.constant 0 : i32
    %dma_start3A_3033 = tpu.memref_slice %arg8[%dma_start3A_3031, %dma_start3A_3032] : memref<1024x64xbf16, #tpu.memory_space<vmem>> -> memref<128x64xbf16, #tpu.memory_space<vmem>>
    %dma_start3A_3034 = arith.constant 0 : i32
    %dma_start3A_3035 = tpu.memref_slice %arg11[%dma_start3A_3030, %dma_start3A_3034] : memref<10x128xi32, #tpu.memory_space<vmem>> -> memref<1x128xi32, #tpu.memory_space<vmem>>
    %dma_start3A_3036 = tpu.memref_squeeze %dma_start3A_3035 : memref<1x128xi32, #tpu.memory_space<vmem>> -> memref<128xi32, #tpu.memory_space<vmem>>
    %dma_start3A_3037 = arith.constant 0 : i32
    %dma_start3A_3038 = arith.constant 0 : i32
    %dma_start3A_3039 = tpu.memref_slice %arg12[%dma_start3A_3037, %dma_start3A_3038] : memref<40064x64xbf16, #tpu.memory_space<vmem_shared>> -> memref<40064x64xbf16, #tpu.memory_space<vmem_shared>>
    tpu.enqueue_indirect_dma source(%dma_start3A_3039 : memref<40064x64xbf16, #tpu.memory_space<vmem_shared>>) target(%dma_start3A_3033 : memref<128x64xbf16, #tpu.memory_space<vmem>>) offsets(%dma_start3A_3036 : memref<128xi32, #tpu.memory_space<vmem>>) semaphore(%arg13 : memref<!tpu.dma_semaphore, #tpu.memory_space<semaphore_mem>>)
    %dma_start3A_3040 = arith.constant 7 : i32
    %dma_start3A_3041 = arith.constant 896 : i32
    %dma_start3A_3042 = arith.constant 0 : i32
    %dma_start3A_3043 = tpu.memref_slice %arg8[%dma_start3A_3041, %dma_start3A_3042] : memref<1024x64xbf16, #tpu.memory_space<vmem>> -> memref<128x64xbf16, #tpu.memory_space<vmem>>
    %dma_start3A_3044 = arith.constant 0 : i32
    %dma_start3A_3045 = tpu.memref_slice %arg11[%dma_start3A_3040, %dma_start3A_3044] : memref<10x128xi32, #tpu.memory_space<vmem>> -> memref<1x128xi32, #tpu.memory_space<vmem>>
    %dma_start3A_3046 = tpu.memref_squeeze %dma_start3A_3045 : memref<1x128xi32, #tpu.memory_space<vmem>> -> memref<128xi32, #tpu.memory_space<vmem>>
    %dma_start3A_3047 = arith.constant 0 : i32
    %dma_start3A_3048 = arith.constant 0 : i32
    %dma_start3A_3049 = tpu.memref_slice %arg12[%dma_start3A_3047, %dma_start3A_3048] : memref<40064x64xbf16, #tpu.memory_space<vmem_shared>> -> memref<40064x64xbf16, #tpu.memory_space<vmem_shared>>
    tpu.enqueue_indirect_dma source(%dma_start3A_3049 : memref<40064x64xbf16, #tpu.memory_space<vmem_shared>>) target(%dma_start3A_3043 : memref<128x64xbf16, #tpu.memory_space<vmem>>) offsets(%dma_start3A_3046 : memref<128xi32, #tpu.memory_space<vmem>>) semaphore(%arg13 : memref<!tpu.dma_semaphore, #tpu.memory_space<semaphore_mem>>)
    %dma_wait3A_3050 = arith.constant 4 : i32
    %dma_wait3A_3051 = arith.constant 512 : i32
    %dma_wait3A_3052 = arith.constant 0 : i32
    %dma_wait3A_3053 = tpu.memref_slice %arg8[%dma_wait3A_3051, %dma_wait3A_3052] : memref<1024x64xbf16, #tpu.memory_space<vmem>> -> memref<128x64xbf16, #tpu.memory_space<vmem>>
    %dma_wait3A_3054 = arith.constant 0 : i32
    %dma_wait3A_3055 = tpu.memref_slice %arg11[%dma_wait3A_3050, %dma_wait3A_3054] : memref<10x128xi32, #tpu.memory_space<vmem>> -> memref<1x128xi32, #tpu.memory_space<vmem>>
    %dma_wait3A_3056 = tpu.memref_squeeze %dma_wait3A_3055 : memref<1x128xi32, #tpu.memory_space<vmem>> -> memref<128xi32, #tpu.memory_space<vmem>>
    %dma_wait3A_3057 = arith.constant 0 : i32
    %dma_wait3A_3058 = arith.constant 0 : i32
    %dma_wait3A_3059 = tpu.memref_slice %arg12[%dma_wait3A_3057, %dma_wait3A_3058] : memref<40064x64xbf16, #tpu.memory_space<vmem_shared>> -> memref<40064x64xbf16, #tpu.memory_space<vmem_shared>>
    tpu.wait_indirect_dma semaphore(%arg13 : memref<!tpu.dma_semaphore, #tpu.memory_space<semaphore_mem>>) src(%dma_wait3A_3059 : memref<40064x64xbf16, #tpu.memory_space<vmem_shared>>) dst(%dma_wait3A_3053 : memref<128x64xbf16, #tpu.memory_space<vmem>>)
    %dma_wait3A_3060 = arith.constant 5 : i32
    %dma_wait3A_3061 = arith.constant 640 : i32
    %dma_wait3A_3062 = arith.constant 0 : i32
    %dma_wait3A_3063 = tpu.memref_slice %arg8[%dma_wait3A_3061, %dma_wait3A_3062] : memref<1024x64xbf16, #tpu.memory_space<vmem>> -> memref<128x64xbf16, #tpu.memory_space<vmem>>
    %dma_wait3A_3064 = arith.constant 0 : i32
    %dma_wait3A_3065 = tpu.memref_slice %arg11[%dma_wait3A_3060, %dma_wait3A_3064] : memref<10x128xi32, #tpu.memory_space<vmem>> -> memref<1x128xi32, #tpu.memory_space<vmem>>
    %dma_wait3A_3066 = tpu.memref_squeeze %dma_wait3A_3065 : memref<1x128xi32, #tpu.memory_space<vmem>> -> memref<128xi32, #tpu.memory_space<vmem>>
    %dma_wait3A_3067 = arith.constant 0 : i32
    %dma_wait3A_3068 = arith.constant 0 : i32
    %dma_wait3A_3069 = tpu.memref_slice %arg12[%dma_wait3A_3067, %dma_wait3A_3068] : memref<40064x64xbf16, #tpu.memory_space<vmem_shared>> -> memref<40064x64xbf16, #tpu.memory_space<vmem_shared>>
    tpu.wait_indirect_dma semaphore(%arg13 : memref<!tpu.dma_semaphore, #tpu.memory_space<semaphore_mem>>) src(%dma_wait3A_3069 : memref<40064x64xbf16, #tpu.memory_space<vmem_shared>>) dst(%dma_wait3A_3063 : memref<128x64xbf16, #tpu.memory_space<vmem>>)
    %dma_wait3A_3070 = arith.constant 6 : i32
    %dma_wait3A_3071 = arith.constant 768 : i32
    %dma_wait3A_3072 = arith.constant 0 : i32
    %dma_wait3A_3073 = tpu.memref_slice %arg8[%dma_wait3A_3071, %dma_wait3A_3072] : memref<1024x64xbf16, #tpu.memory_space<vmem>> -> memref<128x64xbf16, #tpu.memory_space<vmem>>
    %dma_wait3A_3074 = arith.constant 0 : i32
    %dma_wait3A_3075 = tpu.memref_slice %arg11[%dma_wait3A_3070, %dma_wait3A_3074] : memref<10x128xi32, #tpu.memory_space<vmem>> -> memref<1x128xi32, #tpu.memory_space<vmem>>
    %dma_wait3A_3076 = tpu.memref_squeeze %dma_wait3A_3075 : memref<1x128xi32, #tpu.memory_space<vmem>> -> memref<128xi32, #tpu.memory_space<vmem>>
    %dma_wait3A_3077 = arith.constant 0 : i32
    %dma_wait3A_3078 = arith.constant 0 : i32
    %dma_wait3A_3079 = tpu.memref_slice %arg12[%dma_wait3A_3077, %dma_wait3A_3078] : memref<40064x64xbf16, #tpu.memory_space<vmem_shared>> -> memref<40064x64xbf16, #tpu.memory_space<vmem_shared>>
    tpu.wait_indirect_dma semaphore(%arg13 : memref<!tpu.dma_semaphore, #tpu.memory_space<semaphore_mem>>) src(%dma_wait3A_3079 : memref<40064x64xbf16, #tpu.memory_space<vmem_shared>>) dst(%dma_wait3A_3073 : memref<128x64xbf16, #tpu.memory_space<vmem>>)
    %dma_wait3A_3080 = arith.constant 7 : i32
    %dma_wait3A_3081 = arith.constant 896 : i32
    %dma_wait3A_3082 = arith.constant 0 : i32
    %dma_wait3A_3083 = tpu.memref_slice %arg8[%dma_wait3A_3081, %dma_wait3A_3082] : memref<1024x64xbf16, #tpu.memory_space<vmem>> -> memref<128x64xbf16, #tpu.memory_space<vmem>>
    %dma_wait3A_3084 = arith.constant 0 : i32
    %dma_wait3A_3085 = tpu.memref_slice %arg11[%dma_wait3A_3080, %dma_wait3A_3084] : memref<10x128xi32, #tpu.memory_space<vmem>> -> memref<1x128xi32, #tpu.memory_space<vmem>>
    %dma_wait3A_3086 = tpu.memref_squeeze %dma_wait3A_3085 : memref<1x128xi32, #tpu.memory_space<vmem>> -> memref<128xi32, #tpu.memory_space<vmem>>
    %dma_wait3A_3087 = arith.constant 0 : i32
    %dma_wait3A_3088 = arith.constant 0 : i32
    %dma_wait3A_3089 = tpu.memref_slice %arg12[%dma_wait3A_3087, %dma_wait3A_3088] : memref<40064x64xbf16, #tpu.memory_space<vmem_shared>> -> memref<40064x64xbf16, #tpu.memory_space<vmem_shared>>
    tpu.wait_indirect_dma semaphore(%arg13 : memref<!tpu.dma_semaphore, #tpu.memory_space<semaphore_mem>>) src(%dma_wait3A_3089 : memref<40064x64xbf16, #tpu.memory_space<vmem_shared>>) dst(%dma_wait3A_3083 : memref<128x64xbf16, #tpu.memory_space<vmem>>)
    %mul3A_3090 = arith.constant 1250 : i32
    %mul3A_3091 = arith.muli %arg1, %mul3A_3090 : i32
    %add3A_3092 = arith.constant 512 : i32
    %add3A_3093 = arith.addi %mul3A_3091, %add3A_3092 : i32
    %dma_start3A_3094 = arith.constant 512 : i32
    %dma_start3A_3095 = arith.constant 0 : i32
    %dma_start3A_3096 = tpu.memref_slice %arg8[%dma_start3A_3094, %dma_start3A_3095] : memref<1024x64xbf16, #tpu.memory_space<vmem>> -> memref<512x64xbf16, #tpu.memory_space<vmem>>
    %dma_start3A_3097 = tpu.memref_slice %arg7[%add3A_3093, %mul3A_0] : memref<20000x128xbf16, #tpu.memory_space<hbm>> -> memref<512x64xbf16, #tpu.memory_space<hbm>>
    %dma_start3A_3098 = tpu.memref_slice %arg7[%add3A_3093, %mul3A_0] : memref<20000x128xbf16, #tpu.memory_space<hbm>> -> memref<512x64xbf16, #tpu.memory_space<hbm>>
    %dma_start3A_3099 = arith.constant 512 : i32
    %dma_start3A_3100 = arith.constant 0 : i32
    %dma_start3A_3101 = tpu.memref_slice %arg8[%dma_start3A_3099, %dma_start3A_3100] : memref<1024x64xbf16, #tpu.memory_space<vmem>> -> memref<512x64xbf16, #tpu.memory_space<vmem>>
    tpu.enqueue_dma source(%dma_start3A_3101 : memref<512x64xbf16, #tpu.memory_space<vmem>>) target(%dma_start3A_3098 : memref<512x64xbf16, #tpu.memory_space<hbm>>) target_semaphore(%arg14 : memref<!tpu.dma_semaphore, #tpu.memory_space<semaphore_mem>>)
    %dma_wait3A_3102 = arith.constant 0 : i32
    %dma_wait3A_3103 = arith.constant 0 : i32
    %dma_wait3A_3104 = tpu.memref_slice %arg8[%dma_wait3A_3102, %dma_wait3A_3103] : memref<1024x64xbf16, #tpu.memory_space<vmem>> -> memref<512x64xbf16, #tpu.memory_space<vmem>>
    %dma_wait3A_3105 = tpu.memref_slice %arg7[%add3A_3001, %mul3A_0] : memref<20000x128xbf16, #tpu.memory_space<hbm>> -> memref<512x64xbf16, #tpu.memory_space<hbm>>
    %dma_wait3A_3106 = tpu.memref_slice %arg7[%add3A_3001, %mul3A_0] : memref<20000x128xbf16, #tpu.memory_space<hbm>> -> memref<512x64xbf16, #tpu.memory_space<hbm>>
    %dma_wait3A_3107 = arith.constant 0 : i32
    %dma_wait3A_3108 = arith.constant 0 : i32
    %dma_wait3A_3109 = tpu.memref_slice %arg8[%dma_wait3A_3107, %dma_wait3A_3108] : memref<1024x64xbf16, #tpu.memory_space<vmem>> -> memref<512x64xbf16, #tpu.memory_space<vmem>>
    tpu.wait_dma2 semaphore(%arg14 : memref<!tpu.dma_semaphore, #tpu.memory_space<semaphore_mem>>) src(%dma_wait3A_3109 : memref<512x64xbf16, #tpu.memory_space<vmem>>) dst(%dma_wait3A_3106 : memref<512x64xbf16, #tpu.memory_space<hbm>>)
    %dma_start3A_3110 = arith.constant 8 : i32
    %dma_start3A_3111 = arith.constant 0 : i32
    %dma_start3A_3112 = arith.constant 0 : i32
    %dma_start3A_3113 = tpu.memref_slice %arg8[%dma_start3A_3111, %dma_start3A_3112] : memref<1024x64xbf16, #tpu.memory_space<vmem>> -> memref<128x64xbf16, #tpu.memory_space<vmem>>
    %dma_start3A_3114 = arith.constant 0 : i32
    %dma_start3A_3115 = tpu.memref_slice %arg11[%dma_start3A_3110, %dma_start3A_3114] : memref<10x128xi32, #tpu.memory_space<vmem>> -> memref<1x128xi32, #tpu.memory_space<vmem>>
    %dma_start3A_3116 = tpu.memref_squeeze %dma_start3A_3115 : memref<1x128xi32, #tpu.memory_space<vmem>> -> memref<128xi32, #tpu.memory_space<vmem>>
    %dma_start3A_3117 = arith.constant 0 : i32
    %dma_start3A_3118 = arith.constant 0 : i32
    %dma_start3A_3119 = tpu.memref_slice %arg12[%dma_start3A_3117, %dma_start3A_3118] : memref<40064x64xbf16, #tpu.memory_space<vmem_shared>> -> memref<40064x64xbf16, #tpu.memory_space<vmem_shared>>
    tpu.enqueue_indirect_dma source(%dma_start3A_3119 : memref<40064x64xbf16, #tpu.memory_space<vmem_shared>>) target(%dma_start3A_3113 : memref<128x64xbf16, #tpu.memory_space<vmem>>) offsets(%dma_start3A_3116 : memref<128xi32, #tpu.memory_space<vmem>>) semaphore(%arg13 : memref<!tpu.dma_semaphore, #tpu.memory_space<semaphore_mem>>)
    %dma_start3A_3120 = arith.constant 9 : i32
    %dma_start3A_3121 = arith.constant 128 : i32
    %dma_start3A_3122 = arith.constant 0 : i32
    %dma_start3A_3123 = tpu.memref_slice %arg8[%dma_start3A_3121, %dma_start3A_3122] : memref<1024x64xbf16, #tpu.memory_space<vmem>> -> memref<128x64xbf16, #tpu.memory_space<vmem>>
    %dma_start3A_3124 = arith.constant 0 : i32
    %dma_start3A_3125 = tpu.memref_slice %arg11[%dma_start3A_3120, %dma_start3A_3124] : memref<10x128xi32, #tpu.memory_space<vmem>> -> memref<1x128xi32, #tpu.memory_space<vmem>>
    %dma_start3A_3126 = tpu.memref_squeeze %dma_start3A_3125 : memref<1x128xi32, #tpu.memory_space<vmem>> -> memref<128xi32, #tpu.memory_space<vmem>>
    %dma_start3A_3127 = arith.constant 0 : i32
    %dma_start3A_3128 = arith.constant 0 : i32
    %dma_start3A_3129 = tpu.memref_slice %arg12[%dma_start3A_3127, %dma_start3A_3128] : memref<40064x64xbf16, #tpu.memory_space<vmem_shared>> -> memref<40064x64xbf16, #tpu.memory_space<vmem_shared>>
    tpu.enqueue_indirect_dma source(%dma_start3A_3129 : memref<40064x64xbf16, #tpu.memory_space<vmem_shared>>) target(%dma_start3A_3123 : memref<128x64xbf16, #tpu.memory_space<vmem>>) offsets(%dma_start3A_3126 : memref<128xi32, #tpu.memory_space<vmem>>) semaphore(%arg13 : memref<!tpu.dma_semaphore, #tpu.memory_space<semaphore_mem>>)
    %dma_wait3A_3130 = arith.constant 8 : i32
    %dma_wait3A_3131 = arith.constant 0 : i32
    %dma_wait3A_3132 = arith.constant 0 : i32
    %dma_wait3A_3133 = tpu.memref_slice %arg8[%dma_wait3A_3131, %dma_wait3A_3132] : memref<1024x64xbf16, #tpu.memory_space<vmem>> -> memref<128x64xbf16, #tpu.memory_space<vmem>>
    %dma_wait3A_3134 = arith.constant 0 : i32
    %dma_wait3A_3135 = tpu.memref_slice %arg11[%dma_wait3A_3130, %dma_wait3A_3134] : memref<10x128xi32, #tpu.memory_space<vmem>> -> memref<1x128xi32, #tpu.memory_space<vmem>>
    %dma_wait3A_3136 = tpu.memref_squeeze %dma_wait3A_3135 : memref<1x128xi32, #tpu.memory_space<vmem>> -> memref<128xi32, #tpu.memory_space<vmem>>
    %dma_wait3A_3137 = arith.constant 0 : i32
    %dma_wait3A_3138 = arith.constant 0 : i32
    %dma_wait3A_3139 = tpu.memref_slice %arg12[%dma_wait3A_3137, %dma_wait3A_3138] : memref<40064x64xbf16, #tpu.memory_space<vmem_shared>> -> memref<40064x64xbf16, #tpu.memory_space<vmem_shared>>
    tpu.wait_indirect_dma semaphore(%arg13 : memref<!tpu.dma_semaphore, #tpu.memory_space<semaphore_mem>>) src(%dma_wait3A_3139 : memref<40064x64xbf16, #tpu.memory_space<vmem_shared>>) dst(%dma_wait3A_3133 : memref<128x64xbf16, #tpu.memory_space<vmem>>)
    %dma_wait3A_3140 = arith.constant 9 : i32
    %dma_wait3A_3141 = arith.constant 128 : i32
    %dma_wait3A_3142 = arith.constant 0 : i32
    %dma_wait3A_3143 = tpu.memref_slice %arg8[%dma_wait3A_3141, %dma_wait3A_3142] : memref<1024x64xbf16, #tpu.memory_space<vmem>> -> memref<128x64xbf16, #tpu.memory_space<vmem>>
    %dma_wait3A_3144 = arith.constant 0 : i32
    %dma_wait3A_3145 = tpu.memref_slice %arg11[%dma_wait3A_3140, %dma_wait3A_3144] : memref<10x128xi32, #tpu.memory_space<vmem>> -> memref<1x128xi32, #tpu.memory_space<vmem>>
    %dma_wait3A_3146 = tpu.memref_squeeze %dma_wait3A_3145 : memref<1x128xi32, #tpu.memory_space<vmem>> -> memref<128xi32, #tpu.memory_space<vmem>>
    %dma_wait3A_3147 = arith.constant 0 : i32
    %dma_wait3A_3148 = arith.constant 0 : i32
    %dma_wait3A_3149 = tpu.memref_slice %arg12[%dma_wait3A_3147, %dma_wait3A_3148] : memref<40064x64xbf16, #tpu.memory_space<vmem_shared>> -> memref<40064x64xbf16, #tpu.memory_space<vmem_shared>>
    tpu.wait_indirect_dma semaphore(%arg13 : memref<!tpu.dma_semaphore, #tpu.memory_space<semaphore_mem>>) src(%dma_wait3A_3149 : memref<40064x64xbf16, #tpu.memory_space<vmem_shared>>) dst(%dma_wait3A_3143 : memref<128x64xbf16, #tpu.memory_space<vmem>>)
    %mul3A_3150 = arith.constant 1250 : i32
    %mul3A_3151 = arith.muli %arg1, %mul3A_3150 : i32
    %add3A_3152 = arith.constant 1024 : i32
    %add3A_3153 = arith.addi %mul3A_3151, %add3A_3152 : i32
    %dma_start3A_3154 = arith.constant 0 : i32
    %dma_start3A_3155 = arith.constant 0 : i32
    %dma_start3A_3156 = tpu.memref_slice %arg8[%dma_start3A_3154, %dma_start3A_3155] : memref<1024x64xbf16, #tpu.memory_space<vmem>> -> memref<226x64xbf16, #tpu.memory_space<vmem>>
    %dma_start3A_3157 = tpu.memref_slice %arg7[%add3A_3153, %mul3A_0] : memref<20000x128xbf16, #tpu.memory_space<hbm>> -> memref<226x64xbf16, #tpu.memory_space<hbm>>
    %dma_start3A_3158 = tpu.memref_slice %arg7[%add3A_3153, %mul3A_0] : memref<20000x128xbf16, #tpu.memory_space<hbm>> -> memref<226x64xbf16, #tpu.memory_space<hbm>>
    %dma_start3A_3159 = arith.constant 0 : i32
    %dma_start3A_3160 = arith.constant 0 : i32
    %dma_start3A_3161 = tpu.memref_slice %arg8[%dma_start3A_3159, %dma_start3A_3160] : memref<1024x64xbf16, #tpu.memory_space<vmem>> -> memref<226x64xbf16, #tpu.memory_space<vmem>>
    tpu.enqueue_dma source(%dma_start3A_3161 : memref<226x64xbf16, #tpu.memory_space<vmem>>) target(%dma_start3A_3158 : memref<226x64xbf16, #tpu.memory_space<hbm>>) target_semaphore(%arg14 : memref<!tpu.dma_semaphore, #tpu.memory_space<semaphore_mem>>)
    %dma_wait3A_3162 = arith.constant 512 : i32
    %dma_wait3A_3163 = arith.constant 0 : i32
    %dma_wait3A_3164 = tpu.memref_slice %arg8[%dma_wait3A_3162, %dma_wait3A_3163] : memref<1024x64xbf16, #tpu.memory_space<vmem>> -> memref<512x64xbf16, #tpu.memory_space<vmem>>
    %dma_wait3A_3165 = tpu.memref_slice %arg7[%add3A_3093, %mul3A_0] : memref<20000x128xbf16, #tpu.memory_space<hbm>> -> memref<512x64xbf16, #tpu.memory_space<hbm>>
    %dma_wait3A_3166 = tpu.memref_slice %arg7[%add3A_3093, %mul3A_0] : memref<20000x128xbf16, #tpu.memory_space<hbm>> -> memref<512x64xbf16, #tpu.memory_space<hbm>>
    %dma_wait3A_3167 = arith.constant 512 : i32
    %dma_wait3A_3168 = arith.constant 0 : i32
    %dma_wait3A_3169 = tpu.memref_slice %arg8[%dma_wait3A_3167, %dma_wait3A_3168] : memref<1024x64xbf16, #tpu.memory_space<vmem>> -> memref<512x64xbf16, #tpu.memory_space<vmem>>
    tpu.wait_dma2 semaphore(%arg14 : memref<!tpu.dma_semaphore, #tpu.memory_space<semaphore_mem>>) src(%dma_wait3A_3169 : memref<512x64xbf16, #tpu.memory_space<vmem>>) dst(%dma_wait3A_3166 : memref<512x64xbf16, #tpu.memory_space<hbm>>)
    %dma_wait3A_3170 = arith.constant 0 : i32
    %dma_wait3A_3171 = arith.constant 0 : i32
    %dma_wait3A_3172 = tpu.memref_slice %arg8[%dma_wait3A_3170, %dma_wait3A_3171] : memref<1024x64xbf16, #tpu.memory_space<vmem>> -> memref<226x64xbf16, #tpu.memory_space<vmem>>
    %dma_wait3A_3173 = tpu.memref_slice %arg7[%add3A_3153, %mul3A_0] : memref<20000x128xbf16, #tpu.memory_space<hbm>> -> memref<226x64xbf16, #tpu.memory_space<hbm>>
    %dma_wait3A_3174 = tpu.memref_slice %arg7[%add3A_3153, %mul3A_0] : memref<20000x128xbf16, #tpu.memory_space<hbm>> -> memref<226x64xbf16, #tpu.memory_space<hbm>>
    %dma_wait3A_3175 = arith.constant 0 : i32
    %dma_wait3A_3176 = arith.constant 0 : i32
    %dma_wait3A_3177 = tpu.memref_slice %arg8[%dma_wait3A_3175, %dma_wait3A_3176] : memref<1024x64xbf16, #tpu.memory_space<vmem>> -> memref<226x64xbf16, #tpu.memory_space<vmem>>
    tpu.wait_dma2 semaphore(%arg14 : memref<!tpu.dma_semaphore, #tpu.memory_space<semaphore_mem>>) src(%dma_wait3A_3177 : memref<226x64xbf16, #tpu.memory_space<vmem>>) dst(%dma_wait3A_3174 : memref<226x64xbf16, #tpu.memory_space<hbm>>)
    return
  }
}

module attributes {stable_mosaic.version = 14 : i64} {
  func.func @_dense_body(%arg0: i32, %arg1: memref<2000x128xf32, #tpu.memory_space<vmem>>, %arg2: memref<2000x128xf32, #tpu.memory_space<vmem>>, %arg3: memref<2x256x64xf32, #tpu.memory_space<vmem>>, %arg4: memref<256x128xf32, #tpu.memory_space<vmem>>, %arg5: memref<1x128xf32, #tpu.memory_space<vmem>>, %arg6: memref<2x2000x64xbf16, #tpu.memory_space<vmem>>, %arg7: memref<2000x128xbf16, #tpu.memory_space<vmem>>) attributes {dimension_semantics = [#tpu.dimension_semantics<arbitrary>], iteration_bounds = array<i64: 5>, scalar_prefetch = 0 : i64, scratch_operands = 0 : i64, tpu.core_type = #tpu.core_type<tc>, window_params = [{transform_indices = @transform_0, window_bounds = array<i64: 2000, 128>}, {transform_indices = @transform_1, window_bounds = array<i64: 2000, 128>}, {pipeline_mode = #tpu.pipeline_mode<synchronous>, transform_indices = @transform_2, window_bounds = array<i64: 2, 256, 64>}, {pipeline_mode = #tpu.pipeline_mode<synchronous>, transform_indices = @transform_3, window_bounds = array<i64: 256, 128>}, {pipeline_mode = #tpu.pipeline_mode<synchronous>, transform_indices = @transform_4, window_bounds = array<i64: 1, 128>}, {transform_indices = @transform_5, window_bounds = array<i64: 2, 2000, 64>}, {transform_indices = @transform_6, window_bounds = array<i64: 2000, 128>}]} {
    %get3A = arith.constant 0 : index
    %get3A_0 = arith.constant 0 : index
    %get3A_1 = vector.load %arg1[%get3A, %get3A_0] : memref<2000x128xf32, #tpu.memory_space<vmem>>, vector<2000x128xf32>
    %get3A_2 = arith.constant 0 : index
    %get3A_3 = arith.constant 0 : index
    %get3A_4 = vector.load %arg2[%get3A_2, %get3A_3] : memref<2000x128xf32, #tpu.memory_space<vmem>>, vector<2000x128xf32>
    %concatenate3A = tpu.concatenate %get3A_1, %get3A_4 in 1 : vector<2000x128xf32>, vector<2000x128xf32> -> vector<2000x256xf32>
    %get3A_5 = arith.constant 0 : index
    %get3A_6 = arith.constant 0 : index
    %get3A_7 = arith.constant 0 : index
    %get3A_8 = vector.load %arg3[%get3A_5, %get3A_6, %get3A_7] : memref<2x256x64xf32, #tpu.memory_space<vmem>>, vector<1x256x64xf32>
    %get3A_9 = vector.shape_cast %get3A_8 : vector<1x256x64xf32> to vector<256x64xf32>
    %dot_general3A = arith.constant dense<0.000000e+00> : vector<2000x64xf32>
    %dot_general3A_10 = tpu.matmul %concatenate3A, %get3A_9, %dot_general3A {dimension_numbers = #tpu.dot_dimension_numbers<[1], [0], [0], [1], [0, 0, 1, 1], [], []>, transpose_lhs_hint = false} : vector<2000x256xf32>, vector<256x64xf32>, vector<2000x64xf32> -> vector<2000x64xf32>
    %convert_element_type3A = arith.truncf %dot_general3A_10 : vector<2000x64xf32> to vector<2000x64xbf16>
    %swap3A = arith.constant 0 : index
    %swap3A_11 = arith.constant 0 : index
    %swap3A_12 = arith.constant 0 : index
    %swap3A_13 = vector.load %arg6[%swap3A, %swap3A_11, %swap3A_12] : memref<2x2000x64xbf16, #tpu.memory_space<vmem>>, vector<1x2000x64xbf16>
    %swap3A_14 = vector.shape_cast %swap3A_13 : vector<1x2000x64xbf16> to vector<2000x64xbf16>
    %swap3A_15 = vector.shape_cast %convert_element_type3A : vector<2000x64xbf16> to vector<1x2000x64xbf16>
    tpu.vector_store %arg6[%swap3A, %swap3A_11, %swap3A_12], %swap3A_15 {strides = array<i32>} : memref<2x2000x64xbf16, #tpu.memory_space<vmem>>, vector<1x2000x64xbf16>,
    %get3A_16 = arith.constant 1 : index
    %get3A_17 = arith.constant 0 : index
    %get3A_18 = arith.constant 0 : index
    %get3A_19 = vector.load %arg3[%get3A_16, %get3A_17, %get3A_18] : memref<2x256x64xf32, #tpu.memory_space<vmem>>, vector<1x256x64xf32>
    %get3A_20 = vector.shape_cast %get3A_19 : vector<1x256x64xf32> to vector<256x64xf32>
    %dot_general3A_21 = arith.constant dense<0.000000e+00> : vector<2000x64xf32>
    %dot_general3A_22 = tpu.matmul %concatenate3A, %get3A_20, %dot_general3A_21 {dimension_numbers = #tpu.dot_dimension_numbers<[1], [0], [0], [1], [0, 0, 1, 1], [], []>, transpose_lhs_hint = false} : vector<2000x256xf32>, vector<256x64xf32>, vector<2000x64xf32> -> vector<2000x64xf32>
    %convert_element_type3A_23 = arith.truncf %dot_general3A_22 : vector<2000x64xf32> to vector<2000x64xbf16>
    %swap3A_24 = arith.constant 1 : index
    %swap3A_25 = arith.constant 0 : index
    %swap3A_26 = arith.constant 0 : index
    %swap3A_27 = vector.load %arg6[%swap3A_24, %swap3A_25, %swap3A_26] : memref<2x2000x64xbf16, #tpu.memory_space<vmem>>, vector<1x2000x64xbf16>
    %swap3A_28 = vector.shape_cast %swap3A_27 : vector<1x2000x64xbf16> to vector<2000x64xbf16>
    %swap3A_29 = vector.shape_cast %convert_element_type3A_23 : vector<2000x64xbf16> to vector<1x2000x64xbf16>
    tpu.vector_store %arg6[%swap3A_24, %swap3A_25, %swap3A_26], %swap3A_29 {strides = array<i32>} : memref<2x2000x64xbf16, #tpu.memory_space<vmem>>, vector<1x2000x64xbf16>,
    %get3A_30 = arith.constant 0 : index
    %get3A_31 = arith.constant 0 : index
    %get3A_32 = vector.load %arg4[%get3A_30, %get3A_31] : memref<256x128xf32, #tpu.memory_space<vmem>>, vector<256x128xf32>
    %dot_general3A_33 = arith.constant dense<0.000000e+00> : vector<2000x128xf32>
    %dot_general3A_34 = tpu.matmul %concatenate3A, %get3A_32, %dot_general3A_33 {dimension_numbers = #tpu.dot_dimension_numbers<[1], [0], [0], [1], [0, 0, 1, 1], [], []>, transpose_lhs_hint = false} : vector<2000x256xf32>, vector<256x128xf32>, vector<2000x128xf32> -> vector<2000x128xf32>
    %get3A_35 = arith.constant 0 : index
    %get3A_36 = arith.constant 0 : index
    %get3A_37 = vector.load %arg5[%get3A_35, %get3A_36] : memref<1x128xf32, #tpu.memory_space<vmem>>, vector<1x128xf32>
    %add3A = vector.broadcast %get3A_37 : vector<1x128xf32> to vector<2000x128xf32>
    %add3A_38 = arith.addf %dot_general3A_34, %add3A : vector<2000x128xf32>
    %convert_element_type3A_39 = arith.truncf %add3A_38 : vector<2000x128xf32> to vector<2000x128xbf16>
    %swap3A_40 = arith.constant 0 : index
    %swap3A_41 = arith.constant 0 : index
    %swap3A_42 = vector.load %arg7[%swap3A_40, %swap3A_41] : memref<2000x128xbf16, #tpu.memory_space<vmem>>, vector<2000x128xbf16>
    tpu.vector_store %arg7[%swap3A_40, %swap3A_41], %convert_element_type3A_39 {strides = array<i32>} : memref<2000x128xbf16, #tpu.memory_space<vmem>>, vector<2000x128xbf16>,
    return
  }
  func.func @transform_0(%arg0: i32) -> (i32, i32) {
    %c0_i32 = arith.constant 0 : i32
    %c0_i32_0 = arith.constant 0 : i32
    return %arg0, %c0_i32 : i32, i32
  }
  func.func @transform_1(%arg0: i32) -> (i32, i32) {
    %c0_i32 = arith.constant 0 : i32
    %c0_i32_0 = arith.constant 0 : i32
    return %arg0, %c0_i32 : i32, i32
  }
  func.func @transform_2(%arg0: i32) -> (i32, i32, i32) {
    %c0_i32 = arith.constant 0 : i32
    %c0_i32_0 = arith.constant 0 : i32
    %c0_i32_1 = arith.constant 0 : i32
    %c0_i32_2 = arith.constant 0 : i32
    return %c0_i32, %c0_i32_0, %c0_i32_1 : i32, i32, i32
  }
  func.func @transform_3(%arg0: i32) -> (i32, i32) {
    %c0_i32 = arith.constant 0 : i32
    %c0_i32_0 = arith.constant 0 : i32
    %c0_i32_1 = arith.constant 0 : i32
    return %c0_i32, %c0_i32_0 : i32, i32
  }
  func.func @transform_4(%arg0: i32) -> (i32, i32) {
    %c0_i32 = arith.constant 0 : i32
    %c0_i32_0 = arith.constant 0 : i32
    %c0_i32_1 = arith.constant 0 : i32
    return %c0_i32, %c0_i32_0 : i32, i32
  }
  func.func @transform_5(%arg0: i32) -> (i32, i32, i32) {
    %c0_i32 = arith.constant 0 : i32
    %c0_i32_0 = arith.constant 0 : i32
    %c0_i32_1 = arith.constant 0 : i32
    return %c0_i32, %arg0, %c0_i32_0 : i32, i32, i32
  }
  func.func @transform_6(%arg0: i32) -> (i32, i32) {
    %c0_i32 = arith.constant 0 : i32
    %c0_i32_0 = arith.constant 0 : i32
    return %arg0, %c0_i32 : i32, i32
  }
}

module attributes {stable_mosaic.version = 14 : i64} {
  func.func @_transpose_body(%arg0: i32, %arg1: memref<2560x128xbf16, #tpu.memory_space<vmem>>, %arg2: memref<128x2560xf32, #tpu.memory_space<vmem>>) attributes {dimension_semantics = [#tpu.dimension_semantics<arbitrary>], iteration_bounds = array<i64: 8>, scalar_prefetch = 0 : i64, scratch_operands = 0 : i64, tpu.core_type = #tpu.core_type<tc>, window_params = [{transform_indices = @transform_0, window_bounds = array<i64: 2560, 128>}, {transform_indices = @transform_1, window_bounds = array<i64: 128, 2560>}]} {
    %get3A = arith.constant 0 : index
    %get3A_0 = arith.constant 0 : index
    %get3A_1 = vector.load %arg1[%get3A, %get3A_0] : memref<2560x128xbf16, #tpu.memory_space<vmem>>, vector<2560x128xbf16>
    %convert_element_type3A = arith.extf %get3A_1 : vector<2560x128xbf16> to vector<2560x128xf32>
    %transpose3A = tpu.transpose %convert_element_type3A, [1, 0] : vector<2560x128xf32> -> vector<128x2560xf32>
    %swap3A = arith.constant 0 : index
    %swap3A_2 = arith.constant 0 : index
    %swap3A_3 = vector.load %arg2[%swap3A, %swap3A_2] : memref<128x2560xf32, #tpu.memory_space<vmem>>, vector<128x2560xf32>
    tpu.vector_store %arg2[%swap3A, %swap3A_2], %transpose3A {strides = array<i32>} : memref<128x2560xf32, #tpu.memory_space<vmem>>, vector<128x2560xf32>,
    return
  }
  func.func @transform_0(%arg0: i32) -> (i32, i32) {
    %c0_i32 = arith.constant 0 : i32
    %c0_i32_0 = arith.constant 0 : i32
    return %arg0, %c0_i32 : i32, i32
  }
  func.func @transform_1(%arg0: i32) -> (i32, i32) {
    %c0_i32 = arith.constant 0 : i32
    %c0_i32_0 = arith.constant 0 : i32
    return %c0_i32, %arg0 : i32, i32
  }
}

</mosaic_0001>

<sc_bundles>
// kernel: kernel.5.cloned.1.call-start
scs
__scs_entry_jumppad:
0x0: {  	(pc) =	sbr.rel $0x88, $3  }
0x1: {  	(tag) =	ssettag $0x0;
	lr =	simm.s32 $0x1  }
0x2: {  	[smem:$0x3F99] =	sst lr;
	_ =	strace $0xD0000000  }
0x3: {  	_ = 	snop  }
0x4: {  	_ = 	snop  }
0x5: {  	_ = 	snop  }
0x6: {  	_ = 	snop  }
0x7: {  	_ = 	snop  }
__scs_overlays_trampoline_lowered:
0x8: {  	[smem:$0x3FA8] =	sst s0  }
0x9: {  	[smem:$0x3FA9] =	sst s1  }
0xa: {  	[smem:$0x3FAA] =	sst s2  }
0xb: {  	[smem:$0x3FAB] =	sst s3  }
0xc: {  	[smem:$0x3FAC] =	sst s4  }
0xd: {  	[smem:$0x3FAD] =	sst s5  }
0xe: {  	[smem:$0x3FAE] =	sst s6  }
0xf: {  	[smem:$0x3FAF] =	sst s7  }
0x10: {  	[smem:$0x3FB0] =	sst s8  }
0x11: {  	[smem:$0x3FB1] =	sst s9;
	s0 =	simm.s32 @!p0 $0x0  }
0x12: {  	s1 =	sld [smem:$0x3F97];
	s0 =	simm.s32 @p0 $0x1  }
0x13: {  	[smem:$0x3FB2] =	sst s0;
	s0 =	simm.s32 @!p1 $0x0  }
0x14: {  	s2 =	sld [smem:$0x3F96];
	s0 =	simm.s32 @p1 $0x1  }
0x15: {  	[smem:$0x3FB3] =	sst s0;
	s0 =	simm.s32 @!p2 $0x0  }
0x16: {  	s3 =	sld [smem:$0x3FDB];
	s0 =	simm.s32 @p2 $0x1  }
0x17: {  	s4 =	simm.s32 $0x1BF5;
	[smem:$0x3FB5] =	sst s0  }
0x18: {  	s0 =	sld [smem:$0x3F98];
	_ =	swait.ge [sflag:s4], $0x0  }
0x19: {  	s7 =	sld [smem:$0x3F99]  }
0x1a: {  	s8 =	sadd.s32 $0xFFFFE003, lr  }
0x1b: {  	s9 =	sadd.s32 $0xFFFFFEF7, lr;
	s5 =	simm.s32 $0xFFFFFFFF;
	p2 =	slt.u32 s8, $0xFFFFF086  }
0x1c: {  	p1 =	slt.u32 s9, $0xF7A;
	s5 =	simm.s32 @!p2 $0x0  }
0x1d: {  	s5 =	simm.s32 @p1 $0x1;
	p0 =	seq.s32 s7, s2  }
0x1e: {  	s7 =	smul.u32 @!p0 $0xF7A, s2;
	p2 =	seq.s32 @!p0 s5, $0x0  }
0x1f: {  	s9 =	smul.u32 $0xF7A, s1;
	s8 =	simm.s32 @!p0 $0x1BF5;
	p2 =	por !p2, p0  }
0x20: {  	[sflag:s8] =	ssyncset.s32 @!p0 $0xFFFFF086;
	s6 =	sadd.s32 @!p0 s3, s7;
	s7 =	simm.s32 @!p0 $0x108  }
0x21: {  	s3 =	sadd.s32 s3, s9;
	s6 =	sadd.s32 @!p0 $0x88, s6;
	s7 =	simm.s32 @p2 $0x1082  }
0x22: {  	[simem:s7], [sflag:s8] =	dma.local @!p0 [hbm:s6], $0xF7A  }
0x23: {  	s9 =	sor.u32 $0xD0000000, s2;
	s6 =	simm.s32 $0x108;
	_ =	swait.ge @!p0 [sflag:s8], $0x0  }
0x24: {  	s3 =	sadd.s32 $0x88, s3;
	s6 =	simm.s32 @!p1 $0x1082;
	[sflag:s4] =	ssyncset.s32 $0xFFFFF086  }
0x25: {  	[simem:s6], [sflag:s4] =	dma.local [hbm:s3], $0xF7A  }
0x26: {  	[smem:$0x3F99] =	sst s1;
	(tag) =	ssettag s2;
	_ =	strace s9  }
0x27: {  	s1 =	sld [smem:$0x3FA9]  }
0x28: {  	s2 =	sld [smem:$0x3FAA]  }
0x29: {  	s4 =	sld [smem:$0x3FAC]  }
0x2a: {  	p0 =	seq.s32 s5, $0x0;
	s5 =	sld [smem:$0x3FAD]  }
0x2b: {  	s6 =	sld [smem:$0x3FAE]  }
0x2c: {  	s7 =	sld [smem:$0x3FAF]  }
0x2d: {  	s3 =	simm.s32 $0x108;
	s8 =	sld [smem:$0x3FB0]  }
0x2e: {  	s3 =	simm.s32 @!p0 $0x1082;
	s9 =	sld [smem:$0x3FB1]  }
0x2f: {  	lr =	sadd.s32 s0, s3;
	s0 =	sld [smem:$0x3FA8]  }
0x30: {  	s3 =	sld [smem:$0x3FAB]  }
0x31: {  	[smem:$0x3FB4] =	sst s10  }
0x32: {  	s10 =	sld [smem:$0x3FB2];
	_ =	sdelay $0x3  }
0x33: {  	p0 =	seq.s32 s10, $0x1;
	s10 =	sld [smem:$0x3FB4];
	_ =	sdelay $0x3  }
0x34: {  	[smem:$0x3FB4] =	sst s10  }
0x35: {  	s10 =	sld [smem:$0x3FB3];
	_ =	sdelay $0x3  }
0x36: {  	p1 =	seq.s32 s10, $0x1;
	s10 =	sld [smem:$0x3FB4];
	_ =	sdelay $0x3  }
0x37: {  	[smem:$0x3FB4] =	sst s10  }
0x38: {  	s10 =	sld [smem:$0x3FB5]  }
0x39: {  	_ = 	snop;
	(pc) =	sbr.ind lr, $3  }
0x3a: {  	_ = 	snop  }
0x3b: {  	_ = 	snop  }
0x3c: {  	p2 =	seq.s32 s10, $0x1;
	s10 =	sld [smem:$0x3FB4]  }
0x3d: {  	_ =	shalt  }
0x3e: {  	_ =	shalt  }
0x3f: {  	_ =	shalt  }
0x40: {  	_ =	shalt  }
0x41: {  	_ =	shalt  }
0x42: {  	_ =	shalt  }
0x43: {  	_ =	shalt  }
0x44: {  	_ =	shalt  }
0x45: {  	_ =	shalt  }
0x46: {  	_ =	shalt  }
0x47: {  	_ =	shalt  }
0x48: {  	_ =	shalt  }
0x49: {  	_ =	shalt  }
0x4a: {  	_ =	shalt  }
0x4b: {  	_ =	shalt  }
0x4c: {  	_ =	shalt  }
0x4d: {  	_ =	shalt  }
0x4e: {  	_ =	shalt  }
0x4f: {  	_ =	shalt  }
0x50: {  	_ =	shalt  }
0x51: {  	_ =	shalt  }
0x52: {  	_ =	shalt  }
0x53: {  	_ =	shalt  }
0x54: {  	_ =	shalt  }
0x55: {  	_ =	shalt  }
0x56: {  	_ =	shalt  }
0x57: {  	_ =	shalt  }
0x58: {  	_ =	shalt  }
0x59: {  	_ =	shalt  }
0x5a: {  	_ =	shalt  }
0x5b: {  	_ =	shalt  }
0x5c: {  	_ =	shalt  }
0x5d: {  	_ =	shalt  }
0x5e: {  	_ =	shalt  }
0x5f: {  	_ =	shalt  }
0x60: {  	_ =	shalt  }
0x61: {  	_ =	shalt  }
0x62: {  	_ =	shalt  }
0x63: {  	_ =	shalt  }
0x64: {  	_ =	shalt  }
0x65: {  	_ =	shalt  }
0x66: {  	_ =	shalt  }
0x67: {  	_ =	shalt  }
0x68: {  	_ =	shalt  }
0x69: {  	_ =	shalt  }
0x6a: {  	_ =	shalt  }
0x6b: {  	_ =	shalt  }
0x6c: {  	_ =	shalt  }
0x6d: {  	_ =	shalt  }
0x6e: {  	_ =	shalt  }
0x6f: {  	_ =	shalt  }
0x70: {  	_ =	shalt  }
0x71: {  	_ =	shalt  }
0x72: {  	_ =	shalt  }
0x73: {  	_ =	shalt  }
0x74: {  	_ =	shalt  }
0x75: {  	_ =	shalt  }
0x76: {  	_ =	shalt  }
0x77: {  	_ =	shalt  }
0x78: {  	_ =	shalt  }
0x79: {  	_ =	shalt  }
0x7a: {  	_ =	shalt  }
0x7b: {  	_ =	shalt  }
0x7c: {  	_ =	shalt  }
0x7d: {  	_ =	shalt  }
0x7e: {  	_ =	shalt  }
0x7f: {  	_ =	shalt  }
0x80: {  	_ =	shalt  }
0x81: {  	_ =	shalt  }
0x82: {  	_ =	shalt  }
0x83: {  	_ =	shalt  }
0x84: {  	_ =	shalt  }
0x85: {  	_ =	shalt  }
0x86: {  	_ =	shalt  }
0x87: {  	_ =	shalt  }
.Lfunc_end0:
.L_simem_size_0:
called_computation_lowered:
.L_overlay_start_0:
0x88: {  	s2 =	sld [smem:$0x3FD9]  }
0x89: {  	s3 =	sld [smem:$0x3FFE];
	_ =	sdelay $0x1  }
0x8a: {  	s1 =	srdreg.scid  }
0x8b: {  	s0 =	sand.u32 $0x1, s1  }
0x8c: {  	s17 =	sshll.u32 s0, $0xA;
	s2 =	sadd.s32 s3, s2  }
0x8d: {  	s2 =	sadd.s32 s2, s17  }
0x8e: {  	[smem:$0x3FC0] =	sst s2  }
0x8f: {  	_ = 	snop  }
0x90: {  	s2 =	sld [smem:$0x3FD0];
	(tm) =	ssettm $0x1  }
0x91: {  	s18 =	sld [smem:$0x3FFB];
	_ =	sdelay $0x3  }
0x92: {  	_ =	strace s18  }
0x93: {  	s3 =	sld [smem:$0x3FFC];
	_ =	sdelay $0x3  }
0x94: {  	_ =	strace s3  }
0x95: {  	s3 =	sld [smem:$0x3FFD];
	_ =	sdelay $0x3  }
0x96: {  	_ =	strace s3  }
0x97: {  	_ =	strace $0x8FFFFFFF  }
0x98: {  	s19 =	sld [smem:$0x3FDB];
	_ =	sdelay $0x1  }
0x99: {  	s4 =	simm.s32 $_scs_section_size  }
0x9a: {  	s5 =	simm.s32 $_size__tile_overlayer_lowered;
	s6 =	simm.s32 $_tile_overlayer_lowered  }
0x9b: {  	s22 =	simm.s32 $0x1BFF;
	s21 =	sshll.u32 s6, $0x1;
	s3 =	sadd.s32 s4, s19  }
0x9c: {  	s7 =	simm.s32 $0x0;
	s20 =	sshll.u32 s5, $0x1;
	s5 =	sadd.s32 s21, s3  }
0x9d: {  	[timem:s7], [sflag:s22] =	dma.local [hbm:s5], s20  }
0x9e: {  	_ =	swait.ge [sflag:s22], s20  }
0x9f: {  	s4 =	ssub.s32 $0x0, s20;
	[sflag:s22] =	ssyncset.done $0x0  }
0xa0: {  	[sflag:s22] =	ssyncadd.s32 s4;
	_ =	sdelay $0x1  }
0xa1: {  	s23 =	simm.s32 $0x1B8B  }
0xa2: {  	_ =	swait.ge [sflag:s23], $0x1  }
0xa3: {  	[sflag:s23] =	ssyncset.done $0x0  }
0xa4: {  	s25 =	simm.s32 $0x1B8E;
	s24 =	sld [smem:$0x3FFE];
	[sflag:s23] =	ssyncadd.s32 $0xFFFFFFFF  }
0xa5: {  	s26 =	simm.s32 $execute0_lowered;
	[smem:$0x3FD2] =	sst s25  }
0xa6: {  	s5 =	sshll.u32 s26, $0x1;
	_ =	strace $0x80000046;
	[dreg:$0x1] =	wrdreg $0xFFFFFFFF  }
0xa7: {  	s28 =	simm.s32 $_size_execute0_lowered;
	s3 =	sadd.s32 s3, s5;
	[dreg:$0x0] =	wrdreg $0x0  }
0xa8: {  	s5 =	sshll.u32 s28, $0x1;
	[dreg:$0x2] =	wrdreg s3  }
0xa9: {  	[dreg:$0x3] =	wrdreg s5  }
0xaa: {  	[dreg:$0x4] =	wrdreg $0xC0  }
0xab: {  	_ =	task [dreg:s7], $0x5FFFF  }
0xac: {  	[dreg:$0x1] =	wrdreg $0xFFFFFFFF  }
0xad: {  	[dreg:$0x0] =	wrdreg $0x60  }
0xae: {  	[dreg:$0x2] =	wrdreg s24  }
0xaf: {  	[dreg:$0x3] =	wrdreg s2  }
0xb0: {  	[dreg:$0x4] =	wrdreg $0x95000  }
0xb1: {  	[dreg:$0x5] =	wrdreg $0x9  }
0xb2: {  	_ =	task.clear_ibuf [dreg:s7], $0x6FFFF;
	_ =	strace $0x90000046  }
0xb3: {  	s29 =	simm.s32 $0x9;
	_ =	strace $0x80000048  }
0xb4: {  	_ =	swait.ge [sflag:s29], $0x1  }
0xb5: {  	[sflag:s29] =	ssyncadd.s32 $0xFFFFFFFF  }
0xb6: {  	_ =	strace $0x90000048  }
0xb7: {  	_ =	sfence  }
0xb8: {  	s30 =	sld [smem:$0x0];
	_ =	sdelay $0x2  }
0xb9: {  	s31 =	sshll.u32 s1, $0xD;
	s1 =	sshrl.u32 s1, $0x2  }
0xba: {  	s3 =	sand.u32 $0x4000, s31;
	s1 =	sadd.s32 s1, s30  }
0xbb: {  	s0 =	sor.u32 s3, s0;
	s1 =	sshll.u32 s1, $0x11  }
0xbc: {  	s0 =	sor.u32 s1, s0  }
0xbd: {  	s0 =	sadd.s32 $0x8F2B, s0  }
0xbe: {  	[sflag:s0] =	ssyncadd.remote.s32 $0x1  }
0xbf: {  	_ =	sfence.sel $0xFFFF  }
0xc0: {  	[dreg:$0x0] =	wrdreg $0xFFFFFFFF;
	(pc) =	sbr.abs _section_cstart, $3  }
0xc1: {  	[dreg:$0x1] =	wrdreg $0xFFFFFFFF  }
0xc2: {  	_ =	task.clear_ibuf [dreg:s7], $0x2FFFF;
	_ =	strace $0x9FFFFFFF  }
0xc3: {  	(tm) =	ssettm $0x7FFFFFFF  }
tec
execute0_lowered:
.L_overlay_start_1:
0x0: {  	(tag) =	ssettag $0x1  }
0x1: {  	s21 =	stileid.u32  }
0x2: {  	s10 =	smul.u32 $0x272, s21  }
0x3: {  	v16 =	vlaneseq.u32  }
0x4: {  	s5 =	rddreg [dreg:$0x0];
	v0 =	vadd.s32 s10, v16;
	s8 =	sadd.s32 $0x272, s10  }
0x5: {  	s7 =	rddreg [dreg:$0x1];
	s3 =	simm.s32 $0x0;
	v1 =	vimm.s32 $0x0;
	vm0 =	vlt.u32 v0, s8  }
0x6: {  	[smem:$0x7FF] =	sst s3;
	s9 =	sadd.s32 $0x10, s10;
	v1 =	vsel vm0, $0xFFFFFFFF, v1  }
0x7: {  	s2 =	rddreg [dreg:$0x2];
	_ =	strace $0x80000047;
	[tilespmem:$0x1FE70] =	vst v1;
	v1 =	vadd.s32 s9, v16  }
0x8: {  	v3 =	vimm.s32 $0x0;
	s11 =	sadd.s32 $0x20, s10;
	vm12 =	vlt.u32 v1, s8  }
0x9: {  	v2 =	vadd.s32 s11, v16;
	v3 =	vsel vm12, $0xFFFFFFFF, v3  }
0xa: {  	vm13 =	vlt.u32 v2, s8;
	[tilespmem:$0x1FE80] =	vst v3;
	v3 =	vimm.s32 $0x0  }
0xb: {  	s0 =	smul.u32 $0x280, s21;
	s16 =	sadd.s32 $0x30, s10;
	v3 =	vsel vm13, $0xFFFFFFFF, v3  }
0xc: {  	s1 =	srdreg.scid;
	[tilespmem:$0x1FE90] =	vst v3;
	v3 =	vadd.s32 s16, v16  }
0xd: {  	v4 =	vimm.s32 $0x0;
	s13 =	sand.u32 $0x1, s1;
	s0 =	smin.u32 s0, $0x2490;
	vm14 =	vlt.u32 v3, s8  }
0xe: {  	s14 =	sshll.u32 s13, $0x6;
	s17 =	sadd.s32 $0x40, s10;
	s0 =	sshll.u32 s0, $0x7;
	v4 =	vsel vm14, $0xFFFFFFFF, v4  }
0xf: {  	s12 =	sor.u32 s14, s0;
	[tilespmem:$0x1FEA0] =	vst v4;
	v4 =	vadd.s32 s17, v16  }
0x10: {  	v6 =	vimm.s32 $0x0;
	s1 =	sshrl.u32 s12, $0x4;
	s12 =	sadd.s32 $0x50, s10;
	vm15 =	vlt.u32 v4, s8  }
0x11: {  	v5 =	vadd.s32 s12, v16;
	v6 =	vsel vm15, $0xFFFFFFFF, v6  }
0x12: {  	vm4 =	vlt.u32 v5, s8;
	[tilespmem:$0x1FEB0] =	vst v6;
	v6 =	vimm.s32 $0x0  }
0x13: {  	s18 =	sadd.s32 $0x60, s10;
	v6 =	vsel vm4, $0xFFFFFFFF, v6  }
0x14: {  	s15 =	smul.u32 $0xA00, s21;
	[tilespmem:$0x1FEC0] =	vst v6;
	v6 =	vadd.s32 s18, v16  }
0x15: {  	v7 =	vimm.s32 $0x0;
	vm5 =	vlt.u32 v6, s8  }
0x16: {  	s6 =	sadd.s32 s1, s5;
	s1 =	sadd.s32 s15, s5;
	s15 =	sadd.s32 $0x70, s10;
	v7 =	vsel vm5, $0xFFFFFFFF, v7  }
0x17: {  	[tilespmem:$0x1FED0] =	vst v7;
	v7 =	vadd.s32 s15, v16  }
0x18: {  	v9 =	vimm.s32 $0x0;
	s17 =	sadd.s32 $0x80, s10;
	vm6 =	vlt.u32 v7, s8  }
0x19: {  	v8 =	vadd.s32 s17, v16;
	v9 =	vsel vm6, $0xFFFFFFFF, v9  }
0x1a: {  	vm7 =	vlt.u32 v8, s8;
	[tilespmem:$0x1FEE0] =	vst v9;
	v9 =	vimm.s32 $0x0  }
0x1b: {  	s22 =	sadd.s32 $0x90, s10;
	v9 =	vsel vm7, $0xFFFFFFFF, v9  }
0x1c: {  	[tilespmem:$0x1FEF0] =	vst v9;
	v9 =	vadd.s32 s22, v16  }
0x1d: {  	v10 =	vimm.s32 $0x0;
	vm8 =	vlt.u32 v9, s8  }
0x1e: {  	s24 =	sadd.s32 $0xA0, s10;
	v10 =	vsel vm8, $0xFFFFFFFF, v10  }
0x1f: {  	[tilespmem:$0x1FF00] =	vst v10;
	v10 =	vadd.s32 s24, v16  }
0x20: {  	v12 =	vimm.s32 $0x0;
	s18 =	sadd.s32 $0xB0, s10;
	vm9 =	vlt.u32 v10, s8  }
0x21: {  	s23 =	smul.u32 $0x13900, s21;
	v11 =	vadd.s32 s18, v16;
	v12 =	vsel vm9, $0xFFFFFFFF, v12  }
0x22: {  	s19 =	ssub.s32 $0x2, s13;
	vm10 =	vlt.u32 v11, s8;
	[tilespmem:$0x1FF10] =	vst v12;
	v12 =	vimm.s32 $0x0  }
0x23: {  	s26 =	sadd.s32 $0xC0, s10;
	s30 =	sshrl.u32 s23, $0x2;
	s23 =	sadd.s32 $0x130, s10;
	v12 =	vsel vm10, $0xFFFFFFFF, v12  }
0x24: {  	v13 =	vimm.s32 $0x0;
	s25 =	sshll.u32 s13, $0x4;
	s20 =	sshrl.u32 s19, $0x1;
	v21 =	vadd.s32 s23, v16;
	s23 =	sadd.s32 $0x1C0, s10;
	[tilespmem:$0x1FF20] =	vst v12;
	v12 =	vadd.s32 s26, v16  }
0x25: {  	v15 =	vimm.s32 $0x0;
	v30 =	vadd.s32 s23, v16;
	s23 =	sadd.s32 $0x230, s10;
	s12 =	ssub.s32 s19, s20;
	s19 =	sadd.s32 $0xD0, s10;
	vm11 =	vlt.u32 v12, s8  }
0x26: {  	v17 =	vimm.s32 $0x0;
	v35 =	vadd.s32 s23, v16;
	s20 =	sadd.s32 $0xE0, s10;
	s17 =	sor.u32 s21, s25;
	s25 =	sadd.s32 $0x150, s10;
	v13 =	vsel vm11, $0xFFFFFFFF, v13  }
0x27: {  	v14 =	vadd.s32 s20, v16;
	v22 =	vadd.s32 s25, v16;
	s25 =	sadd.s32 $0x1E0, s10;
	[tilespmem:$0x1FF30] =	vst v13;
	v13 =	vadd.s32 s19, v16  }
0x28: {  	vm13 =	vlt.u32 v14, s8;
	v31 =	vadd.s32 s25, v16;
	s25 =	sadd.s32 $0x250, s10;
	s22 =	sadd.s32 $0x120, s10;
	vm12 =	vlt.u32 v13, s8  }
0x29: {  	v39 =	vadd.s32 s25, v16;
	s15 =	sadd.s32 s30, s2;
	s30 =	sadd.s32 $0x170, s10;
	v19 =	vadd.s32 s22, v16;
	s22 =	sadd.s32 $0x1B0, s10;
	v15 =	vsel vm12, $0xFFFFFFFF, v15  }
0x2a: {  	v23 =	vadd.s32 s30, v16;
	s30 =	sadd.s32 $0x200, s10;
	v28 =	vadd.s32 s22, v16;
	s22 =	sadd.s32 $0x220, s10;
	[tilespmem:$0x1FF40] =	vst v15;
	v15 =	vimm.s32 $0x0  }
0x2b: {  	s18 =	sadd.s32 $0xF0, s10;
	v32 =	vadd.s32 s30, v16;
	s24 =	sadd.s32 $0x140, s10;
	v36 =	vadd.s32 s22, v16;
	s26 =	sadd.s32 $0x160, s10;
	v15 =	vsel vm13, $0xFFFFFFFF, v15  }
0x2c: {  	v20 =	vadd.s32 s24, v16;
	s24 =	sadd.s32 $0x1D0, s10;
	v24 =	vadd.s32 s26, v16;
	s26 =	sadd.s32 $0x1F0, s10;
	[tilespmem:$0x1FF50] =	vst v15;
	v15 =	vadd.s32 s18, v16  }
0x2d: {  	v29 =	vadd.s32 s24, v16;
	s24 =	sadd.s32 $0x240, s10;
	v33 =	vadd.s32 s26, v16;
	s26 =	sadd.s32 $0x260, s10;
	vm14 =	vlt.u32 v15, s8  }
0x2e: {  	s20 =	sadd.s32 $0x110, s10;
	v37 =	vadd.s32 s24, v16;
	s19 =	sadd.s32 $0x100, s10;
	v38 =	vadd.s32 s26, v16;
	s18 =	sadd.s32 $0x180, s10;
	v17 =	vsel vm14, $0xFFFFFFFF, v17  }
0x2f: {  	v18 =	vadd.s32 s19, v16;
	s19 =	sadd.s32 $0x190, s10;
	v25 =	vadd.s32 s18, v16;
	s18 =	sadd.s32 $0x270, s10;
	[tilespmem:$0x1FF60] =	vst v17;
	v17 =	vadd.s32 s20, v16;
	s20 =	sadd.s32 $0x1A0, s10  }
0x30: {  	v27 =	vadd.s32 s19, v16;
	v40 =	vadd.s32 s18, v16;
	v26 =	vadd.s32 s20, v16;
	s20 =	sadd.s32 $0x210, s10  }
0x31: {  	vm1 =	vlt.u32 v17, s8;
	v34 =	vadd.s32 s20, v16;
	v16 =	vimm.s32 $0x0  }
0x32: {  	v16 =	vsel vm1, $0xFFFFFFFF, v16  }
0x33: {  	vm3 =	vlt.u32 v20, s8;
	[tilespmem:$0x1FF70] =	vst v16;
	v16 =	vimm.s32 $0x0  }
0x34: {  	v16 =	vsel vm3, $0xFFFFFFFF, v16  }
0x35: {  	vm5 =	vlt.u32 v23, s8;
	[tilespmem:$0x1FF80] =	vst v16;
	v16 =	vimm.s32 $0x0  }
0x36: {  	v16 =	vsel vm5, $0xFFFFFFFF, v16  }
0x37: {  	vm7 =	vlt.u32 v26, s8;
	[tilespmem:$0x1FF90] =	vst v16;
	v16 =	vimm.s32 $0x0  }
0x38: {  	v16 =	vsel vm7, $0xFFFFFFFF, v16  }
0x39: {  	vm9 =	vlt.u32 v29, s8;
	[tilespmem:$0x1FFA0] =	vst v16;
	v16 =	vimm.s32 $0x0  }
0x3a: {  	v16 =	vsel vm9, $0xFFFFFFFF, v16  }
0x3b: {  	vm11 =	vlt.u32 v32, s8;
	[tilespmem:$0x1FFB0] =	vst v16;
	v16 =	vimm.s32 $0x0  }
0x3c: {  	v16 =	vsel vm11, $0xFFFFFFFF, v16  }
0x3d: {  	vm13 =	vlt.u32 v35, s8;
	[tilespmem:$0x1FFC0] =	vst v16;
	v16 =	vimm.s32 $0x0  }
0x3e: {  	v16 =	vsel vm13, $0xFFFFFFFF, v16  }
0x3f: {  	vm15 =	vlt.u32 v38, s8;
	[tilespmem:$0x1FFD0] =	vst v16;
	v16 =	vimm.s32 $0x0  }
0x40: {  	v16 =	vsel vm15, $0xFFFFFFFF, v16  }
0x41: {  	vm15 =	vlt.u32 v40, s8;
	[tilespmem:$0x1FFE0] =	vst v16;
	v16 =	vimm.s32 $0x0  }
0x42: {  	v16 =	vsel vm15, $0xFFFFFFFF, v16  }
0x43: {  	[tilespmem:$0x1FFF0] =	vst v16;
	v16 =	vld [tilespmem:$0x1FE70];
	_ =	sdelay $0x4  }
0x44: {  	vm15 =	vnez.u8 v16;
	v16 =	vld [tilespmem:$0x1FE80];
	_ =	sdelay $0x4  }
0x45: {  	v0 =	vnsel vm15, $0x2710, v0;
	vm15 =	vnez.u8 v16;
	v16 =	vld [tilespmem:$0x1FE90];
	_ =	sdelay $0x4  }
0x46: {  	v1 =	vnsel vm15, $0x2710, v1;
	vm15 =	vnez.u8 v16;
	v16 =	vld [tilespmem:$0x1FEA0];
	_ =	sdelay $0x4  }
0x47: {  	v2 =	vnsel vm15, $0x2710, v2;
	vm15 =	vnez.u8 v16;
	v16 =	vld [tilespmem:$0x1FEB0];
	_ =	sdelay $0x4  }
0x48: {  	v3 =	vnsel vm15, $0x2710, v3;
	vm15 =	vnez.u8 v16;
	v16 =	vld [tilespmem:$0x1FEC0];
	_ =	sdelay $0x4  }
0x49: {  	v4 =	vnsel vm15, $0x2710, v4;
	vm15 =	vnez.u8 v16;
	v16 =	vld [tilespmem:$0x1FED0];
	_ =	sdelay $0x4  }
0x4a: {  	v5 =	vnsel vm15, $0x2710, v5;
	vm15 =	vnez.u8 v16;
	v16 =	vld [tilespmem:$0x1FEE0];
	_ =	sdelay $0x4  }
0x4b: {  	v6 =	vnsel vm15, $0x2710, v6;
	vm15 =	vnez.u8 v16;
	v16 =	vld [tilespmem:$0x1FEF0];
	_ =	sdelay $0x4  }
0x4c: {  	v7 =	vnsel vm15, $0x2710, v7;
	vm15 =	vnez.u8 v16;
	v16 =	vld [tilespmem:$0x1FF00];
	_ =	sdelay $0x4  }
0x4d: {  	v8 =	vnsel vm15, $0x2710, v8;
	vm15 =	vnez.u8 v16;
	v16 =	vld [tilespmem:$0x1FF10];
	_ =	sdelay $0x4  }
0x4e: {  	v9 =	vnsel vm15, $0x2710, v9;
	vm15 =	vnez.u8 v16;
	v16 =	vld [tilespmem:$0x1FF20];
	_ =	sdelay $0x4  }
0x4f: {  	v10 =	vnsel vm15, $0x2710, v10;
	vm15 =	vnez.u8 v16;
	v16 =	vld [tilespmem:$0x1FF30];
	_ =	sdelay $0x4  }
0x50: {  	v11 =	vnsel vm15, $0x2710, v11;
	vm15 =	vnez.u8 v16;
	v16 =	vld [tilespmem:$0x1FF40];
	_ =	sdelay $0x4  }
0x51: {  	v12 =	vnsel vm15, $0x2710, v12;
	vm15 =	vnez.u8 v16;
	v16 =	vld [tilespmem:$0x1FF50];
	_ =	sdelay $0x4  }
0x52: {  	v13 =	vnsel vm15, $0x2710, v13;
	vm15 =	vnez.u8 v16;
	v16 =	vld [tilespmem:$0x1FF60];
	_ =	sdelay $0x3  }
0x53: {  	vm0 =	vlt.u32 v18, s8  }
0x54: {  	v14 =	vnsel vm15, $0x2710, v14;
	vm15 =	vnez.u8 v16;
	v16 =	vnsel vm0, $0x2710, v18;
	v18 =	vld [tilespmem:$0x1FF70];
	_ =	sdelay $0x2  }
0x55: {  	s0 =	sshrl.u32 s0, $0x2  }
0x56: {  	s4 =	sadd.s32 $0x1C00, s5;
	vm2 =	vlt.u32 v21, s8;
	s0 =	sadd.s32 s0, s2;
	vm1 =	vlt.u32 v19, s8;
	v15 =	vnsel vm15, $0x2710, v15  }
0x57: {  	s13 =	smul.u32 $0xA00, s13;
	s11 =	sadd.s32 $0x33000, s5;
	[dreg:$0x15] =	wrdreg s0;
	vm15 =	vnez.u8 v18;
	v18 =	vnsel vm1, $0x2710, v19;
	v19 =	vnsel vm2, $0x2710, v21;
	v21 =	vld [tilespmem:$0x1FF80]  }
0x58: {  	s6 =	sadd.s32 $0x15600, s6;
	s31 =	sadd.s32 $0x29080, s1;
	s16 =	smul.u32 $0xA0, s21  }
0x59: {  	[dreg:$0x14] =	wrdreg s6;
	s6 =	simm.s32 $0x40;
	s30 =	sadd.s32 $0x4F400, s15  }
0x5a: {  	s9 =	sadd.s32 s16, s5;
	[dreg:$0x4] =	wrdreg s30;
	s22 =	sadd.s32 $0x52400, s15  }
0x5b: {  	s13 =	sadd.s32 s16, s13;
	[dreg:$0x7] =	wrdreg s22;
	s22 =	sadd.s32 $0xECC00, s15;
	vm4 =	vlt.u32 v24, s8;
	vm3 =	vlt.u32 v22, s8;
	v17 =	vnsel vm15, $0x2710, v17  }
0x5c: {  	s25 =	smul.u32 $0xA00, s17;
	[dreg:$0x11] =	wrdreg s22;
	s24 =	sadd.s32 $0x9D800, s15;
	vm15 =	vnez.u8 v21;
	v21 =	vnsel vm3, $0x2710, v22;
	v22 =	vnsel vm4, $0x2710, v24;
	v24 =	vld [tilespmem:$0x1FF90]  }
0x5d: {  	[dreg:$0x8] =	wrdreg s24;
	s24 =	sadd.s32 $0xEEC00, s15;
	s19 =	smul.u32 $0x27100, s21  }
0x5e: {  	s28 =	sadd.s32 $0x4E400, s15;
	[dreg:$0x13] =	wrdreg s24;
	s21 =	sadd.s32 $0x51400, s15  }
0x5f: {  	[dreg:$0x6] =	wrdreg s21;
	s21 =	sadd.s32 $0xEBC00, s15;
	s23 =	sor.u32 s14, s19  }
0x60: {  	vm6 =	vlt.u32 v27, s8;
	s19 =	sadd.s32 $0x9F800, s15;
	[dreg:$0x10] =	wrdreg s21;
	s14 =	simm.s32 $0x1;
	vm5 =	vlt.u32 v25, s8  }
0x61: {  	s21 =	simm.s32 $0x9000;
	s26 =	sshrl.u32 s23, $0x4;
	s30 =	sadd.s32 $0x10000, s23;
	vm4 =	vnez.u8 v24;
	v24 =	vnsel vm5, $0x2710, v25;
	v25 =	vnsel vm6, $0x2710, v27;
	v27 =	vld [tilespmem:$0x1FFA0]  }
0x62: {  	s5 =	sadd.s32 $0x20000, s23;
	[dreg:$0xe] =	wrdreg s19;
	s23 =	sadd.s32 $0xEDC00, s15  }
0x63: {  	s17 =	sadd.s32 s7, s26;
	s16 =	sshrl.u32 s30, $0x4;
	[dreg:$0x12] =	wrdreg s23  }
0x64: {  	s5 =	sshrl.u32 s5, $0x4;
	s26 =	smax.u32 s12, $0x1;
	[dreg:$0x9] =	wrdreg s17  }
0x65: {  	vm8 =	vlt.u32 v30, s8;
	s30 =	sadd.s32 $0x29000, s1;
	s1 =	simm.s32 $0x4;
	[dreg:$0x17] =	wrdreg s26;
	vm7 =	vlt.u32 v28, s8;
	v63 =	vld [tilespmem:$0x1FFF0]  }
0x66: {  	s12 =	simm.s32 $0x2000;
	s16 =	sadd.s32 s7, s16;
	[dreg:$0x18] =	wrdreg s30;
	vm6 =	vnez.u8 v27;
	v27 =	vnsel vm7, $0x2710, v28;
	v28 =	vnsel vm8, $0x2710, v30;
	v30 =	vld [tilespmem:$0x1FFB0]  }
0x67: {  	s5 =	sadd.s32 s7, s5;
	s17 =	sadd.s32 $0x9E800, s15;
	[dreg:$0xa] =	wrdreg s16;
	v60 =	vld [tilespmem:$0x1FFC0]  }
0x68: {  	vm10 =	vlt.u32 v33, s8;
	vm12 =	vlt.u32 v36, s8;
	s18 =	sadd.s32 s11, s25;
	s7 =	sadd.s32 $0xEAC00, s15;
	[dreg:$0xb] =	wrdreg s5;
	v61 =	vld [tilespmem:$0x1FFD0]  }
0x69: {  	vm14 =	vlt.u32 v37, s8;
	s25 =	sadd.s32 $0x1200, s9;
	s9 =	simm.s32 $0x80;
	[dreg:$0xc] =	wrdreg s17;
	vm9 =	vlt.u32 v31, s8;
	vm11 =	vlt.u32 v34, s8;
	v62 =	vld [tilespmem:$0x1FFE0]  }
0x6a: {  	s26 =	simm.s32 $0x0;
	s16 =	sshll.u32 s13, $0x4;
	[dreg:$0xd] =	wrdreg s18;
	vm13 =	vlt.u32 v39, s8;
	v20 =	vnsel vm15, $0x2710, v20;
	vm15 =	vnez.u8 v63  }
0x6b: {  	[dreg:$0x16] =	wrdreg s25;
	s13 =	simm.s32 $0x3000;
	s17 =	simm.s32 $0x6000;
	v23 =	vnsel vm4, $0x2710, v23;
	v26 =	vnsel vm6, $0x2710, v26;
	vm8 =	vnez.u8 v30  }
0x6c: {  	s18 =	simm.s32 $0x7000;
	s25 =	simm.s32 $0x9200;
	s10 =	sadd.s32 $0x9C800, s15;
	v30 =	vnsel vm9, $0x2710, v31;
	v31 =	vnsel vm10, $0x2710, v33;
	vm10 =	vnez.u8 v60  }
0x6d: {  	s5 =	sadd.s32 s16, s11;
	s11 =	simm.s32 $0x1000;
	s16 =	simm.s32 $0x5000;
	v33 =	vnsel vm11, $0x2710, v34;
	v34 =	vnsel vm12, $0x2710, v36;
	vm12 =	vnez.u8 v61  }
0x6e: {  	s20 =	sadd.s32 $0x50400, s15;
	s29 =	sadd.s32 $0x80, s5;
	s5 =	simm.s32 $0x20;
	v36 =	vnsel vm14, $0x2710, v37;
	v37 =	vnsel vm13, $0x2710, v39;
	vm14 =	vnez.u8 v62  }
0x6f: {  	[dreg:$0x5] =	wrdreg s20;
	s20 =	sadd.s32 $0xA0800, s15;
	s15 =	simm.s32 $0x4000;
	v39 =	vnsel vm15, $0x2710, v40;
	v40 =	vimm.bf16 $0.0e+00;
	v29 =	vnsel vm8, $0x2710, v29  }
0x70: {  	[dreg:$0xf] =	wrdreg s20;
	s20 =	simm.s32 $0x2;
	s8 =	simm.s32 $0x3;
	v32 =	vnsel vm10, $0x2710, v32;
	v35 =	vnsel vm12, $0x2710, v35;
	v38 =	vnsel vm14, $0x2710, v38  }
.LBB2_1:
0x71: {  	[tilespmem:$0x0] =	vst v40  }
0x72: {  	[tilespmem:$0x10] =	vst v40  }
0x73: {  	[tilespmem:$0x20] =	vst v40  }
0x74: {  	[tilespmem:$0x30] =	vst v40  }
0x75: {  	[tilespmem:$0x40] =	vst v40  }
0x76: {  	[tilespmem:$0x50] =	vst v40  }
0x77: {  	[tilespmem:$0x60] =	vst v40  }
0x78: {  	[tilespmem:$0x70] =	vst v40  }
0x79: {  	[tilespmem:$0x80] =	vst v40  }
0x7a: {  	[tilespmem:$0x90] =	vst v40  }
0x7b: {  	[tilespmem:$0xA0] =	vst v40  }
0x7c: {  	[tilespmem:$0xB0] =	vst v40  }
0x7d: {  	[tilespmem:$0xC0] =	vst v40  }
0x7e: {  	[tilespmem:$0xD0] =	vst v40  }
0x7f: {  	[tilespmem:$0xE0] =	vst v40  }
0x80: {  	[tilespmem:$0xF0] =	vst v40  }
0x81: {  	[tilespmem:$0x100] =	vst v40  }
0x82: {  	[tilespmem:$0x110] =	vst v40  }
0x83: {  	[tilespmem:$0x120] =	vst v40  }
0x84: {  	[tilespmem:$0x130] =	vst v40  }
0x85: {  	[tilespmem:$0x140] =	vst v40  }
0x86: {  	[tilespmem:$0x150] =	vst v40  }
0x87: {  	[tilespmem:$0x160] =	vst v40  }
0x88: {  	[tilespmem:$0x170] =	vst v40  }
0x89: {  	[tilespmem:$0x180] =	vst v40  }
0x8a: {  	[tilespmem:$0x190] =	vst v40  }
0x8b: {  	[tilespmem:$0x1A0] =	vst v40  }
0x8c: {  	[tilespmem:$0x1B0] =	vst v40  }
0x8d: {  	[tilespmem:$0x1C0] =	vst v40  }
0x8e: {  	[tilespmem:$0x1D0] =	vst v40  }
0x8f: {  	[tilespmem:$0x1E0] =	vst v40  }
0x90: {  	[tilespmem:$0x1F0] =	vst v40  }
0x91: {  	[tilespmem:$0x200] =	vst v40  }
0x92: {  	[tilespmem:$0x210] =	vst v40  }
0x93: {  	[tilespmem:$0x220] =	vst v40  }
0x94: {  	[tilespmem:$0x230] =	vst v40  }
0x95: {  	[tilespmem:$0x240] =	vst v40  }
0x96: {  	[tilespmem:$0x250] =	vst v40  }
0x97: {  	[tilespmem:$0x260] =	vst v40  }
0x98: {  	[tilespmem:$0x270] =	vst v40  }
0x99: {  	[tilespmem:$0x280] =	vst v40  }
0x9a: {  	[tilespmem:$0x290] =	vst v40  }
0x9b: {  	[tilespmem:$0x2A0] =	vst v40  }
0x9c: {  	[tilespmem:$0x2B0] =	vst v40  }
0x9d: {  	[tilespmem:$0x2C0] =	vst v40  }
0x9e: {  	[tilespmem:$0x2D0] =	vst v40  }
0x9f: {  	[tilespmem:$0x2E0] =	vst v40  }
0xa0: {  	[tilespmem:$0x2F0] =	vst v40  }
0xa1: {  	[tilespmem:$0x300] =	vst v40  }
0xa2: {  	[tilespmem:$0x310] =	vst v40  }
0xa3: {  	[tilespmem:$0x320] =	vst v40  }
0xa4: {  	[tilespmem:$0x330] =	vst v40  }
0xa5: {  	[tilespmem:$0x340] =	vst v40  }
0xa6: {  	[tilespmem:$0x350] =	vst v40  }
0xa7: {  	[tilespmem:$0x360] =	vst v40  }
0xa8: {  	[tilespmem:$0x370] =	vst v40  }
0xa9: {  	[tilespmem:$0x380] =	vst v40  }
0xaa: {  	[tilespmem:$0x390] =	vst v40  }
0xab: {  	[tilespmem:$0x3A0] =	vst v40  }
0xac: {  	[tilespmem:$0x3B0] =	vst v40  }
0xad: {  	[tilespmem:$0x3C0] =	vst v40  }
0xae: {  	[tilespmem:$0x3D0] =	vst v40  }
0xaf: {  	[tilespmem:$0x3E0] =	vst v40  }
0xb0: {  	[tilespmem:$0x3F0] =	vst v40  }
0xb1: {  	[tilespmem:$0x400] =	vst v40  }
0xb2: {  	[tilespmem:$0x410] =	vst v40  }
0xb3: {  	[tilespmem:$0x420] =	vst v40  }
0xb4: {  	[tilespmem:$0x430] =	vst v40  }
0xb5: {  	[tilespmem:$0x440] =	vst v40  }
0xb6: {  	[tilespmem:$0x450] =	vst v40  }
0xb7: {  	[tilespmem:$0x460] =	vst v40  }
0xb8: {  	[tilespmem:$0x470] =	vst v40  }
0xb9: {  	[tilespmem:$0x480] =	vst v40  }
0xba: {  	[tilespmem:$0x490] =	vst v40  }
0xbb: {  	[tilespmem:$0x4A0] =	vst v40  }
0xbc: {  	[tilespmem:$0x4B0] =	vst v40  }
0xbd: {  	[tilespmem:$0x4C0] =	vst v40  }
0xbe: {  	[tilespmem:$0x4D0] =	vst v40  }
0xbf: {  	[tilespmem:$0x4E0] =	vst v40  }
0xc0: {  	[tilespmem:$0x4F0] =	vst v40  }
0xc1: {  	[tilespmem:$0x500] =	vst v40  }
0xc2: {  	[tilespmem:$0x510] =	vst v40  }
0xc3: {  	[tilespmem:$0x520] =	vst v40  }
0xc4: {  	[tilespmem:$0x530] =	vst v40  }
0xc5: {  	[tilespmem:$0x540] =	vst v40  }
0xc6: {  	[tilespmem:$0x550] =	vst v40  }
0xc7: {  	[tilespmem:$0x560] =	vst v40  }
0xc8: {  	[tilespmem:$0x570] =	vst v40  }
0xc9: {  	[tilespmem:$0x580] =	vst v40  }
0xca: {  	[tilespmem:$0x590] =	vst v40  }
0xcb: {  	[tilespmem:$0x5A0] =	vst v40  }
0xcc: {  	[tilespmem:$0x5B0] =	vst v40  }
0xcd: {  	[tilespmem:$0x5C0] =	vst v40  }
0xce: {  	[tilespmem:$0x5D0] =	vst v40  }
0xcf: {  	[tilespmem:$0x5E0] =	vst v40  }
0xd0: {  	[tilespmem:$0x5F0] =	vst v40  }
0xd1: {  	[tilespmem:$0x600] =	vst v40  }
0xd2: {  	[tilespmem:$0x610] =	vst v40  }
0xd3: {  	[tilespmem:$0x620] =	vst v40  }
0xd4: {  	[tilespmem:$0x630] =	vst v40  }
0xd5: {  	[tilespmem:$0x640] =	vst v40  }
0xd6: {  	[tilespmem:$0x650] =	vst v40  }
0xd7: {  	[tilespmem:$0x660] =	vst v40  }
0xd8: {  	[tilespmem:$0x670] =	vst v40  }
0xd9: {  	[tilespmem:$0x680] =	vst v40  }
0xda: {  	[tilespmem:$0x690] =	vst v40  }
0xdb: {  	[tilespmem:$0x6A0] =	vst v40  }
0xdc: {  	[tilespmem:$0x6B0] =	vst v40  }
0xdd: {  	[tilespmem:$0x6C0] =	vst v40  }
0xde: {  	[tilespmem:$0x6D0] =	vst v40  }
0xdf: {  	[tilespmem:$0x6E0] =	vst v40  }
0xe0: {  	[tilespmem:$0x6F0] =	vst v40  }
0xe1: {  	[tilespmem:$0x700] =	vst v40  }
0xe2: {  	[tilespmem:$0x710] =	vst v40  }
0xe3: {  	[tilespmem:$0x720] =	vst v40  }
0xe4: {  	[tilespmem:$0x730] =	vst v40  }
0xe5: {  	[tilespmem:$0x740] =	vst v40  }
0xe6: {  	[tilespmem:$0x750] =	vst v40  }
0xe7: {  	[tilespmem:$0x760] =	vst v40  }
0xe8: {  	[tilespmem:$0x770] =	vst v40  }
0xe9: {  	[tilespmem:$0x780] =	vst v40  }
0xea: {  	[tilespmem:$0x790] =	vst v40  }
0xeb: {  	[tilespmem:$0x7A0] =	vst v40  }
0xec: {  	[tilespmem:$0x7B0] =	vst v40  }
0xed: {  	[tilespmem:$0x7C0] =	vst v40  }
0xee: {  	[tilespmem:$0x7D0] =	vst v40  }
0xef: {  	[tilespmem:$0x7E0] =	vst v40  }
0xf0: {  	[tilespmem:$0x7F0] =	vst v40  }
0xf1: {  	[tilespmem:$0x800] =	vst v40  }
0xf2: {  	[tilespmem:$0x810] =	vst v40  }
0xf3: {  	[tilespmem:$0x820] =	vst v40  }
0xf4: {  	[tilespmem:$0x830] =	vst v40  }
0xf5: {  	[tilespmem:$0x840] =	vst v40  }
0xf6: {  	[tilespmem:$0x850] =	vst v40  }
0xf7: {  	[tilespmem:$0x860] =	vst v40  }
0xf8: {  	[tilespmem:$0x870] =	vst v40  }
0xf9: {  	[tilespmem:$0x880] =	vst v40  }
0xfa: {  	[tilespmem:$0x890] =	vst v40  }
0xfb: {  	[tilespmem:$0x8A0] =	vst v40  }
0xfc: {  	[tilespmem:$0x8B0] =	vst v40  }
0xfd: {  	[tilespmem:$0x8C0] =	vst v40  }
0xfe: {  	[tilespmem:$0x8D0] =	vst v40  }
0xff: {  	[tilespmem:$0x8E0] =	vst v40  }
0x100: {  	[tilespmem:$0x8F0] =	vst v40  }
0x101: {  	[tilespmem:$0x900] =	vst v40  }
0x102: {  	[tilespmem:$0x910] =	vst v40  }
0x103: {  	[tilespmem:$0x920] =	vst v40  }
0x104: {  	[tilespmem:$0x930] =	vst v40  }
0x105: {  	[tilespmem:$0x940] =	vst v40  }
0x106: {  	[tilespmem:$0x950] =	vst v40  }
0x107: {  	[tilespmem:$0x960] =	vst v40  }
0x108: {  	[tilespmem:$0x970] =	vst v40  }
0x109: {  	[tilespmem:$0x980] =	vst v40  }
0x10a: {  	[tilespmem:$0x990] =	vst v40  }
0x10b: {  	[tilespmem:$0x9A0] =	vst v40  }
0x10c: {  	[tilespmem:$0x9B0] =	vst v40  }
0x10d: {  	[tilespmem:$0x9C0] =	vst v40  }
0x10e: {  	[tilespmem:$0x9D0] =	vst v40  }
0x10f: {  	[tilespmem:$0x9E0] =	vst v40  }
0x110: {  	[tilespmem:$0x9F0] =	vst v40  }
0x111: {  	[tilespmem:$0xA00] =	vst v40  }
0x112: {  	[tilespmem:$0xA10] =	vst v40  }
0x113: {  	[tilespmem:$0xA20] =	vst v40  }
0x114: {  	[tilespmem:$0xA30] =	vst v40  }
0x115: {  	[tilespmem:$0xA40] =	vst v40  }
0x116: {  	[tilespmem:$0xA50] =	vst v40  }
0x117: {  	[tilespmem:$0xA60] =	vst v40  }
0x118: {  	[tilespmem:$0xA70] =	vst v40  }
0x119: {  	[tilespmem:$0xA80] =	vst v40  }
0x11a: {  	[tilespmem:$0xA90] =	vst v40  }
0x11b: {  	[tilespmem:$0xAA0] =	vst v40  }
0x11c: {  	[tilespmem:$0xAB0] =	vst v40  }
0x11d: {  	[tilespmem:$0xAC0] =	vst v40  }
0x11e: {  	[tilespmem:$0xAD0] =	vst v40  }
0x11f: {  	[tilespmem:$0xAE0] =	vst v40  }
0x120: {  	[tilespmem:$0xAF0] =	vst v40  }
0x121: {  	[tilespmem:$0xB00] =	vst v40  }
0x122: {  	[tilespmem:$0xB10] =	vst v40  }
0x123: {  	[tilespmem:$0xB20] =	vst v40  }
0x124: {  	[tilespmem:$0xB30] =	vst v40  }
0x125: {  	[tilespmem:$0xB40] =	vst v40  }
0x126: {  	[tilespmem:$0xB50] =	vst v40  }
0x127: {  	[tilespmem:$0xB60] =	vst v40  }
0x128: {  	[tilespmem:$0xB70] =	vst v40  }
0x129: {  	[tilespmem:$0xB80] =	vst v40  }
0x12a: {  	[tilespmem:$0xB90] =	vst v40  }
0x12b: {  	[tilespmem:$0xBA0] =	vst v40  }
0x12c: {  	[tilespmem:$0xBB0] =	vst v40  }
0x12d: {  	[tilespmem:$0xBC0] =	vst v40  }
0x12e: {  	[tilespmem:$0xBD0] =	vst v40  }
0x12f: {  	[tilespmem:$0xBE0] =	vst v40  }
0x130: {  	[tilespmem:$0xBF0] =	vst v40  }
0x131: {  	[tilespmem:$0xC00] =	vst v40  }
0x132: {  	[tilespmem:$0xC10] =	vst v40  }
0x133: {  	[tilespmem:$0xC20] =	vst v40  }
0x134: {  	[tilespmem:$0xC30] =	vst v40  }
0x135: {  	[tilespmem:$0xC40] =	vst v40  }
0x136: {  	[tilespmem:$0xC50] =	vst v40  }
0x137: {  	[tilespmem:$0xC60] =	vst v40  }
0x138: {  	[tilespmem:$0xC70] =	vst v40  }
0x139: {  	[tilespmem:$0xC80] =	vst v40  }
0x13a: {  	[tilespmem:$0xC90] =	vst v40  }
0x13b: {  	[tilespmem:$0xCA0] =	vst v40  }
0x13c: {  	[tilespmem:$0xCB0] =	vst v40  }
0x13d: {  	[tilespmem:$0xCC0] =	vst v40  }
0x13e: {  	[tilespmem:$0xCD0] =	vst v40  }
0x13f: {  	[tilespmem:$0xCE0] =	vst v40  }
0x140: {  	[tilespmem:$0xCF0] =	vst v40  }
0x141: {  	[tilespmem:$0xD00] =	vst v40  }
0x142: {  	[tilespmem:$0xD10] =	vst v40  }
0x143: {  	[tilespmem:$0xD20] =	vst v40  }
0x144: {  	[tilespmem:$0xD30] =	vst v40  }
0x145: {  	[tilespmem:$0xD40] =	vst v40  }
0x146: {  	[tilespmem:$0xD50] =	vst v40  }
0x147: {  	[tilespmem:$0xD60] =	vst v40  }
0x148: {  	[tilespmem:$0xD70] =	vst v40  }
0x149: {  	[tilespmem:$0xD80] =	vst v40  }
0x14a: {  	[tilespmem:$0xD90] =	vst v40  }
0x14b: {  	[tilespmem:$0xDA0] =	vst v40  }
0x14c: {  	[tilespmem:$0xDB0] =	vst v40  }
0x14d: {  	[tilespmem:$0xDC0] =	vst v40  }
0x14e: {  	[tilespmem:$0xDD0] =	vst v40  }
0x14f: {  	[tilespmem:$0xDE0] =	vst v40  }
0x150: {  	[tilespmem:$0xDF0] =	vst v40  }
0x151: {  	[tilespmem:$0xE00] =	vst v40  }
0x152: {  	[tilespmem:$0xE10] =	vst v40  }
0x153: {  	[tilespmem:$0xE20] =	vst v40  }
0x154: {  	[tilespmem:$0xE30] =	vst v40  }
0x155: {  	[tilespmem:$0xE40] =	vst v40  }
0x156: {  	[tilespmem:$0xE50] =	vst v40  }
0x157: {  	[tilespmem:$0xE60] =	vst v40  }
0x158: {  	[tilespmem:$0xE70] =	vst v40  }
0x159: {  	[tilespmem:$0xE80] =	vst v40  }
0x15a: {  	[tilespmem:$0xE90] =	vst v40  }
0x15b: {  	[tilespmem:$0xEA0] =	vst v40  }
0x15c: {  	[tilespmem:$0xEB0] =	vst v40  }
0x15d: {  	[tilespmem:$0xEC0] =	vst v40  }
0x15e: {  	[tilespmem:$0xED0] =	vst v40  }
0x15f: {  	[tilespmem:$0xEE0] =	vst v40  }
0x160: {  	[tilespmem:$0xEF0] =	vst v40  }
0x161: {  	[tilespmem:$0xF00] =	vst v40  }
0x162: {  	[tilespmem:$0xF10] =	vst v40  }
0x163: {  	[tilespmem:$0xF20] =	vst v40  }
0x164: {  	[tilespmem:$0xF30] =	vst v40  }
0x165: {  	[tilespmem:$0xF40] =	vst v40  }
0x166: {  	[tilespmem:$0xF50] =	vst v40  }
0x167: {  	[tilespmem:$0xF60] =	vst v40  }
0x168: {  	[tilespmem:$0xF70] =	vst v40  }
0x169: {  	[tilespmem:$0xF80] =	vst v40  }
0x16a: {  	[tilespmem:$0xF90] =	vst v40  }
0x16b: {  	[tilespmem:$0xFA0] =	vst v40  }
0x16c: {  	[tilespmem:$0xFB0] =	vst v40  }
0x16d: {  	[tilespmem:$0xFC0] =	vst v40  }
0x16e: {  	[tilespmem:$0xFD0] =	vst v40  }
0x16f: {  	[tilespmem:$0xFE0] =	vst v40  }
0x170: {  	[tilespmem:$0xFF0] =	vst v40  }
0x171: {  	[spmem:s28] =	stream.linear.scatter [tilespmem:s3], [sflag:$0x4], $0x1000, $0x38;
	[tilespmem:$0x1CE00] =	vst v63  }
0x172: {  	_ =	swait.ge [sflag:s1], $0x1000  }
0x173: {  	[sflag:s1] =	ssyncset.done $0x0  }
0x174: {  	s0 =	rddreg [dreg:$0x4];
	[sflag:s1] =	ssyncadd.s32 $0xFFFFF000  }
0x175: {  	[spmem:s0] =	stream.linear.scatter [tilespmem:s3], [sflag:$0x4], $0x1000, $0x38;
	[tilespmem:$0x1CE00] =	vst v63  }
0x176: {  	_ =	swait.ge [sflag:s1], $0x1000  }
0x177: {  	[sflag:s1] =	ssyncset.done $0x0  }
0x178: {  	s24 =	rddreg [dreg:$0x5];
	[sflag:s1] =	ssyncadd.s32 $0xFFFFF000  }
0x179: {  	[spmem:s24] =	stream.linear.scatter [tilespmem:s3], [sflag:$0x4], $0x1000, $0x38;
	[tilespmem:$0x1CE00] =	vst v63  }
0x17a: {  	_ =	swait.ge [sflag:s1], $0x1000  }
0x17b: {  	[sflag:s1] =	ssyncset.done $0x0  }
0x17c: {  	s19 =	rddreg [dreg:$0x6];
	[sflag:s1] =	ssyncadd.s32 $0xFFFFF000  }
0x17d: {  	[spmem:s19] =	stream.linear.scatter [tilespmem:s3], [sflag:$0x4], $0x1000, $0x38;
	[tilespmem:$0x1CE00] =	vst v63  }
0x17e: {  	_ =	swait.ge [sflag:s1], $0x1000  }
0x17f: {  	[sflag:s1] =	ssyncset.done $0x0  }
0x180: {  	s23 =	rddreg [dreg:$0x7];
	[sflag:s1] =	ssyncadd.s32 $0xFFFFF000  }
0x181: {  	[spmem:s23] =	stream.linear.scatter [tilespmem:s3], [sflag:$0x4], $0xE40, $0x38;
	[tilespmem:$0x1CE00] =	vst v63  }
0x182: {  	_ =	swait.ge [sflag:s1], $0xE40  }
0x183: {  	[sflag:s1] =	ssyncset.done $0x0  }
0x184: {  	[sflag:s1] =	ssyncadd.s32 $0xFFFFF1C0  }
0x185: {  	[spmem:s10] =	stream.linear.scatter [tilespmem:s3], [sflag:$0x4], $0x1000, $0x38;
	[tilespmem:$0x1CE00] =	vst v63  }
0x186: {  	_ =	swait.ge [sflag:s1], $0x1000  }
0x187: {  	[sflag:s1] =	ssyncset.done $0x0  }
0x188: {  	s24 =	rddreg [dreg:$0x8];
	[sflag:s1] =	ssyncadd.s32 $0xFFFFF000  }
0x189: {  	[spmem:s24] =	stream.linear.scatter [tilespmem:s3], [sflag:$0x4], $0x1000, $0x38;
	[tilespmem:$0x1CE00] =	vst v63  }
0x18a: {  	_ =	swait.ge [sflag:s1], $0x1000  }
0x18b: {  	[sflag:s1] =	ssyncset.done $0x0  }
0x18c: {  	s23 =	smov.u32 s10;
	s10 =	rddreg [dreg:$0xc];
	[sflag:s1] =	ssyncadd.s32 $0xFFFFF000  }
0x18d: {  	[spmem:s10] =	stream.linear.scatter [tilespmem:s3], [sflag:$0x4], $0x1000, $0x38;
	[tilespmem:$0x1CE00] =	vst v63  }
0x18e: {  	_ =	swait.ge [sflag:s1], $0x1000  }
0x18f: {  	[sflag:s1] =	ssyncset.done $0x0  }
0x190: {  	s19 =	rddreg [dreg:$0xe];
	[sflag:s1] =	ssyncadd.s32 $0xFFFFF000  }
0x191: {  	[spmem:s19] =	stream.linear.scatter [tilespmem:s3], [sflag:$0x4], $0x1000, $0x38;
	[tilespmem:$0x1CE00] =	vst v63  }
0x192: {  	_ =	swait.ge [sflag:s1], $0x1000  }
0x193: {  	[sflag:s1] =	ssyncset.done $0x0  }
0x194: {  	s24 =	rddreg [dreg:$0xf];
	[sflag:s1] =	ssyncadd.s32 $0xFFFFF000  }
0x195: {  	[spmem:s24] =	stream.linear.scatter [tilespmem:s3], [sflag:$0x4], $0xE40, $0x38;
	[tilespmem:$0x1CE00] =	vst v63  }
0x196: {  	_ =	swait.ge [sflag:s1], $0xE40  }
0x197: {  	[sflag:s1] =	ssyncset.done $0x0  }
0x198: {  	[sflag:s1] =	ssyncadd.s32 $0xFFFFF1C0  }
0x199: {  	[spmem:s7] =	stream.linear.scatter [tilespmem:s3], [sflag:$0x4], $0x1000, $0x38;
	[tilespmem:$0x1CE00] =	vst v63  }
0x19a: {  	_ =	swait.ge [sflag:s1], $0x1000  }
0x19b: {  	[sflag:s1] =	ssyncset.done $0x0  }
0x19c: {  	s10 =	rddreg [dreg:$0x10];
	[sflag:s1] =	ssyncadd.s32 $0xFFFFF000  }
0x19d: {  	[spmem:s10] =	stream.linear.scatter [tilespmem:s3], [sflag:$0x4], $0x1000, $0x38;
	[tilespmem:$0x1CE00] =	vst v63  }
0x19e: {  	_ =	swait.ge [sflag:s1], $0x1000  }
0x19f: {  	[sflag:s1] =	ssyncset.done $0x0  }
0x1a0: {  	s19 =	rddreg [dreg:$0x11];
	[sflag:s1] =	ssyncadd.s32 $0xFFFFF000  }
0x1a1: {  	[spmem:s19] =	stream.linear.scatter [tilespmem:s3], [sflag:$0x4], $0x1000, $0x38;
	[tilespmem:$0x1CE00] =	vst v63  }
0x1a2: {  	_ =	swait.ge [sflag:s1], $0x1000  }
0x1a3: {  	[sflag:s1] =	ssyncset.done $0x0  }
0x1a4: {  	s24 =	smov.u32 s7;
	s7 =	rddreg [dreg:$0x12];
	[sflag:s1] =	ssyncadd.s32 $0xFFFFF000  }
0x1a5: {  	[spmem:s7] =	stream.linear.scatter [tilespmem:s3], [sflag:$0x4], $0x1000, $0x38;
	[tilespmem:$0x1CE00] =	vst v63  }
0x1a6: {  	_ =	swait.ge [sflag:s1], $0x1000  }
0x1a7: {  	[sflag:s1] =	ssyncset.done $0x0  }
0x1a8: {  	s10 =	rddreg [dreg:$0x13];
	[sflag:s1] =	ssyncadd.s32 $0xFFFFF000  }
0x1a9: {  	[spmem:s10] =	stream.linear.scatter [tilespmem:s3], [sflag:$0x4], $0xE40, $0x38;
	[tilespmem:$0x1CE00] =	vst v63  }
0x1aa: {  	_ =	swait.ge [sflag:s1], $0xE40  }
0x1ab: {  	[sflag:s1] =	ssyncset.done $0x0  }
0x1ac: {  	s19 =	rddreg [dreg:$0x14];
	[sflag:s1] =	ssyncadd.s32 $0xFFFFF1C0  }
0x1ad: {  	[tilespmem:s3], [sflag:$0x4] =	stream.strided.gather [hbm4b:s19+s5], $0x5000, s6, s5, $0x38;
	[tilespmem:$0x1CE00] =	vst v63  }
0x1ae: {  	_ =	swait.ge [sflag:s1], $0x5000  }
0x1af: {  	[sflag:s1] =	ssyncset.done $0x0  }
0x1b0: {  	s5 =	rddreg [dreg:$0x15];
	[sflag:s1] =	ssyncadd.s32 $0xFFFFB000  }
0x1b1: {  	[spmem:s5] =	stream.linear.scatter [tilespmem:s3], [sflag:$0x4], $0x5000, $0x38;
	[tilespmem:$0x1CE00] =	vst v63  }
0x1b2: {  	_ =	swait.ge [sflag:s1], $0x5000  }
0x1b3: {  	[sflag:s1] =	ssyncset.done $0x0  }
0x1b4: {  	[sflag:s1] =	ssyncadd.s32 $0xFFFFB000  }
0x1b5: {  	[bflag:$0x0] =	sbarrier.arrive $0xFFFF  }
0x1b6: {  	s7 =	simm.s32 $0x8000;
	s6 =	rddreg [dreg:$0xd]  }
0x1b7: {  	[tilespmem:s7], [sflag:$0x3] =	stream.linear.gather [hbm4b:s6+s3], $0x400, $0x38;
	[tilespmem:$0x1CE00] =	vst v63  }
0x1b8: {  	s19 =	simm.s32 $0x8800;
	s10 =	rddreg [dreg:$0x18]  }
0x1b9: {  	[tilespmem:s19], [sflag:$0x3] =	stream.linear.gather [hbm4b:s10+s3], $0x400, $0x38;
	[tilespmem:$0x1CE00] =	vst v63  }
0x1ba: {  	_ =	swait.ge [sflag:s8], $0x400  }
0x1bb: {  	[sflag:s8] =	ssyncset.done $0x0  }
0x1bc: {  	[sflag:s8] =	ssyncadd.s32 $0xFFFFFC00  }
0x1bd: {  	_ =	swait.ge [sflag:s8], $0x400  }
0x1be: {  	[sflag:s8] =	ssyncset.done $0x0  }
0x1bf: {  	[sflag:s8] =	ssyncadd.s32 $0xFFFFFC00  }
0x1c0: {  	[tilespmem:s3], [sflag:$0x1] =	stream.indirect.gather [hbm4b:s4+s9], $0x20, s7, s9, $0xb8;
	[tilespmem:$0x1CE00] =	vst v63  }
0x1c1: {  	s7 =	simm.s32 $0x8080  }
0x1c2: {  	[tilespmem:s11], [sflag:$0x1] =	stream.indirect.gather [hbm4b:s4+s9], $0x20, s7, s9, $0xb8;
	[tilespmem:$0x1CE00] =	vst v63  }
0x1c3: {  	s22 =	smov.u32 s28;
	s30 =	simm.s32 $0x0;
	s10 =	simm.s32 $0x8100  }
0x1c4: {  	[tilespmem:s12], [sflag:$0x1] =	stream.indirect.gather [hbm4b:s4+s9], $0x20, s10, s9, $0xb8;
	[tilespmem:$0x1CE00] =	vst v63  }
0x1c5: {  	s28 =	simm.s32 $0x400;
	s19 =	simm.s32 $0x8180;
	s7 =	simm.s32 $0x0  }
0x1c6: {  	[tilespmem:s13], [sflag:$0x1] =	stream.indirect.gather [hbm4b:s4+s9], $0x20, s19, s9, $0xb8;
	[tilespmem:$0x1CE00] =	vst v63  }
.LBB2_2:
0x1c7: {  	_ =	swait.ge [sflag:s14], $0x1000  }
0x1c8: {  	[sflag:s14] =	ssyncset.done $0x0  }
0x1c9: {  	[sflag:s14] =	ssyncadd.s32 $0xFFFFF000  }
0x1ca: {  	_ =	swait.ge [sflag:s14], $0x1000  }
0x1cb: {  	[sflag:s14] =	ssyncset.done $0x0  }
0x1cc: {  	[sflag:s14] =	ssyncadd.s32 $0xFFFFF000  }
0x1cd: {  	_ =	swait.ge [sflag:s14], $0x1000  }
0x1ce: {  	[sflag:s14] =	ssyncset.done $0x0  }
0x1cf: {  	[sflag:s14] =	ssyncadd.s32 $0xFFFFF000  }
0x1d0: {  	_ =	swait.ge [sflag:s14], $0x1000  }
0x1d1: {  	p0 =	seq.s32 s7, $0x0;
	[sflag:s14] =	ssyncset.done $0x0  }
0x1d2: {  	s5 =	simm.s32 @!p0 $0x2;
	[sflag:s14] =	ssyncadd.s32 $0xFFFFF000  }
0x1d3: {  	_ =	swait.ge @!p0 [sflag:s5], $0x1000  }
0x1d4: {  	[sflag:s5] =	ssyncset.done @!p0 $0x0  }
0x1d5: {  	[sflag:s5] =	ssyncadd.s32 @!p0 $0xFFFFF000  }
0x1d6: {  	_ =	swait.ge @!p0 [sflag:s5], $0x1000  }
0x1d7: {  	[sflag:s5] =	ssyncset.done @!p0 $0x0  }
0x1d8: {  	[sflag:s5] =	ssyncadd.s32 @!p0 $0xFFFFF000  }
0x1d9: {  	_ =	swait.ge @!p0 [sflag:s5], $0x1000  }
0x1da: {  	[sflag:s5] =	ssyncset.done @!p0 $0x0  }
0x1db: {  	[sflag:s5] =	ssyncadd.s32 @!p0 $0xFFFFF000  }
0x1dc: {  	p1 =	seq.s32 @!p0 s7, $0x980;
	_ =	swait.ge @!p0 [sflag:s5], $0x1000  }
0x1dd: {  	p1 =	por p0, !p1;
	[sflag:s5] =	ssyncset.done @!p0 $0x0  }
0x1de: {  	[sflag:s5] =	ssyncadd.s32 @!p0 $0xFFFFF000;
	s5 =	sand.u32 @p1 $0x400, s28  }
0x1df: {  	s19 =	sadd.s32 @p1 s7, s29;
	s10 =	sor.u32 @p1 $0x8000, s5  }
0x1e0: {  	[tilespmem:s10], [sflag:$0x3] =	stream.linear.gather @p1 [hbm4b:s19+s3], $0x400, $0x38;
	[tilespmem:$0x1CE00] =	vst v63  }
0x1e1: {  	s5 =	sor.u32 @p1 $0x8800, s5;
	s10 =	sadd.s32 @p1 s7, s31  }
0x1e2: {  	[tilespmem:s5], [sflag:$0x3] =	stream.linear.gather @p1 [hbm4b:s10+s3], $0x400, $0x38;
	[tilespmem:$0x1CE00] =	vst v63  }
0x1e3: {  	s10 =	sand.u32 $0x1, s30  }
0x1e4: {  	s5 =	sshll.u32 s10, $0xA  }
0x1e5: {  	s6 =	sor.u32 $0x8200, s5  }
0x1e6: {  	[tilespmem:s15], [sflag:$0x1] =	stream.indirect.gather [hbm4b:s4+s9], $0x20, s6, s9, $0xb8;
	[tilespmem:$0x1CE00] =	vst v63  }
0x1e7: {  	s0 =	sor.u32 $0x8280, s5  }
0x1e8: {  	[tilespmem:s16], [sflag:$0x1] =	stream.indirect.gather [hbm4b:s4+s9], $0x20, s0, s9, $0xb8;
	[tilespmem:$0x1CE00] =	vst v63  }
0x1e9: {  	s10 =	sshll.u32 s10, $0xC;
	s6 =	sor.u32 $0x8300, s5  }
0x1ea: {  	[tilespmem:s17], [sflag:$0x1] =	stream.indirect.gather [hbm4b:s4+s9], $0x20, s6, s9, $0xb8;
	[tilespmem:$0x1CE00] =	vst v63  }
0x1eb: {  	s19 =	sshrl.u32 s10, $0x2;
	s0 =	sor.u32 $0x8380, s5  }
0x1ec: {  	[tilespmem:s18], [sflag:$0x1] =	stream.indirect.gather [hbm4b:s4+s9], $0x20, s0, s9, $0xb8;
	[tilespmem:$0x1CE00] =	vst v63  }
0x1ed: {  	s0 =	sor.u32 $0x8800, s19  }
0x1ee: {  	[spmem:s2] =	stream.indirect.scatter.add.bf16 [tilespmem:s3], [sflag:$0x2], $0x20, s0, s9, $0xb8;
	[tilespmem:$0x1CE00] =	vst v63  }
0x1ef: {  	s6 =	sor.u32 $0x8880, s19  }
0x1f0: {  	[spmem:s2] =	stream.indirect.scatter.add.bf16 [tilespmem:s11], [sflag:$0x2], $0x20, s6, s9, $0xb8;
	[tilespmem:$0x1CE00] =	vst v63  }
0x1f1: {  	s6 =	sor.u32 $0x8900, s19  }
0x1f2: {  	[spmem:s2] =	stream.indirect.scatter.add.bf16 [tilespmem:s12], [sflag:$0x2], $0x20, s6, s9, $0xb8;
	[tilespmem:$0x1CE00] =	vst v63  }
0x1f3: {  	s6 =	sor.u32 $0x8980, s19  }
0x1f4: {  	[spmem:s2] =	stream.indirect.scatter.add.bf16 [tilespmem:s13], [sflag:$0x2], $0x20, s6, s9, $0xb8;
	[tilespmem:$0x1CE00] =	vst v63  }
0x1f5: {  	_ =	swait.ge [sflag:s14], $0x1000  }
0x1f6: {  	[sflag:s14] =	ssyncset.done $0x0  }
0x1f7: {  	[sflag:s14] =	ssyncadd.s32 $0xFFFFF000  }
0x1f8: {  	_ =	swait.ge [sflag:s14], $0x1000  }
0x1f9: {  	[sflag:s14] =	ssyncset.done $0x0  }
0x1fa: {  	[sflag:s14] =	ssyncadd.s32 $0xFFFFF000  }
0x1fb: {  	_ =	swait.ge [sflag:s14], $0x1000  }
0x1fc: {  	[sflag:s14] =	ssyncset.done $0x0  }
0x1fd: {  	[sflag:s14] =	ssyncadd.s32 $0xFFFFF000  }
0x1fe: {  	_ =	swait.ge [sflag:s14], $0x1000  }
0x1ff: {  	[sflag:s14] =	ssyncset.done $0x0  }
0x200: {  	[sflag:s14] =	ssyncadd.s32 $0xFFFFF000  }
0x201: {  	_ =	swait.ge [sflag:s20], $0x1000  }
0x202: {  	[sflag:s20] =	ssyncset.done $0x0  }
0x203: {  	[sflag:s20] =	ssyncadd.s32 $0xFFFFF000  }
0x204: {  	_ =	swait.ge [sflag:s20], $0x1000  }
0x205: {  	[sflag:s20] =	ssyncset.done $0x0  }
0x206: {  	[sflag:s20] =	ssyncadd.s32 $0xFFFFF000  }
0x207: {  	_ =	swait.ge [sflag:s20], $0x1000  }
0x208: {  	[sflag:s20] =	ssyncset.done $0x0  }
0x209: {  	[sflag:s20] =	ssyncadd.s32 $0xFFFFF000  }
0x20a: {  	p0 =	por @!p0 $0x1, $0x1;
	_ =	swait.ge [sflag:s20], $0x1000  }
0x20b: {  	p0 =	por @p1 $0x0, $0x0;
	[sflag:s20] =	ssyncset.done $0x0  }
0x20c: {  	s0 =	simm.s32 @!p0 $0x3;
	[sflag:s20] =	ssyncadd.s32 $0xFFFFF000  }
0x20d: {  	_ =	swait.ge @!p0 [sflag:s0], $0x400  }
0x20e: {  	[sflag:s0] =	ssyncset.done @!p0 $0x0  }
0x20f: {  	[sflag:s0] =	ssyncadd.s32 @!p0 $0xFFFFFC00  }
0x210: {  	_ =	swait.ge @!p0 [sflag:s0], $0x400  }
0x211: {  	s10 =	sxor.u32 @!p0 $0x1000, s10;
	[sflag:s0] =	ssyncset.done @!p0 $0x0  }
0x212: {  	[sflag:s0] =	ssyncadd.s32 @!p0 $0xFFFFFC00;
	s0 =	sshrl.u32 @!p0 s10, $0x2  }
0x213: {  	s19 =	simm.s32 @!p0 $0x80;
	s6 =	simm.s32 @!p0 $0x0;
	s10 =	sor.u32 @!p0 $0x8000, s0  }
0x214: {  	[tilespmem:s6], [sflag:$0x1] =	stream.indirect.gather @!p0 [hbm4b:s4+s19], $0x20, s10, s19, $0xb8;
	[tilespmem:$0x1CE00] =	vst v63  }
0x215: {  	s6 =	sadd.s32 @!p0 $0x8080, s0;
	s10 =	simm.s32 @!p0 $0x1000  }
0x216: {  	[tilespmem:s10], [sflag:$0x1] =	stream.indirect.gather @!p0 [hbm4b:s4+s19], $0x20, s6, s19, $0xb8;
	[tilespmem:$0x1CE00] =	vst v63  }
0x217: {  	s6 =	sadd.s32 @!p0 $0x8100, s0;
	s10 =	simm.s32 @!p0 $0x2000  }
0x218: {  	[tilespmem:s10], [sflag:$0x1] =	stream.indirect.gather @!p0 [hbm4b:s4+s19], $0x20, s6, s19, $0xb8;
	[tilespmem:$0x1CE00] =	vst v63  }
0x219: {  	s0 =	sadd.s32 @!p0 $0x8180, s0;
	s6 =	sor.u32 $0x200, s5;
	s10 =	simm.s32 @!p0 $0x3000  }
0x21a: {  	[tilespmem:s10], [sflag:$0x1] =	stream.indirect.gather @!p0 [hbm4b:s4+s19], $0x20, s0, s19, $0xb8;
	[tilespmem:$0x1CE00] =	vst v63  }
0x21b: {  	s7 =	sadd.s32 $0x80, s7;
	s6 =	sor.u32 $0x8800, s6;
	s10 =	sor.u32 $0x280, s5  }
0x21c: {  	[spmem:s2] =	stream.indirect.scatter.add.bf16 [tilespmem:s15], [sflag:$0x2], $0x20, s6, s9, $0xb8;
	[tilespmem:$0x1CE00] =	vst v63  }
0x21d: {  	p0 =	sne.s32 s7, $0xA00;
	s0 =	sor.u32 $0x8800, s10  }
0x21e: {  	[spmem:s2] =	stream.indirect.scatter.add.bf16 [tilespmem:s16], [sflag:$0x2], $0x20, s0, s9, $0xb8;
	[tilespmem:$0x1CE00] =	vst v63  }
.Ltmp0:
0x21f: {  	s19 =	sor.u32 $0x300, s5;
	(pc) =	sbr.rel @p0 .LBB2_2-.Ltmp0, $4  }
0x220: {  	s10 =	sor.u32 $0x380, s5;
	s19 =	sor.u32 $0x8800, s19  }
0x221: {  	[spmem:s2] =	stream.indirect.scatter.add.bf16 [tilespmem:s17], [sflag:$0x2], $0x20, s19, s9, $0xb8;
	[tilespmem:$0x1CE00] =	vst v63  }
0x222: {  	s28 =	sadd.s32 $0x400, s28;
	s30 =	sadd.s32 $0x1, s30;
	s0 =	sor.u32 $0x8800, s10  }
0x223: {  	[spmem:s2] =	stream.indirect.scatter.add.bf16 [tilespmem:s18], [sflag:$0x2], $0x20, s0, s9, $0xb8;
	[tilespmem:$0x1CE00] =	vst v63  }
0x224: {  	_ =	swait.ge [sflag:s20], $0x1000  }
0x225: {  	[sflag:s20] =	ssyncset.done $0x0  }
0x226: {  	[sflag:s20] =	ssyncadd.s32 $0xFFFFF000  }
0x227: {  	_ =	swait.ge [sflag:s20], $0x1000  }
0x228: {  	[sflag:s20] =	ssyncset.done $0x0  }
0x229: {  	[sflag:s20] =	ssyncadd.s32 $0xFFFFF000  }
0x22a: {  	_ =	swait.ge [sflag:s20], $0x1000  }
0x22b: {  	[sflag:s20] =	ssyncset.done $0x0  }
0x22c: {  	[sflag:s20] =	ssyncadd.s32 $0xFFFFF000  }
0x22d: {  	_ =	swait.ge [sflag:s20], $0x1000  }
0x22e: {  	[sflag:s20] =	ssyncset.done $0x0  }
0x22f: {  	[sflag:s20] =	ssyncadd.s32 $0xFFFFF000  }
0x230: {  	[bflag:$0x0] =	sbarrier.arrive $0xFFFF  }
0x231: {  	[tilespmem:$0x9000] =	vst v0  }
0x232: {  	[tilespmem:$0x9010] =	vst v1  }
0x233: {  	[tilespmem:$0x9020] =	vst v2  }
0x234: {  	[tilespmem:$0x9030] =	vst v3  }
0x235: {  	[tilespmem:$0x9040] =	vst v4  }
0x236: {  	[tilespmem:$0x9050] =	vst v5  }
0x237: {  	[tilespmem:$0x9060] =	vst v6  }
0x238: {  	[tilespmem:$0x9070] =	vst v7  }
0x239: {  	[tilespmem:$0x9080] =	vst v8  }
0x23a: {  	[tilespmem:$0x9090] =	vst v9  }
0x23b: {  	[tilespmem:$0x90A0] =	vst v10  }
0x23c: {  	[tilespmem:$0x90B0] =	vst v11  }
0x23d: {  	[tilespmem:$0x90C0] =	vst v12  }
0x23e: {  	[tilespmem:$0x90D0] =	vst v13  }
0x23f: {  	[tilespmem:$0x90E0] =	vst v14  }
0x240: {  	[tilespmem:$0x90F0] =	vst v15  }
0x241: {  	[tilespmem:$0x9100] =	vst v16  }
0x242: {  	[tilespmem:$0x9110] =	vst v17  }
0x243: {  	[tilespmem:$0x9120] =	vst v18  }
0x244: {  	[tilespmem:$0x9130] =	vst v19  }
0x245: {  	[tilespmem:$0x9140] =	vst v20  }
0x246: {  	[tilespmem:$0x9150] =	vst v21  }
0x247: {  	[tilespmem:$0x9160] =	vst v22  }
0x248: {  	[tilespmem:$0x9170] =	vst v23  }
0x249: {  	[tilespmem:$0x9180] =	vst v24  }
0x24a: {  	[tilespmem:$0x9190] =	vst v25  }
0x24b: {  	[tilespmem:$0x91A0] =	vst v26  }
0x24c: {  	[tilespmem:$0x91B0] =	vst v27  }
0x24d: {  	[tilespmem:$0x91C0] =	vst v28  }
0x24e: {  	[tilespmem:$0x91D0] =	vst v29  }
0x24f: {  	[tilespmem:$0x91E0] =	vst v30  }
0x250: {  	[tilespmem:$0x91F0] =	vst v31  }
0x251: {  	[tilespmem:$0x9200] =	vst v32  }
0x252: {  	[tilespmem:$0x9210] =	vst v33  }
0x253: {  	[tilespmem:$0x9220] =	vst v34  }
0x254: {  	[tilespmem:$0x9230] =	vst v35  }
0x255: {  	[tilespmem:$0x9240] =	vst v36  }
0x256: {  	[tilespmem:$0x9250] =	vst v37  }
0x257: {  	[tilespmem:$0x9260] =	vst v38  }
0x258: {  	[tilespmem:$0x9270] =	vst v39  }
0x259: {  	[tilespmem:s3], [sflag:$0x4] =	stream.linear.gather [spmem:s22], $0x4E40, $0x38;
	[tilespmem:$0x1CE00] =	vst v63  }
0x25a: {  	_ =	swait.ge [sflag:s1], $0x4E40  }
0x25b: {  	[sflag:s1] =	ssyncset.done $0x0  }
0x25c: {  	[sflag:s1] =	ssyncadd.s32 $0xFFFFB1C0  }
0x25d: {  	[spmem:s2] =	stream.indirect.scatter.add.bf16 [tilespmem:s3], [sflag:$0x2], $0x20, s21, s9, $0xb8;
	[tilespmem:$0x1CE00] =	vst v63  }
0x25e: {  	s5 =	simm.s32 $0x9080  }
0x25f: {  	[spmem:s2] =	stream.indirect.scatter.add.bf16 [tilespmem:s11], [sflag:$0x2], $0x20, s5, s9, $0xb8;
	[tilespmem:$0x1CE00] =	vst v63  }
0x260: {  	s6 =	simm.s32 $0x9100  }
0x261: {  	[spmem:s2] =	stream.indirect.scatter.add.bf16 [tilespmem:s12], [sflag:$0x2], $0x20, s6, s9, $0xb8;
	[tilespmem:$0x1CE00] =	vst v63  }
0x262: {  	s19 =	simm.s32 $0x9180  }
0x263: {  	[spmem:s2] =	stream.indirect.scatter.add.bf16 [tilespmem:s13], [sflag:$0x2], $0x20, s19, s9, $0xb8;
	[tilespmem:$0x1CE00] =	vst v63  }
0x264: {  	_ = 	snop  }
0x265: {  	[spmem:s2] =	stream.indirect.scatter.add.bf16 [tilespmem:s15], [sflag:$0x2], $0x20, s25, s9, $0xb8;
	[tilespmem:$0x1CE00] =	vst v63  }
0x266: {  	_ =	swait.ge [sflag:s20], $0x1000  }
0x267: {  	[sflag:s20] =	ssyncset.done $0x0  }
0x268: {  	[sflag:s20] =	ssyncadd.s32 $0xFFFFF000  }
0x269: {  	_ =	swait.ge [sflag:s20], $0x1000  }
0x26a: {  	[sflag:s20] =	ssyncset.done $0x0  }
0x26b: {  	[sflag:s20] =	ssyncadd.s32 $0xFFFFF000  }
0x26c: {  	_ =	swait.ge [sflag:s20], $0x1000  }
0x26d: {  	[sflag:s20] =	ssyncset.done $0x0  }
0x26e: {  	[sflag:s20] =	ssyncadd.s32 $0xFFFFF000  }
0x26f: {  	_ =	swait.ge [sflag:s20], $0x1000  }
0x270: {  	[sflag:s20] =	ssyncset.done $0x0  }
0x271: {  	[sflag:s20] =	ssyncadd.s32 $0xFFFFF000  }
0x272: {  	_ =	swait.ge [sflag:s20], $0x1000  }
0x273: {  	[sflag:s20] =	ssyncset.done $0x0  }
0x274: {  	[sflag:s20] =	ssyncadd.s32 $0xFFFFF000  }
0x275: {  	[tilespmem:s3], [sflag:$0x4] =	stream.linear.gather [spmem:s23], $0x4E40, $0x38;
	[tilespmem:$0x1CE00] =	vst v63  }
0x276: {  	_ =	swait.ge [sflag:s1], $0x4E40  }
0x277: {  	[sflag:s1] =	ssyncset.done $0x0  }
0x278: {  	[sflag:s1] =	ssyncadd.s32 $0xFFFFB1C0  }
0x279: {  	[spmem:s2] =	stream.indirect.scatter.add.bf16 [tilespmem:s3], [sflag:$0x2], $0x20, s21, s9, $0xb8;
	[tilespmem:$0x1CE00] =	vst v63  }
0x27a: {  	_ = 	snop  }
0x27b: {  	[spmem:s2] =	stream.indirect.scatter.add.bf16 [tilespmem:s11], [sflag:$0x2], $0x20, s5, s9, $0xb8;
	[tilespmem:$0x1CE00] =	vst v63  }
0x27c: {  	_ = 	snop  }
0x27d: {  	[spmem:s2] =	stream.indirect.scatter.add.bf16 [tilespmem:s12], [sflag:$0x2], $0x20, s6, s9, $0xb8;
	[tilespmem:$0x1CE00] =	vst v63  }
0x27e: {  	_ = 	snop  }
0x27f: {  	[spmem:s2] =	stream.indirect.scatter.add.bf16 [tilespmem:s13], [sflag:$0x2], $0x20, s19, s9, $0xb8;
	[tilespmem:$0x1CE00] =	vst v63  }
0x280: {  	_ = 	snop  }
0x281: {  	[spmem:s2] =	stream.indirect.scatter.add.bf16 [tilespmem:s15], [sflag:$0x2], $0x20, s25, s9, $0xb8;
	[tilespmem:$0x1CE00] =	vst v63  }
0x282: {  	_ =	swait.ge [sflag:s20], $0x1000  }
0x283: {  	[sflag:s20] =	ssyncset.done $0x0  }
0x284: {  	[sflag:s20] =	ssyncadd.s32 $0xFFFFF000  }
0x285: {  	_ =	swait.ge [sflag:s20], $0x1000  }
0x286: {  	[sflag:s20] =	ssyncset.done $0x0  }
0x287: {  	[sflag:s20] =	ssyncadd.s32 $0xFFFFF000  }
0x288: {  	_ =	swait.ge [sflag:s20], $0x1000  }
0x289: {  	[sflag:s20] =	ssyncset.done $0x0  }
0x28a: {  	[sflag:s20] =	ssyncadd.s32 $0xFFFFF000  }
0x28b: {  	_ =	swait.ge [sflag:s20], $0x1000  }
0x28c: {  	[sflag:s20] =	ssyncset.done $0x0  }
0x28d: {  	[sflag:s20] =	ssyncadd.s32 $0xFFFFF000  }
0x28e: {  	_ =	swait.ge [sflag:s20], $0x1000  }
0x28f: {  	[sflag:s20] =	ssyncset.done $0x0  }
0x290: {  	[sflag:s20] =	ssyncadd.s32 $0xFFFFF000  }
0x291: {  	[tilespmem:s3], [sflag:$0x4] =	stream.linear.gather [spmem:s24], $0x4E40, $0x38;
	[tilespmem:$0x1CE00] =	vst v63  }
0x292: {  	_ =	swait.ge [sflag:s1], $0x4E40  }
0x293: {  	[sflag:s1] =	ssyncset.done $0x0  }
0x294: {  	[sflag:s1] =	ssyncadd.s32 $0xFFFFB1C0  }
0x295: {  	[spmem:s2] =	stream.indirect.scatter.add.bf16 [tilespmem:s3], [sflag:$0x2], $0x20, s21, s9, $0xb8;
	[tilespmem:$0x1CE00] =	vst v63  }
0x296: {  	_ = 	snop  }
0x297: {  	[spmem:s2] =	stream.indirect.scatter.add.bf16 [tilespmem:s11], [sflag:$0x2], $0x20, s5, s9, $0xb8;
	[tilespmem:$0x1CE00] =	vst v63  }
0x298: {  	_ = 	snop  }
0x299: {  	[spmem:s2] =	stream.indirect.scatter.add.bf16 [tilespmem:s12], [sflag:$0x2], $0x20, s6, s9, $0xb8;
	[tilespmem:$0x1CE00] =	vst v63  }
0x29a: {  	_ = 	snop  }
0x29b: {  	[spmem:s2] =	stream.indirect.scatter.add.bf16 [tilespmem:s13], [sflag:$0x2], $0x20, s19, s9, $0xb8;
	[tilespmem:$0x1CE00] =	vst v63  }
0x29c: {  	_ = 	snop  }
0x29d: {  	[spmem:s2] =	stream.indirect.scatter.add.bf16 [tilespmem:s15], [sflag:$0x2], $0x20, s25, s9, $0xb8;
	[tilespmem:$0x1CE00] =	vst v63  }
0x29e: {  	_ =	swait.ge [sflag:s20], $0x1000  }
0x29f: {  	[sflag:s20] =	ssyncset.done $0x0  }
0x2a0: {  	[sflag:s20] =	ssyncadd.s32 $0xFFFFF000  }
0x2a1: {  	_ =	swait.ge [sflag:s20], $0x1000  }
0x2a2: {  	[sflag:s20] =	ssyncset.done $0x0  }
0x2a3: {  	[sflag:s20] =	ssyncadd.s32 $0xFFFFF000  }
0x2a4: {  	_ =	swait.ge [sflag:s20], $0x1000  }
0x2a5: {  	[sflag:s20] =	ssyncset.done $0x0  }
0x2a6: {  	[sflag:s20] =	ssyncadd.s32 $0xFFFFF000  }
0x2a7: {  	_ =	swait.ge [sflag:s20], $0x1000  }
0x2a8: {  	[sflag:s20] =	ssyncset.done $0x0  }
0x2a9: {  	[sflag:s20] =	ssyncadd.s32 $0xFFFFF000  }
0x2aa: {  	_ =	swait.ge [sflag:s20], $0x1000  }
0x2ab: {  	[sflag:s20] =	ssyncset.done $0x0  }
0x2ac: {  	[sflag:s20] =	ssyncadd.s32 $0xFFFFF000  }
0x2ad: {  	[bflag:$0x0] =	sbarrier.arrive $0xFFFF  }
0x2ae: {  	s0 =	rddreg [dreg:$0x16]  }
0x2af: {  	[tilespmem:s21], [sflag:$0x4] =	stream.linear.gather [hbm4b:s0+s3], $0x500, $0x38;
	[tilespmem:$0x1CE00] =	vst v63  }
0x2b0: {  	_ =	swait.ge [sflag:s1], $0x500  }
0x2b1: {  	[sflag:s1] =	ssyncset.done $0x0  }
0x2b2: {  	[sflag:s1] =	ssyncadd.s32 $0xFFFFFB00  }
0x2b3: {  	[tilespmem:s3], [sflag:$0x1] =	stream.indirect.gather [spmem:s2], $0x20, s21, s9, $0xb8;
	[tilespmem:$0x1CE00] =	vst v63  }
0x2b4: {  	_ = 	snop  }
0x2b5: {  	[tilespmem:s11], [sflag:$0x1] =	stream.indirect.gather [spmem:s2], $0x20, s5, s9, $0xb8;
	[tilespmem:$0x1CE00] =	vst v63  }
0x2b6: {  	_ = 	snop  }
0x2b7: {  	[tilespmem:s12], [sflag:$0x1] =	stream.indirect.gather [spmem:s2], $0x20, s6, s9, $0xb8;
	[tilespmem:$0x1CE00] =	vst v63  }
0x2b8: {  	_ = 	snop  }
0x2b9: {  	[tilespmem:s13], [sflag:$0x1] =	stream.indirect.gather [spmem:s2], $0x20, s19, s9, $0xb8;
	[tilespmem:$0x1CE00] =	vst v63  }
0x2ba: {  	_ =	swait.ge [sflag:s14], $0x1000  }
0x2bb: {  	[sflag:s14] =	ssyncset.done $0x0  }
0x2bc: {  	[sflag:s14] =	ssyncadd.s32 $0xFFFFF000  }
0x2bd: {  	_ =	swait.ge [sflag:s14], $0x1000  }
0x2be: {  	[sflag:s14] =	ssyncset.done $0x0  }
0x2bf: {  	[sflag:s14] =	ssyncadd.s32 $0xFFFFF000  }
0x2c0: {  	_ =	swait.ge [sflag:s14], $0x1000  }
0x2c1: {  	[sflag:s14] =	ssyncset.done $0x0  }
0x2c2: {  	[sflag:s14] =	ssyncadd.s32 $0xFFFFF000  }
0x2c3: {  	_ =	swait.ge [sflag:s14], $0x1000  }
0x2c4: {  	s28 =	smov.u32 s22;
	s5 =	simm.s32 $0x20;
	[sflag:s14] =	ssyncset.done $0x0  }
0x2c5: {  	s6 =	simm.s32 $0x40;
	s22 =	rddreg [dreg:$0x9];
	[sflag:s14] =	ssyncadd.s32 $0xFFFFF000  }
0x2c6: {  	[hbm4b:s22+s5] =	stream.strided.scatter [tilespmem:s3], [sflag:$0x2], $0x4000, s6, s5, $0x38;
	[tilespmem:$0x1CE00] =	vst v63  }
0x2c7: {  	_ = 	snop  }
0x2c8: {  	[tilespmem:s15], [sflag:$0x1] =	stream.indirect.gather [spmem:s2], $0x20, s25, s9, $0xb8;
	[tilespmem:$0x1CE00] =	vst v63  }
0x2c9: {  	s10 =	smov.u32 s23;
	s23 =	simm.s32 $0x9280  }
0x2ca: {  	[tilespmem:s16], [sflag:$0x1] =	stream.indirect.gather [spmem:s2], $0x20, s23, s9, $0xb8;
	[tilespmem:$0x1CE00] =	vst v63  }
0x2cb: {  	s7 =	smov.u32 s24;
	s24 =	simm.s32 $0x9300  }
0x2cc: {  	[tilespmem:s17], [sflag:$0x1] =	stream.indirect.gather [spmem:s2], $0x20, s24, s9, $0xb8;
	[tilespmem:$0x1CE00] =	vst v63  }
0x2cd: {  	s30 =	simm.s32 $0x9380  }
0x2ce: {  	[tilespmem:s18], [sflag:$0x1] =	stream.indirect.gather [spmem:s2], $0x20, s30, s9, $0xb8;
	[tilespmem:$0x1CE00] =	vst v63  }
0x2cf: {  	_ =	swait.ge [sflag:s14], $0x1000  }
0x2d0: {  	[sflag:s14] =	ssyncset.done $0x0  }
0x2d1: {  	[sflag:s14] =	ssyncadd.s32 $0xFFFFF000  }
0x2d2: {  	_ =	swait.ge [sflag:s14], $0x1000  }
0x2d3: {  	[sflag:s14] =	ssyncset.done $0x0  }
0x2d4: {  	[sflag:s14] =	ssyncadd.s32 $0xFFFFF000  }
0x2d5: {  	_ =	swait.ge [sflag:s14], $0x1000  }
0x2d6: {  	[sflag:s14] =	ssyncset.done $0x0  }
0x2d7: {  	[sflag:s14] =	ssyncadd.s32 $0xFFFFF000  }
0x2d8: {  	_ =	swait.ge [sflag:s14], $0x1000  }
0x2d9: {  	[sflag:s14] =	ssyncset.done $0x0  }
0x2da: {  	s19 =	rddreg [dreg:$0xa];
	[sflag:s14] =	ssyncadd.s32 $0xFFFFF000  }
0x2db: {  	[hbm4b:s19+s5] =	stream.strided.scatter [tilespmem:s15], [sflag:$0x2], $0x4000, s6, s5, $0x38;
	[tilespmem:$0x1CE00] =	vst v63  }
0x2dc: {  	_ =	swait.ge [sflag:s20], $0x4000  }
0x2dd: {  	[sflag:s20] =	ssyncset.done $0x0  }
0x2de: {  	s22 =	simm.s32 $0x9400;
	[sflag:s20] =	ssyncadd.s32 $0xFFFFC000  }
0x2df: {  	[tilespmem:s3], [sflag:$0x1] =	stream.indirect.gather [spmem:s2], $0x20, s22, s9, $0xb8;
	[tilespmem:$0x1CE00] =	vst v63  }
0x2e0: {  	s23 =	simm.s32 $0x9480  }
0x2e1: {  	[tilespmem:s11], [sflag:$0x1] =	stream.indirect.gather [spmem:s2], $0x20, s23, s9, $0xb8;
	[tilespmem:$0x1CE00] =	vst v63  }
0x2e2: {  	_ =	swait.ge [sflag:s14], $0x1000  }
0x2e3: {  	[sflag:s14] =	ssyncset.done $0x0  }
0x2e4: {  	[sflag:s14] =	ssyncadd.s32 $0xFFFFF000  }
0x2e5: {  	_ =	swait.ge [sflag:s14], $0x1000  }
0x2e6: {  	[sflag:s14] =	ssyncset.done $0x0  }
0x2e7: {  	s24 =	rddreg [dreg:$0xb];
	[sflag:s14] =	ssyncadd.s32 $0xFFFFF000  }
0x2e8: {  	[hbm4b:s24+s5] =	stream.strided.scatter [tilespmem:s3], [sflag:$0x2], $0x1C40, s6, s5, $0x38;
	[tilespmem:$0x1CE00] =	vst v63  }
0x2e9: {  	_ =	swait.ge [sflag:s20], $0x4000  }
0x2ea: {  	[sflag:s20] =	ssyncset.done $0x0  }
0x2eb: {  	[sflag:s20] =	ssyncadd.s32 $0xFFFFC000  }
0x2ec: {  	_ =	swait.ge [sflag:s20], $0x1C40  }
0x2ed: {  	s26 =	sadd.s32 $0x1, s26;
	s30 =	rddreg [dreg:$0x17]  }
0x2ee: {  	p0 =	sne.s32 s26, s30  }
.Ltmp1:
0x2ef: {  	_ = 	snop;
	(pc) =	sbr.rel @p0 .LBB2_1-.Ltmp1, $3  }
0x2f0: {  	_ =	sdelay $0x1  }
0x2f1: {  	[sflag:s20] =	ssyncset.done $0x0  }
0x2f2: {  	[sflag:s20] =	ssyncadd.s32 $0xFFFFE3C0  }
0x2f3: {  	_ =	sfence.sel $0x180000  }
0x2f4: {  	[bflag:$0x0] =	sbarrier.arrive $0xFFFF  }
0x2f5: {  	_ =	strace $0x90000047  }
0x2f6: {  	s0 =	stileid.u32;
	[bflag:$0x2] =	sbarrier.arrive $0xFFFF  }
0x2f7: {  	p0 =	sne.s32 s0, $0x0;
	s0 =	rddreg [dreg:$0x3]  }
0x2f8: {  	s0 =	sadd.s32 @!p0 $0x100000, s0  }
0x2f9: {  	[sflag:s0] =	ssyncadd.tile.s32 @!p0 $0x1;
	_ =	shalt  }
.Lfunc_end2:
_tile_overlayer_lowered:
.L_overlay_start_2:
0x2fa: {  	(tag) =	ssettag $0x2  }
0x2fb: {  	s0 =	rddreg [dreg:$0x0];
	s2 =	stileid.u32  }
0x2fc: {  	s1 =	rddreg [dreg:$0x1];
	p0 =	sne.s32 s2, $0x0  }
0x2fd: {  	s3 =	rddreg [dreg:$0x2];
	[bflag:$0x3] =	sbarrier.arrive $0xFFFF;
	s2 =	simm.s32 @!p0 $0x1C04  }
0x2fe: {  	[timem:s3], [sflag:s2] =	dma.local @!p0 [hbm:s0], s1  }
0x2ff: {  	s0 =	simm.s32 @!p0 $0x4  }
0x300: {  	_ =	swait.ge @!p0 [sflag:s0], s1  }
0x301: {  	s1 =	ssub.s32 @!p0 $0x0, s1;
	[sflag:s0] =	ssyncset.done @!p0 $0x0  }
0x302: {  	[sflag:s0] =	ssyncadd.s32 @!p0 s1  }
0x303: {  	[bflag:$0x3] =	sbarrier.arrive $0xFFFF  }
0x304: {  	_ =	shalt  }

</sc_bundles>
